<compile_context>
chip_gen: v7x
topology: tpu7x:2x2x1
jax: 0.10.2.dev20260603
libtpu: 0.0.44.dev20260713+nightly
codegen_flags: <defaults>
</compile_context>

<pallas_src>
import functools

import jax
import jax.numpy as jnp
from jax import lax
from jax.experimental import pallas as pl
from jax.experimental.pallas import tpu as pltpu
from jax.experimental.pallas import tpu_sc as plsc

_N = 10000
_E = 320000
_D = 128
_NC, _NS = 2, 16
_NW = _NC * _NS
_RPT = 632
_NP = _NS * _RPT
_CH = 128
_NCHUNK = 79
_EPAD = _NW * _NCHUNK * _CH
_AW = 16
_BN = 1000
_GRID = _N // _BN

@functools.lru_cache(maxsize=None)
def _build_mp():
    mesh = plsc.VectorSubcoreMesh(
        core_axis_name="c", subcore_axis_name="s",
        num_cores=_NC, num_subcores=_NS)

    @functools.partial(
        pl.kernel,
        out_type=jax.ShapeDtypeStruct((_NC, _NP, _D), jnp.float32),
        mesh=mesh,
        scratch_types=[
            pltpu.VMEM((_NCHUNK, _CH), jnp.int32),
            pltpu.VMEM((4, _CH), jnp.int32),
            pltpu.VMEM((_CH, _D), jnp.float32),
            pltpu.VMEM((_CH, _D), jnp.float32),
            pltpu.VMEM_SHARED((_NP, _D), jnp.float32),
            pltpu.SemaphoreType.DMA,
            pltpu.SemaphoreType.DMA,
        ],
    )
    def mp(state_hbm, pk_hbm, zeros_hbm, out_hbm,
           pk_v, idx_v, rows0_v, rows1_v, agg_sh, sem0, sem1):
        c = lax.axis_index("c")
        s = lax.axis_index("s")
        wid = c * _NS + s
        base = s * _RPT
        pltpu.sync_copy(zeros_hbm.at[pl.ds(base, _RPT)],
                        agg_sh.at[pl.ds(base, _RPT)])
        pltpu.sync_copy(pk_hbm.at[wid], pk_v)
        plsc.subcore_barrier()

        def unpack(j, bank):
            for g in range(_CH // 16):
                v = pk_v[j, pl.ds(g * 16, 16)]
                idx_v[2 * bank, pl.ds(g * 16, 16)] = v & 16383
                idx_v[2 * bank + 1, pl.ds(g * 16, 16)] = (
                    lax.shift_right_logical(v, 14))

        unpack(0, 0)
        pltpu.async_copy(state_hbm.at[idx_v.at[0]], rows0_v, sem0)

        @pl.loop(0, _NCHUNK - 1, step=2)
        def _(j):
            unpack(j + 1, 1)
            pltpu.async_copy(state_hbm.at[idx_v.at[2]], rows1_v, sem1)
            pltpu.make_async_copy(
                state_hbm.at[idx_v.at[0]], rows0_v, sem0).wait()
            pltpu.sync_copy(rows0_v, agg_sh.at[idx_v.at[1]], add=True)
            unpack(j + 2, 0)
            pltpu.async_copy(state_hbm.at[idx_v.at[0]], rows0_v, sem0)
            pltpu.make_async_copy(
                state_hbm.at[idx_v.at[2]], rows1_v, sem1).wait()
            pltpu.sync_copy(rows1_v, agg_sh.at[idx_v.at[3]], add=True)

        pltpu.make_async_copy(
            state_hbm.at[idx_v.at[0]], rows0_v, sem0).wait()
        pltpu.sync_copy(rows0_v, agg_sh.at[idx_v.at[1]], add=True)

        plsc.subcore_barrier()
        pltpu.sync_copy(agg_sh.at[pl.ds(base, _RPT)],
                        out_hbm.at[c, pl.ds(base, _RPT)])

    return mp


@functools.lru_cache(maxsize=None)
def _build_arcs_agg():
    mesh = plsc.VectorSubcoreMesh(
        core_axis_name="c", subcore_axis_name="s",
        num_cores=_NC, num_subcores=_NS)

    @functools.partial(
        pl.kernel,
        out_type=jax.ShapeDtypeStruct((_NC, _NP, _D), jnp.float32),
        mesh=mesh,
        scratch_types=[
            pltpu.VMEM((_NCHUNK, _CH), jnp.int32),
            pltpu.VMEM((_CH, _AW), jnp.float32),
            pltpu.VMEM((_CH, _D), jnp.float32),
            pltpu.VMEM_SHARED((_NP, _D), jnp.float32),
        ],
    )
    def arcs_agg(arcs_hbm, dst_hbm, zeros_hbm, out_hbm,
                 dst_v, a16_v, rows_v, agg_sh):
        c = lax.axis_index("c")
        s = lax.axis_index("s")
        wid = c * _NS + s
        base = s * _RPT
        pltpu.sync_copy(zeros_hbm.at[pl.ds(base, _RPT)],
                        agg_sh.at[pl.ds(base, _RPT)])
        pltpu.sync_copy(dst_hbm.at[wid], dst_v)
        pltpu.sync_copy(zeros_hbm.at[pl.ds(0, _CH)], rows_v)
        plsc.subcore_barrier()

        @pl.loop(0, _NCHUNK)
        def _(j):
            pltpu.sync_copy(arcs_hbm.at[wid, j], a16_v)

            @pl.loop(0, _CH, unroll=8)
            def _(r):
                rows_v[r, pl.ds(0, _AW)] = a16_v[r, :]

            pltpu.sync_copy(rows_v, agg_sh.at[dst_v.at[j]], add=True)

        plsc.subcore_barrier()
        pltpu.sync_copy(agg_sh.at[pl.ds(base, _RPT)],
                        out_hbm.at[c, pl.ds(base, _RPT)])

    return arcs_agg


def _mp(*args):
    return _build_mp()(*args)


def _arcs_agg(*args):
    return _build_arcs_agg()(*args)


def _row_spec(d):
    return pl.BlockSpec((_BN, d), lambda i: (i, 0))


def _part_spec(d):
    return pl.BlockSpec((_NC, _BN, d), lambda i: (0, i, 0))


def _full_spec(shape):
    nd = len(shape)
    return pl.BlockSpec(shape, lambda i, _nd=nd: (0,) * _nd)


def _tc_call(body, in_specs, out_specs, out_shape):
    return pl.pallas_call(
        body, grid=(_GRID,), in_specs=in_specs, out_specs=out_specs,
        out_shape=out_shape,
        compiler_params=pltpu.CompilerParams(
            dimension_semantics=("parallel",)),
    )


def _pre0_body(nodes, pa, wl, we, b, t, l0, l1, st):
    aa = pa[0] + pa[1]
    x0 = (jnp.dot(nodes[...], wl[0], preferred_element_type=jnp.float32)
          + jnp.dot(aa, we[0], preferred_element_type=jnp.float32) + b[0])
    x1 = (jnp.dot(nodes[...], wl[1], preferred_element_type=jnp.float32)
          + jnp.dot(aa, we[1], preferred_element_type=jnp.float32) + b[1])
    l0[...] = x0
    l1[...] = x1
    st[...] = jnp.where(t[...] == 0, jnp.tanh(x0), jnp.tanh(x1))


def _iter_body(p, l0, l1, wa, t, st):
    agg = p[0] + p[1]
    s0 = jnp.tanh(jnp.dot(agg, wa[0], preferred_element_type=jnp.float32)
                  + l0[...])
    s1 = jnp.tanh(jnp.dot(agg, wa[1], preferred_element_type=jnp.float32)
                  + l1[...])
    st[...] = jnp.where(t[...] == 0, s0, s1)


def _out0_body(nodes, st, wn, ws, b, m, o):
    val = (jnp.dot(nodes[...], wn[...], preferred_element_type=jnp.float32)
           + jnp.dot(st[...], ws[...], preferred_element_type=jnp.float32)
           + b[...])
    o[...] = jnp.where(m[...] != 0, val, 0.0)


def _pre1_body(s0, o0, nodes, pa, wa, wb, wc, we, b, t, l0, l1, st):
    aa = pa[0] + pa[1]

    def term(i):
        return (jnp.dot(s0[...], wa[i], preferred_element_type=jnp.float32)
                + jnp.dot(o0[...], wb[i], preferred_element_type=jnp.float32)
                + jnp.dot(nodes[...], wc[i], preferred_element_type=jnp.float32)
                + jnp.dot(aa, we[i], preferred_element_type=jnp.float32)
                + b[i])

    x0 = term(0)
    x1 = term(1)
    l0[...] = x0
    l1[...] = x1
    st[...] = jnp.where(t[...] == 0, jnp.tanh(x0), jnp.tanh(x1))


def _out1_body(s0, o0, nodes, s1, ua, ub, uc, us, b, o):
    o[...] = (jnp.dot(s0[...], ua[...], preferred_element_type=jnp.float32)
              + jnp.dot(o0[...], ub[...], preferred_element_type=jnp.float32)
              + jnp.dot(nodes[...], uc[...], preferred_element_type=jnp.float32)
              + jnp.dot(s1[...], us[...], preferred_element_type=jnp.float32)
              + b[...])


def _f32(shape):
    return jax.ShapeDtypeStruct(shape, jnp.float32)


def kernel(nodes, arcs, edge_index, node_types, set_mask, output_mask,
           W_state_0, b_state_0, W_state_1, b_state_1,
           W_out_0, b_out_0, W_out_1, b_out_1):
    pad = _EPAD - _E
    dst = edge_index[0]
    src = edge_index[1]
    src_p = jnp.concatenate([src, jnp.zeros((pad,), jnp.int32)])
    src_p = src_p.reshape(_NW, _NCHUNK, _CH)
    dst_p = jnp.concatenate([dst, jnp.full((pad,), _N, jnp.int32)])
    dst_p = dst_p.reshape(_NW, _NCHUNK, _CH)
    pk_p = (dst_p * 16384 + src_p).astype(jnp.int32)
    arcs_p = jnp.zeros((_EPAD, _AW), jnp.float32).at[:_E, :4].set(arcs)
    arcs_p = arcs_p.reshape(_NW, _NCHUNK, _CH, _AW)
    zeros_d = jnp.zeros((_NP, _D), jnp.float32)
    t2 = node_types.reshape(_N, 1)
    m2 = (set_mask & output_mask).astype(jnp.int32).reshape(_N, 1)

    wl0 = W_state_0[:, :128, :]
    wa0 = W_state_0[:, 128:256, :]
    we0 = jnp.pad(W_state_0[:, 256:260, :], ((0, 0), (0, 124), (0, 0)))
    b0 = b_state_0.reshape(_NC, 1, _D)
    w1a = W_state_1[:, 0:128, :]
    w1b = W_state_1[:, 128:144, :]
    w1c = W_state_1[:, 144:272, :]
    wa1 = W_state_1[:, 272:400, :]
    we1 = jnp.pad(W_state_1[:, 400:404, :], ((0, 0), (0, 124), (0, 0)))
    b1 = b_state_1.reshape(_NC, 1, _D)
    wn0 = W_out_0[:128, :]
    ws0 = W_out_0[128:256, :]
    bo0 = b_out_0.reshape(1, 16)
    u1a = W_out_1[0:128, :]
    u1b = W_out_1[128:144, :]
    u1c = W_out_1[144:272, :]
    u1s = W_out_1[272:400, :]
    bo1 = b_out_1.reshape(1, 16)

    pa = _arcs_agg(arcs_p, dst_p, zeros_d)

    pre0 = _tc_call(
        _pre0_body,
        in_specs=[_row_spec(_D), _part_spec(_D), _full_spec((2, 128, _D)),
                  _full_spec((2, 128, _D)), _full_spec((2, 1, _D)),
                  _row_spec(1)],
        out_specs=[_row_spec(_D)] * 3,
        out_shape=[_f32((_N, _D))] * 3,
    )
    it_call = _tc_call(
        _iter_body,
        in_specs=[_part_spec(_D), _row_spec(_D), _row_spec(_D),
                  _full_spec((2, _D, _D)), _row_spec(1)],
        out_specs=_row_spec(_D),
        out_shape=_f32((_N, _D)),
    )
    out0_call = _tc_call(
        _out0_body,
        in_specs=[_row_spec(_D), _row_spec(_D), _full_spec((128, 16)),
                  _full_spec((128, 16)), _full_spec((1, 16)), _row_spec(1)],
        out_specs=_row_spec(16),
        out_shape=_f32((_N, 16)),
    )
    pre1 = _tc_call(
        _pre1_body,
        in_specs=[_row_spec(_D), _row_spec(16), _row_spec(_D), _part_spec(_D),
                  _full_spec((2, 128, _D)), _full_spec((2, 16, _D)),
                  _full_spec((2, 128, _D)), _full_spec((2, 128, _D)),
                  _full_spec((2, 1, _D)), _row_spec(1)],
        out_specs=[_row_spec(_D)] * 3,
        out_shape=[_f32((_N, _D))] * 3,
    )
    out1_call = _tc_call(
        _out1_body,
        in_specs=[_row_spec(_D), _row_spec(16), _row_spec(_D), _row_spec(_D),
                  _full_spec((128, 16)), _full_spec((16, 16)),
                  _full_spec((128, 16)), _full_spec((128, 16)),
                  _full_spec((1, 16))],
        out_specs=_row_spec(16),
        out_shape=_f32((_N, 16)),
    )

    l00, l01, st = pre0(nodes, pa, wl0, we0, b0, t2)
    for _ in range(2):
        p = _mp(st, pk_p, zeros_d)
        st = it_call(p, l00, l01, wa0, t2)
    out0 = out0_call(nodes, st, wn0, ws0, bo0, m2)
    s0 = st

    l10, l11, st = pre1(s0, out0, nodes, pa, w1a, w1b, w1c, we1, b1, t2)
    for _ in range(2):
        p = _mp(st, pk_p, zeros_d)
        st = it_call(p, l10, l11, wa1, t2)
    return out1_call(s0, out0, nodes, st, u1a, u1b, u1c, u1s, bo1)

# --- scband reference (transcript-rebuilt; emitter-appended) ---
"""Pipeline reference for scband-composite-lgnn-75857712382254 (READ-ONLY COPY).

The authoritative reference and input builder live on the scoring server;
editing this copy changes nothing except your own understanding.
"""

import jax, jax.numpy as jnp
import numpy as np

N = 10000
E = 320000
D_FEAT = 128
D_EDGE = 4
D_STATE = 128
D_OUT = 16
N_TYPES = 2
K_ITERS = 3


def setup_inputs(seed: int = 0) -> dict:
    key = jax.random.key(seed)
    ks = jax.random.split(key, 10)
    nodes = jax.random.normal(ks[0], (N, D_FEAT), dtype=jnp.float32)
    arcs = jax.random.normal(ks[1], (E, D_EDGE), dtype=jnp.float32)
    edge_index = jax.random.randint(ks[2], (2, E), 0, N, dtype=jnp.int32)
    node_types = jax.random.randint(ks[3], (N,), 0, N_TYPES, dtype=jnp.int32)
    set_mask = jnp.ones((N,), dtype=bool)
    output_mask = jnp.ones((N,), dtype=bool)
    din0 = D_FEAT + D_STATE + D_EDGE
    node_dim1 = D_STATE + D_OUT + D_FEAT
    din1 = node_dim1 + D_STATE + D_EDGE
    W_state_0 = jax.random.normal(ks[4], (N_TYPES, din0, D_STATE), dtype=jnp.float32) * 0.05
    b_state_0 = jnp.zeros((N_TYPES, D_STATE), dtype=jnp.float32)
    W_state_1 = jax.random.normal(ks[5], (N_TYPES, din1, D_STATE), dtype=jnp.float32) * 0.05
    b_state_1 = jnp.zeros((N_TYPES, D_STATE), dtype=jnp.float32)
    W_out_0 = jax.random.normal(ks[6], (D_FEAT + D_STATE, D_OUT), dtype=jnp.float32) * 0.05
    b_out_0 = jnp.zeros((D_OUT,), dtype=jnp.float32)
    W_out_1 = jax.random.normal(ks[7], (node_dim1 + D_STATE, D_OUT), dtype=jnp.float32) * 0.05
    b_out_1 = jnp.zeros((D_OUT,), dtype=jnp.float32)
    return {
        'nodes': nodes, 'arcs': arcs, 'edge_index': edge_index, 'node_types': node_types,
        'set_mask': set_mask, 'output_mask': output_mask,
        'W_state_0': W_state_0, 'b_state_0': b_state_0,
        'W_state_1': W_state_1, 'b_state_1': b_state_1,
        'W_out_0': W_out_0, 'b_out_0': b_out_0,
        'W_out_1': W_out_1, 'b_out_1': b_out_1,
    }


def _gnn_layer(node_labels, arcs, edge_index, node_types, W_state, b_state, W_out, b_out):
    # One composite node-based GNN layer: fixed-point state iterations over the
    # transposed adjacency (scatter-add of neighbor states into dst nodes), with
    # a per-node-type state network (composite), then output net on [labels, state].
    n = node_labels.shape[0]
    dst = edge_index[0]
    src = edge_index[1]
    # transposed_arcnode aggregation of arc labels into dst nodes
    agg_arcs = jnp.zeros((n, arcs.shape[1]), dtype=node_labels.dtype).at[dst].add(arcs)
    state = jnp.zeros((n, D_STATE), dtype=node_labels.dtype)
    for _ in range(K_ITERS):
        msg = jnp.take(state, src, axis=0)                       # gather neighbor states
        agg = jnp.zeros((n, D_STATE), dtype=node_labels.dtype).at[dst].add(msg)  # scatter-add
        inp = jnp.concatenate([node_labels, agg, agg_arcs], axis=1)
        s0 = jnp.tanh(inp @ W_state[0] + b_state[0])
        s1 = jnp.tanh(inp @ W_state[1] + b_state[1])
        state = jnp.where((node_types == 0)[:, None], s0, s1)    # composite type_mask select
    out = jnp.concatenate([node_labels, state], axis=1) @ W_out + b_out
    return state, out


def reference(nodes, arcs, edge_index, node_types, set_mask, output_mask,
              W_state_0, b_state_0, W_state_1, b_state_1,
              W_out_0, b_out_0, W_out_1, b_out_1):
    # Layer 0
    state0, out0 = _gnn_layer(nodes, arcs, edge_index, node_types, W_state_0, b_state_0, W_out_0, b_out_0)
    # update_graph with get_state=True and get_output=True: scatter output back to full
    # node set via (set_mask & output_mask), concat [state, out, original nodes]
    mask = jnp.logical_and(set_mask, output_mask)
    out0_scattered = jnp.where(mask[:, None], out0, 0.0)
    node_labels_1 = jnp.concatenate([state0, out0_scattered, nodes], axis=1)
    # Layer 1 (last gnn); call() with training=False returns out[-1]
    state1, out1 = _gnn_layer(node_labels_1, arcs, edge_index, node_types, W_state_1, b_state_1, W_out_1, b_out_1)
    return out1

if __name__ == "__main__":
    import jax
    _d = setup_inputs()
    print(jax.jit(kernel)(*tuple(_d.values())))

</pallas_src>

<mosaic_0001>
#map = affine_map<(d0, d1) -> (0, 0)>
#map1 = affine_map<(d0, d1) -> (0, 0, 0)>
module attributes {stable_mosaic.version = 14 : i64} {
  func.func @mp(%arg0: i32, %arg1: i32, %arg2: memref<10000x128xf32, #tpu.memory_space<hbm>>, %arg3: memref<32x79x128xi32, #tpu.memory_space<hbm>>, %arg4: memref<10112x128xf32, #tpu.memory_space<hbm>>, %arg5: memref<2x10112x128xf32, #tpu.memory_space<hbm>>, %arg6: memref<79x128xi32, #tpu.memory_space<vmem>>, %arg7: memref<4x128xi32, #tpu.memory_space<vmem>>, %arg8: memref<128x128xf32, #tpu.memory_space<vmem>>, %arg9: memref<128x128xf32, #tpu.memory_space<vmem>>, %arg10: memref<10112x128xf32, #tpu.memory_space<vmem_shared>>, %arg11: memref<!tpu.dma_semaphore, #tpu.memory_space<semaphore_mem>>, %arg12: memref<!tpu.dma_semaphore, #tpu.memory_space<semaphore_mem>>) attributes {dimension_semantics = [#tpu.dimension_semantics<core_parallel>, #tpu.dimension_semantics<subcore_parallel>], iteration_bounds = array<i64: 2, 16>, scalar_prefetch = 0 : i64, scratch_operands = 7 : i64, tpu.core_type = #tpu.core_type<sc_vector_subcore>, window_params = [{transform_indices = #map}, {transform_indices = #map1}, {transform_indices = #map}, {transform_indices = #map1}]} {
    %mul3A = arith.constant 16 : i32
    %mul3A_0 = arith.muli %arg0, %mul3A : i32
    %add3A = arith.addi %mul3A_0, %arg1 : i32
    %mul3A_1 = arith.constant 632 : i32
    %mul3A_2 = arith.muli %arg1, %mul3A_1 : i32
    "tpu.region"() ({
      %run_scoped3A_200 = tpu.sem_alloc : memref<!tpu.dma_semaphore, #tpu.memory_space<semaphore_mem>>
      %dma_start3A_201 = arith.constant 0 : i32
      %dma_start3A_202 = tpu.memref_slice %arg10[%mul3A_2, %dma_start3A_201] : memref<10112x128xf32, #tpu.memory_space<vmem_shared>> -> memref<632x128xf32, #tpu.memory_space<vmem_shared>>
      %dma_start3A_203 = arith.constant 0 : i32
      %dma_start3A_204 = tpu.memref_slice %arg4[%mul3A_2, %dma_start3A_203] : memref<10112x128xf32, #tpu.memory_space<hbm>> -> memref<632x128xf32, #tpu.memory_space<hbm>>
      tpu.enqueue_dma source(%dma_start3A_204 : memref<632x128xf32, #tpu.memory_space<hbm>>) target(%dma_start3A_202 : memref<632x128xf32, #tpu.memory_space<vmem_shared>>) target_semaphore(%run_scoped3A_200 : memref<!tpu.dma_semaphore, #tpu.memory_space<semaphore_mem>>)
      %dma_wait3A_205 = arith.constant 0 : i32
      %dma_wait3A_206 = tpu.memref_slice %arg10[%mul3A_2, %dma_wait3A_205] : memref<10112x128xf32, #tpu.memory_space<vmem_shared>> -> memref<632x128xf32, #tpu.memory_space<vmem_shared>>
      %dma_wait3A_207 = arith.constant 0 : i32
      %dma_wait3A_208 = tpu.memref_slice %arg4[%mul3A_2, %dma_wait3A_207] : memref<10112x128xf32, #tpu.memory_space<hbm>> -> memref<632x128xf32, #tpu.memory_space<hbm>>
      tpu.wait_dma2 semaphore(%run_scoped3A_200 : memref<!tpu.dma_semaphore, #tpu.memory_space<semaphore_mem>>) src(%dma_wait3A_208 : memref<632x128xf32, #tpu.memory_space<hbm>>) dst(%dma_wait3A_206 : memref<632x128xf32, #tpu.memory_space<vmem_shared>>)
      tpu.yield
    }) : () -> ()
    "tpu.region"() ({
      %run_scoped3A_200 = tpu.sem_alloc : memref<!tpu.dma_semaphore, #tpu.memory_space<semaphore_mem>>
      %dma_start3A_201 = arith.constant 0 : i32
      %dma_start3A_202 = arith.constant 0 : i32
      %dma_start3A_203 = tpu.memref_slice %arg3[%add3A, %dma_start3A_201, %dma_start3A_202] : memref<32x79x128xi32, #tpu.memory_space<hbm>> -> memref<1x79x128xi32, #tpu.memory_space<hbm>>
      %dma_start3A_204 = tpu.memref_squeeze %dma_start3A_203 : memref<1x79x128xi32, #tpu.memory_space<hbm>> -> memref<79x128xi32, #tpu.memory_space<hbm>>
      %dma_start3A_205 = arith.constant 0 : i32
      %dma_start3A_206 = arith.constant 0 : i32
      %dma_start3A_207 = tpu.memref_slice %arg3[%add3A, %dma_start3A_205, %dma_start3A_206] : memref<32x79x128xi32, #tpu.memory_space<hbm>> -> memref<1x79x128xi32, #tpu.memory_space<hbm>>
      %dma_start3A_208 = tpu.memref_squeeze %dma_start3A_207 : memref<1x79x128xi32, #tpu.memory_space<hbm>> -> memref<79x128xi32, #tpu.memory_space<hbm>>
      tpu.enqueue_dma source(%dma_start3A_208 : memref<79x128xi32, #tpu.memory_space<hbm>>) target(%arg6 : memref<79x128xi32, #tpu.memory_space<vmem>>) target_semaphore(%run_scoped3A_200 : memref<!tpu.dma_semaphore, #tpu.memory_space<semaphore_mem>>)
      %dma_wait3A_209 = arith.constant 0 : i32
      %dma_wait3A_210 = arith.constant 0 : i32
      %dma_wait3A_211 = tpu.memref_slice %arg3[%add3A, %dma_wait3A_209, %dma_wait3A_210] : memref<32x79x128xi32, #tpu.memory_space<hbm>> -> memref<1x79x128xi32, #tpu.memory_space<hbm>>
      %dma_wait3A_212 = tpu.memref_squeeze %dma_wait3A_211 : memref<1x79x128xi32, #tpu.memory_space<hbm>> -> memref<79x128xi32, #tpu.memory_space<hbm>>
      %dma_wait3A_213 = arith.constant 0 : i32
      %dma_wait3A_214 = arith.constant 0 : i32
      %dma_wait3A_215 = tpu.memref_slice %arg3[%add3A, %dma_wait3A_213, %dma_wait3A_214] : memref<32x79x128xi32, #tpu.memory_space<hbm>> -> memref<1x79x128xi32, #tpu.memory_space<hbm>>
      %dma_wait3A_216 = tpu.memref_squeeze %dma_wait3A_215 : memref<1x79x128xi32, #tpu.memory_space<hbm>> -> memref<79x128xi32, #tpu.memory_space<hbm>>
      tpu.wait_dma2 semaphore(%run_scoped3A_200 : memref<!tpu.dma_semaphore, #tpu.memory_space<semaphore_mem>>) src(%dma_wait3A_216 : memref<79x128xi32, #tpu.memory_space<hbm>>) dst(%arg6 : memref<79x128xi32, #tpu.memory_space<vmem>>)
      tpu.yield
    }) : () -> ()
    %barrier3A = arith.constant 0 : index
    tpu.barrier barrier_id(%barrier3A)
    %get3A = arith.constant 0 : i32
    %get3A_3 = arith.index_cast %get3A : i32 to index
    %get3A_4 = arith.constant 0 : index
    %get3A_5 = tpu.vector_load %arg6[%get3A_3, %get3A_4] {strides = array<i32>} : memref<79x128xi32, #tpu.memory_space<vmem>>, vector<1x16xi32>,
    %get3A_6 = vector.shape_cast %get3A_5 : vector<1x16xi32> to vector<16xi32>
    %and3A = arith.constant 16383 : i32
    %and3A_7 = vector.broadcast %and3A : i32 to vector<16xi32>
    %and3A_8 = arith.andi %get3A_6, %and3A_7 : vector<16xi32>
    %swap3A = arith.constant 0 : i32
    %swap3A_9 = arith.index_cast %swap3A : i32 to index
    %swap3A_10 = arith.constant 0 : index
    %swap3A_11 = tpu.vector_load %arg7[%swap3A_9, %swap3A_10] {strides = array<i32>} : memref<4x128xi32, #tpu.memory_space<vmem>>, vector<1x16xi32>,
    %swap3A_12 = vector.shape_cast %swap3A_11 : vector<1x16xi32> to vector<16xi32>
    %swap3A_13 = vector.shape_cast %and3A_8 : vector<16xi32> to vector<1x16xi32>
    tpu.vector_store %arg7[%swap3A_9, %swap3A_10], %swap3A_13 {strides = array<i32>} : memref<4x128xi32, #tpu.memory_space<vmem>>, vector<1x16xi32>,
    %shift_right_logical3A = arith.constant 14 : i32
    %shift_right_logical3A_14 = vector.broadcast %shift_right_logical3A : i32 to vector<16xi32>
    %shift_right_logical3A_15 = arith.shrui %get3A_6, %shift_right_logical3A_14 : vector<16xi32>
    %swap3A_16 = arith.constant 1 : i32
    %swap3A_17 = arith.index_cast %swap3A_16 : i32 to index
    %swap3A_18 = arith.constant 0 : index
    %swap3A_19 = tpu.vector_load %arg7[%swap3A_17, %swap3A_18] {strides = array<i32>} : memref<4x128xi32, #tpu.memory_space<vmem>>, vector<1x16xi32>,
    %swap3A_20 = vector.shape_cast %swap3A_19 : vector<1x16xi32> to vector<16xi32>
    %swap3A_21 = vector.shape_cast %shift_right_logical3A_15 : vector<16xi32> to vector<1x16xi32>
    tpu.vector_store %arg7[%swap3A_17, %swap3A_18], %swap3A_21 {strides = array<i32>} : memref<4x128xi32, #tpu.memory_space<vmem>>, vector<1x16xi32>,
    %get3A_22 = arith.constant 0 : i32
    %get3A_23 = arith.index_cast %get3A_22 : i32 to index
    %get3A_24 = arith.constant 16 : index
    %get3A_25 = tpu.vector_load %arg6[%get3A_23, %get3A_24] {strides = array<i32>} : memref<79x128xi32, #tpu.memory_space<vmem>>, vector<1x16xi32>,
    %get3A_26 = vector.shape_cast %get3A_25 : vector<1x16xi32> to vector<16xi32>
    %and3A_27 = arith.constant 16383 : i32
    %and3A_28 = vector.broadcast %and3A_27 : i32 to vector<16xi32>
    %and3A_29 = arith.andi %get3A_26, %and3A_28 : vector<16xi32>
    %swap3A_30 = arith.constant 0 : i32
    %swap3A_31 = arith.index_cast %swap3A_30 : i32 to index
    %swap3A_32 = arith.constant 16 : index
    %swap3A_33 = tpu.vector_load %arg7[%swap3A_31, %swap3A_32] {strides = array<i32>} : memref<4x128xi32, #tpu.memory_space<vmem>>, vector<1x16xi32>,
    %swap3A_34 = vector.shape_cast %swap3A_33 : vector<1x16xi32> to vector<16xi32>
    %swap3A_35 = vector.shape_cast %and3A_29 : vector<16xi32> to vector<1x16xi32>
    tpu.vector_store %arg7[%swap3A_31, %swap3A_32], %swap3A_35 {strides = array<i32>} : memref<4x128xi32, #tpu.memory_space<vmem>>, vector<1x16xi32>,
    %shift_right_logical3A_36 = arith.constant 14 : i32
    %shift_right_logical3A_37 = vector.broadcast %shift_right_logical3A_36 : i32 to vector<16xi32>
    %shift_right_logical3A_38 = arith.shrui %get3A_26, %shift_right_logical3A_37 : vector<16xi32>
    %swap3A_39 = arith.constant 1 : i32
    %swap3A_40 = arith.index_cast %swap3A_39 : i32 to index
    %swap3A_41 = arith.constant 16 : index
    %swap3A_42 = tpu.vector_load %arg7[%swap3A_40, %swap3A_41] {strides = array<i32>} : memref<4x128xi32, #tpu.memory_space<vmem>>, vector<1x16xi32>,
    %swap3A_43 = vector.shape_cast %swap3A_42 : vector<1x16xi32> to vector<16xi32>
    %swap3A_44 = vector.shape_cast %shift_right_logical3A_38 : vector<16xi32> to vector<1x16xi32>
    tpu.vector_store %arg7[%swap3A_40, %swap3A_41], %swap3A_44 {strides = array<i32>} : memref<4x128xi32, #tpu.memory_space<vmem>>, vector<1x16xi32>,
    %get3A_45 = arith.constant 0 : i32
    %get3A_46 = arith.index_cast %get3A_45 : i32 to index
    %get3A_47 = arith.constant 32 : index
    %get3A_48 = tpu.vector_load %arg6[%get3A_46, %get3A_47] {strides = array<i32>} : memref<79x128xi32, #tpu.memory_space<vmem>>, vector<1x16xi32>,
    %get3A_49 = vector.shape_cast %get3A_48 : vector<1x16xi32> to vector<16xi32>
    %and3A_50 = arith.constant 16383 : i32
    %and3A_51 = vector.broadcast %and3A_50 : i32 to vector<16xi32>
    %and3A_52 = arith.andi %get3A_49, %and3A_51 : vector<16xi32>
    %swap3A_53 = arith.constant 0 : i32
    %swap3A_54 = arith.index_cast %swap3A_53 : i32 to index
    %swap3A_55 = arith.constant 32 : index
    %swap3A_56 = tpu.vector_load %arg7[%swap3A_54, %swap3A_55] {strides = array<i32>} : memref<4x128xi32, #tpu.memory_space<vmem>>, vector<1x16xi32>,
    %swap3A_57 = vector.shape_cast %swap3A_56 : vector<1x16xi32> to vector<16xi32>
    %swap3A_58 = vector.shape_cast %and3A_52 : vector<16xi32> to vector<1x16xi32>
    tpu.vector_store %arg7[%swap3A_54, %swap3A_55], %swap3A_58 {strides = array<i32>} : memref<4x128xi32, #tpu.memory_space<vmem>>, vector<1x16xi32>,
    %shift_right_logical3A_59 = arith.constant 14 : i32
    %shift_right_logical3A_60 = vector.broadcast %shift_right_logical3A_59 : i32 to vector<16xi32>
    %shift_right_logical3A_61 = arith.shrui %get3A_49, %shift_right_logical3A_60 : vector<16xi32>
    %swap3A_62 = arith.constant 1 : i32
    %swap3A_63 = arith.index_cast %swap3A_62 : i32 to index
    %swap3A_64 = arith.constant 32 : index
    %swap3A_65 = tpu.vector_load %arg7[%swap3A_63, %swap3A_64] {strides = array<i32>} : memref<4x128xi32, #tpu.memory_space<vmem>>, vector<1x16xi32>,
    %swap3A_66 = vector.shape_cast %swap3A_65 : vector<1x16xi32> to vector<16xi32>
    %swap3A_67 = vector.shape_cast %shift_right_logical3A_61 : vector<16xi32> to vector<1x16xi32>
    tpu.vector_store %arg7[%swap3A_63, %swap3A_64], %swap3A_67 {strides = array<i32>} : memref<4x128xi32, #tpu.memory_space<vmem>>, vector<1x16xi32>,
    %get3A_68 = arith.constant 0 : i32
    %get3A_69 = arith.index_cast %get3A_68 : i32 to index
    %get3A_70 = arith.constant 48 : index
    %get3A_71 = tpu.vector_load %arg6[%get3A_69, %get3A_70] {strides = array<i32>} : memref<79x128xi32, #tpu.memory_space<vmem>>, vector<1x16xi32>,
    %get3A_72 = vector.shape_cast %get3A_71 : vector<1x16xi32> to vector<16xi32>
    %and3A_73 = arith.constant 16383 : i32
    %and3A_74 = vector.broadcast %and3A_73 : i32 to vector<16xi32>
    %and3A_75 = arith.andi %get3A_72, %and3A_74 : vector<16xi32>
    %swap3A_76 = arith.constant 0 : i32
    %swap3A_77 = arith.index_cast %swap3A_76 : i32 to index
    %swap3A_78 = arith.constant 48 : index
    %swap3A_79 = tpu.vector_load %arg7[%swap3A_77, %swap3A_78] {strides = array<i32>} : memref<4x128xi32, #tpu.memory_space<vmem>>, vector<1x16xi32>,
    %swap3A_80 = vector.shape_cast %swap3A_79 : vector<1x16xi32> to vector<16xi32>
    %swap3A_81 = vector.shape_cast %and3A_75 : vector<16xi32> to vector<1x16xi32>
    tpu.vector_store %arg7[%swap3A_77, %swap3A_78], %swap3A_81 {strides = array<i32>} : memref<4x128xi32, #tpu.memory_space<vmem>>, vector<1x16xi32>,
    %shift_right_logical3A_82 = arith.constant 14 : i32
    %shift_right_logical3A_83 = vector.broadcast %shift_right_logical3A_82 : i32 to vector<16xi32>
    %shift_right_logical3A_84 = arith.shrui %get3A_72, %shift_right_logical3A_83 : vector<16xi32>
    %swap3A_85 = arith.constant 1 : i32
    %swap3A_86 = arith.index_cast %swap3A_85 : i32 to index
    %swap3A_87 = arith.constant 48 : index
    %swap3A_88 = tpu.vector_load %arg7[%swap3A_86, %swap3A_87] {strides = array<i32>} : memref<4x128xi32, #tpu.memory_space<vmem>>, vector<1x16xi32>,
    %swap3A_89 = vector.shape_cast %swap3A_88 : vector<1x16xi32> to vector<16xi32>
    %swap3A_90 = vector.shape_cast %shift_right_logical3A_84 : vector<16xi32> to vector<1x16xi32>
    tpu.vector_store %arg7[%swap3A_86, %swap3A_87], %swap3A_90 {strides = array<i32>} : memref<4x128xi32, #tpu.memory_space<vmem>>, vector<1x16xi32>,
    %get3A_91 = arith.constant 0 : i32
    %get3A_92 = arith.index_cast %get3A_91 : i32 to index
    %get3A_93 = arith.constant 64 : index
    %get3A_94 = tpu.vector_load %arg6[%get3A_92, %get3A_93] {strides = array<i32>} : memref<79x128xi32, #tpu.memory_space<vmem>>, vector<1x16xi32>,
    %get3A_95 = vector.shape_cast %get3A_94 : vector<1x16xi32> to vector<16xi32>
    %and3A_96 = arith.constant 16383 : i32
    %and3A_97 = vector.broadcast %and3A_96 : i32 to vector<16xi32>
    %and3A_98 = arith.andi %get3A_95, %and3A_97 : vector<16xi32>
    %swap3A_99 = arith.constant 0 : i32
    %swap3A_100 = arith.index_cast %swap3A_99 : i32 to index
    %swap3A_101 = arith.constant 64 : index
    %swap3A_102 = tpu.vector_load %arg7[%swap3A_100, %swap3A_101] {strides = array<i32>} : memref<4x128xi32, #tpu.memory_space<vmem>>, vector<1x16xi32>,
    %swap3A_103 = vector.shape_cast %swap3A_102 : vector<1x16xi32> to vector<16xi32>
    %swap3A_104 = vector.shape_cast %and3A_98 : vector<16xi32> to vector<1x16xi32>
    tpu.vector_store %arg7[%swap3A_100, %swap3A_101], %swap3A_104 {strides = array<i32>} : memref<4x128xi32, #tpu.memory_space<vmem>>, vector<1x16xi32>,
    %shift_right_logical3A_105 = arith.constant 14 : i32
    %shift_right_logical3A_106 = vector.broadcast %shift_right_logical3A_105 : i32 to vector<16xi32>
    %shift_right_logical3A_107 = arith.shrui %get3A_95, %shift_right_logical3A_106 : vector<16xi32>
    %swap3A_108 = arith.constant 1 : i32
    %swap3A_109 = arith.index_cast %swap3A_108 : i32 to index
    %swap3A_110 = arith.constant 64 : index
    %swap3A_111 = tpu.vector_load %arg7[%swap3A_109, %swap3A_110] {strides = array<i32>} : memref<4x128xi32, #tpu.memory_space<vmem>>, vector<1x16xi32>,
    %swap3A_112 = vector.shape_cast %swap3A_111 : vector<1x16xi32> to vector<16xi32>
    %swap3A_113 = vector.shape_cast %shift_right_logical3A_107 : vector<16xi32> to vector<1x16xi32>
    tpu.vector_store %arg7[%swap3A_109, %swap3A_110], %swap3A_113 {strides = array<i32>} : memref<4x128xi32, #tpu.memory_space<vmem>>, vector<1x16xi32>,
    %get3A_114 = arith.constant 0 : i32
    %get3A_115 = arith.index_cast %get3A_114 : i32 to index
    %get3A_116 = arith.constant 80 : index
    %get3A_117 = tpu.vector_load %arg6[%get3A_115, %get3A_116] {strides = array<i32>} : memref<79x128xi32, #tpu.memory_space<vmem>>, vector<1x16xi32>,
    %get3A_118 = vector.shape_cast %get3A_117 : vector<1x16xi32> to vector<16xi32>
    %and3A_119 = arith.constant 16383 : i32
    %and3A_120 = vector.broadcast %and3A_119 : i32 to vector<16xi32>
    %and3A_121 = arith.andi %get3A_118, %and3A_120 : vector<16xi32>
    %swap3A_122 = arith.constant 0 : i32
    %swap3A_123 = arith.index_cast %swap3A_122 : i32 to index
    %swap3A_124 = arith.constant 80 : index
    %swap3A_125 = tpu.vector_load %arg7[%swap3A_123, %swap3A_124] {strides = array<i32>} : memref<4x128xi32, #tpu.memory_space<vmem>>, vector<1x16xi32>,
    %swap3A_126 = vector.shape_cast %swap3A_125 : vector<1x16xi32> to vector<16xi32>
    %swap3A_127 = vector.shape_cast %and3A_121 : vector<16xi32> to vector<1x16xi32>
    tpu.vector_store %arg7[%swap3A_123, %swap3A_124], %swap3A_127 {strides = array<i32>} : memref<4x128xi32, #tpu.memory_space<vmem>>, vector<1x16xi32>,
    %shift_right_logical3A_128 = arith.constant 14 : i32
    %shift_right_logical3A_129 = vector.broadcast %shift_right_logical3A_128 : i32 to vector<16xi32>
    %shift_right_logical3A_130 = arith.shrui %get3A_118, %shift_right_logical3A_129 : vector<16xi32>
    %swap3A_131 = arith.constant 1 : i32
    %swap3A_132 = arith.index_cast %swap3A_131 : i32 to index
    %swap3A_133 = arith.constant 80 : index
    %swap3A_134 = tpu.vector_load %arg7[%swap3A_132, %swap3A_133] {strides = array<i32>} : memref<4x128xi32, #tpu.memory_space<vmem>>, vector<1x16xi32>,
    %swap3A_135 = vector.shape_cast %swap3A_134 : vector<1x16xi32> to vector<16xi32>
    %swap3A_136 = vector.shape_cast %shift_right_logical3A_130 : vector<16xi32> to vector<1x16xi32>
    tpu.vector_store %arg7[%swap3A_132, %swap3A_133], %swap3A_136 {strides = array<i32>} : memref<4x128xi32, #tpu.memory_space<vmem>>, vector<1x16xi32>,
    %get3A_137 = arith.constant 0 : i32
    %get3A_138 = arith.index_cast %get3A_137 : i32 to index
    %get3A_139 = arith.constant 96 : index
    %get3A_140 = tpu.vector_load %arg6[%get3A_138, %get3A_139] {strides = array<i32>} : memref<79x128xi32, #tpu.memory_space<vmem>>, vector<1x16xi32>,
    %get3A_141 = vector.shape_cast %get3A_140 : vector<1x16xi32> to vector<16xi32>
    %and3A_142 = arith.constant 16383 : i32
    %and3A_143 = vector.broadcast %and3A_142 : i32 to vector<16xi32>
    %and3A_144 = arith.andi %get3A_141, %and3A_143 : vector<16xi32>
    %swap3A_145 = arith.constant 0 : i32
    %swap3A_146 = arith.index_cast %swap3A_145 : i32 to index
    %swap3A_147 = arith.constant 96 : index
    %swap3A_148 = tpu.vector_load %arg7[%swap3A_146, %swap3A_147] {strides = array<i32>} : memref<4x128xi32, #tpu.memory_space<vmem>>, vector<1x16xi32>,
    %swap3A_149 = vector.shape_cast %swap3A_148 : vector<1x16xi32> to vector<16xi32>
    %swap3A_150 = vector.shape_cast %and3A_144 : vector<16xi32> to vector<1x16xi32>
    tpu.vector_store %arg7[%swap3A_146, %swap3A_147], %swap3A_150 {strides = array<i32>} : memref<4x128xi32, #tpu.memory_space<vmem>>, vector<1x16xi32>,
    %shift_right_logical3A_151 = arith.constant 14 : i32
    %shift_right_logical3A_152 = vector.broadcast %shift_right_logical3A_151 : i32 to vector<16xi32>
    %shift_right_logical3A_153 = arith.shrui %get3A_141, %shift_right_logical3A_152 : vector<16xi32>
    %swap3A_154 = arith.constant 1 : i32
    %swap3A_155 = arith.index_cast %swap3A_154 : i32 to index
    %swap3A_156 = arith.constant 96 : index
    %swap3A_157 = tpu.vector_load %arg7[%swap3A_155, %swap3A_156] {strides = array<i32>} : memref<4x128xi32, #tpu.memory_space<vmem>>, vector<1x16xi32>,
    %swap3A_158 = vector.shape_cast %swap3A_157 : vector<1x16xi32> to vector<16xi32>
    %swap3A_159 = vector.shape_cast %shift_right_logical3A_153 : vector<16xi32> to vector<1x16xi32>
    tpu.vector_store %arg7[%swap3A_155, %swap3A_156], %swap3A_159 {strides = array<i32>} : memref<4x128xi32, #tpu.memory_space<vmem>>, vector<1x16xi32>,
    %get3A_160 = arith.constant 0 : i32
    %get3A_161 = arith.index_cast %get3A_160 : i32 to index
    %get3A_162 = arith.constant 112 : index
    %get3A_163 = tpu.vector_load %arg6[%get3A_161, %get3A_162] {strides = array<i32>} : memref<79x128xi32, #tpu.memory_space<vmem>>, vector<1x16xi32>,
    %get3A_164 = vector.shape_cast %get3A_163 : vector<1x16xi32> to vector<16xi32>
    %and3A_165 = arith.constant 16383 : i32
    %and3A_166 = vector.broadcast %and3A_165 : i32 to vector<16xi32>
    %and3A_167 = arith.andi %get3A_164, %and3A_166 : vector<16xi32>
    %swap3A_168 = arith.constant 0 : i32
    %swap3A_169 = arith.index_cast %swap3A_168 : i32 to index
    %swap3A_170 = arith.constant 112 : index
    %swap3A_171 = tpu.vector_load %arg7[%swap3A_169, %swap3A_170] {strides = array<i32>} : memref<4x128xi32, #tpu.memory_space<vmem>>, vector<1x16xi32>,
    %swap3A_172 = vector.shape_cast %swap3A_171 : vector<1x16xi32> to vector<16xi32>
    %swap3A_173 = vector.shape_cast %and3A_167 : vector<16xi32> to vector<1x16xi32>
    tpu.vector_store %arg7[%swap3A_169, %swap3A_170], %swap3A_173 {strides = array<i32>} : memref<4x128xi32, #tpu.memory_space<vmem>>, vector<1x16xi32>,
    %shift_right_logical3A_174 = arith.constant 14 : i32
    %shift_right_logical3A_175 = vector.broadcast %shift_right_logical3A_174 : i32 to vector<16xi32>
    %shift_right_logical3A_176 = arith.shrui %get3A_164, %shift_right_logical3A_175 : vector<16xi32>
    %swap3A_177 = arith.constant 1 : i32
    %swap3A_178 = arith.index_cast %swap3A_177 : i32 to index
    %swap3A_179 = arith.constant 112 : index
    %swap3A_180 = tpu.vector_load %arg7[%swap3A_178, %swap3A_179] {strides = array<i32>} : memref<4x128xi32, #tpu.memory_space<vmem>>, vector<1x16xi32>,
    %swap3A_181 = vector.shape_cast %swap3A_180 : vector<1x16xi32> to vector<16xi32>
    %swap3A_182 = vector.shape_cast %shift_right_logical3A_176 : vector<16xi32> to vector<1x16xi32>
    tpu.vector_store %arg7[%swap3A_178, %swap3A_179], %swap3A_182 {strides = array<i32>} : memref<4x128xi32, #tpu.memory_space<vmem>>, vector<1x16xi32>,
    %dma_start3A = arith.constant 0 : i32
    %dma_start3A_183 = arith.constant 0 : i32
    %dma_start3A_184 = tpu.memref_slice %arg7[%dma_start3A, %dma_start3A_183] : memref<4x128xi32, #tpu.memory_space<vmem>> -> memref<1x128xi32, #tpu.memory_space<vmem>>
    %dma_start3A_185 = tpu.memref_squeeze %dma_start3A_184 : memref<1x128xi32, #tpu.memory_space<vmem>> -> memref<128xi32, #tpu.memory_space<vmem>>
    %dma_start3A_186 = arith.constant 0 : i32
    %dma_start3A_187 = arith.constant 0 : i32
    %dma_start3A_188 = tpu.memref_slice %arg2[%dma_start3A_186, %dma_start3A_187] : memref<10000x128xf32, #tpu.memory_space<hbm>> -> memref<10000x128xf32, #tpu.memory_space<hbm>>
    tpu.enqueue_indirect_dma source(%dma_start3A_188 : memref<10000x128xf32, #tpu.memory_space<hbm>>) target(%arg8 : memref<128x128xf32, #tpu.memory_space<vmem>>) offsets(%dma_start3A_185 : memref<128xi32, #tpu.memory_space<vmem>>) semaphore(%arg11 : memref<!tpu.dma_semaphore, #tpu.memory_space<semaphore_mem>>)
    %scan3A = arith.constant 0 : i32
    %scan3A_189 = arith.constant 39 : i32
    %scan3A_190 = arith.addi %scan3A, %scan3A_189 : i32
    %scan3A_191 = arith.constant 1 : i32
    scf.for %scan3A_200 = %scan3A to %scan3A_190 step %scan3A_191  : i32 {
      %mul3A_201 = arith.constant 2 : i32
      %mul3A_202 = arith.muli %scan3A_200, %mul3A_201 : i32
      %add3A_203 = arith.constant 0 : i32
      %add3A_204 = arith.addi %add3A_203, %mul3A_202 : i32
      %add3A_205 = arith.constant 1 : i32
      %add3A_206 = arith.addi %add3A_204, %add3A_205 : i32
      %get3A_207 = arith.index_cast %add3A_206 : i32 to index
      %get3A_208 = arith.constant 0 : index
      %get3A_209 = tpu.vector_load %arg6[%get3A_207, %get3A_208] {strides = array<i32>} : memref<79x128xi32, #tpu.memory_space<vmem>>, vector<1x16xi32>,
      %get3A_210 = vector.shape_cast %get3A_209 : vector<1x16xi32> to vector<16xi32>
      %and3A_211 = arith.constant 16383 : i32
      %and3A_212 = vector.broadcast %and3A_211 : i32 to vector<16xi32>
      %and3A_213 = arith.andi %get3A_210, %and3A_212 : vector<16xi32>
      %swap3A_214 = arith.constant 2 : i32
      %swap3A_215 = arith.index_cast %swap3A_214 : i32 to index
      %swap3A_216 = arith.constant 0 : index
      %swap3A_217 = tpu.vector_load %arg7[%swap3A_215, %swap3A_216] {strides = array<i32>} : memref<4x128xi32, #tpu.memory_space<vmem>>, vector<1x16xi32>,
      %swap3A_218 = vector.shape_cast %swap3A_217 : vector<1x16xi32> to vector<16xi32>
      %swap3A_219 = vector.shape_cast %and3A_213 : vector<16xi32> to vector<1x16xi32>
      tpu.vector_store %arg7[%swap3A_215, %swap3A_216], %swap3A_219 {strides = array<i32>} : memref<4x128xi32, #tpu.memory_space<vmem>>, vector<1x16xi32>,
      %shift_right_logical3A_220 = arith.constant 14 : i32
      %shift_right_logical3A_221 = vector.broadcast %shift_right_logical3A_220 : i32 to vector<16xi32>
      %shift_right_logical3A_222 = arith.shrui %get3A_210, %shift_right_logical3A_221 : vector<16xi32>
      %swap3A_223 = arith.constant 3 : i32
      %swap3A_224 = arith.index_cast %swap3A_223 : i32 to index
      %swap3A_225 = arith.constant 0 : index
      %swap3A_226 = tpu.vector_load %arg7[%swap3A_224, %swap3A_225] {strides = array<i32>} : memref<4x128xi32, #tpu.memory_space<vmem>>, vector<1x16xi32>,
      %swap3A_227 = vector.shape_cast %swap3A_226 : vector<1x16xi32> to vector<16xi32>
      %swap3A_228 = vector.shape_cast %shift_right_logical3A_222 : vector<16xi32> to vector<1x16xi32>
      tpu.vector_store %arg7[%swap3A_224, %swap3A_225], %swap3A_228 {strides = array<i32>} : memref<4x128xi32, #tpu.memory_space<vmem>>, vector<1x16xi32>,
      %get3A_229 = arith.index_cast %add3A_206 : i32 to index
      %get3A_230 = arith.constant 16 : index
      %get3A_231 = tpu.vector_load %arg6[%get3A_229, %get3A_230] {strides = array<i32>} : memref<79x128xi32, #tpu.memory_space<vmem>>, vector<1x16xi32>,
      %get3A_232 = vector.shape_cast %get3A_231 : vector<1x16xi32> to vector<16xi32>
      %and3A_233 = arith.constant 16383 : i32
      %and3A_234 = vector.broadcast %and3A_233 : i32 to vector<16xi32>
      %and3A_235 = arith.andi %get3A_232, %and3A_234 : vector<16xi32>
      %swap3A_236 = arith.constant 2 : i32
      %swap3A_237 = arith.index_cast %swap3A_236 : i32 to index
      %swap3A_238 = arith.constant 16 : index
      %swap3A_239 = tpu.vector_load %arg7[%swap3A_237, %swap3A_238] {strides = array<i32>} : memref<4x128xi32, #tpu.memory_space<vmem>>, vector<1x16xi32>,
      %swap3A_240 = vector.shape_cast %swap3A_239 : vector<1x16xi32> to vector<16xi32>
      %swap3A_241 = vector.shape_cast %and3A_235 : vector<16xi32> to vector<1x16xi32>
      tpu.vector_store %arg7[%swap3A_237, %swap3A_238], %swap3A_241 {strides = array<i32>} : memref<4x128xi32, #tpu.memory_space<vmem>>, vector<1x16xi32>,
      %shift_right_logical3A_242 = arith.constant 14 : i32
      %shift_right_logical3A_243 = vector.broadcast %shift_right_logical3A_242 : i32 to vector<16xi32>
      %shift_right_logical3A_244 = arith.shrui %get3A_232, %shift_right_logical3A_243 : vector<16xi32>
      %swap3A_245 = arith.constant 3 : i32
      %swap3A_246 = arith.index_cast %swap3A_245 : i32 to index
      %swap3A_247 = arith.constant 16 : index
      %swap3A_248 = tpu.vector_load %arg7[%swap3A_246, %swap3A_247] {strides = array<i32>} : memref<4x128xi32, #tpu.memory_space<vmem>>, vector<1x16xi32>,
      %swap3A_249 = vector.shape_cast %swap3A_248 : vector<1x16xi32> to vector<16xi32>
      %swap3A_250 = vector.shape_cast %shift_right_logical3A_244 : vector<16xi32> to vector<1x16xi32>
      tpu.vector_store %arg7[%swap3A_246, %swap3A_247], %swap3A_250 {strides = array<i32>} : memref<4x128xi32, #tpu.memory_space<vmem>>, vector<1x16xi32>,
      %get3A_251 = arith.index_cast %add3A_206 : i32 to index
      %get3A_252 = arith.constant 32 : index
      %get3A_253 = tpu.vector_load %arg6[%get3A_251, %get3A_252] {strides = array<i32>} : memref<79x128xi32, #tpu.memory_space<vmem>>, vector<1x16xi32>,
      %get3A_254 = vector.shape_cast %get3A_253 : vector<1x16xi32> to vector<16xi32>
      %and3A_255 = arith.constant 16383 : i32
      %and3A_256 = vector.broadcast %and3A_255 : i32 to vector<16xi32>
      %and3A_257 = arith.andi %get3A_254, %and3A_256 : vector<16xi32>
      %swap3A_258 = arith.constant 2 : i32
      %swap3A_259 = arith.index_cast %swap3A_258 : i32 to index
      %swap3A_260 = arith.constant 32 : index
      %swap3A_261 = tpu.vector_load %arg7[%swap3A_259, %swap3A_260] {strides = array<i32>} : memref<4x128xi32, #tpu.memory_space<vmem>>, vector<1x16xi32>,
      %swap3A_262 = vector.shape_cast %swap3A_261 : vector<1x16xi32> to vector<16xi32>
      %swap3A_263 = vector.shape_cast %and3A_257 : vector<16xi32> to vector<1x16xi32>
      tpu.vector_store %arg7[%swap3A_259, %swap3A_260], %swap3A_263 {strides = array<i32>} : memref<4x128xi32, #tpu.memory_space<vmem>>, vector<1x16xi32>,
      %shift_right_logical3A_264 = arith.constant 14 : i32
      %shift_right_logical3A_265 = vector.broadcast %shift_right_logical3A_264 : i32 to vector<16xi32>
      %shift_right_logical3A_266 = arith.shrui %get3A_254, %shift_right_logical3A_265 : vector<16xi32>
      %swap3A_267 = arith.constant 3 : i32
      %swap3A_268 = arith.index_cast %swap3A_267 : i32 to index
      %swap3A_269 = arith.constant 32 : index
      %swap3A_270 = tpu.vector_load %arg7[%swap3A_268, %swap3A_269] {strides = array<i32>} : memref<4x128xi32, #tpu.memory_space<vmem>>, vector<1x16xi32>,
      %swap3A_271 = vector.shape_cast %swap3A_270 : vector<1x16xi32> to vector<16xi32>
      %swap3A_272 = vector.shape_cast %shift_right_logical3A_266 : vector<16xi32> to vector<1x16xi32>
      tpu.vector_store %arg7[%swap3A_268, %swap3A_269], %swap3A_272 {strides = array<i32>} : memref<4x128xi32, #tpu.memory_space<vmem>>, vector<1x16xi32>,
      %get3A_273 = arith.index_cast %add3A_206 : i32 to index
      %get3A_274 = arith.constant 48 : index
      %get3A_275 = tpu.vector_load %arg6[%get3A_273, %get3A_274] {strides = array<i32>} : memref<79x128xi32, #tpu.memory_space<vmem>>, vector<1x16xi32>,
      %get3A_276 = vector.shape_cast %get3A_275 : vector<1x16xi32> to vector<16xi32>
      %and3A_277 = arith.constant 16383 : i32
      %and3A_278 = vector.broadcast %and3A_277 : i32 to vector<16xi32>
      %and3A_279 = arith.andi %get3A_276, %and3A_278 : vector<16xi32>
      %swap3A_280 = arith.constant 2 : i32
      %swap3A_281 = arith.index_cast %swap3A_280 : i32 to index
      %swap3A_282 = arith.constant 48 : index
      %swap3A_283 = tpu.vector_load %arg7[%swap3A_281, %swap3A_282] {strides = array<i32>} : memref<4x128xi32, #tpu.memory_space<vmem>>, vector<1x16xi32>,
      %swap3A_284 = vector.shape_cast %swap3A_283 : vector<1x16xi32> to vector<16xi32>
      %swap3A_285 = vector.shape_cast %and3A_279 : vector<16xi32> to vector<1x16xi32>
      tpu.vector_store %arg7[%swap3A_281, %swap3A_282], %swap3A_285 {strides = array<i32>} : memref<4x128xi32, #tpu.memory_space<vmem>>, vector<1x16xi32>,
      %shift_right_logical3A_286 = arith.constant 14 : i32
      %shift_right_logical3A_287 = vector.broadcast %shift_right_logical3A_286 : i32 to vector<16xi32>
      %shift_right_logical3A_288 = arith.shrui %get3A_276, %shift_right_logical3A_287 : vector<16xi32>
      %swap3A_289 = arith.constant 3 : i32
      %swap3A_290 = arith.index_cast %swap3A_289 : i32 to index
      %swap3A_291 = arith.constant 48 : index
      %swap3A_292 = tpu.vector_load %arg7[%swap3A_290, %swap3A_291] {strides = array<i32>} : memref<4x128xi32, #tpu.memory_space<vmem>>, vector<1x16xi32>,
      %swap3A_293 = vector.shape_cast %swap3A_292 : vector<1x16xi32> to vector<16xi32>
      %swap3A_294 = vector.shape_cast %shift_right_logical3A_288 : vector<16xi32> to vector<1x16xi32>
      tpu.vector_store %arg7[%swap3A_290, %swap3A_291], %swap3A_294 {strides = array<i32>} : memref<4x128xi32, #tpu.memory_space<vmem>>, vector<1x16xi32>,
      %get3A_295 = arith.index_cast %add3A_206 : i32 to index
      %get3A_296 = arith.constant 64 : index
      %get3A_297 = tpu.vector_load %arg6[%get3A_295, %get3A_296] {strides = array<i32>} : memref<79x128xi32, #tpu.memory_space<vmem>>, vector<1x16xi32>,
      %get3A_298 = vector.shape_cast %get3A_297 : vector<1x16xi32> to vector<16xi32>
      %and3A_299 = arith.constant 16383 : i32
      %and3A_300 = vector.broadcast %and3A_299 : i32 to vector<16xi32>
      %and3A_301 = arith.andi %get3A_298, %and3A_300 : vector<16xi32>
      %swap3A_302 = arith.constant 2 : i32
      %swap3A_303 = arith.index_cast %swap3A_302 : i32 to index
      %swap3A_304 = arith.constant 64 : index
      %swap3A_305 = tpu.vector_load %arg7[%swap3A_303, %swap3A_304] {strides = array<i32>} : memref<4x128xi32, #tpu.memory_space<vmem>>, vector<1x16xi32>,
      %swap3A_306 = vector.shape_cast %swap3A_305 : vector<1x16xi32> to vector<16xi32>
      %swap3A_307 = vector.shape_cast %and3A_301 : vector<16xi32> to vector<1x16xi32>
      tpu.vector_store %arg7[%swap3A_303, %swap3A_304], %swap3A_307 {strides = array<i32>} : memref<4x128xi32, #tpu.memory_space<vmem>>, vector<1x16xi32>,
      %shift_right_logical3A_308 = arith.constant 14 : i32
      %shift_right_logical3A_309 = vector.broadcast %shift_right_logical3A_308 : i32 to vector<16xi32>
      %shift_right_logical3A_310 = arith.shrui %get3A_298, %shift_right_logical3A_309 : vector<16xi32>
      %swap3A_311 = arith.constant 3 : i32
      %swap3A_312 = arith.index_cast %swap3A_311 : i32 to index
      %swap3A_313 = arith.constant 64 : index
      %swap3A_314 = tpu.vector_load %arg7[%swap3A_312, %swap3A_313] {strides = array<i32>} : memref<4x128xi32, #tpu.memory_space<vmem>>, vector<1x16xi32>,
      %swap3A_315 = vector.shape_cast %swap3A_314 : vector<1x16xi32> to vector<16xi32>
      %swap3A_316 = vector.shape_cast %shift_right_logical3A_310 : vector<16xi32> to vector<1x16xi32>
      tpu.vector_store %arg7[%swap3A_312, %swap3A_313], %swap3A_316 {strides = array<i32>} : memref<4x128xi32, #tpu.memory_space<vmem>>, vector<1x16xi32>,
      %get3A_317 = arith.index_cast %add3A_206 : i32 to index
      %get3A_318 = arith.constant 80 : index
      %get3A_319 = tpu.vector_load %arg6[%get3A_317, %get3A_318] {strides = array<i32>} : memref<79x128xi32, #tpu.memory_space<vmem>>, vector<1x16xi32>,
      %get3A_320 = vector.shape_cast %get3A_319 : vector<1x16xi32> to vector<16xi32>
      %and3A_321 = arith.constant 16383 : i32
      %and3A_322 = vector.broadcast %and3A_321 : i32 to vector<16xi32>
      %and3A_323 = arith.andi %get3A_320, %and3A_322 : vector<16xi32>
      %swap3A_324 = arith.constant 2 : i32
      %swap3A_325 = arith.index_cast %swap3A_324 : i32 to index
      %swap3A_326 = arith.constant 80 : index
      %swap3A_327 = tpu.vector_load %arg7[%swap3A_325, %swap3A_326] {strides = array<i32>} : memref<4x128xi32, #tpu.memory_space<vmem>>, vector<1x16xi32>,
      %swap3A_328 = vector.shape_cast %swap3A_327 : vector<1x16xi32> to vector<16xi32>
      %swap3A_329 = vector.shape_cast %and3A_323 : vector<16xi32> to vector<1x16xi32>
      tpu.vector_store %arg7[%swap3A_325, %swap3A_326], %swap3A_329 {strides = array<i32>} : memref<4x128xi32, #tpu.memory_space<vmem>>, vector<1x16xi32>,
      %shift_right_logical3A_330 = arith.constant 14 : i32
      %shift_right_logical3A_331 = vector.broadcast %shift_right_logical3A_330 : i32 to vector<16xi32>
      %shift_right_logical3A_332 = arith.shrui %get3A_320, %shift_right_logical3A_331 : vector<16xi32>
      %swap3A_333 = arith.constant 3 : i32
      %swap3A_334 = arith.index_cast %swap3A_333 : i32 to index
      %swap3A_335 = arith.constant 80 : index
      %swap3A_336 = tpu.vector_load %arg7[%swap3A_334, %swap3A_335] {strides = array<i32>} : memref<4x128xi32, #tpu.memory_space<vmem>>, vector<1x16xi32>,
      %swap3A_337 = vector.shape_cast %swap3A_336 : vector<1x16xi32> to vector<16xi32>
      %swap3A_338 = vector.shape_cast %shift_right_logical3A_332 : vector<16xi32> to vector<1x16xi32>
      tpu.vector_store %arg7[%swap3A_334, %swap3A_335], %swap3A_338 {strides = array<i32>} : memref<4x128xi32, #tpu.memory_space<vmem>>, vector<1x16xi32>,
      %get3A_339 = arith.index_cast %add3A_206 : i32 to index
      %get3A_340 = arith.constant 96 : index
      %get3A_341 = tpu.vector_load %arg6[%get3A_339, %get3A_340] {strides = array<i32>} : memref<79x128xi32, #tpu.memory_space<vmem>>, vector<1x16xi32>,
      %get3A_342 = vector.shape_cast %get3A_341 : vector<1x16xi32> to vector<16xi32>
      %and3A_343 = arith.constant 16383 : i32
      %and3A_344 = vector.broadcast %and3A_343 : i32 to vector<16xi32>
      %and3A_345 = arith.andi %get3A_342, %and3A_344 : vector<16xi32>
      %swap3A_346 = arith.constant 2 : i32
      %swap3A_347 = arith.index_cast %swap3A_346 : i32 to index
      %swap3A_348 = arith.constant 96 : index
      %swap3A_349 = tpu.vector_load %arg7[%swap3A_347, %swap3A_348] {strides = array<i32>} : memref<4x128xi32, #tpu.memory_space<vmem>>, vector<1x16xi32>,
      %swap3A_350 = vector.shape_cast %swap3A_349 : vector<1x16xi32> to vector<16xi32>
      %swap3A_351 = vector.shape_cast %and3A_345 : vector<16xi32> to vector<1x16xi32>
      tpu.vector_store %arg7[%swap3A_347, %swap3A_348], %swap3A_351 {strides = array<i32>} : memref<4x128xi32, #tpu.memory_space<vmem>>, vector<1x16xi32>,
      %shift_right_logical3A_352 = arith.constant 14 : i32
      %shift_right_logical3A_353 = vector.broadcast %shift_right_logical3A_352 : i32 to vector<16xi32>
      %shift_right_logical3A_354 = arith.shrui %get3A_342, %shift_right_logical3A_353 : vector<16xi32>
      %swap3A_355 = arith.constant 3 : i32
      %swap3A_356 = arith.index_cast %swap3A_355 : i32 to index
      %swap3A_357 = arith.constant 96 : index
      %swap3A_358 = tpu.vector_load %arg7[%swap3A_356, %swap3A_357] {strides = array<i32>} : memref<4x128xi32, #tpu.memory_space<vmem>>, vector<1x16xi32>,
      %swap3A_359 = vector.shape_cast %swap3A_358 : vector<1x16xi32> to vector<16xi32>
      %swap3A_360 = vector.shape_cast %shift_right_logical3A_354 : vector<16xi32> to vector<1x16xi32>
      tpu.vector_store %arg7[%swap3A_356, %swap3A_357], %swap3A_360 {strides = array<i32>} : memref<4x128xi32, #tpu.memory_space<vmem>>, vector<1x16xi32>,
      %get3A_361 = arith.index_cast %add3A_206 : i32 to index
      %get3A_362 = arith.constant 112 : index
      %get3A_363 = tpu.vector_load %arg6[%get3A_361, %get3A_362] {strides = array<i32>} : memref<79x128xi32, #tpu.memory_space<vmem>>, vector<1x16xi32>,
      %get3A_364 = vector.shape_cast %get3A_363 : vector<1x16xi32> to vector<16xi32>
      %and3A_365 = arith.constant 16383 : i32
      %and3A_366 = vector.broadcast %and3A_365 : i32 to vector<16xi32>
      %and3A_367 = arith.andi %get3A_364, %and3A_366 : vector<16xi32>
      %swap3A_368 = arith.constant 2 : i32
      %swap3A_369 = arith.index_cast %swap3A_368 : i32 to index
      %swap3A_370 = arith.constant 112 : index
      %swap3A_371 = tpu.vector_load %arg7[%swap3A_369, %swap3A_370] {strides = array<i32>} : memref<4x128xi32, #tpu.memory_space<vmem>>, vector<1x16xi32>,
      %swap3A_372 = vector.shape_cast %swap3A_371 : vector<1x16xi32> to vector<16xi32>
      %swap3A_373 = vector.shape_cast %and3A_367 : vector<16xi32> to vector<1x16xi32>
      tpu.vector_store %arg7[%swap3A_369, %swap3A_370], %swap3A_373 {strides = array<i32>} : memref<4x128xi32, #tpu.memory_space<vmem>>, vector<1x16xi32>,
      %shift_right_logical3A_374 = arith.constant 14 : i32
      %shift_right_logical3A_375 = vector.broadcast %shift_right_logical3A_374 : i32 to vector<16xi32>
      %shift_right_logical3A_376 = arith.shrui %get3A_364, %shift_right_logical3A_375 : vector<16xi32>
      %swap3A_377 = arith.constant 3 : i32
      %swap3A_378 = arith.index_cast %swap3A_377 : i32 to index
      %swap3A_379 = arith.constant 112 : index
      %swap3A_380 = tpu.vector_load %arg7[%swap3A_378, %swap3A_379] {strides = array<i32>} : memref<4x128xi32, #tpu.memory_space<vmem>>, vector<1x16xi32>,
      %swap3A_381 = vector.shape_cast %swap3A_380 : vector<1x16xi32> to vector<16xi32>
      %swap3A_382 = vector.shape_cast %shift_right_logical3A_376 : vector<16xi32> to vector<1x16xi32>
      tpu.vector_store %arg7[%swap3A_378, %swap3A_379], %swap3A_382 {strides = array<i32>} : memref<4x128xi32, #tpu.memory_space<vmem>>, vector<1x16xi32>,
      %dma_start3A_383 = arith.constant 2 : i32
      %dma_start3A_384 = arith.constant 0 : i32
      %dma_start3A_385 = tpu.memref_slice %arg7[%dma_start3A_383, %dma_start3A_384] : memref<4x128xi32, #tpu.memory_space<vmem>> -> memref<1x128xi32, #tpu.memory_space<vmem>>
      %dma_start3A_386 = tpu.memref_squeeze %dma_start3A_385 : memref<1x128xi32, #tpu.memory_space<vmem>> -> memref<128xi32, #tpu.memory_space<vmem>>
      %dma_start3A_387 = arith.constant 0 : i32
      %dma_start3A_388 = arith.constant 0 : i32
      %dma_start3A_389 = tpu.memref_slice %arg2[%dma_start3A_387, %dma_start3A_388] : memref<10000x128xf32, #tpu.memory_space<hbm>> -> memref<10000x128xf32, #tpu.memory_space<hbm>>
      tpu.enqueue_indirect_dma source(%dma_start3A_389 : memref<10000x128xf32, #tpu.memory_space<hbm>>) target(%arg9 : memref<128x128xf32, #tpu.memory_space<vmem>>) offsets(%dma_start3A_386 : memref<128xi32, #tpu.memory_space<vmem>>) semaphore(%arg12 : memref<!tpu.dma_semaphore, #tpu.memory_space<semaphore_mem>>)
      %dma_wait3A_390 = arith.constant 0 : i32
      %dma_wait3A_391 = arith.constant 0 : i32
      %dma_wait3A_392 = tpu.memref_slice %arg7[%dma_wait3A_390, %dma_wait3A_391] : memref<4x128xi32, #tpu.memory_space<vmem>> -> memref<1x128xi32, #tpu.memory_space<vmem>>
      %dma_wait3A_393 = tpu.memref_squeeze %dma_wait3A_392 : memref<1x128xi32, #tpu.memory_space<vmem>> -> memref<128xi32, #tpu.memory_space<vmem>>
      %dma_wait3A_394 = arith.constant 0 : i32
      %dma_wait3A_395 = arith.constant 0 : i32
      %dma_wait3A_396 = tpu.memref_slice %arg2[%dma_wait3A_394, %dma_wait3A_395] : memref<10000x128xf32, #tpu.memory_space<hbm>> -> memref<10000x128xf32, #tpu.memory_space<hbm>>
      tpu.wait_indirect_dma semaphore(%arg11 : memref<!tpu.dma_semaphore, #tpu.memory_space<semaphore_mem>>) src(%dma_wait3A_396 : memref<10000x128xf32, #tpu.memory_space<hbm>>) dst(%arg8 : memref<128x128xf32, #tpu.memory_space<vmem>>)
      %run_scoped3A_397 = arith.constant 1 : i32
      "tpu.region"() ({
        %run_scoped3A_591 = tpu.sem_alloc : memref<!tpu.dma_semaphore, #tpu.memory_space<semaphore_mem>>
        %dma_start3A_592 = arith.constant 0 : i32
        %dma_start3A_593 = tpu.memref_slice %arg7[%run_scoped3A_397, %dma_start3A_592] : memref<4x128xi32, #tpu.memory_space<vmem>> -> memref<1x128xi32, #tpu.memory_space<vmem>>
        %dma_start3A_594 = tpu.memref_squeeze %dma_start3A_593 : memref<1x128xi32, #tpu.memory_space<vmem>> -> memref<128xi32, #tpu.memory_space<vmem>>
        %dma_start3A_595 = arith.constant 0 : i32
        %dma_start3A_596 = arith.constant 0 : i32
        %dma_start3A_597 = tpu.memref_slice %arg10[%dma_start3A_595, %dma_start3A_596] : memref<10112x128xf32, #tpu.memory_space<vmem_shared>> -> memref<10112x128xf32, #tpu.memory_space<vmem_shared>>
        tpu.enqueue_indirect_dma source(%arg8 : memref<128x128xf32, #tpu.memory_space<vmem>>) target(%dma_start3A_597 : memref<10112x128xf32, #tpu.memory_space<vmem_shared>>) offsets(%dma_start3A_594 : memref<128xi32, #tpu.memory_space<vmem>>) semaphore(%run_scoped3A_591 : memref<!tpu.dma_semaphore, #tpu.memory_space<semaphore_mem>>) {add = true}
        %dma_wait3A_598 = arith.constant 0 : i32
        %dma_wait3A_599 = tpu.memref_slice %arg7[%run_scoped3A_397, %dma_wait3A_598] : memref<4x128xi32, #tpu.memory_space<vmem>> -> memref<1x128xi32, #tpu.memory_space<vmem>>
        %dma_wait3A_600 = tpu.memref_squeeze %dma_wait3A_599 : memref<1x128xi32, #tpu.memory_space<vmem>> -> memref<128xi32, #tpu.memory_space<vmem>>
        %dma_wait3A_601 = arith.constant 0 : i32
        %dma_wait3A_602 = arith.constant 0 : i32
        %dma_wait3A_603 = tpu.memref_slice %arg10[%dma_wait3A_601, %dma_wait3A_602] : memref<10112x128xf32, #tpu.memory_space<vmem_shared>> -> memref<10112x128xf32, #tpu.memory_space<vmem_shared>>
        tpu.wait_indirect_dma semaphore(%run_scoped3A_591 : memref<!tpu.dma_semaphore, #tpu.memory_space<semaphore_mem>>) src(%arg8 : memref<128x128xf32, #tpu.memory_space<vmem>>) dst(%dma_wait3A_603 : memref<10112x128xf32, #tpu.memory_space<vmem_shared>>)
        tpu.yield
      }) : () -> ()
      %add3A_398 = arith.constant 2 : i32
      %add3A_399 = arith.addi %add3A_204, %add3A_398 : i32
      %get3A_400 = arith.index_cast %add3A_399 : i32 to index
      %get3A_401 = arith.constant 0 : index
      %get3A_402 = tpu.vector_load %arg6[%get3A_400, %get3A_401] {strides = array<i32>} : memref<79x128xi32, #tpu.memory_space<vmem>>, vector<1x16xi32>,
      %get3A_403 = vector.shape_cast %get3A_402 : vector<1x16xi32> to vector<16xi32>
      %and3A_404 = arith.constant 16383 : i32
      %and3A_405 = vector.broadcast %and3A_404 : i32 to vector<16xi32>
      %and3A_406 = arith.andi %get3A_403, %and3A_405 : vector<16xi32>
      %swap3A_407 = arith.constant 0 : i32
      %swap3A_408 = arith.index_cast %swap3A_407 : i32 to index
      %swap3A_409 = arith.constant 0 : index
      %swap3A_410 = tpu.vector_load %arg7[%swap3A_408, %swap3A_409] {strides = array<i32>} : memref<4x128xi32, #tpu.memory_space<vmem>>, vector<1x16xi32>,
      %swap3A_411 = vector.shape_cast %swap3A_410 : vector<1x16xi32> to vector<16xi32>
      %swap3A_412 = vector.shape_cast %and3A_406 : vector<16xi32> to vector<1x16xi32>
      tpu.vector_store %arg7[%swap3A_408, %swap3A_409], %swap3A_412 {strides = array<i32>} : memref<4x128xi32, #tpu.memory_space<vmem>>, vector<1x16xi32>,
      %shift_right_logical3A_413 = arith.constant 14 : i32
      %shift_right_logical3A_414 = vector.broadcast %shift_right_logical3A_413 : i32 to vector<16xi32>
      %shift_right_logical3A_415 = arith.shrui %get3A_403, %shift_right_logical3A_414 : vector<16xi32>
      %swap3A_416 = arith.constant 1 : i32
      %swap3A_417 = arith.index_cast %swap3A_416 : i32 to index
      %swap3A_418 = arith.constant 0 : index
      %swap3A_419 = tpu.vector_load %arg7[%swap3A_417, %swap3A_418] {strides = array<i32>} : memref<4x128xi32, #tpu.memory_space<vmem>>, vector<1x16xi32>,
      %swap3A_420 = vector.shape_cast %swap3A_419 : vector<1x16xi32> to vector<16xi32>
      %swap3A_421 = vector.shape_cast %shift_right_logical3A_415 : vector<16xi32> to vector<1x16xi32>
      tpu.vector_store %arg7[%swap3A_417, %swap3A_418], %swap3A_421 {strides = array<i32>} : memref<4x128xi32, #tpu.memory_space<vmem>>, vector<1x16xi32>,
      %get3A_422 = arith.index_cast %add3A_399 : i32 to index
      %get3A_423 = arith.constant 16 : index
      %get3A_424 = tpu.vector_load %arg6[%get3A_422, %get3A_423] {strides = array<i32>} : memref<79x128xi32, #tpu.memory_space<vmem>>, vector<1x16xi32>,
      %get3A_425 = vector.shape_cast %get3A_424 : vector<1x16xi32> to vector<16xi32>
      %and3A_426 = arith.constant 16383 : i32
      %and3A_427 = vector.broadcast %and3A_426 : i32 to vector<16xi32>
      %and3A_428 = arith.andi %get3A_425, %and3A_427 : vector<16xi32>
      %swap3A_429 = arith.constant 0 : i32
      %swap3A_430 = arith.index_cast %swap3A_429 : i32 to index
      %swap3A_431 = arith.constant 16 : index
      %swap3A_432 = tpu.vector_load %arg7[%swap3A_430, %swap3A_431] {strides = array<i32>} : memref<4x128xi32, #tpu.memory_space<vmem>>, vector<1x16xi32>,
      %swap3A_433 = vector.shape_cast %swap3A_432 : vector<1x16xi32> to vector<16xi32>
      %swap3A_434 = vector.shape_cast %and3A_428 : vector<16xi32> to vector<1x16xi32>
      tpu.vector_store %arg7[%swap3A_430, %swap3A_431], %swap3A_434 {strides = array<i32>} : memref<4x128xi32, #tpu.memory_space<vmem>>, vector<1x16xi32>,
      %shift_right_logical3A_435 = arith.constant 14 : i32
      %shift_right_logical3A_436 = vector.broadcast %shift_right_logical3A_435 : i32 to vector<16xi32>
      %shift_right_logical3A_437 = arith.shrui %get3A_425, %shift_right_logical3A_436 : vector<16xi32>
      %swap3A_438 = arith.constant 1 : i32
      %swap3A_439 = arith.index_cast %swap3A_438 : i32 to index
      %swap3A_440 = arith.constant 16 : index
      %swap3A_441 = tpu.vector_load %arg7[%swap3A_439, %swap3A_440] {strides = array<i32>} : memref<4x128xi32, #tpu.memory_space<vmem>>, vector<1x16xi32>,
      %swap3A_442 = vector.shape_cast %swap3A_441 : vector<1x16xi32> to vector<16xi32>
      %swap3A_443 = vector.shape_cast %shift_right_logical3A_437 : vector<16xi32> to vector<1x16xi32>
      tpu.vector_store %arg7[%swap3A_439, %swap3A_440], %swap3A_443 {strides = array<i32>} : memref<4x128xi32, #tpu.memory_space<vmem>>, vector<1x16xi32>,
      %get3A_444 = arith.index_cast %add3A_399 : i32 to index
      %get3A_445 = arith.constant 32 : index
      %get3A_446 = tpu.vector_load %arg6[%get3A_444, %get3A_445] {strides = array<i32>} : memref<79x128xi32, #tpu.memory_space<vmem>>, vector<1x16xi32>,
      %get3A_447 = vector.shape_cast %get3A_446 : vector<1x16xi32> to vector<16xi32>
      %and3A_448 = arith.constant 16383 : i32
      %and3A_449 = vector.broadcast %and3A_448 : i32 to vector<16xi32>
      %and3A_450 = arith.andi %get3A_447, %and3A_449 : vector<16xi32>
      %swap3A_451 = arith.constant 0 : i32
      %swap3A_452 = arith.index_cast %swap3A_451 : i32 to index
      %swap3A_453 = arith.constant 32 : index
      %swap3A_454 = tpu.vector_load %arg7[%swap3A_452, %swap3A_453] {strides = array<i32>} : memref<4x128xi32, #tpu.memory_space<vmem>>, vector<1x16xi32>,
      %swap3A_455 = vector.shape_cast %swap3A_454 : vector<1x16xi32> to vector<16xi32>
      %swap3A_456 = vector.shape_cast %and3A_450 : vector<16xi32> to vector<1x16xi32>
      tpu.vector_store %arg7[%swap3A_452, %swap3A_453], %swap3A_456 {strides = array<i32>} : memref<4x128xi32, #tpu.memory_space<vmem>>, vector<1x16xi32>,
      %shift_right_logical3A_457 = arith.constant 14 : i32
      %shift_right_logical3A_458 = vector.broadcast %shift_right_logical3A_457 : i32 to vector<16xi32>
      %shift_right_logical3A_459 = arith.shrui %get3A_447, %shift_right_logical3A_458 : vector<16xi32>
      %swap3A_460 = arith.constant 1 : i32
      %swap3A_461 = arith.index_cast %swap3A_460 : i32 to index
      %swap3A_462 = arith.constant 32 : index
      %swap3A_463 = tpu.vector_load %arg7[%swap3A_461, %swap3A_462] {strides = array<i32>} : memref<4x128xi32, #tpu.memory_space<vmem>>, vector<1x16xi32>,
      %swap3A_464 = vector.shape_cast %swap3A_463 : vector<1x16xi32> to vector<16xi32>
      %swap3A_465 = vector.shape_cast %shift_right_logical3A_459 : vector<16xi32> to vector<1x16xi32>
      tpu.vector_store %arg7[%swap3A_461, %swap3A_462], %swap3A_465 {strides = array<i32>} : memref<4x128xi32, #tpu.memory_space<vmem>>, vector<1x16xi32>,
      %get3A_466 = arith.index_cast %add3A_399 : i32 to index
      %get3A_467 = arith.constant 48 : index
      %get3A_468 = tpu.vector_load %arg6[%get3A_466, %get3A_467] {strides = array<i32>} : memref<79x128xi32, #tpu.memory_space<vmem>>, vector<1x16xi32>,
      %get3A_469 = vector.shape_cast %get3A_468 : vector<1x16xi32> to vector<16xi32>
      %and3A_470 = arith.constant 16383 : i32
      %and3A_471 = vector.broadcast %and3A_470 : i32 to vector<16xi32>
      %and3A_472 = arith.andi %get3A_469, %and3A_471 : vector<16xi32>
      %swap3A_473 = arith.constant 0 : i32
      %swap3A_474 = arith.index_cast %swap3A_473 : i32 to index
      %swap3A_475 = arith.constant 48 : index
      %swap3A_476 = tpu.vector_load %arg7[%swap3A_474, %swap3A_475] {strides = array<i32>} : memref<4x128xi32, #tpu.memory_space<vmem>>, vector<1x16xi32>,
      %swap3A_477 = vector.shape_cast %swap3A_476 : vector<1x16xi32> to vector<16xi32>
      %swap3A_478 = vector.shape_cast %and3A_472 : vector<16xi32> to vector<1x16xi32>
      tpu.vector_store %arg7[%swap3A_474, %swap3A_475], %swap3A_478 {strides = array<i32>} : memref<4x128xi32, #tpu.memory_space<vmem>>, vector<1x16xi32>,
      %shift_right_logical3A_479 = arith.constant 14 : i32
      %shift_right_logical3A_480 = vector.broadcast %shift_right_logical3A_479 : i32 to vector<16xi32>
      %shift_right_logical3A_481 = arith.shrui %get3A_469, %shift_right_logical3A_480 : vector<16xi32>
      %swap3A_482 = arith.constant 1 : i32
      %swap3A_483 = arith.index_cast %swap3A_482 : i32 to index
      %swap3A_484 = arith.constant 48 : index
      %swap3A_485 = tpu.vector_load %arg7[%swap3A_483, %swap3A_484] {strides = array<i32>} : memref<4x128xi32, #tpu.memory_space<vmem>>, vector<1x16xi32>,
      %swap3A_486 = vector.shape_cast %swap3A_485 : vector<1x16xi32> to vector<16xi32>
      %swap3A_487 = vector.shape_cast %shift_right_logical3A_481 : vector<16xi32> to vector<1x16xi32>
      tpu.vector_store %arg7[%swap3A_483, %swap3A_484], %swap3A_487 {strides = array<i32>} : memref<4x128xi32, #tpu.memory_space<vmem>>, vector<1x16xi32>,
      %get3A_488 = arith.index_cast %add3A_399 : i32 to index
      %get3A_489 = arith.constant 64 : index
      %get3A_490 = tpu.vector_load %arg6[%get3A_488, %get3A_489] {strides = array<i32>} : memref<79x128xi32, #tpu.memory_space<vmem>>, vector<1x16xi32>,
      %get3A_491 = vector.shape_cast %get3A_490 : vector<1x16xi32> to vector<16xi32>
      %and3A_492 = arith.constant 16383 : i32
      %and3A_493 = vector.broadcast %and3A_492 : i32 to vector<16xi32>
      %and3A_494 = arith.andi %get3A_491, %and3A_493 : vector<16xi32>
      %swap3A_495 = arith.constant 0 : i32
      %swap3A_496 = arith.index_cast %swap3A_495 : i32 to index
      %swap3A_497 = arith.constant 64 : index
      %swap3A_498 = tpu.vector_load %arg7[%swap3A_496, %swap3A_497] {strides = array<i32>} : memref<4x128xi32, #tpu.memory_space<vmem>>, vector<1x16xi32>,
      %swap3A_499 = vector.shape_cast %swap3A_498 : vector<1x16xi32> to vector<16xi32>
      %swap3A_500 = vector.shape_cast %and3A_494 : vector<16xi32> to vector<1x16xi32>
      tpu.vector_store %arg7[%swap3A_496, %swap3A_497], %swap3A_500 {strides = array<i32>} : memref<4x128xi32, #tpu.memory_space<vmem>>, vector<1x16xi32>,
      %shift_right_logical3A_501 = arith.constant 14 : i32
      %shift_right_logical3A_502 = vector.broadcast %shift_right_logical3A_501 : i32 to vector<16xi32>
      %shift_right_logical3A_503 = arith.shrui %get3A_491, %shift_right_logical3A_502 : vector<16xi32>
      %swap3A_504 = arith.constant 1 : i32
      %swap3A_505 = arith.index_cast %swap3A_504 : i32 to index
      %swap3A_506 = arith.constant 64 : index
      %swap3A_507 = tpu.vector_load %arg7[%swap3A_505, %swap3A_506] {strides = array<i32>} : memref<4x128xi32, #tpu.memory_space<vmem>>, vector<1x16xi32>,
      %swap3A_508 = vector.shape_cast %swap3A_507 : vector<1x16xi32> to vector<16xi32>
      %swap3A_509 = vector.shape_cast %shift_right_logical3A_503 : vector<16xi32> to vector<1x16xi32>
      tpu.vector_store %arg7[%swap3A_505, %swap3A_506], %swap3A_509 {strides = array<i32>} : memref<4x128xi32, #tpu.memory_space<vmem>>, vector<1x16xi32>,
      %get3A_510 = arith.index_cast %add3A_399 : i32 to index
      %get3A_511 = arith.constant 80 : index
      %get3A_512 = tpu.vector_load %arg6[%get3A_510, %get3A_511] {strides = array<i32>} : memref<79x128xi32, #tpu.memory_space<vmem>>, vector<1x16xi32>,
      %get3A_513 = vector.shape_cast %get3A_512 : vector<1x16xi32> to vector<16xi32>
      %and3A_514 = arith.constant 16383 : i32
      %and3A_515 = vector.broadcast %and3A_514 : i32 to vector<16xi32>
      %and3A_516 = arith.andi %get3A_513, %and3A_515 : vector<16xi32>
      %swap3A_517 = arith.constant 0 : i32
      %swap3A_518 = arith.index_cast %swap3A_517 : i32 to index
      %swap3A_519 = arith.constant 80 : index
      %swap3A_520 = tpu.vector_load %arg7[%swap3A_518, %swap3A_519] {strides = array<i32>} : memref<4x128xi32, #tpu.memory_space<vmem>>, vector<1x16xi32>,
      %swap3A_521 = vector.shape_cast %swap3A_520 : vector<1x16xi32> to vector<16xi32>
      %swap3A_522 = vector.shape_cast %and3A_516 : vector<16xi32> to vector<1x16xi32>
      tpu.vector_store %arg7[%swap3A_518, %swap3A_519], %swap3A_522 {strides = array<i32>} : memref<4x128xi32, #tpu.memory_space<vmem>>, vector<1x16xi32>,
      %shift_right_logical3A_523 = arith.constant 14 : i32
      %shift_right_logical3A_524 = vector.broadcast %shift_right_logical3A_523 : i32 to vector<16xi32>
      %shift_right_logical3A_525 = arith.shrui %get3A_513, %shift_right_logical3A_524 : vector<16xi32>
      %swap3A_526 = arith.constant 1 : i32
      %swap3A_527 = arith.index_cast %swap3A_526 : i32 to index
      %swap3A_528 = arith.constant 80 : index
      %swap3A_529 = tpu.vector_load %arg7[%swap3A_527, %swap3A_528] {strides = array<i32>} : memref<4x128xi32, #tpu.memory_space<vmem>>, vector<1x16xi32>,
      %swap3A_530 = vector.shape_cast %swap3A_529 : vector<1x16xi32> to vector<16xi32>
      %swap3A_531 = vector.shape_cast %shift_right_logical3A_525 : vector<16xi32> to vector<1x16xi32>
      tpu.vector_store %arg7[%swap3A_527, %swap3A_528], %swap3A_531 {strides = array<i32>} : memref<4x128xi32, #tpu.memory_space<vmem>>, vector<1x16xi32>,
      %get3A_532 = arith.index_cast %add3A_399 : i32 to index
      %get3A_533 = arith.constant 96 : index
      %get3A_534 = tpu.vector_load %arg6[%get3A_532, %get3A_533] {strides = array<i32>} : memref<79x128xi32, #tpu.memory_space<vmem>>, vector<1x16xi32>,
      %get3A_535 = vector.shape_cast %get3A_534 : vector<1x16xi32> to vector<16xi32>
      %and3A_536 = arith.constant 16383 : i32
      %and3A_537 = vector.broadcast %and3A_536 : i32 to vector<16xi32>
      %and3A_538 = arith.andi %get3A_535, %and3A_537 : vector<16xi32>
      %swap3A_539 = arith.constant 0 : i32
      %swap3A_540 = arith.index_cast %swap3A_539 : i32 to index
      %swap3A_541 = arith.constant 96 : index
      %swap3A_542 = tpu.vector_load %arg7[%swap3A_540, %swap3A_541] {strides = array<i32>} : memref<4x128xi32, #tpu.memory_space<vmem>>, vector<1x16xi32>,
      %swap3A_543 = vector.shape_cast %swap3A_542 : vector<1x16xi32> to vector<16xi32>
      %swap3A_544 = vector.shape_cast %and3A_538 : vector<16xi32> to vector<1x16xi32>
      tpu.vector_store %arg7[%swap3A_540, %swap3A_541], %swap3A_544 {strides = array<i32>} : memref<4x128xi32, #tpu.memory_space<vmem>>, vector<1x16xi32>,
      %shift_right_logical3A_545 = arith.constant 14 : i32
      %shift_right_logical3A_546 = vector.broadcast %shift_right_logical3A_545 : i32 to vector<16xi32>
      %shift_right_logical3A_547 = arith.shrui %get3A_535, %shift_right_logical3A_546 : vector<16xi32>
      %swap3A_548 = arith.constant 1 : i32
      %swap3A_549 = arith.index_cast %swap3A_548 : i32 to index
      %swap3A_550 = arith.constant 96 : index
      %swap3A_551 = tpu.vector_load %arg7[%swap3A_549, %swap3A_550] {strides = array<i32>} : memref<4x128xi32, #tpu.memory_space<vmem>>, vector<1x16xi32>,
      %swap3A_552 = vector.shape_cast %swap3A_551 : vector<1x16xi32> to vector<16xi32>
      %swap3A_553 = vector.shape_cast %shift_right_logical3A_547 : vector<16xi32> to vector<1x16xi32>
      tpu.vector_store %arg7[%swap3A_549, %swap3A_550], %swap3A_553 {strides = array<i32>} : memref<4x128xi32, #tpu.memory_space<vmem>>, vector<1x16xi32>,
      %get3A_554 = arith.index_cast %add3A_399 : i32 to index
      %get3A_555 = arith.constant 112 : index
      %get3A_556 = tpu.vector_load %arg6[%get3A_554, %get3A_555] {strides = array<i32>} : memref<79x128xi32, #tpu.memory_space<vmem>>, vector<1x16xi32>,
      %get3A_557 = vector.shape_cast %get3A_556 : vector<1x16xi32> to vector<16xi32>
      %and3A_558 = arith.constant 16383 : i32
      %and3A_559 = vector.broadcast %and3A_558 : i32 to vector<16xi32>
      %and3A_560 = arith.andi %get3A_557, %and3A_559 : vector<16xi32>
      %swap3A_561 = arith.constant 0 : i32
      %swap3A_562 = arith.index_cast %swap3A_561 : i32 to index
      %swap3A_563 = arith.constant 112 : index
      %swap3A_564 = tpu.vector_load %arg7[%swap3A_562, %swap3A_563] {strides = array<i32>} : memref<4x128xi32, #tpu.memory_space<vmem>>, vector<1x16xi32>,
      %swap3A_565 = vector.shape_cast %swap3A_564 : vector<1x16xi32> to vector<16xi32>
      %swap3A_566 = vector.shape_cast %and3A_560 : vector<16xi32> to vector<1x16xi32>
      tpu.vector_store %arg7[%swap3A_562, %swap3A_563], %swap3A_566 {strides = array<i32>} : memref<4x128xi32, #tpu.memory_space<vmem>>, vector<1x16xi32>,
      %shift_right_logical3A_567 = arith.constant 14 : i32
      %shift_right_logical3A_568 = vector.broadcast %shift_right_logical3A_567 : i32 to vector<16xi32>
      %shift_right_logical3A_569 = arith.shrui %get3A_557, %shift_right_logical3A_568 : vector<16xi32>
      %swap3A_570 = arith.constant 1 : i32
      %swap3A_571 = arith.index_cast %swap3A_570 : i32 to index
      %swap3A_572 = arith.constant 112 : index
      %swap3A_573 = tpu.vector_load %arg7[%swap3A_571, %swap3A_572] {strides = array<i32>} : memref<4x128xi32, #tpu.memory_space<vmem>>, vector<1x16xi32>,
      %swap3A_574 = vector.shape_cast %swap3A_573 : vector<1x16xi32> to vector<16xi32>
      %swap3A_575 = vector.shape_cast %shift_right_logical3A_569 : vector<16xi32> to vector<1x16xi32>
      tpu.vector_store %arg7[%swap3A_571, %swap3A_572], %swap3A_575 {strides = array<i32>} : memref<4x128xi32, #tpu.memory_space<vmem>>, vector<1x16xi32>,
      %dma_start3A_576 = arith.constant 0 : i32
      %dma_start3A_577 = arith.constant 0 : i32
      %dma_start3A_578 = tpu.memref_slice %arg7[%dma_start3A_576, %dma_start3A_577] : memref<4x128xi32, #tpu.memory_space<vmem>> -> memref<1x128xi32, #tpu.memory_space<vmem>>
      %dma_start3A_579 = tpu.memref_squeeze %dma_start3A_578 : memref<1x128xi32, #tpu.memory_space<vmem>> -> memref<128xi32, #tpu.memory_space<vmem>>
      %dma_start3A_580 = arith.constant 0 : i32
      %dma_start3A_581 = arith.constant 0 : i32
      %dma_start3A_582 = tpu.memref_slice %arg2[%dma_start3A_580, %dma_start3A_581] : memref<10000x128xf32, #tpu.memory_space<hbm>> -> memref<10000x128xf32, #tpu.memory_space<hbm>>
      tpu.enqueue_indirect_dma source(%dma_start3A_582 : memref<10000x128xf32, #tpu.memory_space<hbm>>) target(%arg8 : memref<128x128xf32, #tpu.memory_space<vmem>>) offsets(%dma_start3A_579 : memref<128xi32, #tpu.memory_space<vmem>>) semaphore(%arg11 : memref<!tpu.dma_semaphore, #tpu.memory_space<semaphore_mem>>)
      %dma_wait3A_583 = arith.constant 2 : i32
      %dma_wait3A_584 = arith.constant 0 : i32
      %dma_wait3A_585 = tpu.memref_slice %arg7[%dma_wait3A_583, %dma_wait3A_584] : memref<4x128xi32, #tpu.memory_space<vmem>> -> memref<1x128xi32, #tpu.memory_space<vmem>>
      %dma_wait3A_586 = tpu.memref_squeeze %dma_wait3A_585 : memref<1x128xi32, #tpu.memory_space<vmem>> -> memref<128xi32, #tpu.memory_space<vmem>>
      %dma_wait3A_587 = arith.constant 0 : i32
      %dma_wait3A_588 = arith.constant 0 : i32
      %dma_wait3A_589 = tpu.memref_slice %arg2[%dma_wait3A_587, %dma_wait3A_588] : memref<10000x128xf32, #tpu.memory_space<hbm>> -> memref<10000x128xf32, #tpu.memory_space<hbm>>
      tpu.wait_indirect_dma semaphore(%arg12 : memref<!tpu.dma_semaphore, #tpu.memory_space<semaphore_mem>>) src(%dma_wait3A_589 : memref<10000x128xf32, #tpu.memory_space<hbm>>) dst(%arg9 : memref<128x128xf32, #tpu.memory_space<vmem>>)
      %run_scoped3A_590 = arith.constant 3 : i32
      "tpu.region"() ({
        %run_scoped3A_591 = tpu.sem_alloc : memref<!tpu.dma_semaphore, #tpu.memory_space<semaphore_mem>>
        %dma_start3A_592 = arith.constant 0 : i32
        %dma_start3A_593 = tpu.memref_slice %arg7[%run_scoped3A_590, %dma_start3A_592] : memref<4x128xi32, #tpu.memory_space<vmem>> -> memref<1x128xi32, #tpu.memory_space<vmem>>
        %dma_start3A_594 = tpu.memref_squeeze %dma_start3A_593 : memref<1x128xi32, #tpu.memory_space<vmem>> -> memref<128xi32, #tpu.memory_space<vmem>>
        %dma_start3A_595 = arith.constant 0 : i32
        %dma_start3A_596 = arith.constant 0 : i32
        %dma_start3A_597 = tpu.memref_slice %arg10[%dma_start3A_595, %dma_start3A_596] : memref<10112x128xf32, #tpu.memory_space<vmem_shared>> -> memref<10112x128xf32, #tpu.memory_space<vmem_shared>>
        tpu.enqueue_indirect_dma source(%arg9 : memref<128x128xf32, #tpu.memory_space<vmem>>) target(%dma_start3A_597 : memref<10112x128xf32, #tpu.memory_space<vmem_shared>>) offsets(%dma_start3A_594 : memref<128xi32, #tpu.memory_space<vmem>>) semaphore(%run_scoped3A_591 : memref<!tpu.dma_semaphore, #tpu.memory_space<semaphore_mem>>) {add = true}
        %dma_wait3A_598 = arith.constant 0 : i32
        %dma_wait3A_599 = tpu.memref_slice %arg7[%run_scoped3A_590, %dma_wait3A_598] : memref<4x128xi32, #tpu.memory_space<vmem>> -> memref<1x128xi32, #tpu.memory_space<vmem>>
        %dma_wait3A_600 = tpu.memref_squeeze %dma_wait3A_599 : memref<1x128xi32, #tpu.memory_space<vmem>> -> memref<128xi32, #tpu.memory_space<vmem>>
        %dma_wait3A_601 = arith.constant 0 : i32
        %dma_wait3A_602 = arith.constant 0 : i32
        %dma_wait3A_603 = tpu.memref_slice %arg10[%dma_wait3A_601, %dma_wait3A_602] : memref<10112x128xf32, #tpu.memory_space<vmem_shared>> -> memref<10112x128xf32, #tpu.memory_space<vmem_shared>>
        tpu.wait_indirect_dma semaphore(%run_scoped3A_591 : memref<!tpu.dma_semaphore, #tpu.memory_space<semaphore_mem>>) src(%arg9 : memref<128x128xf32, #tpu.memory_space<vmem>>) dst(%dma_wait3A_603 : memref<10112x128xf32, #tpu.memory_space<vmem_shared>>)
        tpu.yield
      }) : () -> ()
    }
    %scan3A_192 = arith.constant 39 : i32
    %dma_wait3A = arith.constant 0 : i32
    %dma_wait3A_193 = arith.constant 0 : i32
    %dma_wait3A_194 = tpu.memref_slice %arg7[%dma_wait3A, %dma_wait3A_193] : memref<4x128xi32, #tpu.memory_space<vmem>> -> memref<1x128xi32, #tpu.memory_space<vmem>>
    %dma_wait3A_195 = tpu.memref_squeeze %dma_wait3A_194 : memref<1x128xi32, #tpu.memory_space<vmem>> -> memref<128xi32, #tpu.memory_space<vmem>>
    %dma_wait3A_196 = arith.constant 0 : i32
    %dma_wait3A_197 = arith.constant 0 : i32
    %dma_wait3A_198 = tpu.memref_slice %arg2[%dma_wait3A_196, %dma_wait3A_197] : memref<10000x128xf32, #tpu.memory_space<hbm>> -> memref<10000x128xf32, #tpu.memory_space<hbm>>
    tpu.wait_indirect_dma semaphore(%arg11 : memref<!tpu.dma_semaphore, #tpu.memory_space<semaphore_mem>>) src(%dma_wait3A_198 : memref<10000x128xf32, #tpu.memory_space<hbm>>) dst(%arg8 : memref<128x128xf32, #tpu.memory_space<vmem>>)
    %run_scoped3A = arith.constant 1 : i32
    "tpu.region"() ({
      %run_scoped3A_200 = tpu.sem_alloc : memref<!tpu.dma_semaphore, #tpu.memory_space<semaphore_mem>>
      %dma_start3A_201 = arith.constant 0 : i32
      %dma_start3A_202 = tpu.memref_slice %arg7[%run_scoped3A, %dma_start3A_201] : memref<4x128xi32, #tpu.memory_space<vmem>> -> memref<1x128xi32, #tpu.memory_space<vmem>>
      %dma_start3A_203 = tpu.memref_squeeze %dma_start3A_202 : memref<1x128xi32, #tpu.memory_space<vmem>> -> memref<128xi32, #tpu.memory_space<vmem>>
      %dma_start3A_204 = arith.constant 0 : i32
      %dma_start3A_205 = arith.constant 0 : i32
      %dma_start3A_206 = tpu.memref_slice %arg10[%dma_start3A_204, %dma_start3A_205] : memref<10112x128xf32, #tpu.memory_space<vmem_shared>> -> memref<10112x128xf32, #tpu.memory_space<vmem_shared>>
      tpu.enqueue_indirect_dma source(%arg8 : memref<128x128xf32, #tpu.memory_space<vmem>>) target(%dma_start3A_206 : memref<10112x128xf32, #tpu.memory_space<vmem_shared>>) offsets(%dma_start3A_203 : memref<128xi32, #tpu.memory_space<vmem>>) semaphore(%run_scoped3A_200 : memref<!tpu.dma_semaphore, #tpu.memory_space<semaphore_mem>>) {add = true}
      %dma_wait3A_207 = arith.constant 0 : i32
      %dma_wait3A_208 = tpu.memref_slice %arg7[%run_scoped3A, %dma_wait3A_207] : memref<4x128xi32, #tpu.memory_space<vmem>> -> memref<1x128xi32, #tpu.memory_space<vmem>>
      %dma_wait3A_209 = tpu.memref_squeeze %dma_wait3A_208 : memref<1x128xi32, #tpu.memory_space<vmem>> -> memref<128xi32, #tpu.memory_space<vmem>>
      %dma_wait3A_210 = arith.constant 0 : i32
      %dma_wait3A_211 = arith.constant 0 : i32
      %dma_wait3A_212 = tpu.memref_slice %arg10[%dma_wait3A_210, %dma_wait3A_211] : memref<10112x128xf32, #tpu.memory_space<vmem_shared>> -> memref<10112x128xf32, #tpu.memory_space<vmem_shared>>
      tpu.wait_indirect_dma semaphore(%run_scoped3A_200 : memref<!tpu.dma_semaphore, #tpu.memory_space<semaphore_mem>>) src(%arg8 : memref<128x128xf32, #tpu.memory_space<vmem>>) dst(%dma_wait3A_212 : memref<10112x128xf32, #tpu.memory_space<vmem_shared>>)
      tpu.yield
    }) : () -> ()
    %barrier3A_199 = arith.constant 0 : index
    tpu.barrier barrier_id(%barrier3A_199)
    "tpu.region"() ({
      %run_scoped3A_200 = tpu.sem_alloc : memref<!tpu.dma_semaphore, #tpu.memory_space<semaphore_mem>>
      %dma_start3A_201 = arith.constant 0 : i32
      %dma_start3A_202 = tpu.memref_slice %arg5[%arg0, %mul3A_2, %dma_start3A_201] : memref<2x10112x128xf32, #tpu.memory_space<hbm>> -> memref<1x632x128xf32, #tpu.memory_space<hbm>>
      %dma_start3A_203 = tpu.memref_squeeze %dma_start3A_202 : memref<1x632x128xf32, #tpu.memory_space<hbm>> -> memref<632x128xf32, #tpu.memory_space<hbm>>
      %dma_start3A_204 = arith.constant 0 : i32
      %dma_start3A_205 = tpu.memref_slice %arg10[%mul3A_2, %dma_start3A_204] : memref<10112x128xf32, #tpu.memory_space<vmem_shared>> -> memref<632x128xf32, #tpu.memory_space<vmem_shared>>
      tpu.enqueue_dma source(%dma_start3A_205 : memref<632x128xf32, #tpu.memory_space<vmem_shared>>) target(%dma_start3A_203 : memref<632x128xf32, #tpu.memory_space<hbm>>) target_semaphore(%run_scoped3A_200 : memref<!tpu.dma_semaphore, #tpu.memory_space<semaphore_mem>>)
      %dma_wait3A_206 = arith.constant 0 : i32
      %dma_wait3A_207 = tpu.memref_slice %arg5[%arg0, %mul3A_2, %dma_wait3A_206] : memref<2x10112x128xf32, #tpu.memory_space<hbm>> -> memref<1x632x128xf32, #tpu.memory_space<hbm>>
      %dma_wait3A_208 = tpu.memref_squeeze %dma_wait3A_207 : memref<1x632x128xf32, #tpu.memory_space<hbm>> -> memref<632x128xf32, #tpu.memory_space<hbm>>
      %dma_wait3A_209 = arith.constant 0 : i32
      %dma_wait3A_210 = tpu.memref_slice %arg10[%mul3A_2, %dma_wait3A_209] : memref<10112x128xf32, #tpu.memory_space<vmem_shared>> -> memref<632x128xf32, #tpu.memory_space<vmem_shared>>
      tpu.wait_dma2 semaphore(%run_scoped3A_200 : memref<!tpu.dma_semaphore, #tpu.memory_space<semaphore_mem>>) src(%dma_wait3A_210 : memref<632x128xf32, #tpu.memory_space<vmem_shared>>) dst(%dma_wait3A_208 : memref<632x128xf32, #tpu.memory_space<hbm>>)
      tpu.yield
    }) : () -> ()
    return
  }
}

#map = affine_map<(d0, d1) -> (0, 0, 0, 0)>
#map1 = affine_map<(d0, d1) -> (0, 0, 0)>
#map2 = affine_map<(d0, d1) -> (0, 0)>
module attributes {stable_mosaic.version = 14 : i64} {
  func.func @arcs_agg(%arg0: i32, %arg1: i32, %arg2: memref<32x79x128x16xf32, #tpu.memory_space<hbm>>, %arg3: memref<32x79x128xi32, #tpu.memory_space<hbm>>, %arg4: memref<10112x128xf32, #tpu.memory_space<hbm>>, %arg5: memref<2x10112x128xf32, #tpu.memory_space<hbm>>, %arg6: memref<79x128xi32, #tpu.memory_space<vmem>>, %arg7: memref<128x16xf32, #tpu.memory_space<vmem>>, %arg8: memref<128x128xf32, #tpu.memory_space<vmem>>, %arg9: memref<10112x128xf32, #tpu.memory_space<vmem_shared>>) attributes {dimension_semantics = [#tpu.dimension_semantics<core_parallel>, #tpu.dimension_semantics<subcore_parallel>], iteration_bounds = array<i64: 2, 16>, scalar_prefetch = 0 : i64, scratch_operands = 4 : i64, tpu.core_type = #tpu.core_type<sc_vector_subcore>, window_params = [{transform_indices = #map}, {transform_indices = #map1}, {transform_indices = #map2}, {transform_indices = #map1}]} {
    %mul3A = arith.constant 16 : i32
    %mul3A_0 = arith.muli %arg0, %mul3A : i32
    %add3A = arith.addi %mul3A_0, %arg1 : i32
    %mul3A_1 = arith.constant 632 : i32
    %mul3A_2 = arith.muli %arg1, %mul3A_1 : i32
    "tpu.region"() ({
      %run_scoped3A = tpu.sem_alloc : memref<!tpu.dma_semaphore, #tpu.memory_space<semaphore_mem>>
      %dma_start3A = arith.constant 0 : i32
      %dma_start3A_8 = tpu.memref_slice %arg9[%mul3A_2, %dma_start3A] : memref<10112x128xf32, #tpu.memory_space<vmem_shared>> -> memref<632x128xf32, #tpu.memory_space<vmem_shared>>
      %dma_start3A_9 = arith.constant 0 : i32
      %dma_start3A_10 = tpu.memref_slice %arg4[%mul3A_2, %dma_start3A_9] : memref<10112x128xf32, #tpu.memory_space<hbm>> -> memref<632x128xf32, #tpu.memory_space<hbm>>
      tpu.enqueue_dma source(%dma_start3A_10 : memref<632x128xf32, #tpu.memory_space<hbm>>) target(%dma_start3A_8 : memref<632x128xf32, #tpu.memory_space<vmem_shared>>) target_semaphore(%run_scoped3A : memref<!tpu.dma_semaphore, #tpu.memory_space<semaphore_mem>>)
      %dma_wait3A = arith.constant 0 : i32
      %dma_wait3A_11 = tpu.memref_slice %arg9[%mul3A_2, %dma_wait3A] : memref<10112x128xf32, #tpu.memory_space<vmem_shared>> -> memref<632x128xf32, #tpu.memory_space<vmem_shared>>
      %dma_wait3A_12 = arith.constant 0 : i32
      %dma_wait3A_13 = tpu.memref_slice %arg4[%mul3A_2, %dma_wait3A_12] : memref<10112x128xf32, #tpu.memory_space<hbm>> -> memref<632x128xf32, #tpu.memory_space<hbm>>
      tpu.wait_dma2 semaphore(%run_scoped3A : memref<!tpu.dma_semaphore, #tpu.memory_space<semaphore_mem>>) src(%dma_wait3A_13 : memref<632x128xf32, #tpu.memory_space<hbm>>) dst(%dma_wait3A_11 : memref<632x128xf32, #tpu.memory_space<vmem_shared>>)
      tpu.yield
    }) : () -> ()
    "tpu.region"() ({
      %run_scoped3A = tpu.sem_alloc : memref<!tpu.dma_semaphore, #tpu.memory_space<semaphore_mem>>
      %dma_start3A = arith.constant 0 : i32
      %dma_start3A_8 = arith.constant 0 : i32
      %dma_start3A_9 = tpu.memref_slice %arg3[%add3A, %dma_start3A, %dma_start3A_8] : memref<32x79x128xi32, #tpu.memory_space<hbm>> -> memref<1x79x128xi32, #tpu.memory_space<hbm>>
      %dma_start3A_10 = tpu.memref_squeeze %dma_start3A_9 : memref<1x79x128xi32, #tpu.memory_space<hbm>> -> memref<79x128xi32, #tpu.memory_space<hbm>>
      %dma_start3A_11 = arith.constant 0 : i32
      %dma_start3A_12 = arith.constant 0 : i32
      %dma_start3A_13 = tpu.memref_slice %arg3[%add3A, %dma_start3A_11, %dma_start3A_12] : memref<32x79x128xi32, #tpu.memory_space<hbm>> -> memref<1x79x128xi32, #tpu.memory_space<hbm>>
      %dma_start3A_14 = tpu.memref_squeeze %dma_start3A_13 : memref<1x79x128xi32, #tpu.memory_space<hbm>> -> memref<79x128xi32, #tpu.memory_space<hbm>>
      tpu.enqueue_dma source(%dma_start3A_14 : memref<79x128xi32, #tpu.memory_space<hbm>>) target(%arg6 : memref<79x128xi32, #tpu.memory_space<vmem>>) target_semaphore(%run_scoped3A : memref<!tpu.dma_semaphore, #tpu.memory_space<semaphore_mem>>)
      %dma_wait3A = arith.constant 0 : i32
      %dma_wait3A_15 = arith.constant 0 : i32
      %dma_wait3A_16 = tpu.memref_slice %arg3[%add3A, %dma_wait3A, %dma_wait3A_15] : memref<32x79x128xi32, #tpu.memory_space<hbm>> -> memref<1x79x128xi32, #tpu.memory_space<hbm>>
      %dma_wait3A_17 = tpu.memref_squeeze %dma_wait3A_16 : memref<1x79x128xi32, #tpu.memory_space<hbm>> -> memref<79x128xi32, #tpu.memory_space<hbm>>
      %dma_wait3A_18 = arith.constant 0 : i32
      %dma_wait3A_19 = arith.constant 0 : i32
      %dma_wait3A_20 = tpu.memref_slice %arg3[%add3A, %dma_wait3A_18, %dma_wait3A_19] : memref<32x79x128xi32, #tpu.memory_space<hbm>> -> memref<1x79x128xi32, #tpu.memory_space<hbm>>
      %dma_wait3A_21 = tpu.memref_squeeze %dma_wait3A_20 : memref<1x79x128xi32, #tpu.memory_space<hbm>> -> memref<79x128xi32, #tpu.memory_space<hbm>>
      tpu.wait_dma2 semaphore(%run_scoped3A : memref<!tpu.dma_semaphore, #tpu.memory_space<semaphore_mem>>) src(%dma_wait3A_21 : memref<79x128xi32, #tpu.memory_space<hbm>>) dst(%arg6 : memref<79x128xi32, #tpu.memory_space<vmem>>)
      tpu.yield
    }) : () -> ()
    "tpu.region"() ({
      %run_scoped3A = tpu.sem_alloc : memref<!tpu.dma_semaphore, #tpu.memory_space<semaphore_mem>>
      %dma_start3A = arith.constant 0 : i32
      %dma_start3A_8 = arith.constant 0 : i32
      %dma_start3A_9 = tpu.memref_slice %arg4[%dma_start3A, %dma_start3A_8] : memref<10112x128xf32, #tpu.memory_space<hbm>> -> memref<128x128xf32, #tpu.memory_space<hbm>>
      %dma_start3A_10 = arith.constant 0 : i32
      %dma_start3A_11 = arith.constant 0 : i32
      %dma_start3A_12 = tpu.memref_slice %arg4[%dma_start3A_10, %dma_start3A_11] : memref<10112x128xf32, #tpu.memory_space<hbm>> -> memref<128x128xf32, #tpu.memory_space<hbm>>
      tpu.enqueue_dma source(%dma_start3A_12 : memref<128x128xf32, #tpu.memory_space<hbm>>) target(%arg8 : memref<128x128xf32, #tpu.memory_space<vmem>>) target_semaphore(%run_scoped3A : memref<!tpu.dma_semaphore, #tpu.memory_space<semaphore_mem>>)
      %dma_wait3A = arith.constant 0 : i32
      %dma_wait3A_13 = arith.constant 0 : i32
      %dma_wait3A_14 = tpu.memref_slice %arg4[%dma_wait3A, %dma_wait3A_13] : memref<10112x128xf32, #tpu.memory_space<hbm>> -> memref<128x128xf32, #tpu.memory_space<hbm>>
      %dma_wait3A_15 = arith.constant 0 : i32
      %dma_wait3A_16 = arith.constant 0 : i32
      %dma_wait3A_17 = tpu.memref_slice %arg4[%dma_wait3A_15, %dma_wait3A_16] : memref<10112x128xf32, #tpu.memory_space<hbm>> -> memref<128x128xf32, #tpu.memory_space<hbm>>
      tpu.wait_dma2 semaphore(%run_scoped3A : memref<!tpu.dma_semaphore, #tpu.memory_space<semaphore_mem>>) src(%dma_wait3A_17 : memref<128x128xf32, #tpu.memory_space<hbm>>) dst(%arg8 : memref<128x128xf32, #tpu.memory_space<vmem>>)
      tpu.yield
    }) : () -> ()
    %barrier3A = arith.constant 0 : index
    tpu.barrier barrier_id(%barrier3A)
    %scan3A = arith.constant 0 : i32
    %scan3A_3 = arith.constant 79 : i32
    %scan3A_4 = arith.addi %scan3A, %scan3A_3 : i32
    %scan3A_5 = arith.constant 1 : i32
    scf.for %scan3A_8 = %scan3A to %scan3A_4 step %scan3A_5  : i32 {
      %mul3A_9 = arith.constant 1 : i32
      %mul3A_10 = arith.muli %scan3A_8, %mul3A_9 : i32
      %add3A_11 = arith.constant 0 : i32
      %add3A_12 = arith.addi %add3A_11, %mul3A_10 : i32
      "tpu.region"() ({
        %run_scoped3A = tpu.sem_alloc : memref<!tpu.dma_semaphore, #tpu.memory_space<semaphore_mem>>
        %dma_start3A = arith.constant 0 : i32
        %dma_start3A_18 = arith.constant 0 : i32
        %dma_start3A_19 = tpu.memref_slice %arg2[%add3A, %add3A_12, %dma_start3A, %dma_start3A_18] : memref<32x79x128x16xf32, #tpu.memory_space<hbm>> -> memref<1x1x128x16xf32, #tpu.memory_space<hbm>>
        %dma_start3A_20 = tpu.memref_squeeze %dma_start3A_19 : memref<1x1x128x16xf32, #tpu.memory_space<hbm>> -> memref<128x16xf32, #tpu.memory_space<hbm>>
        %dma_start3A_21 = arith.constant 0 : i32
        %dma_start3A_22 = arith.constant 0 : i32
        %dma_start3A_23 = tpu.memref_slice %arg2[%add3A, %add3A_12, %dma_start3A_21, %dma_start3A_22] : memref<32x79x128x16xf32, #tpu.memory_space<hbm>> -> memref<1x1x128x16xf32, #tpu.memory_space<hbm>>
        %dma_start3A_24 = tpu.memref_squeeze %dma_start3A_23 : memref<1x1x128x16xf32, #tpu.memory_space<hbm>> -> memref<128x16xf32, #tpu.memory_space<hbm>>
        tpu.enqueue_dma source(%dma_start3A_24 : memref<128x16xf32, #tpu.memory_space<hbm>>) target(%arg7 : memref<128x16xf32, #tpu.memory_space<vmem>>) target_semaphore(%run_scoped3A : memref<!tpu.dma_semaphore, #tpu.memory_space<semaphore_mem>>)
        %dma_wait3A = arith.constant 0 : i32
        %dma_wait3A_25 = arith.constant 0 : i32
        %dma_wait3A_26 = tpu.memref_slice %arg2[%add3A, %add3A_12, %dma_wait3A, %dma_wait3A_25] : memref<32x79x128x16xf32, #tpu.memory_space<hbm>> -> memref<1x1x128x16xf32, #tpu.memory_space<hbm>>
        %dma_wait3A_27 = tpu.memref_squeeze %dma_wait3A_26 : memref<1x1x128x16xf32, #tpu.memory_space<hbm>> -> memref<128x16xf32, #tpu.memory_space<hbm>>
        %dma_wait3A_28 = arith.constant 0 : i32
        %dma_wait3A_29 = arith.constant 0 : i32
        %dma_wait3A_30 = tpu.memref_slice %arg2[%add3A, %add3A_12, %dma_wait3A_28, %dma_wait3A_29] : memref<32x79x128x16xf32, #tpu.memory_space<hbm>> -> memref<1x1x128x16xf32, #tpu.memory_space<hbm>>
        %dma_wait3A_31 = tpu.memref_squeeze %dma_wait3A_30 : memref<1x1x128x16xf32, #tpu.memory_space<hbm>> -> memref<128x16xf32, #tpu.memory_space<hbm>>
        tpu.wait_dma2 semaphore(%run_scoped3A : memref<!tpu.dma_semaphore, #tpu.memory_space<semaphore_mem>>) src(%dma_wait3A_31 : memref<128x16xf32, #tpu.memory_space<hbm>>) dst(%arg7 : memref<128x16xf32, #tpu.memory_space<vmem>>)
        tpu.yield
      }) : () -> ()
      %scan3A_13 = arith.constant 0 : i32
      %scan3A_14 = arith.constant 128 : i32
      %scan3A_15 = arith.addi %scan3A_13, %scan3A_14 : i32
      %scan3A_16 = arith.constant 8 : i32
      scf.for %scan3A_18 = %scan3A_13 to %scan3A_15 step %scan3A_16  : i32 {
        %mul3A_19 = arith.constant 1 : i32
        %mul3A_20 = arith.muli %scan3A_18, %mul3A_19 : i32
        %add3A_21 = arith.constant 0 : i32
        %add3A_22 = arith.addi %add3A_21, %mul3A_20 : i32
        %get3A = arith.index_cast %add3A_22 : i32 to index
        %get3A_23 = arith.constant 0 : index
        %get3A_24 = tpu.vector_load %arg7[%get3A, %get3A_23] {strides = array<i32>} : memref<128x16xf32, #tpu.memory_space<vmem>>, vector<1x16xf32>,
        %get3A_25 = vector.shape_cast %get3A_24 : vector<1x16xf32> to vector<16xf32>
        %swap3A = arith.index_cast %add3A_22 : i32 to index
        %swap3A_26 = arith.constant 0 : index
        %swap3A_27 = tpu.vector_load %arg8[%swap3A, %swap3A_26] {strides = array<i32>} : memref<128x128xf32, #tpu.memory_space<vmem>>, vector<1x16xf32>,
        %swap3A_28 = vector.shape_cast %swap3A_27 : vector<1x16xf32> to vector<16xf32>
        %swap3A_29 = vector.shape_cast %get3A_25 : vector<16xf32> to vector<1x16xf32>
        tpu.vector_store %arg8[%swap3A, %swap3A_26], %swap3A_29 {strides = array<i32>} : memref<128x128xf32, #tpu.memory_space<vmem>>, vector<1x16xf32>,
        %scan3A_30 = arith.constant 1 : i32
        %scan3A_31 = arith.addi %scan3A_18, %scan3A_30 : i32
        %mul3A_32 = arith.constant 1 : i32
        %mul3A_33 = arith.muli %scan3A_31, %mul3A_32 : i32
        %add3A_34 = arith.constant 0 : i32
        %add3A_35 = arith.addi %add3A_34, %mul3A_33 : i32
        %get3A_36 = arith.index_cast %add3A_35 : i32 to index
        %get3A_37 = arith.constant 0 : index
        %get3A_38 = tpu.vector_load %arg7[%get3A_36, %get3A_37] {strides = array<i32>} : memref<128x16xf32, #tpu.memory_space<vmem>>, vector<1x16xf32>,
        %get3A_39 = vector.shape_cast %get3A_38 : vector<1x16xf32> to vector<16xf32>
        %swap3A_40 = arith.index_cast %add3A_35 : i32 to index
        %swap3A_41 = arith.constant 0 : index
        %swap3A_42 = tpu.vector_load %arg8[%swap3A_40, %swap3A_41] {strides = array<i32>} : memref<128x128xf32, #tpu.memory_space<vmem>>, vector<1x16xf32>,
        %swap3A_43 = vector.shape_cast %swap3A_42 : vector<1x16xf32> to vector<16xf32>
        %swap3A_44 = vector.shape_cast %get3A_39 : vector<16xf32> to vector<1x16xf32>
        tpu.vector_store %arg8[%swap3A_40, %swap3A_41], %swap3A_44 {strides = array<i32>} : memref<128x128xf32, #tpu.memory_space<vmem>>, vector<1x16xf32>,
        %scan3A_45 = arith.constant 2 : i32
        %scan3A_46 = arith.addi %scan3A_18, %scan3A_45 : i32
        %mul3A_47 = arith.constant 1 : i32
        %mul3A_48 = arith.muli %scan3A_46, %mul3A_47 : i32
        %add3A_49 = arith.constant 0 : i32
        %add3A_50 = arith.addi %add3A_49, %mul3A_48 : i32
        %get3A_51 = arith.index_cast %add3A_50 : i32 to index
        %get3A_52 = arith.constant 0 : index
        %get3A_53 = tpu.vector_load %arg7[%get3A_51, %get3A_52] {strides = array<i32>} : memref<128x16xf32, #tpu.memory_space<vmem>>, vector<1x16xf32>,
        %get3A_54 = vector.shape_cast %get3A_53 : vector<1x16xf32> to vector<16xf32>
        %swap3A_55 = arith.index_cast %add3A_50 : i32 to index
        %swap3A_56 = arith.constant 0 : index
        %swap3A_57 = tpu.vector_load %arg8[%swap3A_55, %swap3A_56] {strides = array<i32>} : memref<128x128xf32, #tpu.memory_space<vmem>>, vector<1x16xf32>,
        %swap3A_58 = vector.shape_cast %swap3A_57 : vector<1x16xf32> to vector<16xf32>
        %swap3A_59 = vector.shape_cast %get3A_54 : vector<16xf32> to vector<1x16xf32>
        tpu.vector_store %arg8[%swap3A_55, %swap3A_56], %swap3A_59 {strides = array<i32>} : memref<128x128xf32, #tpu.memory_space<vmem>>, vector<1x16xf32>,
        %scan3A_60 = arith.constant 3 : i32
        %scan3A_61 = arith.addi %scan3A_18, %scan3A_60 : i32
        %mul3A_62 = arith.constant 1 : i32
        %mul3A_63 = arith.muli %scan3A_61, %mul3A_62 : i32
        %add3A_64 = arith.constant 0 : i32
        %add3A_65 = arith.addi %add3A_64, %mul3A_63 : i32
        %get3A_66 = arith.index_cast %add3A_65 : i32 to index
        %get3A_67 = arith.constant 0 : index
        %get3A_68 = tpu.vector_load %arg7[%get3A_66, %get3A_67] {strides = array<i32>} : memref<128x16xf32, #tpu.memory_space<vmem>>, vector<1x16xf32>,
        %get3A_69 = vector.shape_cast %get3A_68 : vector<1x16xf32> to vector<16xf32>
        %swap3A_70 = arith.index_cast %add3A_65 : i32 to index
        %swap3A_71 = arith.constant 0 : index
        %swap3A_72 = tpu.vector_load %arg8[%swap3A_70, %swap3A_71] {strides = array<i32>} : memref<128x128xf32, #tpu.memory_space<vmem>>, vector<1x16xf32>,
        %swap3A_73 = vector.shape_cast %swap3A_72 : vector<1x16xf32> to vector<16xf32>
        %swap3A_74 = vector.shape_cast %get3A_69 : vector<16xf32> to vector<1x16xf32>
        tpu.vector_store %arg8[%swap3A_70, %swap3A_71], %swap3A_74 {strides = array<i32>} : memref<128x128xf32, #tpu.memory_space<vmem>>, vector<1x16xf32>,
        %scan3A_75 = arith.constant 4 : i32
        %scan3A_76 = arith.addi %scan3A_18, %scan3A_75 : i32
        %mul3A_77 = arith.constant 1 : i32
        %mul3A_78 = arith.muli %scan3A_76, %mul3A_77 : i32
        %add3A_79 = arith.constant 0 : i32
        %add3A_80 = arith.addi %add3A_79, %mul3A_78 : i32
        %get3A_81 = arith.index_cast %add3A_80 : i32 to index
        %get3A_82 = arith.constant 0 : index
        %get3A_83 = tpu.vector_load %arg7[%get3A_81, %get3A_82] {strides = array<i32>} : memref<128x16xf32, #tpu.memory_space<vmem>>, vector<1x16xf32>,
        %get3A_84 = vector.shape_cast %get3A_83 : vector<1x16xf32> to vector<16xf32>
        %swap3A_85 = arith.index_cast %add3A_80 : i32 to index
        %swap3A_86 = arith.constant 0 : index
        %swap3A_87 = tpu.vector_load %arg8[%swap3A_85, %swap3A_86] {strides = array<i32>} : memref<128x128xf32, #tpu.memory_space<vmem>>, vector<1x16xf32>,
        %swap3A_88 = vector.shape_cast %swap3A_87 : vector<1x16xf32> to vector<16xf32>
        %swap3A_89 = vector.shape_cast %get3A_84 : vector<16xf32> to vector<1x16xf32>
        tpu.vector_store %arg8[%swap3A_85, %swap3A_86], %swap3A_89 {strides = array<i32>} : memref<128x128xf32, #tpu.memory_space<vmem>>, vector<1x16xf32>,
        %scan3A_90 = arith.constant 5 : i32
        %scan3A_91 = arith.addi %scan3A_18, %scan3A_90 : i32
        %mul3A_92 = arith.constant 1 : i32
        %mul3A_93 = arith.muli %scan3A_91, %mul3A_92 : i32
        %add3A_94 = arith.constant 0 : i32
        %add3A_95 = arith.addi %add3A_94, %mul3A_93 : i32
        %get3A_96 = arith.index_cast %add3A_95 : i32 to index
        %get3A_97 = arith.constant 0 : index
        %get3A_98 = tpu.vector_load %arg7[%get3A_96, %get3A_97] {strides = array<i32>} : memref<128x16xf32, #tpu.memory_space<vmem>>, vector<1x16xf32>,
        %get3A_99 = vector.shape_cast %get3A_98 : vector<1x16xf32> to vector<16xf32>
        %swap3A_100 = arith.index_cast %add3A_95 : i32 to index
        %swap3A_101 = arith.constant 0 : index
        %swap3A_102 = tpu.vector_load %arg8[%swap3A_100, %swap3A_101] {strides = array<i32>} : memref<128x128xf32, #tpu.memory_space<vmem>>, vector<1x16xf32>,
        %swap3A_103 = vector.shape_cast %swap3A_102 : vector<1x16xf32> to vector<16xf32>
        %swap3A_104 = vector.shape_cast %get3A_99 : vector<16xf32> to vector<1x16xf32>
        tpu.vector_store %arg8[%swap3A_100, %swap3A_101], %swap3A_104 {strides = array<i32>} : memref<128x128xf32, #tpu.memory_space<vmem>>, vector<1x16xf32>,
        %scan3A_105 = arith.constant 6 : i32
        %scan3A_106 = arith.addi %scan3A_18, %scan3A_105 : i32
        %mul3A_107 = arith.constant 1 : i32
        %mul3A_108 = arith.muli %scan3A_106, %mul3A_107 : i32
        %add3A_109 = arith.constant 0 : i32
        %add3A_110 = arith.addi %add3A_109, %mul3A_108 : i32
        %get3A_111 = arith.index_cast %add3A_110 : i32 to index
        %get3A_112 = arith.constant 0 : index
        %get3A_113 = tpu.vector_load %arg7[%get3A_111, %get3A_112] {strides = array<i32>} : memref<128x16xf32, #tpu.memory_space<vmem>>, vector<1x16xf32>,
        %get3A_114 = vector.shape_cast %get3A_113 : vector<1x16xf32> to vector<16xf32>
        %swap3A_115 = arith.index_cast %add3A_110 : i32 to index
        %swap3A_116 = arith.constant 0 : index
        %swap3A_117 = tpu.vector_load %arg8[%swap3A_115, %swap3A_116] {strides = array<i32>} : memref<128x128xf32, #tpu.memory_space<vmem>>, vector<1x16xf32>,
        %swap3A_118 = vector.shape_cast %swap3A_117 : vector<1x16xf32> to vector<16xf32>
        %swap3A_119 = vector.shape_cast %get3A_114 : vector<16xf32> to vector<1x16xf32>
        tpu.vector_store %arg8[%swap3A_115, %swap3A_116], %swap3A_119 {strides = array<i32>} : memref<128x128xf32, #tpu.memory_space<vmem>>, vector<1x16xf32>,
        %scan3A_120 = arith.constant 7 : i32
        %scan3A_121 = arith.addi %scan3A_18, %scan3A_120 : i32
        %mul3A_122 = arith.constant 1 : i32
        %mul3A_123 = arith.muli %scan3A_121, %mul3A_122 : i32
        %add3A_124 = arith.constant 0 : i32
        %add3A_125 = arith.addi %add3A_124, %mul3A_123 : i32
        %get3A_126 = arith.index_cast %add3A_125 : i32 to index
        %get3A_127 = arith.constant 0 : index
        %get3A_128 = tpu.vector_load %arg7[%get3A_126, %get3A_127] {strides = array<i32>} : memref<128x16xf32, #tpu.memory_space<vmem>>, vector<1x16xf32>,
        %get3A_129 = vector.shape_cast %get3A_128 : vector<1x16xf32> to vector<16xf32>
        %swap3A_130 = arith.index_cast %add3A_125 : i32 to index
        %swap3A_131 = arith.constant 0 : index
        %swap3A_132 = tpu.vector_load %arg8[%swap3A_130, %swap3A_131] {strides = array<i32>} : memref<128x128xf32, #tpu.memory_space<vmem>>, vector<1x16xf32>,
        %swap3A_133 = vector.shape_cast %swap3A_132 : vector<1x16xf32> to vector<16xf32>
        %swap3A_134 = vector.shape_cast %get3A_129 : vector<16xf32> to vector<1x16xf32>
        tpu.vector_store %arg8[%swap3A_130, %swap3A_131], %swap3A_134 {strides = array<i32>} : memref<128x128xf32, #tpu.memory_space<vmem>>, vector<1x16xf32>,
      }
      %scan3A_17 = arith.constant 128 : i32
      "tpu.region"() ({
        %run_scoped3A = tpu.sem_alloc : memref<!tpu.dma_semaphore, #tpu.memory_space<semaphore_mem>>
        %dma_start3A = arith.constant 0 : i32
        %dma_start3A_18 = tpu.memref_slice %arg6[%add3A_12, %dma_start3A] : memref<79x128xi32, #tpu.memory_space<vmem>> -> memref<1x128xi32, #tpu.memory_space<vmem>>
        %dma_start3A_19 = tpu.memref_squeeze %dma_start3A_18 : memref<1x128xi32, #tpu.memory_space<vmem>> -> memref<128xi32, #tpu.memory_space<vmem>>
        %dma_start3A_20 = arith.constant 0 : i32
        %dma_start3A_21 = arith.constant 0 : i32
        %dma_start3A_22 = tpu.memref_slice %arg9[%dma_start3A_20, %dma_start3A_21] : memref<10112x128xf32, #tpu.memory_space<vmem_shared>> -> memref<10112x128xf32, #tpu.memory_space<vmem_shared>>
        tpu.enqueue_indirect_dma source(%arg8 : memref<128x128xf32, #tpu.memory_space<vmem>>) target(%dma_start3A_22 : memref<10112x128xf32, #tpu.memory_space<vmem_shared>>) offsets(%dma_start3A_19 : memref<128xi32, #tpu.memory_space<vmem>>) semaphore(%run_scoped3A : memref<!tpu.dma_semaphore, #tpu.memory_space<semaphore_mem>>) {add = true}
        %dma_wait3A = arith.constant 0 : i32
        %dma_wait3A_23 = tpu.memref_slice %arg6[%add3A_12, %dma_wait3A] : memref<79x128xi32, #tpu.memory_space<vmem>> -> memref<1x128xi32, #tpu.memory_space<vmem>>
        %dma_wait3A_24 = tpu.memref_squeeze %dma_wait3A_23 : memref<1x128xi32, #tpu.memory_space<vmem>> -> memref<128xi32, #tpu.memory_space<vmem>>
        %dma_wait3A_25 = arith.constant 0 : i32
        %dma_wait3A_26 = arith.constant 0 : i32
        %dma_wait3A_27 = tpu.memref_slice %arg9[%dma_wait3A_25, %dma_wait3A_26] : memref<10112x128xf32, #tpu.memory_space<vmem_shared>> -> memref<10112x128xf32, #tpu.memory_space<vmem_shared>>
        tpu.wait_indirect_dma semaphore(%run_scoped3A : memref<!tpu.dma_semaphore, #tpu.memory_space<semaphore_mem>>) src(%arg8 : memref<128x128xf32, #tpu.memory_space<vmem>>) dst(%dma_wait3A_27 : memref<10112x128xf32, #tpu.memory_space<vmem_shared>>)
        tpu.yield
      }) : () -> ()
    }
    %scan3A_6 = arith.constant 79 : i32
    %barrier3A_7 = arith.constant 0 : index
    tpu.barrier barrier_id(%barrier3A_7)
    "tpu.region"() ({
      %run_scoped3A = tpu.sem_alloc : memref<!tpu.dma_semaphore, #tpu.memory_space<semaphore_mem>>
      %dma_start3A = arith.constant 0 : i32
      %dma_start3A_8 = tpu.memref_slice %arg5[%arg0, %mul3A_2, %dma_start3A] : memref<2x10112x128xf32, #tpu.memory_space<hbm>> -> memref<1x632x128xf32, #tpu.memory_space<hbm>>
      %dma_start3A_9 = tpu.memref_squeeze %dma_start3A_8 : memref<1x632x128xf32, #tpu.memory_space<hbm>> -> memref<632x128xf32, #tpu.memory_space<hbm>>
      %dma_start3A_10 = arith.constant 0 : i32
      %dma_start3A_11 = tpu.memref_slice %arg9[%mul3A_2, %dma_start3A_10] : memref<10112x128xf32, #tpu.memory_space<vmem_shared>> -> memref<632x128xf32, #tpu.memory_space<vmem_shared>>
      tpu.enqueue_dma source(%dma_start3A_11 : memref<632x128xf32, #tpu.memory_space<vmem_shared>>) target(%dma_start3A_9 : memref<632x128xf32, #tpu.memory_space<hbm>>) target_semaphore(%run_scoped3A : memref<!tpu.dma_semaphore, #tpu.memory_space<semaphore_mem>>)
      %dma_wait3A = arith.constant 0 : i32
      %dma_wait3A_12 = tpu.memref_slice %arg5[%arg0, %mul3A_2, %dma_wait3A] : memref<2x10112x128xf32, #tpu.memory_space<hbm>> -> memref<1x632x128xf32, #tpu.memory_space<hbm>>
      %dma_wait3A_13 = tpu.memref_squeeze %dma_wait3A_12 : memref<1x632x128xf32, #tpu.memory_space<hbm>> -> memref<632x128xf32, #tpu.memory_space<hbm>>
      %dma_wait3A_14 = arith.constant 0 : i32
      %dma_wait3A_15 = tpu.memref_slice %arg9[%mul3A_2, %dma_wait3A_14] : memref<10112x128xf32, #tpu.memory_space<vmem_shared>> -> memref<632x128xf32, #tpu.memory_space<vmem_shared>>
      tpu.wait_dma2 semaphore(%run_scoped3A : memref<!tpu.dma_semaphore, #tpu.memory_space<semaphore_mem>>) src(%dma_wait3A_15 : memref<632x128xf32, #tpu.memory_space<vmem_shared>>) dst(%dma_wait3A_13 : memref<632x128xf32, #tpu.memory_space<hbm>>)
      tpu.yield
    }) : () -> ()
    return
  }
}

#map = affine_map<(d0, d1) -> (0, 0)>
#map1 = affine_map<(d0, d1) -> (0, 0, 0)>
module attributes {stable_mosaic.version = 14 : i64} {
  func.func @mp(%arg0: i32, %arg1: i32, %arg2: memref<10000x128xf32, #tpu.memory_space<hbm>>, %arg3: memref<32x79x128xi32, #tpu.memory_space<hbm>>, %arg4: memref<10112x128xf32, #tpu.memory_space<hbm>>, %arg5: memref<2x10112x128xf32, #tpu.memory_space<hbm>>, %arg6: memref<79x128xi32, #tpu.memory_space<vmem>>, %arg7: memref<4x128xi32, #tpu.memory_space<vmem>>, %arg8: memref<128x128xf32, #tpu.memory_space<vmem>>, %arg9: memref<128x128xf32, #tpu.memory_space<vmem>>, %arg10: memref<10112x128xf32, #tpu.memory_space<vmem_shared>>, %arg11: memref<!tpu.dma_semaphore, #tpu.memory_space<semaphore_mem>>, %arg12: memref<!tpu.dma_semaphore, #tpu.memory_space<semaphore_mem>>) attributes {dimension_semantics = [#tpu.dimension_semantics<core_parallel>, #tpu.dimension_semantics<subcore_parallel>], iteration_bounds = array<i64: 2, 16>, scalar_prefetch = 0 : i64, scratch_operands = 7 : i64, tpu.core_type = #tpu.core_type<sc_vector_subcore>, window_params = [{transform_indices = #map}, {transform_indices = #map1}, {transform_indices = #map}, {transform_indices = #map1}]} {
    %mul3A = arith.constant 16 : i32
    %mul3A_0 = arith.muli %arg0, %mul3A : i32
    %add3A = arith.addi %mul3A_0, %arg1 : i32
    %mul3A_1 = arith.constant 632 : i32
    %mul3A_2 = arith.muli %arg1, %mul3A_1 : i32
    "tpu.region"() ({
      %run_scoped3A_200 = tpu.sem_alloc : memref<!tpu.dma_semaphore, #tpu.memory_space<semaphore_mem>>
      %dma_start3A_201 = arith.constant 0 : i32
      %dma_start3A_202 = tpu.memref_slice %arg10[%mul3A_2, %dma_start3A_201] : memref<10112x128xf32, #tpu.memory_space<vmem_shared>> -> memref<632x128xf32, #tpu.memory_space<vmem_shared>>
      %dma_start3A_203 = arith.constant 0 : i32
      %dma_start3A_204 = tpu.memref_slice %arg4[%mul3A_2, %dma_start3A_203] : memref<10112x128xf32, #tpu.memory_space<hbm>> -> memref<632x128xf32, #tpu.memory_space<hbm>>
      tpu.enqueue_dma source(%dma_start3A_204 : memref<632x128xf32, #tpu.memory_space<hbm>>) target(%dma_start3A_202 : memref<632x128xf32, #tpu.memory_space<vmem_shared>>) target_semaphore(%run_scoped3A_200 : memref<!tpu.dma_semaphore, #tpu.memory_space<semaphore_mem>>)
      %dma_wait3A_205 = arith.constant 0 : i32
      %dma_wait3A_206 = tpu.memref_slice %arg10[%mul3A_2, %dma_wait3A_205] : memref<10112x128xf32, #tpu.memory_space<vmem_shared>> -> memref<632x128xf32, #tpu.memory_space<vmem_shared>>
      %dma_wait3A_207 = arith.constant 0 : i32
      %dma_wait3A_208 = tpu.memref_slice %arg4[%mul3A_2, %dma_wait3A_207] : memref<10112x128xf32, #tpu.memory_space<hbm>> -> memref<632x128xf32, #tpu.memory_space<hbm>>
      tpu.wait_dma2 semaphore(%run_scoped3A_200 : memref<!tpu.dma_semaphore, #tpu.memory_space<semaphore_mem>>) src(%dma_wait3A_208 : memref<632x128xf32, #tpu.memory_space<hbm>>) dst(%dma_wait3A_206 : memref<632x128xf32, #tpu.memory_space<vmem_shared>>)
      tpu.yield
    }) : () -> ()
    "tpu.region"() ({
      %run_scoped3A_200 = tpu.sem_alloc : memref<!tpu.dma_semaphore, #tpu.memory_space<semaphore_mem>>
      %dma_start3A_201 = arith.constant 0 : i32
      %dma_start3A_202 = arith.constant 0 : i32
      %dma_start3A_203 = tpu.memref_slice %arg3[%add3A, %dma_start3A_201, %dma_start3A_202] : memref<32x79x128xi32, #tpu.memory_space<hbm>> -> memref<1x79x128xi32, #tpu.memory_space<hbm>>
      %dma_start3A_204 = tpu.memref_squeeze %dma_start3A_203 : memref<1x79x128xi32, #tpu.memory_space<hbm>> -> memref<79x128xi32, #tpu.memory_space<hbm>>
      %dma_start3A_205 = arith.constant 0 : i32
      %dma_start3A_206 = arith.constant 0 : i32
      %dma_start3A_207 = tpu.memref_slice %arg3[%add3A, %dma_start3A_205, %dma_start3A_206] : memref<32x79x128xi32, #tpu.memory_space<hbm>> -> memref<1x79x128xi32, #tpu.memory_space<hbm>>
      %dma_start3A_208 = tpu.memref_squeeze %dma_start3A_207 : memref<1x79x128xi32, #tpu.memory_space<hbm>> -> memref<79x128xi32, #tpu.memory_space<hbm>>
      tpu.enqueue_dma source(%dma_start3A_208 : memref<79x128xi32, #tpu.memory_space<hbm>>) target(%arg6 : memref<79x128xi32, #tpu.memory_space<vmem>>) target_semaphore(%run_scoped3A_200 : memref<!tpu.dma_semaphore, #tpu.memory_space<semaphore_mem>>)
      %dma_wait3A_209 = arith.constant 0 : i32
      %dma_wait3A_210 = arith.constant 0 : i32
      %dma_wait3A_211 = tpu.memref_slice %arg3[%add3A, %dma_wait3A_209, %dma_wait3A_210] : memref<32x79x128xi32, #tpu.memory_space<hbm>> -> memref<1x79x128xi32, #tpu.memory_space<hbm>>
      %dma_wait3A_212 = tpu.memref_squeeze %dma_wait3A_211 : memref<1x79x128xi32, #tpu.memory_space<hbm>> -> memref<79x128xi32, #tpu.memory_space<hbm>>
      %dma_wait3A_213 = arith.constant 0 : i32
      %dma_wait3A_214 = arith.constant 0 : i32
      %dma_wait3A_215 = tpu.memref_slice %arg3[%add3A, %dma_wait3A_213, %dma_wait3A_214] : memref<32x79x128xi32, #tpu.memory_space<hbm>> -> memref<1x79x128xi32, #tpu.memory_space<hbm>>
      %dma_wait3A_216 = tpu.memref_squeeze %dma_wait3A_215 : memref<1x79x128xi32, #tpu.memory_space<hbm>> -> memref<79x128xi32, #tpu.memory_space<hbm>>
      tpu.wait_dma2 semaphore(%run_scoped3A_200 : memref<!tpu.dma_semaphore, #tpu.memory_space<semaphore_mem>>) src(%dma_wait3A_216 : memref<79x128xi32, #tpu.memory_space<hbm>>) dst(%arg6 : memref<79x128xi32, #tpu.memory_space<vmem>>)
      tpu.yield
    }) : () -> ()
    %barrier3A = arith.constant 0 : index
    tpu.barrier barrier_id(%barrier3A)
    %get3A = arith.constant 0 : i32
    %get3A_3 = arith.index_cast %get3A : i32 to index
    %get3A_4 = arith.constant 0 : index
    %get3A_5 = tpu.vector_load %arg6[%get3A_3, %get3A_4] {strides = array<i32>} : memref<79x128xi32, #tpu.memory_space<vmem>>, vector<1x16xi32>,
    %get3A_6 = vector.shape_cast %get3A_5 : vector<1x16xi32> to vector<16xi32>
    %and3A = arith.constant 16383 : i32
    %and3A_7 = vector.broadcast %and3A : i32 to vector<16xi32>
    %and3A_8 = arith.andi %get3A_6, %and3A_7 : vector<16xi32>
    %swap3A = arith.constant 0 : i32
    %swap3A_9 = arith.index_cast %swap3A : i32 to index
    %swap3A_10 = arith.constant 0 : index
    %swap3A_11 = tpu.vector_load %arg7[%swap3A_9, %swap3A_10] {strides = array<i32>} : memref<4x128xi32, #tpu.memory_space<vmem>>, vector<1x16xi32>,
    %swap3A_12 = vector.shape_cast %swap3A_11 : vector<1x16xi32> to vector<16xi32>
    %swap3A_13 = vector.shape_cast %and3A_8 : vector<16xi32> to vector<1x16xi32>
    tpu.vector_store %arg7[%swap3A_9, %swap3A_10], %swap3A_13 {strides = array<i32>} : memref<4x128xi32, #tpu.memory_space<vmem>>, vector<1x16xi32>,
    %shift_right_logical3A = arith.constant 14 : i32
    %shift_right_logical3A_14 = vector.broadcast %shift_right_logical3A : i32 to vector<16xi32>
    %shift_right_logical3A_15 = arith.shrui %get3A_6, %shift_right_logical3A_14 : vector<16xi32>
    %swap3A_16 = arith.constant 1 : i32
    %swap3A_17 = arith.index_cast %swap3A_16 : i32 to index
    %swap3A_18 = arith.constant 0 : index
    %swap3A_19 = tpu.vector_load %arg7[%swap3A_17, %swap3A_18] {strides = array<i32>} : memref<4x128xi32, #tpu.memory_space<vmem>>, vector<1x16xi32>,
    %swap3A_20 = vector.shape_cast %swap3A_19 : vector<1x16xi32> to vector<16xi32>
    %swap3A_21 = vector.shape_cast %shift_right_logical3A_15 : vector<16xi32> to vector<1x16xi32>
    tpu.vector_store %arg7[%swap3A_17, %swap3A_18], %swap3A_21 {strides = array<i32>} : memref<4x128xi32, #tpu.memory_space<vmem>>, vector<1x16xi32>,
    %get3A_22 = arith.constant 0 : i32
    %get3A_23 = arith.index_cast %get3A_22 : i32 to index
    %get3A_24 = arith.constant 16 : index
    %get3A_25 = tpu.vector_load %arg6[%get3A_23, %get3A_24] {strides = array<i32>} : memref<79x128xi32, #tpu.memory_space<vmem>>, vector<1x16xi32>,
    %get3A_26 = vector.shape_cast %get3A_25 : vector<1x16xi32> to vector<16xi32>
    %and3A_27 = arith.constant 16383 : i32
    %and3A_28 = vector.broadcast %and3A_27 : i32 to vector<16xi32>
    %and3A_29 = arith.andi %get3A_26, %and3A_28 : vector<16xi32>
    %swap3A_30 = arith.constant 0 : i32
    %swap3A_31 = arith.index_cast %swap3A_30 : i32 to index
    %swap3A_32 = arith.constant 16 : index
    %swap3A_33 = tpu.vector_load %arg7[%swap3A_31, %swap3A_32] {strides = array<i32>} : memref<4x128xi32, #tpu.memory_space<vmem>>, vector<1x16xi32>,
    %swap3A_34 = vector.shape_cast %swap3A_33 : vector<1x16xi32> to vector<16xi32>
    %swap3A_35 = vector.shape_cast %and3A_29 : vector<16xi32> to vector<1x16xi32>
    tpu.vector_store %arg7[%swap3A_31, %swap3A_32], %swap3A_35 {strides = array<i32>} : memref<4x128xi32, #tpu.memory_space<vmem>>, vector<1x16xi32>,
    %shift_right_logical3A_36 = arith.constant 14 : i32
    %shift_right_logical3A_37 = vector.broadcast %shift_right_logical3A_36 : i32 to vector<16xi32>
    %shift_right_logical3A_38 = arith.shrui %get3A_26, %shift_right_logical3A_37 : vector<16xi32>
    %swap3A_39 = arith.constant 1 : i32
    %swap3A_40 = arith.index_cast %swap3A_39 : i32 to index
    %swap3A_41 = arith.constant 16 : index
    %swap3A_42 = tpu.vector_load %arg7[%swap3A_40, %swap3A_41] {strides = array<i32>} : memref<4x128xi32, #tpu.memory_space<vmem>>, vector<1x16xi32>,
    %swap3A_43 = vector.shape_cast %swap3A_42 : vector<1x16xi32> to vector<16xi32>
    %swap3A_44 = vector.shape_cast %shift_right_logical3A_38 : vector<16xi32> to vector<1x16xi32>
    tpu.vector_store %arg7[%swap3A_40, %swap3A_41], %swap3A_44 {strides = array<i32>} : memref<4x128xi32, #tpu.memory_space<vmem>>, vector<1x16xi32>,
    %get3A_45 = arith.constant 0 : i32
    %get3A_46 = arith.index_cast %get3A_45 : i32 to index
    %get3A_47 = arith.constant 32 : index
    %get3A_48 = tpu.vector_load %arg6[%get3A_46, %get3A_47] {strides = array<i32>} : memref<79x128xi32, #tpu.memory_space<vmem>>, vector<1x16xi32>,
    %get3A_49 = vector.shape_cast %get3A_48 : vector<1x16xi32> to vector<16xi32>
    %and3A_50 = arith.constant 16383 : i32
    %and3A_51 = vector.broadcast %and3A_50 : i32 to vector<16xi32>
    %and3A_52 = arith.andi %get3A_49, %and3A_51 : vector<16xi32>
    %swap3A_53 = arith.constant 0 : i32
    %swap3A_54 = arith.index_cast %swap3A_53 : i32 to index
    %swap3A_55 = arith.constant 32 : index
    %swap3A_56 = tpu.vector_load %arg7[%swap3A_54, %swap3A_55] {strides = array<i32>} : memref<4x128xi32, #tpu.memory_space<vmem>>, vector<1x16xi32>,
    %swap3A_57 = vector.shape_cast %swap3A_56 : vector<1x16xi32> to vector<16xi32>
    %swap3A_58 = vector.shape_cast %and3A_52 : vector<16xi32> to vector<1x16xi32>
    tpu.vector_store %arg7[%swap3A_54, %swap3A_55], %swap3A_58 {strides = array<i32>} : memref<4x128xi32, #tpu.memory_space<vmem>>, vector<1x16xi32>,
    %shift_right_logical3A_59 = arith.constant 14 : i32
    %shift_right_logical3A_60 = vector.broadcast %shift_right_logical3A_59 : i32 to vector<16xi32>
    %shift_right_logical3A_61 = arith.shrui %get3A_49, %shift_right_logical3A_60 : vector<16xi32>
    %swap3A_62 = arith.constant 1 : i32
    %swap3A_63 = arith.index_cast %swap3A_62 : i32 to index
    %swap3A_64 = arith.constant 32 : index
    %swap3A_65 = tpu.vector_load %arg7[%swap3A_63, %swap3A_64] {strides = array<i32>} : memref<4x128xi32, #tpu.memory_space<vmem>>, vector<1x16xi32>,
    %swap3A_66 = vector.shape_cast %swap3A_65 : vector<1x16xi32> to vector<16xi32>
    %swap3A_67 = vector.shape_cast %shift_right_logical3A_61 : vector<16xi32> to vector<1x16xi32>
    tpu.vector_store %arg7[%swap3A_63, %swap3A_64], %swap3A_67 {strides = array<i32>} : memref<4x128xi32, #tpu.memory_space<vmem>>, vector<1x16xi32>,
    %get3A_68 = arith.constant 0 : i32
    %get3A_69 = arith.index_cast %get3A_68 : i32 to index
    %get3A_70 = arith.constant 48 : index
    %get3A_71 = tpu.vector_load %arg6[%get3A_69, %get3A_70] {strides = array<i32>} : memref<79x128xi32, #tpu.memory_space<vmem>>, vector<1x16xi32>,
    %get3A_72 = vector.shape_cast %get3A_71 : vector<1x16xi32> to vector<16xi32>
    %and3A_73 = arith.constant 16383 : i32
    %and3A_74 = vector.broadcast %and3A_73 : i32 to vector<16xi32>
    %and3A_75 = arith.andi %get3A_72, %and3A_74 : vector<16xi32>
    %swap3A_76 = arith.constant 0 : i32
    %swap3A_77 = arith.index_cast %swap3A_76 : i32 to index
    %swap3A_78 = arith.constant 48 : index
    %swap3A_79 = tpu.vector_load %arg7[%swap3A_77, %swap3A_78] {strides = array<i32>} : memref<4x128xi32, #tpu.memory_space<vmem>>, vector<1x16xi32>,
    %swap3A_80 = vector.shape_cast %swap3A_79 : vector<1x16xi32> to vector<16xi32>
    %swap3A_81 = vector.shape_cast %and3A_75 : vector<16xi32> to vector<1x16xi32>
    tpu.vector_store %arg7[%swap3A_77, %swap3A_78], %swap3A_81 {strides = array<i32>} : memref<4x128xi32, #tpu.memory_space<vmem>>, vector<1x16xi32>,
    %shift_right_logical3A_82 = arith.constant 14 : i32
    %shift_right_logical3A_83 = vector.broadcast %shift_right_logical3A_82 : i32 to vector<16xi32>
    %shift_right_logical3A_84 = arith.shrui %get3A_72, %shift_right_logical3A_83 : vector<16xi32>
    %swap3A_85 = arith.constant 1 : i32
    %swap3A_86 = arith.index_cast %swap3A_85 : i32 to index
    %swap3A_87 = arith.constant 48 : index
    %swap3A_88 = tpu.vector_load %arg7[%swap3A_86, %swap3A_87] {strides = array<i32>} : memref<4x128xi32, #tpu.memory_space<vmem>>, vector<1x16xi32>,
    %swap3A_89 = vector.shape_cast %swap3A_88 : vector<1x16xi32> to vector<16xi32>
    %swap3A_90 = vector.shape_cast %shift_right_logical3A_84 : vector<16xi32> to vector<1x16xi32>
    tpu.vector_store %arg7[%swap3A_86, %swap3A_87], %swap3A_90 {strides = array<i32>} : memref<4x128xi32, #tpu.memory_space<vmem>>, vector<1x16xi32>,
    %get3A_91 = arith.constant 0 : i32
    %get3A_92 = arith.index_cast %get3A_91 : i32 to index
    %get3A_93 = arith.constant 64 : index
    %get3A_94 = tpu.vector_load %arg6[%get3A_92, %get3A_93] {strides = array<i32>} : memref<79x128xi32, #tpu.memory_space<vmem>>, vector<1x16xi32>,
    %get3A_95 = vector.shape_cast %get3A_94 : vector<1x16xi32> to vector<16xi32>
    %and3A_96 = arith.constant 16383 : i32
    %and3A_97 = vector.broadcast %and3A_96 : i32 to vector<16xi32>
    %and3A_98 = arith.andi %get3A_95, %and3A_97 : vector<16xi32>
    %swap3A_99 = arith.constant 0 : i32
    %swap3A_100 = arith.index_cast %swap3A_99 : i32 to index
    %swap3A_101 = arith.constant 64 : index
    %swap3A_102 = tpu.vector_load %arg7[%swap3A_100, %swap3A_101] {strides = array<i32>} : memref<4x128xi32, #tpu.memory_space<vmem>>, vector<1x16xi32>,
    %swap3A_103 = vector.shape_cast %swap3A_102 : vector<1x16xi32> to vector<16xi32>
    %swap3A_104 = vector.shape_cast %and3A_98 : vector<16xi32> to vector<1x16xi32>
    tpu.vector_store %arg7[%swap3A_100, %swap3A_101], %swap3A_104 {strides = array<i32>} : memref<4x128xi32, #tpu.memory_space<vmem>>, vector<1x16xi32>,
    %shift_right_logical3A_105 = arith.constant 14 : i32
    %shift_right_logical3A_106 = vector.broadcast %shift_right_logical3A_105 : i32 to vector<16xi32>
    %shift_right_logical3A_107 = arith.shrui %get3A_95, %shift_right_logical3A_106 : vector<16xi32>
    %swap3A_108 = arith.constant 1 : i32
    %swap3A_109 = arith.index_cast %swap3A_108 : i32 to index
    %swap3A_110 = arith.constant 64 : index
    %swap3A_111 = tpu.vector_load %arg7[%swap3A_109, %swap3A_110] {strides = array<i32>} : memref<4x128xi32, #tpu.memory_space<vmem>>, vector<1x16xi32>,
    %swap3A_112 = vector.shape_cast %swap3A_111 : vector<1x16xi32> to vector<16xi32>
    %swap3A_113 = vector.shape_cast %shift_right_logical3A_107 : vector<16xi32> to vector<1x16xi32>
    tpu.vector_store %arg7[%swap3A_109, %swap3A_110], %swap3A_113 {strides = array<i32>} : memref<4x128xi32, #tpu.memory_space<vmem>>, vector<1x16xi32>,
    %get3A_114 = arith.constant 0 : i32
    %get3A_115 = arith.index_cast %get3A_114 : i32 to index
    %get3A_116 = arith.constant 80 : index
    %get3A_117 = tpu.vector_load %arg6[%get3A_115, %get3A_116] {strides = array<i32>} : memref<79x128xi32, #tpu.memory_space<vmem>>, vector<1x16xi32>,
    %get3A_118 = vector.shape_cast %get3A_117 : vector<1x16xi32> to vector<16xi32>
    %and3A_119 = arith.constant 16383 : i32
    %and3A_120 = vector.broadcast %and3A_119 : i32 to vector<16xi32>
    %and3A_121 = arith.andi %get3A_118, %and3A_120 : vector<16xi32>
    %swap3A_122 = arith.constant 0 : i32
    %swap3A_123 = arith.index_cast %swap3A_122 : i32 to index
    %swap3A_124 = arith.constant 80 : index
    %swap3A_125 = tpu.vector_load %arg7[%swap3A_123, %swap3A_124] {strides = array<i32>} : memref<4x128xi32, #tpu.memory_space<vmem>>, vector<1x16xi32>,
    %swap3A_126 = vector.shape_cast %swap3A_125 : vector<1x16xi32> to vector<16xi32>
    %swap3A_127 = vector.shape_cast %and3A_121 : vector<16xi32> to vector<1x16xi32>
    tpu.vector_store %arg7[%swap3A_123, %swap3A_124], %swap3A_127 {strides = array<i32>} : memref<4x128xi32, #tpu.memory_space<vmem>>, vector<1x16xi32>,
    %shift_right_logical3A_128 = arith.constant 14 : i32
    %shift_right_logical3A_129 = vector.broadcast %shift_right_logical3A_128 : i32 to vector<16xi32>
    %shift_right_logical3A_130 = arith.shrui %get3A_118, %shift_right_logical3A_129 : vector<16xi32>
    %swap3A_131 = arith.constant 1 : i32
    %swap3A_132 = arith.index_cast %swap3A_131 : i32 to index
    %swap3A_133 = arith.constant 80 : index
    %swap3A_134 = tpu.vector_load %arg7[%swap3A_132, %swap3A_133] {strides = array<i32>} : memref<4x128xi32, #tpu.memory_space<vmem>>, vector<1x16xi32>,
    %swap3A_135 = vector.shape_cast %swap3A_134 : vector<1x16xi32> to vector<16xi32>
    %swap3A_136 = vector.shape_cast %shift_right_logical3A_130 : vector<16xi32> to vector<1x16xi32>
    tpu.vector_store %arg7[%swap3A_132, %swap3A_133], %swap3A_136 {strides = array<i32>} : memref<4x128xi32, #tpu.memory_space<vmem>>, vector<1x16xi32>,
    %get3A_137 = arith.constant 0 : i32
    %get3A_138 = arith.index_cast %get3A_137 : i32 to index
    %get3A_139 = arith.constant 96 : index
    %get3A_140 = tpu.vector_load %arg6[%get3A_138, %get3A_139] {strides = array<i32>} : memref<79x128xi32, #tpu.memory_space<vmem>>, vector<1x16xi32>,
    %get3A_141 = vector.shape_cast %get3A_140 : vector<1x16xi32> to vector<16xi32>
    %and3A_142 = arith.constant 16383 : i32
    %and3A_143 = vector.broadcast %and3A_142 : i32 to vector<16xi32>
    %and3A_144 = arith.andi %get3A_141, %and3A_143 : vector<16xi32>
    %swap3A_145 = arith.constant 0 : i32
    %swap3A_146 = arith.index_cast %swap3A_145 : i32 to index
    %swap3A_147 = arith.constant 96 : index
    %swap3A_148 = tpu.vector_load %arg7[%swap3A_146, %swap3A_147] {strides = array<i32>} : memref<4x128xi32, #tpu.memory_space<vmem>>, vector<1x16xi32>,
    %swap3A_149 = vector.shape_cast %swap3A_148 : vector<1x16xi32> to vector<16xi32>
    %swap3A_150 = vector.shape_cast %and3A_144 : vector<16xi32> to vector<1x16xi32>
    tpu.vector_store %arg7[%swap3A_146, %swap3A_147], %swap3A_150 {strides = array<i32>} : memref<4x128xi32, #tpu.memory_space<vmem>>, vector<1x16xi32>,
    %shift_right_logical3A_151 = arith.constant 14 : i32
    %shift_right_logical3A_152 = vector.broadcast %shift_right_logical3A_151 : i32 to vector<16xi32>
    %shift_right_logical3A_153 = arith.shrui %get3A_141, %shift_right_logical3A_152 : vector<16xi32>
    %swap3A_154 = arith.constant 1 : i32
    %swap3A_155 = arith.index_cast %swap3A_154 : i32 to index
    %swap3A_156 = arith.constant 96 : index
    %swap3A_157 = tpu.vector_load %arg7[%swap3A_155, %swap3A_156] {strides = array<i32>} : memref<4x128xi32, #tpu.memory_space<vmem>>, vector<1x16xi32>,
    %swap3A_158 = vector.shape_cast %swap3A_157 : vector<1x16xi32> to vector<16xi32>
    %swap3A_159 = vector.shape_cast %shift_right_logical3A_153 : vector<16xi32> to vector<1x16xi32>
    tpu.vector_store %arg7[%swap3A_155, %swap3A_156], %swap3A_159 {strides = array<i32>} : memref<4x128xi32, #tpu.memory_space<vmem>>, vector<1x16xi32>,
    %get3A_160 = arith.constant 0 : i32
    %get3A_161 = arith.index_cast %get3A_160 : i32 to index
    %get3A_162 = arith.constant 112 : index
    %get3A_163 = tpu.vector_load %arg6[%get3A_161, %get3A_162] {strides = array<i32>} : memref<79x128xi32, #tpu.memory_space<vmem>>, vector<1x16xi32>,
    %get3A_164 = vector.shape_cast %get3A_163 : vector<1x16xi32> to vector<16xi32>
    %and3A_165 = arith.constant 16383 : i32
    %and3A_166 = vector.broadcast %and3A_165 : i32 to vector<16xi32>
    %and3A_167 = arith.andi %get3A_164, %and3A_166 : vector<16xi32>
    %swap3A_168 = arith.constant 0 : i32
    %swap3A_169 = arith.index_cast %swap3A_168 : i32 to index
    %swap3A_170 = arith.constant 112 : index
    %swap3A_171 = tpu.vector_load %arg7[%swap3A_169, %swap3A_170] {strides = array<i32>} : memref<4x128xi32, #tpu.memory_space<vmem>>, vector<1x16xi32>,
    %swap3A_172 = vector.shape_cast %swap3A_171 : vector<1x16xi32> to vector<16xi32>
    %swap3A_173 = vector.shape_cast %and3A_167 : vector<16xi32> to vector<1x16xi32>
    tpu.vector_store %arg7[%swap3A_169, %swap3A_170], %swap3A_173 {strides = array<i32>} : memref<4x128xi32, #tpu.memory_space<vmem>>, vector<1x16xi32>,
    %shift_right_logical3A_174 = arith.constant 14 : i32
    %shift_right_logical3A_175 = vector.broadcast %shift_right_logical3A_174 : i32 to vector<16xi32>
    %shift_right_logical3A_176 = arith.shrui %get3A_164, %shift_right_logical3A_175 : vector<16xi32>
    %swap3A_177 = arith.constant 1 : i32
    %swap3A_178 = arith.index_cast %swap3A_177 : i32 to index
    %swap3A_179 = arith.constant 112 : index
    %swap3A_180 = tpu.vector_load %arg7[%swap3A_178, %swap3A_179] {strides = array<i32>} : memref<4x128xi32, #tpu.memory_space<vmem>>, vector<1x16xi32>,
    %swap3A_181 = vector.shape_cast %swap3A_180 : vector<1x16xi32> to vector<16xi32>
    %swap3A_182 = vector.shape_cast %shift_right_logical3A_176 : vector<16xi32> to vector<1x16xi32>
    tpu.vector_store %arg7[%swap3A_178, %swap3A_179], %swap3A_182 {strides = array<i32>} : memref<4x128xi32, #tpu.memory_space<vmem>>, vector<1x16xi32>,
    %dma_start3A = arith.constant 0 : i32
    %dma_start3A_183 = arith.constant 0 : i32
    %dma_start3A_184 = tpu.memref_slice %arg7[%dma_start3A, %dma_start3A_183] : memref<4x128xi32, #tpu.memory_space<vmem>> -> memref<1x128xi32, #tpu.memory_space<vmem>>
    %dma_start3A_185 = tpu.memref_squeeze %dma_start3A_184 : memref<1x128xi32, #tpu.memory_space<vmem>> -> memref<128xi32, #tpu.memory_space<vmem>>
    %dma_start3A_186 = arith.constant 0 : i32
    %dma_start3A_187 = arith.constant 0 : i32
    %dma_start3A_188 = tpu.memref_slice %arg2[%dma_start3A_186, %dma_start3A_187] : memref<10000x128xf32, #tpu.memory_space<hbm>> -> memref<10000x128xf32, #tpu.memory_space<hbm>>
    tpu.enqueue_indirect_dma source(%dma_start3A_188 : memref<10000x128xf32, #tpu.memory_space<hbm>>) target(%arg8 : memref<128x128xf32, #tpu.memory_space<vmem>>) offsets(%dma_start3A_185 : memref<128xi32, #tpu.memory_space<vmem>>) semaphore(%arg11 : memref<!tpu.dma_semaphore, #tpu.memory_space<semaphore_mem>>)
    %scan3A = arith.constant 0 : i32
    %scan3A_189 = arith.constant 39 : i32
    %scan3A_190 = arith.addi %scan3A, %scan3A_189 : i32
    %scan3A_191 = arith.constant 1 : i32
    scf.for %scan3A_200 = %scan3A to %scan3A_190 step %scan3A_191  : i32 {
      %mul3A_201 = arith.constant 2 : i32
      %mul3A_202 = arith.muli %scan3A_200, %mul3A_201 : i32
      %add3A_203 = arith.constant 0 : i32
      %add3A_204 = arith.addi %add3A_203, %mul3A_202 : i32
      %add3A_205 = arith.constant 1 : i32
      %add3A_206 = arith.addi %add3A_204, %add3A_205 : i32
      %get3A_207 = arith.index_cast %add3A_206 : i32 to index
      %get3A_208 = arith.constant 0 : index
      %get3A_209 = tpu.vector_load %arg6[%get3A_207, %get3A_208] {strides = array<i32>} : memref<79x128xi32, #tpu.memory_space<vmem>>, vector<1x16xi32>,
      %get3A_210 = vector.shape_cast %get3A_209 : vector<1x16xi32> to vector<16xi32>
      %and3A_211 = arith.constant 16383 : i32
      %and3A_212 = vector.broadcast %and3A_211 : i32 to vector<16xi32>
      %and3A_213 = arith.andi %get3A_210, %and3A_212 : vector<16xi32>
      %swap3A_214 = arith.constant 2 : i32
      %swap3A_215 = arith.index_cast %swap3A_214 : i32 to index
      %swap3A_216 = arith.constant 0 : index
      %swap3A_217 = tpu.vector_load %arg7[%swap3A_215, %swap3A_216] {strides = array<i32>} : memref<4x128xi32, #tpu.memory_space<vmem>>, vector<1x16xi32>,
      %swap3A_218 = vector.shape_cast %swap3A_217 : vector<1x16xi32> to vector<16xi32>
      %swap3A_219 = vector.shape_cast %and3A_213 : vector<16xi32> to vector<1x16xi32>
      tpu.vector_store %arg7[%swap3A_215, %swap3A_216], %swap3A_219 {strides = array<i32>} : memref<4x128xi32, #tpu.memory_space<vmem>>, vector<1x16xi32>,
      %shift_right_logical3A_220 = arith.constant 14 : i32
      %shift_right_logical3A_221 = vector.broadcast %shift_right_logical3A_220 : i32 to vector<16xi32>
      %shift_right_logical3A_222 = arith.shrui %get3A_210, %shift_right_logical3A_221 : vector<16xi32>
      %swap3A_223 = arith.constant 3 : i32
      %swap3A_224 = arith.index_cast %swap3A_223 : i32 to index
      %swap3A_225 = arith.constant 0 : index
      %swap3A_226 = tpu.vector_load %arg7[%swap3A_224, %swap3A_225] {strides = array<i32>} : memref<4x128xi32, #tpu.memory_space<vmem>>, vector<1x16xi32>,
      %swap3A_227 = vector.shape_cast %swap3A_226 : vector<1x16xi32> to vector<16xi32>
      %swap3A_228 = vector.shape_cast %shift_right_logical3A_222 : vector<16xi32> to vector<1x16xi32>
      tpu.vector_store %arg7[%swap3A_224, %swap3A_225], %swap3A_228 {strides = array<i32>} : memref<4x128xi32, #tpu.memory_space<vmem>>, vector<1x16xi32>,
      %get3A_229 = arith.index_cast %add3A_206 : i32 to index
      %get3A_230 = arith.constant 16 : index
      %get3A_231 = tpu.vector_load %arg6[%get3A_229, %get3A_230] {strides = array<i32>} : memref<79x128xi32, #tpu.memory_space<vmem>>, vector<1x16xi32>,
      %get3A_232 = vector.shape_cast %get3A_231 : vector<1x16xi32> to vector<16xi32>
      %and3A_233 = arith.constant 16383 : i32
      %and3A_234 = vector.broadcast %and3A_233 : i32 to vector<16xi32>
      %and3A_235 = arith.andi %get3A_232, %and3A_234 : vector<16xi32>
      %swap3A_236 = arith.constant 2 : i32
      %swap3A_237 = arith.index_cast %swap3A_236 : i32 to index
      %swap3A_238 = arith.constant 16 : index
      %swap3A_239 = tpu.vector_load %arg7[%swap3A_237, %swap3A_238] {strides = array<i32>} : memref<4x128xi32, #tpu.memory_space<vmem>>, vector<1x16xi32>,
      %swap3A_240 = vector.shape_cast %swap3A_239 : vector<1x16xi32> to vector<16xi32>
      %swap3A_241 = vector.shape_cast %and3A_235 : vector<16xi32> to vector<1x16xi32>
      tpu.vector_store %arg7[%swap3A_237, %swap3A_238], %swap3A_241 {strides = array<i32>} : memref<4x128xi32, #tpu.memory_space<vmem>>, vector<1x16xi32>,
      %shift_right_logical3A_242 = arith.constant 14 : i32
      %shift_right_logical3A_243 = vector.broadcast %shift_right_logical3A_242 : i32 to vector<16xi32>
      %shift_right_logical3A_244 = arith.shrui %get3A_232, %shift_right_logical3A_243 : vector<16xi32>
      %swap3A_245 = arith.constant 3 : i32
      %swap3A_246 = arith.index_cast %swap3A_245 : i32 to index
      %swap3A_247 = arith.constant 16 : index
      %swap3A_248 = tpu.vector_load %arg7[%swap3A_246, %swap3A_247] {strides = array<i32>} : memref<4x128xi32, #tpu.memory_space<vmem>>, vector<1x16xi32>,
      %swap3A_249 = vector.shape_cast %swap3A_248 : vector<1x16xi32> to vector<16xi32>
      %swap3A_250 = vector.shape_cast %shift_right_logical3A_244 : vector<16xi32> to vector<1x16xi32>
      tpu.vector_store %arg7[%swap3A_246, %swap3A_247], %swap3A_250 {strides = array<i32>} : memref<4x128xi32, #tpu.memory_space<vmem>>, vector<1x16xi32>,
      %get3A_251 = arith.index_cast %add3A_206 : i32 to index
      %get3A_252 = arith.constant 32 : index
      %get3A_253 = tpu.vector_load %arg6[%get3A_251, %get3A_252] {strides = array<i32>} : memref<79x128xi32, #tpu.memory_space<vmem>>, vector<1x16xi32>,
      %get3A_254 = vector.shape_cast %get3A_253 : vector<1x16xi32> to vector<16xi32>
      %and3A_255 = arith.constant 16383 : i32
      %and3A_256 = vector.broadcast %and3A_255 : i32 to vector<16xi32>
      %and3A_257 = arith.andi %get3A_254, %and3A_256 : vector<16xi32>
      %swap3A_258 = arith.constant 2 : i32
      %swap3A_259 = arith.index_cast %swap3A_258 : i32 to index
      %swap3A_260 = arith.constant 32 : index
      %swap3A_261 = tpu.vector_load %arg7[%swap3A_259, %swap3A_260] {strides = array<i32>} : memref<4x128xi32, #tpu.memory_space<vmem>>, vector<1x16xi32>,
      %swap3A_262 = vector.shape_cast %swap3A_261 : vector<1x16xi32> to vector<16xi32>
      %swap3A_263 = vector.shape_cast %and3A_257 : vector<16xi32> to vector<1x16xi32>
      tpu.vector_store %arg7[%swap3A_259, %swap3A_260], %swap3A_263 {strides = array<i32>} : memref<4x128xi32, #tpu.memory_space<vmem>>, vector<1x16xi32>,
      %shift_right_logical3A_264 = arith.constant 14 : i32
      %shift_right_logical3A_265 = vector.broadcast %shift_right_logical3A_264 : i32 to vector<16xi32>
      %shift_right_logical3A_266 = arith.shrui %get3A_254, %shift_right_logical3A_265 : vector<16xi32>
      %swap3A_267 = arith.constant 3 : i32
      %swap3A_268 = arith.index_cast %swap3A_267 : i32 to index
      %swap3A_269 = arith.constant 32 : index
      %swap3A_270 = tpu.vector_load %arg7[%swap3A_268, %swap3A_269] {strides = array<i32>} : memref<4x128xi32, #tpu.memory_space<vmem>>, vector<1x16xi32>,
      %swap3A_271 = vector.shape_cast %swap3A_270 : vector<1x16xi32> to vector<16xi32>
      %swap3A_272 = vector.shape_cast %shift_right_logical3A_266 : vector<16xi32> to vector<1x16xi32>
      tpu.vector_store %arg7[%swap3A_268, %swap3A_269], %swap3A_272 {strides = array<i32>} : memref<4x128xi32, #tpu.memory_space<vmem>>, vector<1x16xi32>,
      %get3A_273 = arith.index_cast %add3A_206 : i32 to index
      %get3A_274 = arith.constant 48 : index
      %get3A_275 = tpu.vector_load %arg6[%get3A_273, %get3A_274] {strides = array<i32>} : memref<79x128xi32, #tpu.memory_space<vmem>>, vector<1x16xi32>,
      %get3A_276 = vector.shape_cast %get3A_275 : vector<1x16xi32> to vector<16xi32>
      %and3A_277 = arith.constant 16383 : i32
      %and3A_278 = vector.broadcast %and3A_277 : i32 to vector<16xi32>
      %and3A_279 = arith.andi %get3A_276, %and3A_278 : vector<16xi32>
      %swap3A_280 = arith.constant 2 : i32
      %swap3A_281 = arith.index_cast %swap3A_280 : i32 to index
      %swap3A_282 = arith.constant 48 : index
      %swap3A_283 = tpu.vector_load %arg7[%swap3A_281, %swap3A_282] {strides = array<i32>} : memref<4x128xi32, #tpu.memory_space<vmem>>, vector<1x16xi32>,
      %swap3A_284 = vector.shape_cast %swap3A_283 : vector<1x16xi32> to vector<16xi32>
      %swap3A_285 = vector.shape_cast %and3A_279 : vector<16xi32> to vector<1x16xi32>
      tpu.vector_store %arg7[%swap3A_281, %swap3A_282], %swap3A_285 {strides = array<i32>} : memref<4x128xi32, #tpu.memory_space<vmem>>, vector<1x16xi32>,
      %shift_right_logical3A_286 = arith.constant 14 : i32
      %shift_right_logical3A_287 = vector.broadcast %shift_right_logical3A_286 : i32 to vector<16xi32>
      %shift_right_logical3A_288 = arith.shrui %get3A_276, %shift_right_logical3A_287 : vector<16xi32>
      %swap3A_289 = arith.constant 3 : i32
      %swap3A_290 = arith.index_cast %swap3A_289 : i32 to index
      %swap3A_291 = arith.constant 48 : index
      %swap3A_292 = tpu.vector_load %arg7[%swap3A_290, %swap3A_291] {strides = array<i32>} : memref<4x128xi32, #tpu.memory_space<vmem>>, vector<1x16xi32>,
      %swap3A_293 = vector.shape_cast %swap3A_292 : vector<1x16xi32> to vector<16xi32>
      %swap3A_294 = vector.shape_cast %shift_right_logical3A_288 : vector<16xi32> to vector<1x16xi32>
      tpu.vector_store %arg7[%swap3A_290, %swap3A_291], %swap3A_294 {strides = array<i32>} : memref<4x128xi32, #tpu.memory_space<vmem>>, vector<1x16xi32>,
      %get3A_295 = arith.index_cast %add3A_206 : i32 to index
      %get3A_296 = arith.constant 64 : index
      %get3A_297 = tpu.vector_load %arg6[%get3A_295, %get3A_296] {strides = array<i32>} : memref<79x128xi32, #tpu.memory_space<vmem>>, vector<1x16xi32>,
      %get3A_298 = vector.shape_cast %get3A_297 : vector<1x16xi32> to vector<16xi32>
      %and3A_299 = arith.constant 16383 : i32
      %and3A_300 = vector.broadcast %and3A_299 : i32 to vector<16xi32>
      %and3A_301 = arith.andi %get3A_298, %and3A_300 : vector<16xi32>
      %swap3A_302 = arith.constant 2 : i32
      %swap3A_303 = arith.index_cast %swap3A_302 : i32 to index
      %swap3A_304 = arith.constant 64 : index
      %swap3A_305 = tpu.vector_load %arg7[%swap3A_303, %swap3A_304] {strides = array<i32>} : memref<4x128xi32, #tpu.memory_space<vmem>>, vector<1x16xi32>,
      %swap3A_306 = vector.shape_cast %swap3A_305 : vector<1x16xi32> to vector<16xi32>
      %swap3A_307 = vector.shape_cast %and3A_301 : vector<16xi32> to vector<1x16xi32>
      tpu.vector_store %arg7[%swap3A_303, %swap3A_304], %swap3A_307 {strides = array<i32>} : memref<4x128xi32, #tpu.memory_space<vmem>>, vector<1x16xi32>,
      %shift_right_logical3A_308 = arith.constant 14 : i32
      %shift_right_logical3A_309 = vector.broadcast %shift_right_logical3A_308 : i32 to vector<16xi32>
      %shift_right_logical3A_310 = arith.shrui %get3A_298, %shift_right_logical3A_309 : vector<16xi32>
      %swap3A_311 = arith.constant 3 : i32
      %swap3A_312 = arith.index_cast %swap3A_311 : i32 to index
      %swap3A_313 = arith.constant 64 : index
      %swap3A_314 = tpu.vector_load %arg7[%swap3A_312, %swap3A_313] {strides = array<i32>} : memref<4x128xi32, #tpu.memory_space<vmem>>, vector<1x16xi32>,
      %swap3A_315 = vector.shape_cast %swap3A_314 : vector<1x16xi32> to vector<16xi32>
      %swap3A_316 = vector.shape_cast %shift_right_logical3A_310 : vector<16xi32> to vector<1x16xi32>
      tpu.vector_store %arg7[%swap3A_312, %swap3A_313], %swap3A_316 {strides = array<i32>} : memref<4x128xi32, #tpu.memory_space<vmem>>, vector<1x16xi32>,
      %get3A_317 = arith.index_cast %add3A_206 : i32 to index
      %get3A_318 = arith.constant 80 : index
      %get3A_319 = tpu.vector_load %arg6[%get3A_317, %get3A_318] {strides = array<i32>} : memref<79x128xi32, #tpu.memory_space<vmem>>, vector<1x16xi32>,
      %get3A_320 = vector.shape_cast %get3A_319 : vector<1x16xi32> to vector<16xi32>
      %and3A_321 = arith.constant 16383 : i32
      %and3A_322 = vector.broadcast %and3A_321 : i32 to vector<16xi32>
      %and3A_323 = arith.andi %get3A_320, %and3A_322 : vector<16xi32>
      %swap3A_324 = arith.constant 2 : i32
      %swap3A_325 = arith.index_cast %swap3A_324 : i32 to index
      %swap3A_326 = arith.constant 80 : index
      %swap3A_327 = tpu.vector_load %arg7[%swap3A_325, %swap3A_326] {strides = array<i32>} : memref<4x128xi32, #tpu.memory_space<vmem>>, vector<1x16xi32>,
      %swap3A_328 = vector.shape_cast %swap3A_327 : vector<1x16xi32> to vector<16xi32>
      %swap3A_329 = vector.shape_cast %and3A_323 : vector<16xi32> to vector<1x16xi32>
      tpu.vector_store %arg7[%swap3A_325, %swap3A_326], %swap3A_329 {strides = array<i32>} : memref<4x128xi32, #tpu.memory_space<vmem>>, vector<1x16xi32>,
      %shift_right_logical3A_330 = arith.constant 14 : i32
      %shift_right_logical3A_331 = vector.broadcast %shift_right_logical3A_330 : i32 to vector<16xi32>
      %shift_right_logical3A_332 = arith.shrui %get3A_320, %shift_right_logical3A_331 : vector<16xi32>
      %swap3A_333 = arith.constant 3 : i32
      %swap3A_334 = arith.index_cast %swap3A_333 : i32 to index
      %swap3A_335 = arith.constant 80 : index
      %swap3A_336 = tpu.vector_load %arg7[%swap3A_334, %swap3A_335] {strides = array<i32>} : memref<4x128xi32, #tpu.memory_space<vmem>>, vector<1x16xi32>,
      %swap3A_337 = vector.shape_cast %swap3A_336 : vector<1x16xi32> to vector<16xi32>
      %swap3A_338 = vector.shape_cast %shift_right_logical3A_332 : vector<16xi32> to vector<1x16xi32>
      tpu.vector_store %arg7[%swap3A_334, %swap3A_335], %swap3A_338 {strides = array<i32>} : memref<4x128xi32, #tpu.memory_space<vmem>>, vector<1x16xi32>,
      %get3A_339 = arith.index_cast %add3A_206 : i32 to index
      %get3A_340 = arith.constant 96 : index
      %get3A_341 = tpu.vector_load %arg6[%get3A_339, %get3A_340] {strides = array<i32>} : memref<79x128xi32, #tpu.memory_space<vmem>>, vector<1x16xi32>,
      %get3A_342 = vector.shape_cast %get3A_341 : vector<1x16xi32> to vector<16xi32>
      %and3A_343 = arith.constant 16383 : i32
      %and3A_344 = vector.broadcast %and3A_343 : i32 to vector<16xi32>
      %and3A_345 = arith.andi %get3A_342, %and3A_344 : vector<16xi32>
      %swap3A_346 = arith.constant 2 : i32
      %swap3A_347 = arith.index_cast %swap3A_346 : i32 to index
      %swap3A_348 = arith.constant 96 : index
      %swap3A_349 = tpu.vector_load %arg7[%swap3A_347, %swap3A_348] {strides = array<i32>} : memref<4x128xi32, #tpu.memory_space<vmem>>, vector<1x16xi32>,
      %swap3A_350 = vector.shape_cast %swap3A_349 : vector<1x16xi32> to vector<16xi32>
      %swap3A_351 = vector.shape_cast %and3A_345 : vector<16xi32> to vector<1x16xi32>
      tpu.vector_store %arg7[%swap3A_347, %swap3A_348], %swap3A_351 {strides = array<i32>} : memref<4x128xi32, #tpu.memory_space<vmem>>, vector<1x16xi32>,
      %shift_right_logical3A_352 = arith.constant 14 : i32
      %shift_right_logical3A_353 = vector.broadcast %shift_right_logical3A_352 : i32 to vector<16xi32>
      %shift_right_logical3A_354 = arith.shrui %get3A_342, %shift_right_logical3A_353 : vector<16xi32>
      %swap3A_355 = arith.constant 3 : i32
      %swap3A_356 = arith.index_cast %swap3A_355 : i32 to index
      %swap3A_357 = arith.constant 96 : index
      %swap3A_358 = tpu.vector_load %arg7[%swap3A_356, %swap3A_357] {strides = array<i32>} : memref<4x128xi32, #tpu.memory_space<vmem>>, vector<1x16xi32>,
      %swap3A_359 = vector.shape_cast %swap3A_358 : vector<1x16xi32> to vector<16xi32>
      %swap3A_360 = vector.shape_cast %shift_right_logical3A_354 : vector<16xi32> to vector<1x16xi32>
      tpu.vector_store %arg7[%swap3A_356, %swap3A_357], %swap3A_360 {strides = array<i32>} : memref<4x128xi32, #tpu.memory_space<vmem>>, vector<1x16xi32>,
      %get3A_361 = arith.index_cast %add3A_206 : i32 to index
      %get3A_362 = arith.constant 112 : index
      %get3A_363 = tpu.vector_load %arg6[%get3A_361, %get3A_362] {strides = array<i32>} : memref<79x128xi32, #tpu.memory_space<vmem>>, vector<1x16xi32>,
      %get3A_364 = vector.shape_cast %get3A_363 : vector<1x16xi32> to vector<16xi32>
      %and3A_365 = arith.constant 16383 : i32
      %and3A_366 = vector.broadcast %and3A_365 : i32 to vector<16xi32>
      %and3A_367 = arith.andi %get3A_364, %and3A_366 : vector<16xi32>
      %swap3A_368 = arith.constant 2 : i32
      %swap3A_369 = arith.index_cast %swap3A_368 : i32 to index
      %swap3A_370 = arith.constant 112 : index
      %swap3A_371 = tpu.vector_load %arg7[%swap3A_369, %swap3A_370] {strides = array<i32>} : memref<4x128xi32, #tpu.memory_space<vmem>>, vector<1x16xi32>,
      %swap3A_372 = vector.shape_cast %swap3A_371 : vector<1x16xi32> to vector<16xi32>
      %swap3A_373 = vector.shape_cast %and3A_367 : vector<16xi32> to vector<1x16xi32>
      tpu.vector_store %arg7[%swap3A_369, %swap3A_370], %swap3A_373 {strides = array<i32>} : memref<4x128xi32, #tpu.memory_space<vmem>>, vector<1x16xi32>,
      %shift_right_logical3A_374 = arith.constant 14 : i32
      %shift_right_logical3A_375 = vector.broadcast %shift_right_logical3A_374 : i32 to vector<16xi32>
      %shift_right_logical3A_376 = arith.shrui %get3A_364, %shift_right_logical3A_375 : vector<16xi32>
      %swap3A_377 = arith.constant 3 : i32
      %swap3A_378 = arith.index_cast %swap3A_377 : i32 to index
      %swap3A_379 = arith.constant 112 : index
      %swap3A_380 = tpu.vector_load %arg7[%swap3A_378, %swap3A_379] {strides = array<i32>} : memref<4x128xi32, #tpu.memory_space<vmem>>, vector<1x16xi32>,
      %swap3A_381 = vector.shape_cast %swap3A_380 : vector<1x16xi32> to vector<16xi32>
      %swap3A_382 = vector.shape_cast %shift_right_logical3A_376 : vector<16xi32> to vector<1x16xi32>
      tpu.vector_store %arg7[%swap3A_378, %swap3A_379], %swap3A_382 {strides = array<i32>} : memref<4x128xi32, #tpu.memory_space<vmem>>, vector<1x16xi32>,
      %dma_start3A_383 = arith.constant 2 : i32
      %dma_start3A_384 = arith.constant 0 : i32
      %dma_start3A_385 = tpu.memref_slice %arg7[%dma_start3A_383, %dma_start3A_384] : memref<4x128xi32, #tpu.memory_space<vmem>> -> memref<1x128xi32, #tpu.memory_space<vmem>>
      %dma_start3A_386 = tpu.memref_squeeze %dma_start3A_385 : memref<1x128xi32, #tpu.memory_space<vmem>> -> memref<128xi32, #tpu.memory_space<vmem>>
      %dma_start3A_387 = arith.constant 0 : i32
      %dma_start3A_388 = arith.constant 0 : i32
      %dma_start3A_389 = tpu.memref_slice %arg2[%dma_start3A_387, %dma_start3A_388] : memref<10000x128xf32, #tpu.memory_space<hbm>> -> memref<10000x128xf32, #tpu.memory_space<hbm>>
      tpu.enqueue_indirect_dma source(%dma_start3A_389 : memref<10000x128xf32, #tpu.memory_space<hbm>>) target(%arg9 : memref<128x128xf32, #tpu.memory_space<vmem>>) offsets(%dma_start3A_386 : memref<128xi32, #tpu.memory_space<vmem>>) semaphore(%arg12 : memref<!tpu.dma_semaphore, #tpu.memory_space<semaphore_mem>>)
      %dma_wait3A_390 = arith.constant 0 : i32
      %dma_wait3A_391 = arith.constant 0 : i32
      %dma_wait3A_392 = tpu.memref_slice %arg7[%dma_wait3A_390, %dma_wait3A_391] : memref<4x128xi32, #tpu.memory_space<vmem>> -> memref<1x128xi32, #tpu.memory_space<vmem>>
      %dma_wait3A_393 = tpu.memref_squeeze %dma_wait3A_392 : memref<1x128xi32, #tpu.memory_space<vmem>> -> memref<128xi32, #tpu.memory_space<vmem>>
      %dma_wait3A_394 = arith.constant 0 : i32
      %dma_wait3A_395 = arith.constant 0 : i32
      %dma_wait3A_396 = tpu.memref_slice %arg2[%dma_wait3A_394, %dma_wait3A_395] : memref<10000x128xf32, #tpu.memory_space<hbm>> -> memref<10000x128xf32, #tpu.memory_space<hbm>>
      tpu.wait_indirect_dma semaphore(%arg11 : memref<!tpu.dma_semaphore, #tpu.memory_space<semaphore_mem>>) src(%dma_wait3A_396 : memref<10000x128xf32, #tpu.memory_space<hbm>>) dst(%arg8 : memref<128x128xf32, #tpu.memory_space<vmem>>)
      %run_scoped3A_397 = arith.constant 1 : i32
      "tpu.region"() ({
        %run_scoped3A_591 = tpu.sem_alloc : memref<!tpu.dma_semaphore, #tpu.memory_space<semaphore_mem>>
        %dma_start3A_592 = arith.constant 0 : i32
        %dma_start3A_593 = tpu.memref_slice %arg7[%run_scoped3A_397, %dma_start3A_592] : memref<4x128xi32, #tpu.memory_space<vmem>> -> memref<1x128xi32, #tpu.memory_space<vmem>>
        %dma_start3A_594 = tpu.memref_squeeze %dma_start3A_593 : memref<1x128xi32, #tpu.memory_space<vmem>> -> memref<128xi32, #tpu.memory_space<vmem>>
        %dma_start3A_595 = arith.constant 0 : i32
        %dma_start3A_596 = arith.constant 0 : i32
        %dma_start3A_597 = tpu.memref_slice %arg10[%dma_start3A_595, %dma_start3A_596] : memref<10112x128xf32, #tpu.memory_space<vmem_shared>> -> memref<10112x128xf32, #tpu.memory_space<vmem_shared>>
        tpu.enqueue_indirect_dma source(%arg8 : memref<128x128xf32, #tpu.memory_space<vmem>>) target(%dma_start3A_597 : memref<10112x128xf32, #tpu.memory_space<vmem_shared>>) offsets(%dma_start3A_594 : memref<128xi32, #tpu.memory_space<vmem>>) semaphore(%run_scoped3A_591 : memref<!tpu.dma_semaphore, #tpu.memory_space<semaphore_mem>>) {add = true}
        %dma_wait3A_598 = arith.constant 0 : i32
        %dma_wait3A_599 = tpu.memref_slice %arg7[%run_scoped3A_397, %dma_wait3A_598] : memref<4x128xi32, #tpu.memory_space<vmem>> -> memref<1x128xi32, #tpu.memory_space<vmem>>
        %dma_wait3A_600 = tpu.memref_squeeze %dma_wait3A_599 : memref<1x128xi32, #tpu.memory_space<vmem>> -> memref<128xi32, #tpu.memory_space<vmem>>
        %dma_wait3A_601 = arith.constant 0 : i32
        %dma_wait3A_602 = arith.constant 0 : i32
        %dma_wait3A_603 = tpu.memref_slice %arg10[%dma_wait3A_601, %dma_wait3A_602] : memref<10112x128xf32, #tpu.memory_space<vmem_shared>> -> memref<10112x128xf32, #tpu.memory_space<vmem_shared>>
        tpu.wait_indirect_dma semaphore(%run_scoped3A_591 : memref<!tpu.dma_semaphore, #tpu.memory_space<semaphore_mem>>) src(%arg8 : memref<128x128xf32, #tpu.memory_space<vmem>>) dst(%dma_wait3A_603 : memref<10112x128xf32, #tpu.memory_space<vmem_shared>>)
        tpu.yield
      }) : () -> ()
      %add3A_398 = arith.constant 2 : i32
      %add3A_399 = arith.addi %add3A_204, %add3A_398 : i32
      %get3A_400 = arith.index_cast %add3A_399 : i32 to index
      %get3A_401 = arith.constant 0 : index
      %get3A_402 = tpu.vector_load %arg6[%get3A_400, %get3A_401] {strides = array<i32>} : memref<79x128xi32, #tpu.memory_space<vmem>>, vector<1x16xi32>,
      %get3A_403 = vector.shape_cast %get3A_402 : vector<1x16xi32> to vector<16xi32>
      %and3A_404 = arith.constant 16383 : i32
      %and3A_405 = vector.broadcast %and3A_404 : i32 to vector<16xi32>
      %and3A_406 = arith.andi %get3A_403, %and3A_405 : vector<16xi32>
      %swap3A_407 = arith.constant 0 : i32
      %swap3A_408 = arith.index_cast %swap3A_407 : i32 to index
      %swap3A_409 = arith.constant 0 : index
      %swap3A_410 = tpu.vector_load %arg7[%swap3A_408, %swap3A_409] {strides = array<i32>} : memref<4x128xi32, #tpu.memory_space<vmem>>, vector<1x16xi32>,
      %swap3A_411 = vector.shape_cast %swap3A_410 : vector<1x16xi32> to vector<16xi32>
      %swap3A_412 = vector.shape_cast %and3A_406 : vector<16xi32> to vector<1x16xi32>
      tpu.vector_store %arg7[%swap3A_408, %swap3A_409], %swap3A_412 {strides = array<i32>} : memref<4x128xi32, #tpu.memory_space<vmem>>, vector<1x16xi32>,
      %shift_right_logical3A_413 = arith.constant 14 : i32
      %shift_right_logical3A_414 = vector.broadcast %shift_right_logical3A_413 : i32 to vector<16xi32>
      %shift_right_logical3A_415 = arith.shrui %get3A_403, %shift_right_logical3A_414 : vector<16xi32>
      %swap3A_416 = arith.constant 1 : i32
      %swap3A_417 = arith.index_cast %swap3A_416 : i32 to index
      %swap3A_418 = arith.constant 0 : index
      %swap3A_419 = tpu.vector_load %arg7[%swap3A_417, %swap3A_418] {strides = array<i32>} : memref<4x128xi32, #tpu.memory_space<vmem>>, vector<1x16xi32>,
      %swap3A_420 = vector.shape_cast %swap3A_419 : vector<1x16xi32> to vector<16xi32>
      %swap3A_421 = vector.shape_cast %shift_right_logical3A_415 : vector<16xi32> to vector<1x16xi32>
      tpu.vector_store %arg7[%swap3A_417, %swap3A_418], %swap3A_421 {strides = array<i32>} : memref<4x128xi32, #tpu.memory_space<vmem>>, vector<1x16xi32>,
      %get3A_422 = arith.index_cast %add3A_399 : i32 to index
      %get3A_423 = arith.constant 16 : index
      %get3A_424 = tpu.vector_load %arg6[%get3A_422, %get3A_423] {strides = array<i32>} : memref<79x128xi32, #tpu.memory_space<vmem>>, vector<1x16xi32>,
      %get3A_425 = vector.shape_cast %get3A_424 : vector<1x16xi32> to vector<16xi32>
      %and3A_426 = arith.constant 16383 : i32
      %and3A_427 = vector.broadcast %and3A_426 : i32 to vector<16xi32>
      %and3A_428 = arith.andi %get3A_425, %and3A_427 : vector<16xi32>
      %swap3A_429 = arith.constant 0 : i32
      %swap3A_430 = arith.index_cast %swap3A_429 : i32 to index
      %swap3A_431 = arith.constant 16 : index
      %swap3A_432 = tpu.vector_load %arg7[%swap3A_430, %swap3A_431] {strides = array<i32>} : memref<4x128xi32, #tpu.memory_space<vmem>>, vector<1x16xi32>,
      %swap3A_433 = vector.shape_cast %swap3A_432 : vector<1x16xi32> to vector<16xi32>
      %swap3A_434 = vector.shape_cast %and3A_428 : vector<16xi32> to vector<1x16xi32>
      tpu.vector_store %arg7[%swap3A_430, %swap3A_431], %swap3A_434 {strides = array<i32>} : memref<4x128xi32, #tpu.memory_space<vmem>>, vector<1x16xi32>,
      %shift_right_logical3A_435 = arith.constant 14 : i32
      %shift_right_logical3A_436 = vector.broadcast %shift_right_logical3A_435 : i32 to vector<16xi32>
      %shift_right_logical3A_437 = arith.shrui %get3A_425, %shift_right_logical3A_436 : vector<16xi32>
      %swap3A_438 = arith.constant 1 : i32
      %swap3A_439 = arith.index_cast %swap3A_438 : i32 to index
      %swap3A_440 = arith.constant 16 : index
      %swap3A_441 = tpu.vector_load %arg7[%swap3A_439, %swap3A_440] {strides = array<i32>} : memref<4x128xi32, #tpu.memory_space<vmem>>, vector<1x16xi32>,
      %swap3A_442 = vector.shape_cast %swap3A_441 : vector<1x16xi32> to vector<16xi32>
      %swap3A_443 = vector.shape_cast %shift_right_logical3A_437 : vector<16xi32> to vector<1x16xi32>
      tpu.vector_store %arg7[%swap3A_439, %swap3A_440], %swap3A_443 {strides = array<i32>} : memref<4x128xi32, #tpu.memory_space<vmem>>, vector<1x16xi32>,
      %get3A_444 = arith.index_cast %add3A_399 : i32 to index
      %get3A_445 = arith.constant 32 : index
      %get3A_446 = tpu.vector_load %arg6[%get3A_444, %get3A_445] {strides = array<i32>} : memref<79x128xi32, #tpu.memory_space<vmem>>, vector<1x16xi32>,
      %get3A_447 = vector.shape_cast %get3A_446 : vector<1x16xi32> to vector<16xi32>
      %and3A_448 = arith.constant 16383 : i32
      %and3A_449 = vector.broadcast %and3A_448 : i32 to vector<16xi32>
      %and3A_450 = arith.andi %get3A_447, %and3A_449 : vector<16xi32>
      %swap3A_451 = arith.constant 0 : i32
      %swap3A_452 = arith.index_cast %swap3A_451 : i32 to index
      %swap3A_453 = arith.constant 32 : index
      %swap3A_454 = tpu.vector_load %arg7[%swap3A_452, %swap3A_453] {strides = array<i32>} : memref<4x128xi32, #tpu.memory_space<vmem>>, vector<1x16xi32>,
      %swap3A_455 = vector.shape_cast %swap3A_454 : vector<1x16xi32> to vector<16xi32>
      %swap3A_456 = vector.shape_cast %and3A_450 : vector<16xi32> to vector<1x16xi32>
      tpu.vector_store %arg7[%swap3A_452, %swap3A_453], %swap3A_456 {strides = array<i32>} : memref<4x128xi32, #tpu.memory_space<vmem>>, vector<1x16xi32>,
      %shift_right_logical3A_457 = arith.constant 14 : i32
      %shift_right_logical3A_458 = vector.broadcast %shift_right_logical3A_457 : i32 to vector<16xi32>
      %shift_right_logical3A_459 = arith.shrui %get3A_447, %shift_right_logical3A_458 : vector<16xi32>
      %swap3A_460 = arith.constant 1 : i32
      %swap3A_461 = arith.index_cast %swap3A_460 : i32 to index
      %swap3A_462 = arith.constant 32 : index
      %swap3A_463 = tpu.vector_load %arg7[%swap3A_461, %swap3A_462] {strides = array<i32>} : memref<4x128xi32, #tpu.memory_space<vmem>>, vector<1x16xi32>,
      %swap3A_464 = vector.shape_cast %swap3A_463 : vector<1x16xi32> to vector<16xi32>
      %swap3A_465 = vector.shape_cast %shift_right_logical3A_459 : vector<16xi32> to vector<1x16xi32>
      tpu.vector_store %arg7[%swap3A_461, %swap3A_462], %swap3A_465 {strides = array<i32>} : memref<4x128xi32, #tpu.memory_space<vmem>>, vector<1x16xi32>,
      %get3A_466 = arith.index_cast %add3A_399 : i32 to index
      %get3A_467 = arith.constant 48 : index
      %get3A_468 = tpu.vector_load %arg6[%get3A_466, %get3A_467] {strides = array<i32>} : memref<79x128xi32, #tpu.memory_space<vmem>>, vector<1x16xi32>,
      %get3A_469 = vector.shape_cast %get3A_468 : vector<1x16xi32> to vector<16xi32>
      %and3A_470 = arith.constant 16383 : i32
      %and3A_471 = vector.broadcast %and3A_470 : i32 to vector<16xi32>
      %and3A_472 = arith.andi %get3A_469, %and3A_471 : vector<16xi32>
      %swap3A_473 = arith.constant 0 : i32
      %swap3A_474 = arith.index_cast %swap3A_473 : i32 to index
      %swap3A_475 = arith.constant 48 : index
      %swap3A_476 = tpu.vector_load %arg7[%swap3A_474, %swap3A_475] {strides = array<i32>} : memref<4x128xi32, #tpu.memory_space<vmem>>, vector<1x16xi32>,
      %swap3A_477 = vector.shape_cast %swap3A_476 : vector<1x16xi32> to vector<16xi32>
      %swap3A_478 = vector.shape_cast %and3A_472 : vector<16xi32> to vector<1x16xi32>
      tpu.vector_store %arg7[%swap3A_474, %swap3A_475], %swap3A_478 {strides = array<i32>} : memref<4x128xi32, #tpu.memory_space<vmem>>, vector<1x16xi32>,
      %shift_right_logical3A_479 = arith.constant 14 : i32
      %shift_right_logical3A_480 = vector.broadcast %shift_right_logical3A_479 : i32 to vector<16xi32>
      %shift_right_logical3A_481 = arith.shrui %get3A_469, %shift_right_logical3A_480 : vector<16xi32>
      %swap3A_482 = arith.constant 1 : i32
      %swap3A_483 = arith.index_cast %swap3A_482 : i32 to index
      %swap3A_484 = arith.constant 48 : index
      %swap3A_485 = tpu.vector_load %arg7[%swap3A_483, %swap3A_484] {strides = array<i32>} : memref<4x128xi32, #tpu.memory_space<vmem>>, vector<1x16xi32>,
      %swap3A_486 = vector.shape_cast %swap3A_485 : vector<1x16xi32> to vector<16xi32>
      %swap3A_487 = vector.shape_cast %shift_right_logical3A_481 : vector<16xi32> to vector<1x16xi32>
      tpu.vector_store %arg7[%swap3A_483, %swap3A_484], %swap3A_487 {strides = array<i32>} : memref<4x128xi32, #tpu.memory_space<vmem>>, vector<1x16xi32>,
      %get3A_488 = arith.index_cast %add3A_399 : i32 to index
      %get3A_489 = arith.constant 64 : index
      %get3A_490 = tpu.vector_load %arg6[%get3A_488, %get3A_489] {strides = array<i32>} : memref<79x128xi32, #tpu.memory_space<vmem>>, vector<1x16xi32>,
      %get3A_491 = vector.shape_cast %get3A_490 : vector<1x16xi32> to vector<16xi32>
      %and3A_492 = arith.constant 16383 : i32
      %and3A_493 = vector.broadcast %and3A_492 : i32 to vector<16xi32>
      %and3A_494 = arith.andi %get3A_491, %and3A_493 : vector<16xi32>
      %swap3A_495 = arith.constant 0 : i32
      %swap3A_496 = arith.index_cast %swap3A_495 : i32 to index
      %swap3A_497 = arith.constant 64 : index
      %swap3A_498 = tpu.vector_load %arg7[%swap3A_496, %swap3A_497] {strides = array<i32>} : memref<4x128xi32, #tpu.memory_space<vmem>>, vector<1x16xi32>,
      %swap3A_499 = vector.shape_cast %swap3A_498 : vector<1x16xi32> to vector<16xi32>
      %swap3A_500 = vector.shape_cast %and3A_494 : vector<16xi32> to vector<1x16xi32>
      tpu.vector_store %arg7[%swap3A_496, %swap3A_497], %swap3A_500 {strides = array<i32>} : memref<4x128xi32, #tpu.memory_space<vmem>>, vector<1x16xi32>,
      %shift_right_logical3A_501 = arith.constant 14 : i32
      %shift_right_logical3A_502 = vector.broadcast %shift_right_logical3A_501 : i32 to vector<16xi32>
      %shift_right_logical3A_503 = arith.shrui %get3A_491, %shift_right_logical3A_502 : vector<16xi32>
      %swap3A_504 = arith.constant 1 : i32
      %swap3A_505 = arith.index_cast %swap3A_504 : i32 to index
      %swap3A_506 = arith.constant 64 : index
      %swap3A_507 = tpu.vector_load %arg7[%swap3A_505, %swap3A_506] {strides = array<i32>} : memref<4x128xi32, #tpu.memory_space<vmem>>, vector<1x16xi32>,
      %swap3A_508 = vector.shape_cast %swap3A_507 : vector<1x16xi32> to vector<16xi32>
      %swap3A_509 = vector.shape_cast %shift_right_logical3A_503 : vector<16xi32> to vector<1x16xi32>
      tpu.vector_store %arg7[%swap3A_505, %swap3A_506], %swap3A_509 {strides = array<i32>} : memref<4x128xi32, #tpu.memory_space<vmem>>, vector<1x16xi32>,
      %get3A_510 = arith.index_cast %add3A_399 : i32 to index
      %get3A_511 = arith.constant 80 : index
      %get3A_512 = tpu.vector_load %arg6[%get3A_510, %get3A_511] {strides = array<i32>} : memref<79x128xi32, #tpu.memory_space<vmem>>, vector<1x16xi32>,
      %get3A_513 = vector.shape_cast %get3A_512 : vector<1x16xi32> to vector<16xi32>
      %and3A_514 = arith.constant 16383 : i32
      %and3A_515 = vector.broadcast %and3A_514 : i32 to vector<16xi32>
      %and3A_516 = arith.andi %get3A_513, %and3A_515 : vector<16xi32>
      %swap3A_517 = arith.constant 0 : i32
      %swap3A_518 = arith.index_cast %swap3A_517 : i32 to index
      %swap3A_519 = arith.constant 80 : index
      %swap3A_520 = tpu.vector_load %arg7[%swap3A_518, %swap3A_519] {strides = array<i32>} : memref<4x128xi32, #tpu.memory_space<vmem>>, vector<1x16xi32>,
      %swap3A_521 = vector.shape_cast %swap3A_520 : vector<1x16xi32> to vector<16xi32>
      %swap3A_522 = vector.shape_cast %and3A_516 : vector<16xi32> to vector<1x16xi32>
      tpu.vector_store %arg7[%swap3A_518, %swap3A_519], %swap3A_522 {strides = array<i32>} : memref<4x128xi32, #tpu.memory_space<vmem>>, vector<1x16xi32>,
      %shift_right_logical3A_523 = arith.constant 14 : i32
      %shift_right_logical3A_524 = vector.broadcast %shift_right_logical3A_523 : i32 to vector<16xi32>
      %shift_right_logical3A_525 = arith.shrui %get3A_513, %shift_right_logical3A_524 : vector<16xi32>
      %swap3A_526 = arith.constant 1 : i32
      %swap3A_527 = arith.index_cast %swap3A_526 : i32 to index
      %swap3A_528 = arith.constant 80 : index
      %swap3A_529 = tpu.vector_load %arg7[%swap3A_527, %swap3A_528] {strides = array<i32>} : memref<4x128xi32, #tpu.memory_space<vmem>>, vector<1x16xi32>,
      %swap3A_530 = vector.shape_cast %swap3A_529 : vector<1x16xi32> to vector<16xi32>
      %swap3A_531 = vector.shape_cast %shift_right_logical3A_525 : vector<16xi32> to vector<1x16xi32>
      tpu.vector_store %arg7[%swap3A_527, %swap3A_528], %swap3A_531 {strides = array<i32>} : memref<4x128xi32, #tpu.memory_space<vmem>>, vector<1x16xi32>,
      %get3A_532 = arith.index_cast %add3A_399 : i32 to index
      %get3A_533 = arith.constant 96 : index
      %get3A_534 = tpu.vector_load %arg6[%get3A_532, %get3A_533] {strides = array<i32>} : memref<79x128xi32, #tpu.memory_space<vmem>>, vector<1x16xi32>,
      %get3A_535 = vector.shape_cast %get3A_534 : vector<1x16xi32> to vector<16xi32>
      %and3A_536 = arith.constant 16383 : i32
      %and3A_537 = vector.broadcast %and3A_536 : i32 to vector<16xi32>
      %and3A_538 = arith.andi %get3A_535, %and3A_537 : vector<16xi32>
      %swap3A_539 = arith.constant 0 : i32
      %swap3A_540 = arith.index_cast %swap3A_539 : i32 to index
      %swap3A_541 = arith.constant 96 : index
      %swap3A_542 = tpu.vector_load %arg7[%swap3A_540, %swap3A_541] {strides = array<i32>} : memref<4x128xi32, #tpu.memory_space<vmem>>, vector<1x16xi32>,
      %swap3A_543 = vector.shape_cast %swap3A_542 : vector<1x16xi32> to vector<16xi32>
      %swap3A_544 = vector.shape_cast %and3A_538 : vector<16xi32> to vector<1x16xi32>
      tpu.vector_store %arg7[%swap3A_540, %swap3A_541], %swap3A_544 {strides = array<i32>} : memref<4x128xi32, #tpu.memory_space<vmem>>, vector<1x16xi32>,
      %shift_right_logical3A_545 = arith.constant 14 : i32
      %shift_right_logical3A_546 = vector.broadcast %shift_right_logical3A_545 : i32 to vector<16xi32>
      %shift_right_logical3A_547 = arith.shrui %get3A_535, %shift_right_logical3A_546 : vector<16xi32>
      %swap3A_548 = arith.constant 1 : i32
      %swap3A_549 = arith.index_cast %swap3A_548 : i32 to index
      %swap3A_550 = arith.constant 96 : index
      %swap3A_551 = tpu.vector_load %arg7[%swap3A_549, %swap3A_550] {strides = array<i32>} : memref<4x128xi32, #tpu.memory_space<vmem>>, vector<1x16xi32>,
      %swap3A_552 = vector.shape_cast %swap3A_551 : vector<1x16xi32> to vector<16xi32>
      %swap3A_553 = vector.shape_cast %shift_right_logical3A_547 : vector<16xi32> to vector<1x16xi32>
      tpu.vector_store %arg7[%swap3A_549, %swap3A_550], %swap3A_553 {strides = array<i32>} : memref<4x128xi32, #tpu.memory_space<vmem>>, vector<1x16xi32>,
      %get3A_554 = arith.index_cast %add3A_399 : i32 to index
      %get3A_555 = arith.constant 112 : index
      %get3A_556 = tpu.vector_load %arg6[%get3A_554, %get3A_555] {strides = array<i32>} : memref<79x128xi32, #tpu.memory_space<vmem>>, vector<1x16xi32>,
      %get3A_557 = vector.shape_cast %get3A_556 : vector<1x16xi32> to vector<16xi32>
      %and3A_558 = arith.constant 16383 : i32
      %and3A_559 = vector.broadcast %and3A_558 : i32 to vector<16xi32>
      %and3A_560 = arith.andi %get3A_557, %and3A_559 : vector<16xi32>
      %swap3A_561 = arith.constant 0 : i32
      %swap3A_562 = arith.index_cast %swap3A_561 : i32 to index
      %swap3A_563 = arith.constant 112 : index
      %swap3A_564 = tpu.vector_load %arg7[%swap3A_562, %swap3A_563] {strides = array<i32>} : memref<4x128xi32, #tpu.memory_space<vmem>>, vector<1x16xi32>,
      %swap3A_565 = vector.shape_cast %swap3A_564 : vector<1x16xi32> to vector<16xi32>
      %swap3A_566 = vector.shape_cast %and3A_560 : vector<16xi32> to vector<1x16xi32>
      tpu.vector_store %arg7[%swap3A_562, %swap3A_563], %swap3A_566 {strides = array<i32>} : memref<4x128xi32, #tpu.memory_space<vmem>>, vector<1x16xi32>,
      %shift_right_logical3A_567 = arith.constant 14 : i32
      %shift_right_logical3A_568 = vector.broadcast %shift_right_logical3A_567 : i32 to vector<16xi32>
      %shift_right_logical3A_569 = arith.shrui %get3A_557, %shift_right_logical3A_568 : vector<16xi32>
      %swap3A_570 = arith.constant 1 : i32
      %swap3A_571 = arith.index_cast %swap3A_570 : i32 to index
      %swap3A_572 = arith.constant 112 : index
      %swap3A_573 = tpu.vector_load %arg7[%swap3A_571, %swap3A_572] {strides = array<i32>} : memref<4x128xi32, #tpu.memory_space<vmem>>, vector<1x16xi32>,
      %swap3A_574 = vector.shape_cast %swap3A_573 : vector<1x16xi32> to vector<16xi32>
      %swap3A_575 = vector.shape_cast %shift_right_logical3A_569 : vector<16xi32> to vector<1x16xi32>
      tpu.vector_store %arg7[%swap3A_571, %swap3A_572], %swap3A_575 {strides = array<i32>} : memref<4x128xi32, #tpu.memory_space<vmem>>, vector<1x16xi32>,
      %dma_start3A_576 = arith.constant 0 : i32
      %dma_start3A_577 = arith.constant 0 : i32
      %dma_start3A_578 = tpu.memref_slice %arg7[%dma_start3A_576, %dma_start3A_577] : memref<4x128xi32, #tpu.memory_space<vmem>> -> memref<1x128xi32, #tpu.memory_space<vmem>>
      %dma_start3A_579 = tpu.memref_squeeze %dma_start3A_578 : memref<1x128xi32, #tpu.memory_space<vmem>> -> memref<128xi32, #tpu.memory_space<vmem>>
      %dma_start3A_580 = arith.constant 0 : i32
      %dma_start3A_581 = arith.constant 0 : i32
      %dma_start3A_582 = tpu.memref_slice %arg2[%dma_start3A_580, %dma_start3A_581] : memref<10000x128xf32, #tpu.memory_space<hbm>> -> memref<10000x128xf32, #tpu.memory_space<hbm>>
      tpu.enqueue_indirect_dma source(%dma_start3A_582 : memref<10000x128xf32, #tpu.memory_space<hbm>>) target(%arg8 : memref<128x128xf32, #tpu.memory_space<vmem>>) offsets(%dma_start3A_579 : memref<128xi32, #tpu.memory_space<vmem>>) semaphore(%arg11 : memref<!tpu.dma_semaphore, #tpu.memory_space<semaphore_mem>>)
      %dma_wait3A_583 = arith.constant 2 : i32
      %dma_wait3A_584 = arith.constant 0 : i32
      %dma_wait3A_585 = tpu.memref_slice %arg7[%dma_wait3A_583, %dma_wait3A_584] : memref<4x128xi32, #tpu.memory_space<vmem>> -> memref<1x128xi32, #tpu.memory_space<vmem>>
      %dma_wait3A_586 = tpu.memref_squeeze %dma_wait3A_585 : memref<1x128xi32, #tpu.memory_space<vmem>> -> memref<128xi32, #tpu.memory_space<vmem>>
      %dma_wait3A_587 = arith.constant 0 : i32
      %dma_wait3A_588 = arith.constant 0 : i32
      %dma_wait3A_589 = tpu.memref_slice %arg2[%dma_wait3A_587, %dma_wait3A_588] : memref<10000x128xf32, #tpu.memory_space<hbm>> -> memref<10000x128xf32, #tpu.memory_space<hbm>>
      tpu.wait_indirect_dma semaphore(%arg12 : memref<!tpu.dma_semaphore, #tpu.memory_space<semaphore_mem>>) src(%dma_wait3A_589 : memref<10000x128xf32, #tpu.memory_space<hbm>>) dst(%arg9 : memref<128x128xf32, #tpu.memory_space<vmem>>)
      %run_scoped3A_590 = arith.constant 3 : i32
      "tpu.region"() ({
        %run_scoped3A_591 = tpu.sem_alloc : memref<!tpu.dma_semaphore, #tpu.memory_space<semaphore_mem>>
        %dma_start3A_592 = arith.constant 0 : i32
        %dma_start3A_593 = tpu.memref_slice %arg7[%run_scoped3A_590, %dma_start3A_592] : memref<4x128xi32, #tpu.memory_space<vmem>> -> memref<1x128xi32, #tpu.memory_space<vmem>>
        %dma_start3A_594 = tpu.memref_squeeze %dma_start3A_593 : memref<1x128xi32, #tpu.memory_space<vmem>> -> memref<128xi32, #tpu.memory_space<vmem>>
        %dma_start3A_595 = arith.constant 0 : i32
        %dma_start3A_596 = arith.constant 0 : i32
        %dma_start3A_597 = tpu.memref_slice %arg10[%dma_start3A_595, %dma_start3A_596] : memref<10112x128xf32, #tpu.memory_space<vmem_shared>> -> memref<10112x128xf32, #tpu.memory_space<vmem_shared>>
        tpu.enqueue_indirect_dma source(%arg9 : memref<128x128xf32, #tpu.memory_space<vmem>>) target(%dma_start3A_597 : memref<10112x128xf32, #tpu.memory_space<vmem_shared>>) offsets(%dma_start3A_594 : memref<128xi32, #tpu.memory_space<vmem>>) semaphore(%run_scoped3A_591 : memref<!tpu.dma_semaphore, #tpu.memory_space<semaphore_mem>>) {add = true}
        %dma_wait3A_598 = arith.constant 0 : i32
        %dma_wait3A_599 = tpu.memref_slice %arg7[%run_scoped3A_590, %dma_wait3A_598] : memref<4x128xi32, #tpu.memory_space<vmem>> -> memref<1x128xi32, #tpu.memory_space<vmem>>
        %dma_wait3A_600 = tpu.memref_squeeze %dma_wait3A_599 : memref<1x128xi32, #tpu.memory_space<vmem>> -> memref<128xi32, #tpu.memory_space<vmem>>
        %dma_wait3A_601 = arith.constant 0 : i32
        %dma_wait3A_602 = arith.constant 0 : i32
        %dma_wait3A_603 = tpu.memref_slice %arg10[%dma_wait3A_601, %dma_wait3A_602] : memref<10112x128xf32, #tpu.memory_space<vmem_shared>> -> memref<10112x128xf32, #tpu.memory_space<vmem_shared>>
        tpu.wait_indirect_dma semaphore(%run_scoped3A_591 : memref<!tpu.dma_semaphore, #tpu.memory_space<semaphore_mem>>) src(%arg9 : memref<128x128xf32, #tpu.memory_space<vmem>>) dst(%dma_wait3A_603 : memref<10112x128xf32, #tpu.memory_space<vmem_shared>>)
        tpu.yield
      }) : () -> ()
    }
    %scan3A_192 = arith.constant 39 : i32
    %dma_wait3A = arith.constant 0 : i32
    %dma_wait3A_193 = arith.constant 0 : i32
    %dma_wait3A_194 = tpu.memref_slice %arg7[%dma_wait3A, %dma_wait3A_193] : memref<4x128xi32, #tpu.memory_space<vmem>> -> memref<1x128xi32, #tpu.memory_space<vmem>>
    %dma_wait3A_195 = tpu.memref_squeeze %dma_wait3A_194 : memref<1x128xi32, #tpu.memory_space<vmem>> -> memref<128xi32, #tpu.memory_space<vmem>>
    %dma_wait3A_196 = arith.constant 0 : i32
    %dma_wait3A_197 = arith.constant 0 : i32
    %dma_wait3A_198 = tpu.memref_slice %arg2[%dma_wait3A_196, %dma_wait3A_197] : memref<10000x128xf32, #tpu.memory_space<hbm>> -> memref<10000x128xf32, #tpu.memory_space<hbm>>
    tpu.wait_indirect_dma semaphore(%arg11 : memref<!tpu.dma_semaphore, #tpu.memory_space<semaphore_mem>>) src(%dma_wait3A_198 : memref<10000x128xf32, #tpu.memory_space<hbm>>) dst(%arg8 : memref<128x128xf32, #tpu.memory_space<vmem>>)
    %run_scoped3A = arith.constant 1 : i32
    "tpu.region"() ({
      %run_scoped3A_200 = tpu.sem_alloc : memref<!tpu.dma_semaphore, #tpu.memory_space<semaphore_mem>>
      %dma_start3A_201 = arith.constant 0 : i32
      %dma_start3A_202 = tpu.memref_slice %arg7[%run_scoped3A, %dma_start3A_201] : memref<4x128xi32, #tpu.memory_space<vmem>> -> memref<1x128xi32, #tpu.memory_space<vmem>>
      %dma_start3A_203 = tpu.memref_squeeze %dma_start3A_202 : memref<1x128xi32, #tpu.memory_space<vmem>> -> memref<128xi32, #tpu.memory_space<vmem>>
      %dma_start3A_204 = arith.constant 0 : i32
      %dma_start3A_205 = arith.constant 0 : i32
      %dma_start3A_206 = tpu.memref_slice %arg10[%dma_start3A_204, %dma_start3A_205] : memref<10112x128xf32, #tpu.memory_space<vmem_shared>> -> memref<10112x128xf32, #tpu.memory_space<vmem_shared>>
      tpu.enqueue_indirect_dma source(%arg8 : memref<128x128xf32, #tpu.memory_space<vmem>>) target(%dma_start3A_206 : memref<10112x128xf32, #tpu.memory_space<vmem_shared>>) offsets(%dma_start3A_203 : memref<128xi32, #tpu.memory_space<vmem>>) semaphore(%run_scoped3A_200 : memref<!tpu.dma_semaphore, #tpu.memory_space<semaphore_mem>>) {add = true}
      %dma_wait3A_207 = arith.constant 0 : i32
      %dma_wait3A_208 = tpu.memref_slice %arg7[%run_scoped3A, %dma_wait3A_207] : memref<4x128xi32, #tpu.memory_space<vmem>> -> memref<1x128xi32, #tpu.memory_space<vmem>>
      %dma_wait3A_209 = tpu.memref_squeeze %dma_wait3A_208 : memref<1x128xi32, #tpu.memory_space<vmem>> -> memref<128xi32, #tpu.memory_space<vmem>>
      %dma_wait3A_210 = arith.constant 0 : i32
      %dma_wait3A_211 = arith.constant 0 : i32
      %dma_wait3A_212 = tpu.memref_slice %arg10[%dma_wait3A_210, %dma_wait3A_211] : memref<10112x128xf32, #tpu.memory_space<vmem_shared>> -> memref<10112x128xf32, #tpu.memory_space<vmem_shared>>
      tpu.wait_indirect_dma semaphore(%run_scoped3A_200 : memref<!tpu.dma_semaphore, #tpu.memory_space<semaphore_mem>>) src(%arg8 : memref<128x128xf32, #tpu.memory_space<vmem>>) dst(%dma_wait3A_212 : memref<10112x128xf32, #tpu.memory_space<vmem_shared>>)
      tpu.yield
    }) : () -> ()
    %barrier3A_199 = arith.constant 0 : index
    tpu.barrier barrier_id(%barrier3A_199)
    "tpu.region"() ({
      %run_scoped3A_200 = tpu.sem_alloc : memref<!tpu.dma_semaphore, #tpu.memory_space<semaphore_mem>>
      %dma_start3A_201 = arith.constant 0 : i32
      %dma_start3A_202 = tpu.memref_slice %arg5[%arg0, %mul3A_2, %dma_start3A_201] : memref<2x10112x128xf32, #tpu.memory_space<hbm>> -> memref<1x632x128xf32, #tpu.memory_space<hbm>>
      %dma_start3A_203 = tpu.memref_squeeze %dma_start3A_202 : memref<1x632x128xf32, #tpu.memory_space<hbm>> -> memref<632x128xf32, #tpu.memory_space<hbm>>
      %dma_start3A_204 = arith.constant 0 : i32
      %dma_start3A_205 = tpu.memref_slice %arg10[%mul3A_2, %dma_start3A_204] : memref<10112x128xf32, #tpu.memory_space<vmem_shared>> -> memref<632x128xf32, #tpu.memory_space<vmem_shared>>
      tpu.enqueue_dma source(%dma_start3A_205 : memref<632x128xf32, #tpu.memory_space<vmem_shared>>) target(%dma_start3A_203 : memref<632x128xf32, #tpu.memory_space<hbm>>) target_semaphore(%run_scoped3A_200 : memref<!tpu.dma_semaphore, #tpu.memory_space<semaphore_mem>>)
      %dma_wait3A_206 = arith.constant 0 : i32
      %dma_wait3A_207 = tpu.memref_slice %arg5[%arg0, %mul3A_2, %dma_wait3A_206] : memref<2x10112x128xf32, #tpu.memory_space<hbm>> -> memref<1x632x128xf32, #tpu.memory_space<hbm>>
      %dma_wait3A_208 = tpu.memref_squeeze %dma_wait3A_207 : memref<1x632x128xf32, #tpu.memory_space<hbm>> -> memref<632x128xf32, #tpu.memory_space<hbm>>
      %dma_wait3A_209 = arith.constant 0 : i32
      %dma_wait3A_210 = tpu.memref_slice %arg10[%mul3A_2, %dma_wait3A_209] : memref<10112x128xf32, #tpu.memory_space<vmem_shared>> -> memref<632x128xf32, #tpu.memory_space<vmem_shared>>
      tpu.wait_dma2 semaphore(%run_scoped3A_200 : memref<!tpu.dma_semaphore, #tpu.memory_space<semaphore_mem>>) src(%dma_wait3A_210 : memref<632x128xf32, #tpu.memory_space<vmem_shared>>) dst(%dma_wait3A_208 : memref<632x128xf32, #tpu.memory_space<hbm>>)
      tpu.yield
    }) : () -> ()
    return
  }
}

#map = affine_map<(d0, d1) -> (0, 0)>
#map1 = affine_map<(d0, d1) -> (0, 0, 0)>
module attributes {stable_mosaic.version = 14 : i64} {
  func.func @mp(%arg0: i32, %arg1: i32, %arg2: memref<10000x128xf32, #tpu.memory_space<hbm>>, %arg3: memref<32x79x128xi32, #tpu.memory_space<hbm>>, %arg4: memref<10112x128xf32, #tpu.memory_space<hbm>>, %arg5: memref<2x10112x128xf32, #tpu.memory_space<hbm>>, %arg6: memref<79x128xi32, #tpu.memory_space<vmem>>, %arg7: memref<4x128xi32, #tpu.memory_space<vmem>>, %arg8: memref<128x128xf32, #tpu.memory_space<vmem>>, %arg9: memref<128x128xf32, #tpu.memory_space<vmem>>, %arg10: memref<10112x128xf32, #tpu.memory_space<vmem_shared>>, %arg11: memref<!tpu.dma_semaphore, #tpu.memory_space<semaphore_mem>>, %arg12: memref<!tpu.dma_semaphore, #tpu.memory_space<semaphore_mem>>) attributes {dimension_semantics = [#tpu.dimension_semantics<core_parallel>, #tpu.dimension_semantics<subcore_parallel>], iteration_bounds = array<i64: 2, 16>, scalar_prefetch = 0 : i64, scratch_operands = 7 : i64, tpu.core_type = #tpu.core_type<sc_vector_subcore>, window_params = [{transform_indices = #map}, {transform_indices = #map1}, {transform_indices = #map}, {transform_indices = #map1}]} {
    %mul3A = arith.constant 16 : i32
    %mul3A_0 = arith.muli %arg0, %mul3A : i32
    %add3A = arith.addi %mul3A_0, %arg1 : i32
    %mul3A_1 = arith.constant 632 : i32
    %mul3A_2 = arith.muli %arg1, %mul3A_1 : i32
    "tpu.region"() ({
      %run_scoped3A_200 = tpu.sem_alloc : memref<!tpu.dma_semaphore, #tpu.memory_space<semaphore_mem>>
      %dma_start3A_201 = arith.constant 0 : i32
      %dma_start3A_202 = tpu.memref_slice %arg10[%mul3A_2, %dma_start3A_201] : memref<10112x128xf32, #tpu.memory_space<vmem_shared>> -> memref<632x128xf32, #tpu.memory_space<vmem_shared>>
      %dma_start3A_203 = arith.constant 0 : i32
      %dma_start3A_204 = tpu.memref_slice %arg4[%mul3A_2, %dma_start3A_203] : memref<10112x128xf32, #tpu.memory_space<hbm>> -> memref<632x128xf32, #tpu.memory_space<hbm>>
      tpu.enqueue_dma source(%dma_start3A_204 : memref<632x128xf32, #tpu.memory_space<hbm>>) target(%dma_start3A_202 : memref<632x128xf32, #tpu.memory_space<vmem_shared>>) target_semaphore(%run_scoped3A_200 : memref<!tpu.dma_semaphore, #tpu.memory_space<semaphore_mem>>)
      %dma_wait3A_205 = arith.constant 0 : i32
      %dma_wait3A_206 = tpu.memref_slice %arg10[%mul3A_2, %dma_wait3A_205] : memref<10112x128xf32, #tpu.memory_space<vmem_shared>> -> memref<632x128xf32, #tpu.memory_space<vmem_shared>>
      %dma_wait3A_207 = arith.constant 0 : i32
      %dma_wait3A_208 = tpu.memref_slice %arg4[%mul3A_2, %dma_wait3A_207] : memref<10112x128xf32, #tpu.memory_space<hbm>> -> memref<632x128xf32, #tpu.memory_space<hbm>>
      tpu.wait_dma2 semaphore(%run_scoped3A_200 : memref<!tpu.dma_semaphore, #tpu.memory_space<semaphore_mem>>) src(%dma_wait3A_208 : memref<632x128xf32, #tpu.memory_space<hbm>>) dst(%dma_wait3A_206 : memref<632x128xf32, #tpu.memory_space<vmem_shared>>)
      tpu.yield
    }) : () -> ()
    "tpu.region"() ({
      %run_scoped3A_200 = tpu.sem_alloc : memref<!tpu.dma_semaphore, #tpu.memory_space<semaphore_mem>>
      %dma_start3A_201 = arith.constant 0 : i32
      %dma_start3A_202 = arith.constant 0 : i32
      %dma_start3A_203 = tpu.memref_slice %arg3[%add3A, %dma_start3A_201, %dma_start3A_202] : memref<32x79x128xi32, #tpu.memory_space<hbm>> -> memref<1x79x128xi32, #tpu.memory_space<hbm>>
      %dma_start3A_204 = tpu.memref_squeeze %dma_start3A_203 : memref<1x79x128xi32, #tpu.memory_space<hbm>> -> memref<79x128xi32, #tpu.memory_space<hbm>>
      %dma_start3A_205 = arith.constant 0 : i32
      %dma_start3A_206 = arith.constant 0 : i32
      %dma_start3A_207 = tpu.memref_slice %arg3[%add3A, %dma_start3A_205, %dma_start3A_206] : memref<32x79x128xi32, #tpu.memory_space<hbm>> -> memref<1x79x128xi32, #tpu.memory_space<hbm>>
      %dma_start3A_208 = tpu.memref_squeeze %dma_start3A_207 : memref<1x79x128xi32, #tpu.memory_space<hbm>> -> memref<79x128xi32, #tpu.memory_space<hbm>>
      tpu.enqueue_dma source(%dma_start3A_208 : memref<79x128xi32, #tpu.memory_space<hbm>>) target(%arg6 : memref<79x128xi32, #tpu.memory_space<vmem>>) target_semaphore(%run_scoped3A_200 : memref<!tpu.dma_semaphore, #tpu.memory_space<semaphore_mem>>)
      %dma_wait3A_209 = arith.constant 0 : i32
      %dma_wait3A_210 = arith.constant 0 : i32
      %dma_wait3A_211 = tpu.memref_slice %arg3[%add3A, %dma_wait3A_209, %dma_wait3A_210] : memref<32x79x128xi32, #tpu.memory_space<hbm>> -> memref<1x79x128xi32, #tpu.memory_space<hbm>>
      %dma_wait3A_212 = tpu.memref_squeeze %dma_wait3A_211 : memref<1x79x128xi32, #tpu.memory_space<hbm>> -> memref<79x128xi32, #tpu.memory_space<hbm>>
      %dma_wait3A_213 = arith.constant 0 : i32
      %dma_wait3A_214 = arith.constant 0 : i32
      %dma_wait3A_215 = tpu.memref_slice %arg3[%add3A, %dma_wait3A_213, %dma_wait3A_214] : memref<32x79x128xi32, #tpu.memory_space<hbm>> -> memref<1x79x128xi32, #tpu.memory_space<hbm>>
      %dma_wait3A_216 = tpu.memref_squeeze %dma_wait3A_215 : memref<1x79x128xi32, #tpu.memory_space<hbm>> -> memref<79x128xi32, #tpu.memory_space<hbm>>
      tpu.wait_dma2 semaphore(%run_scoped3A_200 : memref<!tpu.dma_semaphore, #tpu.memory_space<semaphore_mem>>) src(%dma_wait3A_216 : memref<79x128xi32, #tpu.memory_space<hbm>>) dst(%arg6 : memref<79x128xi32, #tpu.memory_space<vmem>>)
      tpu.yield
    }) : () -> ()
    %barrier3A = arith.constant 0 : index
    tpu.barrier barrier_id(%barrier3A)
    %get3A = arith.constant 0 : i32
    %get3A_3 = arith.index_cast %get3A : i32 to index
    %get3A_4 = arith.constant 0 : index
    %get3A_5 = tpu.vector_load %arg6[%get3A_3, %get3A_4] {strides = array<i32>} : memref<79x128xi32, #tpu.memory_space<vmem>>, vector<1x16xi32>,
    %get3A_6 = vector.shape_cast %get3A_5 : vector<1x16xi32> to vector<16xi32>
    %and3A = arith.constant 16383 : i32
    %and3A_7 = vector.broadcast %and3A : i32 to vector<16xi32>
    %and3A_8 = arith.andi %get3A_6, %and3A_7 : vector<16xi32>
    %swap3A = arith.constant 0 : i32
    %swap3A_9 = arith.index_cast %swap3A : i32 to index
    %swap3A_10 = arith.constant 0 : index
    %swap3A_11 = tpu.vector_load %arg7[%swap3A_9, %swap3A_10] {strides = array<i32>} : memref<4x128xi32, #tpu.memory_space<vmem>>, vector<1x16xi32>,
    %swap3A_12 = vector.shape_cast %swap3A_11 : vector<1x16xi32> to vector<16xi32>
    %swap3A_13 = vector.shape_cast %and3A_8 : vector<16xi32> to vector<1x16xi32>
    tpu.vector_store %arg7[%swap3A_9, %swap3A_10], %swap3A_13 {strides = array<i32>} : memref<4x128xi32, #tpu.memory_space<vmem>>, vector<1x16xi32>,
    %shift_right_logical3A = arith.constant 14 : i32
    %shift_right_logical3A_14 = vector.broadcast %shift_right_logical3A : i32 to vector<16xi32>
    %shift_right_logical3A_15 = arith.shrui %get3A_6, %shift_right_logical3A_14 : vector<16xi32>
    %swap3A_16 = arith.constant 1 : i32
    %swap3A_17 = arith.index_cast %swap3A_16 : i32 to index
    %swap3A_18 = arith.constant 0 : index
    %swap3A_19 = tpu.vector_load %arg7[%swap3A_17, %swap3A_18] {strides = array<i32>} : memref<4x128xi32, #tpu.memory_space<vmem>>, vector<1x16xi32>,
    %swap3A_20 = vector.shape_cast %swap3A_19 : vector<1x16xi32> to vector<16xi32>
    %swap3A_21 = vector.shape_cast %shift_right_logical3A_15 : vector<16xi32> to vector<1x16xi32>
    tpu.vector_store %arg7[%swap3A_17, %swap3A_18], %swap3A_21 {strides = array<i32>} : memref<4x128xi32, #tpu.memory_space<vmem>>, vector<1x16xi32>,
    %get3A_22 = arith.constant 0 : i32
    %get3A_23 = arith.index_cast %get3A_22 : i32 to index
    %get3A_24 = arith.constant 16 : index
    %get3A_25 = tpu.vector_load %arg6[%get3A_23, %get3A_24] {strides = array<i32>} : memref<79x128xi32, #tpu.memory_space<vmem>>, vector<1x16xi32>,
    %get3A_26 = vector.shape_cast %get3A_25 : vector<1x16xi32> to vector<16xi32>
    %and3A_27 = arith.constant 16383 : i32
    %and3A_28 = vector.broadcast %and3A_27 : i32 to vector<16xi32>
    %and3A_29 = arith.andi %get3A_26, %and3A_28 : vector<16xi32>
    %swap3A_30 = arith.constant 0 : i32
    %swap3A_31 = arith.index_cast %swap3A_30 : i32 to index
    %swap3A_32 = arith.constant 16 : index
    %swap3A_33 = tpu.vector_load %arg7[%swap3A_31, %swap3A_32] {strides = array<i32>} : memref<4x128xi32, #tpu.memory_space<vmem>>, vector<1x16xi32>,
    %swap3A_34 = vector.shape_cast %swap3A_33 : vector<1x16xi32> to vector<16xi32>
    %swap3A_35 = vector.shape_cast %and3A_29 : vector<16xi32> to vector<1x16xi32>
    tpu.vector_store %arg7[%swap3A_31, %swap3A_32], %swap3A_35 {strides = array<i32>} : memref<4x128xi32, #tpu.memory_space<vmem>>, vector<1x16xi32>,
    %shift_right_logical3A_36 = arith.constant 14 : i32
    %shift_right_logical3A_37 = vector.broadcast %shift_right_logical3A_36 : i32 to vector<16xi32>
    %shift_right_logical3A_38 = arith.shrui %get3A_26, %shift_right_logical3A_37 : vector<16xi32>
    %swap3A_39 = arith.constant 1 : i32
    %swap3A_40 = arith.index_cast %swap3A_39 : i32 to index
    %swap3A_41 = arith.constant 16 : index
    %swap3A_42 = tpu.vector_load %arg7[%swap3A_40, %swap3A_41] {strides = array<i32>} : memref<4x128xi32, #tpu.memory_space<vmem>>, vector<1x16xi32>,
    %swap3A_43 = vector.shape_cast %swap3A_42 : vector<1x16xi32> to vector<16xi32>
    %swap3A_44 = vector.shape_cast %shift_right_logical3A_38 : vector<16xi32> to vector<1x16xi32>
    tpu.vector_store %arg7[%swap3A_40, %swap3A_41], %swap3A_44 {strides = array<i32>} : memref<4x128xi32, #tpu.memory_space<vmem>>, vector<1x16xi32>,
    %get3A_45 = arith.constant 0 : i32
    %get3A_46 = arith.index_cast %get3A_45 : i32 to index
    %get3A_47 = arith.constant 32 : index
    %get3A_48 = tpu.vector_load %arg6[%get3A_46, %get3A_47] {strides = array<i32>} : memref<79x128xi32, #tpu.memory_space<vmem>>, vector<1x16xi32>,
    %get3A_49 = vector.shape_cast %get3A_48 : vector<1x16xi32> to vector<16xi32>
    %and3A_50 = arith.constant 16383 : i32
    %and3A_51 = vector.broadcast %and3A_50 : i32 to vector<16xi32>
    %and3A_52 = arith.andi %get3A_49, %and3A_51 : vector<16xi32>
    %swap3A_53 = arith.constant 0 : i32
    %swap3A_54 = arith.index_cast %swap3A_53 : i32 to index
    %swap3A_55 = arith.constant 32 : index
    %swap3A_56 = tpu.vector_load %arg7[%swap3A_54, %swap3A_55] {strides = array<i32>} : memref<4x128xi32, #tpu.memory_space<vmem>>, vector<1x16xi32>,
    %swap3A_57 = vector.shape_cast %swap3A_56 : vector<1x16xi32> to vector<16xi32>
    %swap3A_58 = vector.shape_cast %and3A_52 : vector<16xi32> to vector<1x16xi32>
    tpu.vector_store %arg7[%swap3A_54, %swap3A_55], %swap3A_58 {strides = array<i32>} : memref<4x128xi32, #tpu.memory_space<vmem>>, vector<1x16xi32>,
    %shift_right_logical3A_59 = arith.constant 14 : i32
    %shift_right_logical3A_60 = vector.broadcast %shift_right_logical3A_59 : i32 to vector<16xi32>
    %shift_right_logical3A_61 = arith.shrui %get3A_49, %shift_right_logical3A_60 : vector<16xi32>
    %swap3A_62 = arith.constant 1 : i32
    %swap3A_63 = arith.index_cast %swap3A_62 : i32 to index
    %swap3A_64 = arith.constant 32 : index
    %swap3A_65 = tpu.vector_load %arg7[%swap3A_63, %swap3A_64] {strides = array<i32>} : memref<4x128xi32, #tpu.memory_space<vmem>>, vector<1x16xi32>,
    %swap3A_66 = vector.shape_cast %swap3A_65 : vector<1x16xi32> to vector<16xi32>
    %swap3A_67 = vector.shape_cast %shift_right_logical3A_61 : vector<16xi32> to vector<1x16xi32>
    tpu.vector_store %arg7[%swap3A_63, %swap3A_64], %swap3A_67 {strides = array<i32>} : memref<4x128xi32, #tpu.memory_space<vmem>>, vector<1x16xi32>,
    %get3A_68 = arith.constant 0 : i32
    %get3A_69 = arith.index_cast %get3A_68 : i32 to index
    %get3A_70 = arith.constant 48 : index
    %get3A_71 = tpu.vector_load %arg6[%get3A_69, %get3A_70] {strides = array<i32>} : memref<79x128xi32, #tpu.memory_space<vmem>>, vector<1x16xi32>,
    %get3A_72 = vector.shape_cast %get3A_71 : vector<1x16xi32> to vector<16xi32>
    %and3A_73 = arith.constant 16383 : i32
    %and3A_74 = vector.broadcast %and3A_73 : i32 to vector<16xi32>
    %and3A_75 = arith.andi %get3A_72, %and3A_74 : vector<16xi32>
    %swap3A_76 = arith.constant 0 : i32
    %swap3A_77 = arith.index_cast %swap3A_76 : i32 to index
    %swap3A_78 = arith.constant 48 : index
    %swap3A_79 = tpu.vector_load %arg7[%swap3A_77, %swap3A_78] {strides = array<i32>} : memref<4x128xi32, #tpu.memory_space<vmem>>, vector<1x16xi32>,
    %swap3A_80 = vector.shape_cast %swap3A_79 : vector<1x16xi32> to vector<16xi32>
    %swap3A_81 = vector.shape_cast %and3A_75 : vector<16xi32> to vector<1x16xi32>
    tpu.vector_store %arg7[%swap3A_77, %swap3A_78], %swap3A_81 {strides = array<i32>} : memref<4x128xi32, #tpu.memory_space<vmem>>, vector<1x16xi32>,
    %shift_right_logical3A_82 = arith.constant 14 : i32
    %shift_right_logical3A_83 = vector.broadcast %shift_right_logical3A_82 : i32 to vector<16xi32>
    %shift_right_logical3A_84 = arith.shrui %get3A_72, %shift_right_logical3A_83 : vector<16xi32>
    %swap3A_85 = arith.constant 1 : i32
    %swap3A_86 = arith.index_cast %swap3A_85 : i32 to index
    %swap3A_87 = arith.constant 48 : index
    %swap3A_88 = tpu.vector_load %arg7[%swap3A_86, %swap3A_87] {strides = array<i32>} : memref<4x128xi32, #tpu.memory_space<vmem>>, vector<1x16xi32>,
    %swap3A_89 = vector.shape_cast %swap3A_88 : vector<1x16xi32> to vector<16xi32>
    %swap3A_90 = vector.shape_cast %shift_right_logical3A_84 : vector<16xi32> to vector<1x16xi32>
    tpu.vector_store %arg7[%swap3A_86, %swap3A_87], %swap3A_90 {strides = array<i32>} : memref<4x128xi32, #tpu.memory_space<vmem>>, vector<1x16xi32>,
    %get3A_91 = arith.constant 0 : i32
    %get3A_92 = arith.index_cast %get3A_91 : i32 to index
    %get3A_93 = arith.constant 64 : index
    %get3A_94 = tpu.vector_load %arg6[%get3A_92, %get3A_93] {strides = array<i32>} : memref<79x128xi32, #tpu.memory_space<vmem>>, vector<1x16xi32>,
    %get3A_95 = vector.shape_cast %get3A_94 : vector<1x16xi32> to vector<16xi32>
    %and3A_96 = arith.constant 16383 : i32
    %and3A_97 = vector.broadcast %and3A_96 : i32 to vector<16xi32>
    %and3A_98 = arith.andi %get3A_95, %and3A_97 : vector<16xi32>
    %swap3A_99 = arith.constant 0 : i32
    %swap3A_100 = arith.index_cast %swap3A_99 : i32 to index
    %swap3A_101 = arith.constant 64 : index
    %swap3A_102 = tpu.vector_load %arg7[%swap3A_100, %swap3A_101] {strides = array<i32>} : memref<4x128xi32, #tpu.memory_space<vmem>>, vector<1x16xi32>,
    %swap3A_103 = vector.shape_cast %swap3A_102 : vector<1x16xi32> to vector<16xi32>
    %swap3A_104 = vector.shape_cast %and3A_98 : vector<16xi32> to vector<1x16xi32>
    tpu.vector_store %arg7[%swap3A_100, %swap3A_101], %swap3A_104 {strides = array<i32>} : memref<4x128xi32, #tpu.memory_space<vmem>>, vector<1x16xi32>,
    %shift_right_logical3A_105 = arith.constant 14 : i32
    %shift_right_logical3A_106 = vector.broadcast %shift_right_logical3A_105 : i32 to vector<16xi32>
    %shift_right_logical3A_107 = arith.shrui %get3A_95, %shift_right_logical3A_106 : vector<16xi32>
    %swap3A_108 = arith.constant 1 : i32
    %swap3A_109 = arith.index_cast %swap3A_108 : i32 to index
    %swap3A_110 = arith.constant 64 : index
    %swap3A_111 = tpu.vector_load %arg7[%swap3A_109, %swap3A_110] {strides = array<i32>} : memref<4x128xi32, #tpu.memory_space<vmem>>, vector<1x16xi32>,
    %swap3A_112 = vector.shape_cast %swap3A_111 : vector<1x16xi32> to vector<16xi32>
    %swap3A_113 = vector.shape_cast %shift_right_logical3A_107 : vector<16xi32> to vector<1x16xi32>
    tpu.vector_store %arg7[%swap3A_109, %swap3A_110], %swap3A_113 {strides = array<i32>} : memref<4x128xi32, #tpu.memory_space<vmem>>, vector<1x16xi32>,
    %get3A_114 = arith.constant 0 : i32
    %get3A_115 = arith.index_cast %get3A_114 : i32 to index
    %get3A_116 = arith.constant 80 : index
    %get3A_117 = tpu.vector_load %arg6[%get3A_115, %get3A_116] {strides = array<i32>} : memref<79x128xi32, #tpu.memory_space<vmem>>, vector<1x16xi32>,
    %get3A_118 = vector.shape_cast %get3A_117 : vector<1x16xi32> to vector<16xi32>
    %and3A_119 = arith.constant 16383 : i32
    %and3A_120 = vector.broadcast %and3A_119 : i32 to vector<16xi32>
    %and3A_121 = arith.andi %get3A_118, %and3A_120 : vector<16xi32>
    %swap3A_122 = arith.constant 0 : i32
    %swap3A_123 = arith.index_cast %swap3A_122 : i32 to index
    %swap3A_124 = arith.constant 80 : index
    %swap3A_125 = tpu.vector_load %arg7[%swap3A_123, %swap3A_124] {strides = array<i32>} : memref<4x128xi32, #tpu.memory_space<vmem>>, vector<1x16xi32>,
    %swap3A_126 = vector.shape_cast %swap3A_125 : vector<1x16xi32> to vector<16xi32>
    %swap3A_127 = vector.shape_cast %and3A_121 : vector<16xi32> to vector<1x16xi32>
    tpu.vector_store %arg7[%swap3A_123, %swap3A_124], %swap3A_127 {strides = array<i32>} : memref<4x128xi32, #tpu.memory_space<vmem>>, vector<1x16xi32>,
    %shift_right_logical3A_128 = arith.constant 14 : i32
    %shift_right_logical3A_129 = vector.broadcast %shift_right_logical3A_128 : i32 to vector<16xi32>
    %shift_right_logical3A_130 = arith.shrui %get3A_118, %shift_right_logical3A_129 : vector<16xi32>
    %swap3A_131 = arith.constant 1 : i32
    %swap3A_132 = arith.index_cast %swap3A_131 : i32 to index
    %swap3A_133 = arith.constant 80 : index
    %swap3A_134 = tpu.vector_load %arg7[%swap3A_132, %swap3A_133] {strides = array<i32>} : memref<4x128xi32, #tpu.memory_space<vmem>>, vector<1x16xi32>,
    %swap3A_135 = vector.shape_cast %swap3A_134 : vector<1x16xi32> to vector<16xi32>
    %swap3A_136 = vector.shape_cast %shift_right_logical3A_130 : vector<16xi32> to vector<1x16xi32>
    tpu.vector_store %arg7[%swap3A_132, %swap3A_133], %swap3A_136 {strides = array<i32>} : memref<4x128xi32, #tpu.memory_space<vmem>>, vector<1x16xi32>,
    %get3A_137 = arith.constant 0 : i32
    %get3A_138 = arith.index_cast %get3A_137 : i32 to index
    %get3A_139 = arith.constant 96 : index
    %get3A_140 = tpu.vector_load %arg6[%get3A_138, %get3A_139] {strides = array<i32>} : memref<79x128xi32, #tpu.memory_space<vmem>>, vector<1x16xi32>,
    %get3A_141 = vector.shape_cast %get3A_140 : vector<1x16xi32> to vector<16xi32>
    %and3A_142 = arith.constant 16383 : i32
    %and3A_143 = vector.broadcast %and3A_142 : i32 to vector<16xi32>
    %and3A_144 = arith.andi %get3A_141, %and3A_143 : vector<16xi32>
    %swap3A_145 = arith.constant 0 : i32
    %swap3A_146 = arith.index_cast %swap3A_145 : i32 to index
    %swap3A_147 = arith.constant 96 : index
    %swap3A_148 = tpu.vector_load %arg7[%swap3A_146, %swap3A_147] {strides = array<i32>} : memref<4x128xi32, #tpu.memory_space<vmem>>, vector<1x16xi32>,
    %swap3A_149 = vector.shape_cast %swap3A_148 : vector<1x16xi32> to vector<16xi32>
    %swap3A_150 = vector.shape_cast %and3A_144 : vector<16xi32> to vector<1x16xi32>
    tpu.vector_store %arg7[%swap3A_146, %swap3A_147], %swap3A_150 {strides = array<i32>} : memref<4x128xi32, #tpu.memory_space<vmem>>, vector<1x16xi32>,
    %shift_right_logical3A_151 = arith.constant 14 : i32
    %shift_right_logical3A_152 = vector.broadcast %shift_right_logical3A_151 : i32 to vector<16xi32>
    %shift_right_logical3A_153 = arith.shrui %get3A_141, %shift_right_logical3A_152 : vector<16xi32>
    %swap3A_154 = arith.constant 1 : i32
    %swap3A_155 = arith.index_cast %swap3A_154 : i32 to index
    %swap3A_156 = arith.constant 96 : index
    %swap3A_157 = tpu.vector_load %arg7[%swap3A_155, %swap3A_156] {strides = array<i32>} : memref<4x128xi32, #tpu.memory_space<vmem>>, vector<1x16xi32>,
    %swap3A_158 = vector.shape_cast %swap3A_157 : vector<1x16xi32> to vector<16xi32>
    %swap3A_159 = vector.shape_cast %shift_right_logical3A_153 : vector<16xi32> to vector<1x16xi32>
    tpu.vector_store %arg7[%swap3A_155, %swap3A_156], %swap3A_159 {strides = array<i32>} : memref<4x128xi32, #tpu.memory_space<vmem>>, vector<1x16xi32>,
    %get3A_160 = arith.constant 0 : i32
    %get3A_161 = arith.index_cast %get3A_160 : i32 to index
    %get3A_162 = arith.constant 112 : index
    %get3A_163 = tpu.vector_load %arg6[%get3A_161, %get3A_162] {strides = array<i32>} : memref<79x128xi32, #tpu.memory_space<vmem>>, vector<1x16xi32>,
    %get3A_164 = vector.shape_cast %get3A_163 : vector<1x16xi32> to vector<16xi32>
    %and3A_165 = arith.constant 16383 : i32
    %and3A_166 = vector.broadcast %and3A_165 : i32 to vector<16xi32>
    %and3A_167 = arith.andi %get3A_164, %and3A_166 : vector<16xi32>
    %swap3A_168 = arith.constant 0 : i32
    %swap3A_169 = arith.index_cast %swap3A_168 : i32 to index
    %swap3A_170 = arith.constant 112 : index
    %swap3A_171 = tpu.vector_load %arg7[%swap3A_169, %swap3A_170] {strides = array<i32>} : memref<4x128xi32, #tpu.memory_space<vmem>>, vector<1x16xi32>,
    %swap3A_172 = vector.shape_cast %swap3A_171 : vector<1x16xi32> to vector<16xi32>
    %swap3A_173 = vector.shape_cast %and3A_167 : vector<16xi32> to vector<1x16xi32>
    tpu.vector_store %arg7[%swap3A_169, %swap3A_170], %swap3A_173 {strides = array<i32>} : memref<4x128xi32, #tpu.memory_space<vmem>>, vector<1x16xi32>,
    %shift_right_logical3A_174 = arith.constant 14 : i32
    %shift_right_logical3A_175 = vector.broadcast %shift_right_logical3A_174 : i32 to vector<16xi32>
    %shift_right_logical3A_176 = arith.shrui %get3A_164, %shift_right_logical3A_175 : vector<16xi32>
    %swap3A_177 = arith.constant 1 : i32
    %swap3A_178 = arith.index_cast %swap3A_177 : i32 to index
    %swap3A_179 = arith.constant 112 : index
    %swap3A_180 = tpu.vector_load %arg7[%swap3A_178, %swap3A_179] {strides = array<i32>} : memref<4x128xi32, #tpu.memory_space<vmem>>, vector<1x16xi32>,
    %swap3A_181 = vector.shape_cast %swap3A_180 : vector<1x16xi32> to vector<16xi32>
    %swap3A_182 = vector.shape_cast %shift_right_logical3A_176 : vector<16xi32> to vector<1x16xi32>
    tpu.vector_store %arg7[%swap3A_178, %swap3A_179], %swap3A_182 {strides = array<i32>} : memref<4x128xi32, #tpu.memory_space<vmem>>, vector<1x16xi32>,
    %dma_start3A = arith.constant 0 : i32
    %dma_start3A_183 = arith.constant 0 : i32
    %dma_start3A_184 = tpu.memref_slice %arg7[%dma_start3A, %dma_start3A_183] : memref<4x128xi32, #tpu.memory_space<vmem>> -> memref<1x128xi32, #tpu.memory_space<vmem>>
    %dma_start3A_185 = tpu.memref_squeeze %dma_start3A_184 : memref<1x128xi32, #tpu.memory_space<vmem>> -> memref<128xi32, #tpu.memory_space<vmem>>
    %dma_start3A_186 = arith.constant 0 : i32
    %dma_start3A_187 = arith.constant 0 : i32
    %dma_start3A_188 = tpu.memref_slice %arg2[%dma_start3A_186, %dma_start3A_187] : memref<10000x128xf32, #tpu.memory_space<hbm>> -> memref<10000x128xf32, #tpu.memory_space<hbm>>
    tpu.enqueue_indirect_dma source(%dma_start3A_188 : memref<10000x128xf32, #tpu.memory_space<hbm>>) target(%arg8 : memref<128x128xf32, #tpu.memory_space<vmem>>) offsets(%dma_start3A_185 : memref<128xi32, #tpu.memory_space<vmem>>) semaphore(%arg11 : memref<!tpu.dma_semaphore, #tpu.memory_space<semaphore_mem>>)
    %scan3A = arith.constant 0 : i32
    %scan3A_189 = arith.constant 39 : i32
    %scan3A_190 = arith.addi %scan3A, %scan3A_189 : i32
    %scan3A_191 = arith.constant 1 : i32
    scf.for %scan3A_200 = %scan3A to %scan3A_190 step %scan3A_191  : i32 {
      %mul3A_201 = arith.constant 2 : i32
      %mul3A_202 = arith.muli %scan3A_200, %mul3A_201 : i32
      %add3A_203 = arith.constant 0 : i32
      %add3A_204 = arith.addi %add3A_203, %mul3A_202 : i32
      %add3A_205 = arith.constant 1 : i32
      %add3A_206 = arith.addi %add3A_204, %add3A_205 : i32
      %get3A_207 = arith.index_cast %add3A_206 : i32 to index
      %get3A_208 = arith.constant 0 : index
      %get3A_209 = tpu.vector_load %arg6[%get3A_207, %get3A_208] {strides = array<i32>} : memref<79x128xi32, #tpu.memory_space<vmem>>, vector<1x16xi32>,
      %get3A_210 = vector.shape_cast %get3A_209 : vector<1x16xi32> to vector<16xi32>
      %and3A_211 = arith.constant 16383 : i32
      %and3A_212 = vector.broadcast %and3A_211 : i32 to vector<16xi32>
      %and3A_213 = arith.andi %get3A_210, %and3A_212 : vector<16xi32>
      %swap3A_214 = arith.constant 2 : i32
      %swap3A_215 = arith.index_cast %swap3A_214 : i32 to index
      %swap3A_216 = arith.constant 0 : index
      %swap3A_217 = tpu.vector_load %arg7[%swap3A_215, %swap3A_216] {strides = array<i32>} : memref<4x128xi32, #tpu.memory_space<vmem>>, vector<1x16xi32>,
      %swap3A_218 = vector.shape_cast %swap3A_217 : vector<1x16xi32> to vector<16xi32>
      %swap3A_219 = vector.shape_cast %and3A_213 : vector<16xi32> to vector<1x16xi32>
      tpu.vector_store %arg7[%swap3A_215, %swap3A_216], %swap3A_219 {strides = array<i32>} : memref<4x128xi32, #tpu.memory_space<vmem>>, vector<1x16xi32>,
      %shift_right_logical3A_220 = arith.constant 14 : i32
      %shift_right_logical3A_221 = vector.broadcast %shift_right_logical3A_220 : i32 to vector<16xi32>
      %shift_right_logical3A_222 = arith.shrui %get3A_210, %shift_right_logical3A_221 : vector<16xi32>
      %swap3A_223 = arith.constant 3 : i32
      %swap3A_224 = arith.index_cast %swap3A_223 : i32 to index
      %swap3A_225 = arith.constant 0 : index
      %swap3A_226 = tpu.vector_load %arg7[%swap3A_224, %swap3A_225] {strides = array<i32>} : memref<4x128xi32, #tpu.memory_space<vmem>>, vector<1x16xi32>,
      %swap3A_227 = vector.shape_cast %swap3A_226 : vector<1x16xi32> to vector<16xi32>
      %swap3A_228 = vector.shape_cast %shift_right_logical3A_222 : vector<16xi32> to vector<1x16xi32>
      tpu.vector_store %arg7[%swap3A_224, %swap3A_225], %swap3A_228 {strides = array<i32>} : memref<4x128xi32, #tpu.memory_space<vmem>>, vector<1x16xi32>,
      %get3A_229 = arith.index_cast %add3A_206 : i32 to index
      %get3A_230 = arith.constant 16 : index
      %get3A_231 = tpu.vector_load %arg6[%get3A_229, %get3A_230] {strides = array<i32>} : memref<79x128xi32, #tpu.memory_space<vmem>>, vector<1x16xi32>,
      %get3A_232 = vector.shape_cast %get3A_231 : vector<1x16xi32> to vector<16xi32>
      %and3A_233 = arith.constant 16383 : i32
      %and3A_234 = vector.broadcast %and3A_233 : i32 to vector<16xi32>
      %and3A_235 = arith.andi %get3A_232, %and3A_234 : vector<16xi32>
      %swap3A_236 = arith.constant 2 : i32
      %swap3A_237 = arith.index_cast %swap3A_236 : i32 to index
      %swap3A_238 = arith.constant 16 : index
      %swap3A_239 = tpu.vector_load %arg7[%swap3A_237, %swap3A_238] {strides = array<i32>} : memref<4x128xi32, #tpu.memory_space<vmem>>, vector<1x16xi32>,
      %swap3A_240 = vector.shape_cast %swap3A_239 : vector<1x16xi32> to vector<16xi32>
      %swap3A_241 = vector.shape_cast %and3A_235 : vector<16xi32> to vector<1x16xi32>
      tpu.vector_store %arg7[%swap3A_237, %swap3A_238], %swap3A_241 {strides = array<i32>} : memref<4x128xi32, #tpu.memory_space<vmem>>, vector<1x16xi32>,
      %shift_right_logical3A_242 = arith.constant 14 : i32
      %shift_right_logical3A_243 = vector.broadcast %shift_right_logical3A_242 : i32 to vector<16xi32>
      %shift_right_logical3A_244 = arith.shrui %get3A_232, %shift_right_logical3A_243 : vector<16xi32>
      %swap3A_245 = arith.constant 3 : i32
      %swap3A_246 = arith.index_cast %swap3A_245 : i32 to index
      %swap3A_247 = arith.constant 16 : index
      %swap3A_248 = tpu.vector_load %arg7[%swap3A_246, %swap3A_247] {strides = array<i32>} : memref<4x128xi32, #tpu.memory_space<vmem>>, vector<1x16xi32>,
      %swap3A_249 = vector.shape_cast %swap3A_248 : vector<1x16xi32> to vector<16xi32>
      %swap3A_250 = vector.shape_cast %shift_right_logical3A_244 : vector<16xi32> to vector<1x16xi32>
      tpu.vector_store %arg7[%swap3A_246, %swap3A_247], %swap3A_250 {strides = array<i32>} : memref<4x128xi32, #tpu.memory_space<vmem>>, vector<1x16xi32>,
      %get3A_251 = arith.index_cast %add3A_206 : i32 to index
      %get3A_252 = arith.constant 32 : index
      %get3A_253 = tpu.vector_load %arg6[%get3A_251, %get3A_252] {strides = array<i32>} : memref<79x128xi32, #tpu.memory_space<vmem>>, vector<1x16xi32>,
      %get3A_254 = vector.shape_cast %get3A_253 : vector<1x16xi32> to vector<16xi32>
      %and3A_255 = arith.constant 16383 : i32
      %and3A_256 = vector.broadcast %and3A_255 : i32 to vector<16xi32>
      %and3A_257 = arith.andi %get3A_254, %and3A_256 : vector<16xi32>
      %swap3A_258 = arith.constant 2 : i32
      %swap3A_259 = arith.index_cast %swap3A_258 : i32 to index
      %swap3A_260 = arith.constant 32 : index
      %swap3A_261 = tpu.vector_load %arg7[%swap3A_259, %swap3A_260] {strides = array<i32>} : memref<4x128xi32, #tpu.memory_space<vmem>>, vector<1x16xi32>,
      %swap3A_262 = vector.shape_cast %swap3A_261 : vector<1x16xi32> to vector<16xi32>
      %swap3A_263 = vector.shape_cast %and3A_257 : vector<16xi32> to vector<1x16xi32>
      tpu.vector_store %arg7[%swap3A_259, %swap3A_260], %swap3A_263 {strides = array<i32>} : memref<4x128xi32, #tpu.memory_space<vmem>>, vector<1x16xi32>,
      %shift_right_logical3A_264 = arith.constant 14 : i32
      %shift_right_logical3A_265 = vector.broadcast %shift_right_logical3A_264 : i32 to vector<16xi32>
      %shift_right_logical3A_266 = arith.shrui %get3A_254, %shift_right_logical3A_265 : vector<16xi32>
      %swap3A_267 = arith.constant 3 : i32
      %swap3A_268 = arith.index_cast %swap3A_267 : i32 to index
      %swap3A_269 = arith.constant 32 : index
      %swap3A_270 = tpu.vector_load %arg7[%swap3A_268, %swap3A_269] {strides = array<i32>} : memref<4x128xi32, #tpu.memory_space<vmem>>, vector<1x16xi32>,
      %swap3A_271 = vector.shape_cast %swap3A_270 : vector<1x16xi32> to vector<16xi32>
      %swap3A_272 = vector.shape_cast %shift_right_logical3A_266 : vector<16xi32> to vector<1x16xi32>
      tpu.vector_store %arg7[%swap3A_268, %swap3A_269], %swap3A_272 {strides = array<i32>} : memref<4x128xi32, #tpu.memory_space<vmem>>, vector<1x16xi32>,
      %get3A_273 = arith.index_cast %add3A_206 : i32 to index
      %get3A_274 = arith.constant 48 : index
      %get3A_275 = tpu.vector_load %arg6[%get3A_273, %get3A_274] {strides = array<i32>} : memref<79x128xi32, #tpu.memory_space<vmem>>, vector<1x16xi32>,
      %get3A_276 = vector.shape_cast %get3A_275 : vector<1x16xi32> to vector<16xi32>
      %and3A_277 = arith.constant 16383 : i32
      %and3A_278 = vector.broadcast %and3A_277 : i32 to vector<16xi32>
      %and3A_279 = arith.andi %get3A_276, %and3A_278 : vector<16xi32>
      %swap3A_280 = arith.constant 2 : i32
      %swap3A_281 = arith.index_cast %swap3A_280 : i32 to index
      %swap3A_282 = arith.constant 48 : index
      %swap3A_283 = tpu.vector_load %arg7[%swap3A_281, %swap3A_282] {strides = array<i32>} : memref<4x128xi32, #tpu.memory_space<vmem>>, vector<1x16xi32>,
      %swap3A_284 = vector.shape_cast %swap3A_283 : vector<1x16xi32> to vector<16xi32>
      %swap3A_285 = vector.shape_cast %and3A_279 : vector<16xi32> to vector<1x16xi32>
      tpu.vector_store %arg7[%swap3A_281, %swap3A_282], %swap3A_285 {strides = array<i32>} : memref<4x128xi32, #tpu.memory_space<vmem>>, vector<1x16xi32>,
      %shift_right_logical3A_286 = arith.constant 14 : i32
      %shift_right_logical3A_287 = vector.broadcast %shift_right_logical3A_286 : i32 to vector<16xi32>
      %shift_right_logical3A_288 = arith.shrui %get3A_276, %shift_right_logical3A_287 : vector<16xi32>
      %swap3A_289 = arith.constant 3 : i32
      %swap3A_290 = arith.index_cast %swap3A_289 : i32 to index
      %swap3A_291 = arith.constant 48 : index
      %swap3A_292 = tpu.vector_load %arg7[%swap3A_290, %swap3A_291] {strides = array<i32>} : memref<4x128xi32, #tpu.memory_space<vmem>>, vector<1x16xi32>,
      %swap3A_293 = vector.shape_cast %swap3A_292 : vector<1x16xi32> to vector<16xi32>
      %swap3A_294 = vector.shape_cast %shift_right_logical3A_288 : vector<16xi32> to vector<1x16xi32>
      tpu.vector_store %arg7[%swap3A_290, %swap3A_291], %swap3A_294 {strides = array<i32>} : memref<4x128xi32, #tpu.memory_space<vmem>>, vector<1x16xi32>,
      %get3A_295 = arith.index_cast %add3A_206 : i32 to index
      %get3A_296 = arith.constant 64 : index
      %get3A_297 = tpu.vector_load %arg6[%get3A_295, %get3A_296] {strides = array<i32>} : memref<79x128xi32, #tpu.memory_space<vmem>>, vector<1x16xi32>,
      %get3A_298 = vector.shape_cast %get3A_297 : vector<1x16xi32> to vector<16xi32>
      %and3A_299 = arith.constant 16383 : i32
      %and3A_300 = vector.broadcast %and3A_299 : i32 to vector<16xi32>
      %and3A_301 = arith.andi %get3A_298, %and3A_300 : vector<16xi32>
      %swap3A_302 = arith.constant 2 : i32
      %swap3A_303 = arith.index_cast %swap3A_302 : i32 to index
      %swap3A_304 = arith.constant 64 : index
      %swap3A_305 = tpu.vector_load %arg7[%swap3A_303, %swap3A_304] {strides = array<i32>} : memref<4x128xi32, #tpu.memory_space<vmem>>, vector<1x16xi32>,
      %swap3A_306 = vector.shape_cast %swap3A_305 : vector<1x16xi32> to vector<16xi32>
      %swap3A_307 = vector.shape_cast %and3A_301 : vector<16xi32> to vector<1x16xi32>
      tpu.vector_store %arg7[%swap3A_303, %swap3A_304], %swap3A_307 {strides = array<i32>} : memref<4x128xi32, #tpu.memory_space<vmem>>, vector<1x16xi32>,
      %shift_right_logical3A_308 = arith.constant 14 : i32
      %shift_right_logical3A_309 = vector.broadcast %shift_right_logical3A_308 : i32 to vector<16xi32>
      %shift_right_logical3A_310 = arith.shrui %get3A_298, %shift_right_logical3A_309 : vector<16xi32>
      %swap3A_311 = arith.constant 3 : i32
      %swap3A_312 = arith.index_cast %swap3A_311 : i32 to index
      %swap3A_313 = arith.constant 64 : index
      %swap3A_314 = tpu.vector_load %arg7[%swap3A_312, %swap3A_313] {strides = array<i32>} : memref<4x128xi32, #tpu.memory_space<vmem>>, vector<1x16xi32>,
      %swap3A_315 = vector.shape_cast %swap3A_314 : vector<1x16xi32> to vector<16xi32>
      %swap3A_316 = vector.shape_cast %shift_right_logical3A_310 : vector<16xi32> to vector<1x16xi32>
      tpu.vector_store %arg7[%swap3A_312, %swap3A_313], %swap3A_316 {strides = array<i32>} : memref<4x128xi32, #tpu.memory_space<vmem>>, vector<1x16xi32>,
      %get3A_317 = arith.index_cast %add3A_206 : i32 to index
      %get3A_318 = arith.constant 80 : index
      %get3A_319 = tpu.vector_load %arg6[%get3A_317, %get3A_318] {strides = array<i32>} : memref<79x128xi32, #tpu.memory_space<vmem>>, vector<1x16xi32>,
      %get3A_320 = vector.shape_cast %get3A_319 : vector<1x16xi32> to vector<16xi32>
      %and3A_321 = arith.constant 16383 : i32
      %and3A_322 = vector.broadcast %and3A_321 : i32 to vector<16xi32>
      %and3A_323 = arith.andi %get3A_320, %and3A_322 : vector<16xi32>
      %swap3A_324 = arith.constant 2 : i32
      %swap3A_325 = arith.index_cast %swap3A_324 : i32 to index
      %swap3A_326 = arith.constant 80 : index
      %swap3A_327 = tpu.vector_load %arg7[%swap3A_325, %swap3A_326] {strides = array<i32>} : memref<4x128xi32, #tpu.memory_space<vmem>>, vector<1x16xi32>,
      %swap3A_328 = vector.shape_cast %swap3A_327 : vector<1x16xi32> to vector<16xi32>
      %swap3A_329 = vector.shape_cast %and3A_323 : vector<16xi32> to vector<1x16xi32>
      tpu.vector_store %arg7[%swap3A_325, %swap3A_326], %swap3A_329 {strides = array<i32>} : memref<4x128xi32, #tpu.memory_space<vmem>>, vector<1x16xi32>,
      %shift_right_logical3A_330 = arith.constant 14 : i32
      %shift_right_logical3A_331 = vector.broadcast %shift_right_logical3A_330 : i32 to vector<16xi32>
      %shift_right_logical3A_332 = arith.shrui %get3A_320, %shift_right_logical3A_331 : vector<16xi32>
      %swap3A_333 = arith.constant 3 : i32
      %swap3A_334 = arith.index_cast %swap3A_333 : i32 to index
      %swap3A_335 = arith.constant 80 : index
      %swap3A_336 = tpu.vector_load %arg7[%swap3A_334, %swap3A_335] {strides = array<i32>} : memref<4x128xi32, #tpu.memory_space<vmem>>, vector<1x16xi32>,
      %swap3A_337 = vector.shape_cast %swap3A_336 : vector<1x16xi32> to vector<16xi32>
      %swap3A_338 = vector.shape_cast %shift_right_logical3A_332 : vector<16xi32> to vector<1x16xi32>
      tpu.vector_store %arg7[%swap3A_334, %swap3A_335], %swap3A_338 {strides = array<i32>} : memref<4x128xi32, #tpu.memory_space<vmem>>, vector<1x16xi32>,
      %get3A_339 = arith.index_cast %add3A_206 : i32 to index
      %get3A_340 = arith.constant 96 : index
      %get3A_341 = tpu.vector_load %arg6[%get3A_339, %get3A_340] {strides = array<i32>} : memref<79x128xi32, #tpu.memory_space<vmem>>, vector<1x16xi32>,
      %get3A_342 = vector.shape_cast %get3A_341 : vector<1x16xi32> to vector<16xi32>
      %and3A_343 = arith.constant 16383 : i32
      %and3A_344 = vector.broadcast %and3A_343 : i32 to vector<16xi32>
      %and3A_345 = arith.andi %get3A_342, %and3A_344 : vector<16xi32>
      %swap3A_346 = arith.constant 2 : i32
      %swap3A_347 = arith.index_cast %swap3A_346 : i32 to index
      %swap3A_348 = arith.constant 96 : index
      %swap3A_349 = tpu.vector_load %arg7[%swap3A_347, %swap3A_348] {strides = array<i32>} : memref<4x128xi32, #tpu.memory_space<vmem>>, vector<1x16xi32>,
      %swap3A_350 = vector.shape_cast %swap3A_349 : vector<1x16xi32> to vector<16xi32>
      %swap3A_351 = vector.shape_cast %and3A_345 : vector<16xi32> to vector<1x16xi32>
      tpu.vector_store %arg7[%swap3A_347, %swap3A_348], %swap3A_351 {strides = array<i32>} : memref<4x128xi32, #tpu.memory_space<vmem>>, vector<1x16xi32>,
      %shift_right_logical3A_352 = arith.constant 14 : i32
      %shift_right_logical3A_353 = vector.broadcast %shift_right_logical3A_352 : i32 to vector<16xi32>
      %shift_right_logical3A_354 = arith.shrui %get3A_342, %shift_right_logical3A_353 : vector<16xi32>
      %swap3A_355 = arith.constant 3 : i32
      %swap3A_356 = arith.index_cast %swap3A_355 : i32 to index
      %swap3A_357 = arith.constant 96 : index
      %swap3A_358 = tpu.vector_load %arg7[%swap3A_356, %swap3A_357] {strides = array<i32>} : memref<4x128xi32, #tpu.memory_space<vmem>>, vector<1x16xi32>,
      %swap3A_359 = vector.shape_cast %swap3A_358 : vector<1x16xi32> to vector<16xi32>
      %swap3A_360 = vector.shape_cast %shift_right_logical3A_354 : vector<16xi32> to vector<1x16xi32>
      tpu.vector_store %arg7[%swap3A_356, %swap3A_357], %swap3A_360 {strides = array<i32>} : memref<4x128xi32, #tpu.memory_space<vmem>>, vector<1x16xi32>,
      %get3A_361 = arith.index_cast %add3A_206 : i32 to index
      %get3A_362 = arith.constant 112 : index
      %get3A_363 = tpu.vector_load %arg6[%get3A_361, %get3A_362] {strides = array<i32>} : memref<79x128xi32, #tpu.memory_space<vmem>>, vector<1x16xi32>,
      %get3A_364 = vector.shape_cast %get3A_363 : vector<1x16xi32> to vector<16xi32>
      %and3A_365 = arith.constant 16383 : i32
      %and3A_366 = vector.broadcast %and3A_365 : i32 to vector<16xi32>
      %and3A_367 = arith.andi %get3A_364, %and3A_366 : vector<16xi32>
      %swap3A_368 = arith.constant 2 : i32
      %swap3A_369 = arith.index_cast %swap3A_368 : i32 to index
      %swap3A_370 = arith.constant 112 : index
      %swap3A_371 = tpu.vector_load %arg7[%swap3A_369, %swap3A_370] {strides = array<i32>} : memref<4x128xi32, #tpu.memory_space<vmem>>, vector<1x16xi32>,
      %swap3A_372 = vector.shape_cast %swap3A_371 : vector<1x16xi32> to vector<16xi32>
      %swap3A_373 = vector.shape_cast %and3A_367 : vector<16xi32> to vector<1x16xi32>
      tpu.vector_store %arg7[%swap3A_369, %swap3A_370], %swap3A_373 {strides = array<i32>} : memref<4x128xi32, #tpu.memory_space<vmem>>, vector<1x16xi32>,
      %shift_right_logical3A_374 = arith.constant 14 : i32
      %shift_right_logical3A_375 = vector.broadcast %shift_right_logical3A_374 : i32 to vector<16xi32>
      %shift_right_logical3A_376 = arith.shrui %get3A_364, %shift_right_logical3A_375 : vector<16xi32>
      %swap3A_377 = arith.constant 3 : i32
      %swap3A_378 = arith.index_cast %swap3A_377 : i32 to index
      %swap3A_379 = arith.constant 112 : index
      %swap3A_380 = tpu.vector_load %arg7[%swap3A_378, %swap3A_379] {strides = array<i32>} : memref<4x128xi32, #tpu.memory_space<vmem>>, vector<1x16xi32>,
      %swap3A_381 = vector.shape_cast %swap3A_380 : vector<1x16xi32> to vector<16xi32>
      %swap3A_382 = vector.shape_cast %shift_right_logical3A_376 : vector<16xi32> to vector<1x16xi32>
      tpu.vector_store %arg7[%swap3A_378, %swap3A_379], %swap3A_382 {strides = array<i32>} : memref<4x128xi32, #tpu.memory_space<vmem>>, vector<1x16xi32>,
      %dma_start3A_383 = arith.constant 2 : i32
      %dma_start3A_384 = arith.constant 0 : i32
      %dma_start3A_385 = tpu.memref_slice %arg7[%dma_start3A_383, %dma_start3A_384] : memref<4x128xi32, #tpu.memory_space<vmem>> -> memref<1x128xi32, #tpu.memory_space<vmem>>
      %dma_start3A_386 = tpu.memref_squeeze %dma_start3A_385 : memref<1x128xi32, #tpu.memory_space<vmem>> -> memref<128xi32, #tpu.memory_space<vmem>>
      %dma_start3A_387 = arith.constant 0 : i32
      %dma_start3A_388 = arith.constant 0 : i32
      %dma_start3A_389 = tpu.memref_slice %arg2[%dma_start3A_387, %dma_start3A_388] : memref<10000x128xf32, #tpu.memory_space<hbm>> -> memref<10000x128xf32, #tpu.memory_space<hbm>>
      tpu.enqueue_indirect_dma source(%dma_start3A_389 : memref<10000x128xf32, #tpu.memory_space<hbm>>) target(%arg9 : memref<128x128xf32, #tpu.memory_space<vmem>>) offsets(%dma_start3A_386 : memref<128xi32, #tpu.memory_space<vmem>>) semaphore(%arg12 : memref<!tpu.dma_semaphore, #tpu.memory_space<semaphore_mem>>)
      %dma_wait3A_390 = arith.constant 0 : i32
      %dma_wait3A_391 = arith.constant 0 : i32
      %dma_wait3A_392 = tpu.memref_slice %arg7[%dma_wait3A_390, %dma_wait3A_391] : memref<4x128xi32, #tpu.memory_space<vmem>> -> memref<1x128xi32, #tpu.memory_space<vmem>>
      %dma_wait3A_393 = tpu.memref_squeeze %dma_wait3A_392 : memref<1x128xi32, #tpu.memory_space<vmem>> -> memref<128xi32, #tpu.memory_space<vmem>>
      %dma_wait3A_394 = arith.constant 0 : i32
      %dma_wait3A_395 = arith.constant 0 : i32
      %dma_wait3A_396 = tpu.memref_slice %arg2[%dma_wait3A_394, %dma_wait3A_395] : memref<10000x128xf32, #tpu.memory_space<hbm>> -> memref<10000x128xf32, #tpu.memory_space<hbm>>
      tpu.wait_indirect_dma semaphore(%arg11 : memref<!tpu.dma_semaphore, #tpu.memory_space<semaphore_mem>>) src(%dma_wait3A_396 : memref<10000x128xf32, #tpu.memory_space<hbm>>) dst(%arg8 : memref<128x128xf32, #tpu.memory_space<vmem>>)
      %run_scoped3A_397 = arith.constant 1 : i32
      "tpu.region"() ({
        %run_scoped3A_591 = tpu.sem_alloc : memref<!tpu.dma_semaphore, #tpu.memory_space<semaphore_mem>>
        %dma_start3A_592 = arith.constant 0 : i32
        %dma_start3A_593 = tpu.memref_slice %arg7[%run_scoped3A_397, %dma_start3A_592] : memref<4x128xi32, #tpu.memory_space<vmem>> -> memref<1x128xi32, #tpu.memory_space<vmem>>
        %dma_start3A_594 = tpu.memref_squeeze %dma_start3A_593 : memref<1x128xi32, #tpu.memory_space<vmem>> -> memref<128xi32, #tpu.memory_space<vmem>>
        %dma_start3A_595 = arith.constant 0 : i32
        %dma_start3A_596 = arith.constant 0 : i32
        %dma_start3A_597 = tpu.memref_slice %arg10[%dma_start3A_595, %dma_start3A_596] : memref<10112x128xf32, #tpu.memory_space<vmem_shared>> -> memref<10112x128xf32, #tpu.memory_space<vmem_shared>>
        tpu.enqueue_indirect_dma source(%arg8 : memref<128x128xf32, #tpu.memory_space<vmem>>) target(%dma_start3A_597 : memref<10112x128xf32, #tpu.memory_space<vmem_shared>>) offsets(%dma_start3A_594 : memref<128xi32, #tpu.memory_space<vmem>>) semaphore(%run_scoped3A_591 : memref<!tpu.dma_semaphore, #tpu.memory_space<semaphore_mem>>) {add = true}
        %dma_wait3A_598 = arith.constant 0 : i32
        %dma_wait3A_599 = tpu.memref_slice %arg7[%run_scoped3A_397, %dma_wait3A_598] : memref<4x128xi32, #tpu.memory_space<vmem>> -> memref<1x128xi32, #tpu.memory_space<vmem>>
        %dma_wait3A_600 = tpu.memref_squeeze %dma_wait3A_599 : memref<1x128xi32, #tpu.memory_space<vmem>> -> memref<128xi32, #tpu.memory_space<vmem>>
        %dma_wait3A_601 = arith.constant 0 : i32
        %dma_wait3A_602 = arith.constant 0 : i32
        %dma_wait3A_603 = tpu.memref_slice %arg10[%dma_wait3A_601, %dma_wait3A_602] : memref<10112x128xf32, #tpu.memory_space<vmem_shared>> -> memref<10112x128xf32, #tpu.memory_space<vmem_shared>>
        tpu.wait_indirect_dma semaphore(%run_scoped3A_591 : memref<!tpu.dma_semaphore, #tpu.memory_space<semaphore_mem>>) src(%arg8 : memref<128x128xf32, #tpu.memory_space<vmem>>) dst(%dma_wait3A_603 : memref<10112x128xf32, #tpu.memory_space<vmem_shared>>)
        tpu.yield
      }) : () -> ()
      %add3A_398 = arith.constant 2 : i32
      %add3A_399 = arith.addi %add3A_204, %add3A_398 : i32
      %get3A_400 = arith.index_cast %add3A_399 : i32 to index
      %get3A_401 = arith.constant 0 : index
      %get3A_402 = tpu.vector_load %arg6[%get3A_400, %get3A_401] {strides = array<i32>} : memref<79x128xi32, #tpu.memory_space<vmem>>, vector<1x16xi32>,
      %get3A_403 = vector.shape_cast %get3A_402 : vector<1x16xi32> to vector<16xi32>
      %and3A_404 = arith.constant 16383 : i32
      %and3A_405 = vector.broadcast %and3A_404 : i32 to vector<16xi32>
      %and3A_406 = arith.andi %get3A_403, %and3A_405 : vector<16xi32>
      %swap3A_407 = arith.constant 0 : i32
      %swap3A_408 = arith.index_cast %swap3A_407 : i32 to index
      %swap3A_409 = arith.constant 0 : index
      %swap3A_410 = tpu.vector_load %arg7[%swap3A_408, %swap3A_409] {strides = array<i32>} : memref<4x128xi32, #tpu.memory_space<vmem>>, vector<1x16xi32>,
      %swap3A_411 = vector.shape_cast %swap3A_410 : vector<1x16xi32> to vector<16xi32>
      %swap3A_412 = vector.shape_cast %and3A_406 : vector<16xi32> to vector<1x16xi32>
      tpu.vector_store %arg7[%swap3A_408, %swap3A_409], %swap3A_412 {strides = array<i32>} : memref<4x128xi32, #tpu.memory_space<vmem>>, vector<1x16xi32>,
      %shift_right_logical3A_413 = arith.constant 14 : i32
      %shift_right_logical3A_414 = vector.broadcast %shift_right_logical3A_413 : i32 to vector<16xi32>
      %shift_right_logical3A_415 = arith.shrui %get3A_403, %shift_right_logical3A_414 : vector<16xi32>
      %swap3A_416 = arith.constant 1 : i32
      %swap3A_417 = arith.index_cast %swap3A_416 : i32 to index
      %swap3A_418 = arith.constant 0 : index
      %swap3A_419 = tpu.vector_load %arg7[%swap3A_417, %swap3A_418] {strides = array<i32>} : memref<4x128xi32, #tpu.memory_space<vmem>>, vector<1x16xi32>,
      %swap3A_420 = vector.shape_cast %swap3A_419 : vector<1x16xi32> to vector<16xi32>
      %swap3A_421 = vector.shape_cast %shift_right_logical3A_415 : vector<16xi32> to vector<1x16xi32>
      tpu.vector_store %arg7[%swap3A_417, %swap3A_418], %swap3A_421 {strides = array<i32>} : memref<4x128xi32, #tpu.memory_space<vmem>>, vector<1x16xi32>,
      %get3A_422 = arith.index_cast %add3A_399 : i32 to index
      %get3A_423 = arith.constant 16 : index
      %get3A_424 = tpu.vector_load %arg6[%get3A_422, %get3A_423] {strides = array<i32>} : memref<79x128xi32, #tpu.memory_space<vmem>>, vector<1x16xi32>,
      %get3A_425 = vector.shape_cast %get3A_424 : vector<1x16xi32> to vector<16xi32>
      %and3A_426 = arith.constant 16383 : i32
      %and3A_427 = vector.broadcast %and3A_426 : i32 to vector<16xi32>
      %and3A_428 = arith.andi %get3A_425, %and3A_427 : vector<16xi32>
      %swap3A_429 = arith.constant 0 : i32
      %swap3A_430 = arith.index_cast %swap3A_429 : i32 to index
      %swap3A_431 = arith.constant 16 : index
      %swap3A_432 = tpu.vector_load %arg7[%swap3A_430, %swap3A_431] {strides = array<i32>} : memref<4x128xi32, #tpu.memory_space<vmem>>, vector<1x16xi32>,
      %swap3A_433 = vector.shape_cast %swap3A_432 : vector<1x16xi32> to vector<16xi32>
      %swap3A_434 = vector.shape_cast %and3A_428 : vector<16xi32> to vector<1x16xi32>
      tpu.vector_store %arg7[%swap3A_430, %swap3A_431], %swap3A_434 {strides = array<i32>} : memref<4x128xi32, #tpu.memory_space<vmem>>, vector<1x16xi32>,
      %shift_right_logical3A_435 = arith.constant 14 : i32
      %shift_right_logical3A_436 = vector.broadcast %shift_right_logical3A_435 : i32 to vector<16xi32>
      %shift_right_logical3A_437 = arith.shrui %get3A_425, %shift_right_logical3A_436 : vector<16xi32>
      %swap3A_438 = arith.constant 1 : i32
      %swap3A_439 = arith.index_cast %swap3A_438 : i32 to index
      %swap3A_440 = arith.constant 16 : index
      %swap3A_441 = tpu.vector_load %arg7[%swap3A_439, %swap3A_440] {strides = array<i32>} : memref<4x128xi32, #tpu.memory_space<vmem>>, vector<1x16xi32>,
      %swap3A_442 = vector.shape_cast %swap3A_441 : vector<1x16xi32> to vector<16xi32>
      %swap3A_443 = vector.shape_cast %shift_right_logical3A_437 : vector<16xi32> to vector<1x16xi32>
      tpu.vector_store %arg7[%swap3A_439, %swap3A_440], %swap3A_443 {strides = array<i32>} : memref<4x128xi32, #tpu.memory_space<vmem>>, vector<1x16xi32>,
      %get3A_444 = arith.index_cast %add3A_399 : i32 to index
      %get3A_445 = arith.constant 32 : index
      %get3A_446 = tpu.vector_load %arg6[%get3A_444, %get3A_445] {strides = array<i32>} : memref<79x128xi32, #tpu.memory_space<vmem>>, vector<1x16xi32>,
      %get3A_447 = vector.shape_cast %get3A_446 : vector<1x16xi32> to vector<16xi32>
      %and3A_448 = arith.constant 16383 : i32
      %and3A_449 = vector.broadcast %and3A_448 : i32 to vector<16xi32>
      %and3A_450 = arith.andi %get3A_447, %and3A_449 : vector<16xi32>
      %swap3A_451 = arith.constant 0 : i32
      %swap3A_452 = arith.index_cast %swap3A_451 : i32 to index
      %swap3A_453 = arith.constant 32 : index
      %swap3A_454 = tpu.vector_load %arg7[%swap3A_452, %swap3A_453] {strides = array<i32>} : memref<4x128xi32, #tpu.memory_space<vmem>>, vector<1x16xi32>,
      %swap3A_455 = vector.shape_cast %swap3A_454 : vector<1x16xi32> to vector<16xi32>
      %swap3A_456 = vector.shape_cast %and3A_450 : vector<16xi32> to vector<1x16xi32>
      tpu.vector_store %arg7[%swap3A_452, %swap3A_453], %swap3A_456 {strides = array<i32>} : memref<4x128xi32, #tpu.memory_space<vmem>>, vector<1x16xi32>,
      %shift_right_logical3A_457 = arith.constant 14 : i32
      %shift_right_logical3A_458 = vector.broadcast %shift_right_logical3A_457 : i32 to vector<16xi32>
      %shift_right_logical3A_459 = arith.shrui %get3A_447, %shift_right_logical3A_458 : vector<16xi32>
      %swap3A_460 = arith.constant 1 : i32
      %swap3A_461 = arith.index_cast %swap3A_460 : i32 to index
      %swap3A_462 = arith.constant 32 : index
      %swap3A_463 = tpu.vector_load %arg7[%swap3A_461, %swap3A_462] {strides = array<i32>} : memref<4x128xi32, #tpu.memory_space<vmem>>, vector<1x16xi32>,
      %swap3A_464 = vector.shape_cast %swap3A_463 : vector<1x16xi32> to vector<16xi32>
      %swap3A_465 = vector.shape_cast %shift_right_logical3A_459 : vector<16xi32> to vector<1x16xi32>
      tpu.vector_store %arg7[%swap3A_461, %swap3A_462], %swap3A_465 {strides = array<i32>} : memref<4x128xi32, #tpu.memory_space<vmem>>, vector<1x16xi32>,
      %get3A_466 = arith.index_cast %add3A_399 : i32 to index
      %get3A_467 = arith.constant 48 : index
      %get3A_468 = tpu.vector_load %arg6[%get3A_466, %get3A_467] {strides = array<i32>} : memref<79x128xi32, #tpu.memory_space<vmem>>, vector<1x16xi32>,
      %get3A_469 = vector.shape_cast %get3A_468 : vector<1x16xi32> to vector<16xi32>
      %and3A_470 = arith.constant 16383 : i32
      %and3A_471 = vector.broadcast %and3A_470 : i32 to vector<16xi32>
      %and3A_472 = arith.andi %get3A_469, %and3A_471 : vector<16xi32>
      %swap3A_473 = arith.constant 0 : i32
      %swap3A_474 = arith.index_cast %swap3A_473 : i32 to index
      %swap3A_475 = arith.constant 48 : index
      %swap3A_476 = tpu.vector_load %arg7[%swap3A_474, %swap3A_475] {strides = array<i32>} : memref<4x128xi32, #tpu.memory_space<vmem>>, vector<1x16xi32>,
      %swap3A_477 = vector.shape_cast %swap3A_476 : vector<1x16xi32> to vector<16xi32>
      %swap3A_478 = vector.shape_cast %and3A_472 : vector<16xi32> to vector<1x16xi32>
      tpu.vector_store %arg7[%swap3A_474, %swap3A_475], %swap3A_478 {strides = array<i32>} : memref<4x128xi32, #tpu.memory_space<vmem>>, vector<1x16xi32>,
      %shift_right_logical3A_479 = arith.constant 14 : i32
      %shift_right_logical3A_480 = vector.broadcast %shift_right_logical3A_479 : i32 to vector<16xi32>
      %shift_right_logical3A_481 = arith.shrui %get3A_469, %shift_right_logical3A_480 : vector<16xi32>
      %swap3A_482 = arith.constant 1 : i32
      %swap3A_483 = arith.index_cast %swap3A_482 : i32 to index
      %swap3A_484 = arith.constant 48 : index
      %swap3A_485 = tpu.vector_load %arg7[%swap3A_483, %swap3A_484] {strides = array<i32>} : memref<4x128xi32, #tpu.memory_space<vmem>>, vector<1x16xi32>,
      %swap3A_486 = vector.shape_cast %swap3A_485 : vector<1x16xi32> to vector<16xi32>
      %swap3A_487 = vector.shape_cast %shift_right_logical3A_481 : vector<16xi32> to vector<1x16xi32>
      tpu.vector_store %arg7[%swap3A_483, %swap3A_484], %swap3A_487 {strides = array<i32>} : memref<4x128xi32, #tpu.memory_space<vmem>>, vector<1x16xi32>,
      %get3A_488 = arith.index_cast %add3A_399 : i32 to index
      %get3A_489 = arith.constant 64 : index
      %get3A_490 = tpu.vector_load %arg6[%get3A_488, %get3A_489] {strides = array<i32>} : memref<79x128xi32, #tpu.memory_space<vmem>>, vector<1x16xi32>,
      %get3A_491 = vector.shape_cast %get3A_490 : vector<1x16xi32> to vector<16xi32>
      %and3A_492 = arith.constant 16383 : i32
      %and3A_493 = vector.broadcast %and3A_492 : i32 to vector<16xi32>
      %and3A_494 = arith.andi %get3A_491, %and3A_493 : vector<16xi32>
      %swap3A_495 = arith.constant 0 : i32
      %swap3A_496 = arith.index_cast %swap3A_495 : i32 to index
      %swap3A_497 = arith.constant 64 : index
      %swap3A_498 = tpu.vector_load %arg7[%swap3A_496, %swap3A_497] {strides = array<i32>} : memref<4x128xi32, #tpu.memory_space<vmem>>, vector<1x16xi32>,
      %swap3A_499 = vector.shape_cast %swap3A_498 : vector<1x16xi32> to vector<16xi32>
      %swap3A_500 = vector.shape_cast %and3A_494 : vector<16xi32> to vector<1x16xi32>
      tpu.vector_store %arg7[%swap3A_496, %swap3A_497], %swap3A_500 {strides = array<i32>} : memref<4x128xi32, #tpu.memory_space<vmem>>, vector<1x16xi32>,
      %shift_right_logical3A_501 = arith.constant 14 : i32
      %shift_right_logical3A_502 = vector.broadcast %shift_right_logical3A_501 : i32 to vector<16xi32>
      %shift_right_logical3A_503 = arith.shrui %get3A_491, %shift_right_logical3A_502 : vector<16xi32>
      %swap3A_504 = arith.constant 1 : i32
      %swap3A_505 = arith.index_cast %swap3A_504 : i32 to index
      %swap3A_506 = arith.constant 64 : index
      %swap3A_507 = tpu.vector_load %arg7[%swap3A_505, %swap3A_506] {strides = array<i32>} : memref<4x128xi32, #tpu.memory_space<vmem>>, vector<1x16xi32>,
      %swap3A_508 = vector.shape_cast %swap3A_507 : vector<1x16xi32> to vector<16xi32>
      %swap3A_509 = vector.shape_cast %shift_right_logical3A_503 : vector<16xi32> to vector<1x16xi32>
      tpu.vector_store %arg7[%swap3A_505, %swap3A_506], %swap3A_509 {strides = array<i32>} : memref<4x128xi32, #tpu.memory_space<vmem>>, vector<1x16xi32>,
      %get3A_510 = arith.index_cast %add3A_399 : i32 to index
      %get3A_511 = arith.constant 80 : index
      %get3A_512 = tpu.vector_load %arg6[%get3A_510, %get3A_511] {strides = array<i32>} : memref<79x128xi32, #tpu.memory_space<vmem>>, vector<1x16xi32>,
      %get3A_513 = vector.shape_cast %get3A_512 : vector<1x16xi32> to vector<16xi32>
      %and3A_514 = arith.constant 16383 : i32
      %and3A_515 = vector.broadcast %and3A_514 : i32 to vector<16xi32>
      %and3A_516 = arith.andi %get3A_513, %and3A_515 : vector<16xi32>
      %swap3A_517 = arith.constant 0 : i32
      %swap3A_518 = arith.index_cast %swap3A_517 : i32 to index
      %swap3A_519 = arith.constant 80 : index
      %swap3A_520 = tpu.vector_load %arg7[%swap3A_518, %swap3A_519] {strides = array<i32>} : memref<4x128xi32, #tpu.memory_space<vmem>>, vector<1x16xi32>,
      %swap3A_521 = vector.shape_cast %swap3A_520 : vector<1x16xi32> to vector<16xi32>
      %swap3A_522 = vector.shape_cast %and3A_516 : vector<16xi32> to vector<1x16xi32>
      tpu.vector_store %arg7[%swap3A_518, %swap3A_519], %swap3A_522 {strides = array<i32>} : memref<4x128xi32, #tpu.memory_space<vmem>>, vector<1x16xi32>,
      %shift_right_logical3A_523 = arith.constant 14 : i32
      %shift_right_logical3A_524 = vector.broadcast %shift_right_logical3A_523 : i32 to vector<16xi32>
      %shift_right_logical3A_525 = arith.shrui %get3A_513, %shift_right_logical3A_524 : vector<16xi32>
      %swap3A_526 = arith.constant 1 : i32
      %swap3A_527 = arith.index_cast %swap3A_526 : i32 to index
      %swap3A_528 = arith.constant 80 : index
      %swap3A_529 = tpu.vector_load %arg7[%swap3A_527, %swap3A_528] {strides = array<i32>} : memref<4x128xi32, #tpu.memory_space<vmem>>, vector<1x16xi32>,
      %swap3A_530 = vector.shape_cast %swap3A_529 : vector<1x16xi32> to vector<16xi32>
      %swap3A_531 = vector.shape_cast %shift_right_logical3A_525 : vector<16xi32> to vector<1x16xi32>
      tpu.vector_store %arg7[%swap3A_527, %swap3A_528], %swap3A_531 {strides = array<i32>} : memref<4x128xi32, #tpu.memory_space<vmem>>, vector<1x16xi32>,
      %get3A_532 = arith.index_cast %add3A_399 : i32 to index
      %get3A_533 = arith.constant 96 : index
      %get3A_534 = tpu.vector_load %arg6[%get3A_532, %get3A_533] {strides = array<i32>} : memref<79x128xi32, #tpu.memory_space<vmem>>, vector<1x16xi32>,
      %get3A_535 = vector.shape_cast %get3A_534 : vector<1x16xi32> to vector<16xi32>
      %and3A_536 = arith.constant 16383 : i32
      %and3A_537 = vector.broadcast %and3A_536 : i32 to vector<16xi32>
      %and3A_538 = arith.andi %get3A_535, %and3A_537 : vector<16xi32>
      %swap3A_539 = arith.constant 0 : i32
      %swap3A_540 = arith.index_cast %swap3A_539 : i32 to index
      %swap3A_541 = arith.constant 96 : index
      %swap3A_542 = tpu.vector_load %arg7[%swap3A_540, %swap3A_541] {strides = array<i32>} : memref<4x128xi32, #tpu.memory_space<vmem>>, vector<1x16xi32>,
      %swap3A_543 = vector.shape_cast %swap3A_542 : vector<1x16xi32> to vector<16xi32>
      %swap3A_544 = vector.shape_cast %and3A_538 : vector<16xi32> to vector<1x16xi32>
      tpu.vector_store %arg7[%swap3A_540, %swap3A_541], %swap3A_544 {strides = array<i32>} : memref<4x128xi32, #tpu.memory_space<vmem>>, vector<1x16xi32>,
      %shift_right_logical3A_545 = arith.constant 14 : i32
      %shift_right_logical3A_546 = vector.broadcast %shift_right_logical3A_545 : i32 to vector<16xi32>
      %shift_right_logical3A_547 = arith.shrui %get3A_535, %shift_right_logical3A_546 : vector<16xi32>
      %swap3A_548 = arith.constant 1 : i32
      %swap3A_549 = arith.index_cast %swap3A_548 : i32 to index
      %swap3A_550 = arith.constant 96 : index
      %swap3A_551 = tpu.vector_load %arg7[%swap3A_549, %swap3A_550] {strides = array<i32>} : memref<4x128xi32, #tpu.memory_space<vmem>>, vector<1x16xi32>,
      %swap3A_552 = vector.shape_cast %swap3A_551 : vector<1x16xi32> to vector<16xi32>
      %swap3A_553 = vector.shape_cast %shift_right_logical3A_547 : vector<16xi32> to vector<1x16xi32>
      tpu.vector_store %arg7[%swap3A_549, %swap3A_550], %swap3A_553 {strides = array<i32>} : memref<4x128xi32, #tpu.memory_space<vmem>>, vector<1x16xi32>,
      %get3A_554 = arith.index_cast %add3A_399 : i32 to index
      %get3A_555 = arith.constant 112 : index
      %get3A_556 = tpu.vector_load %arg6[%get3A_554, %get3A_555] {strides = array<i32>} : memref<79x128xi32, #tpu.memory_space<vmem>>, vector<1x16xi32>,
      %get3A_557 = vector.shape_cast %get3A_556 : vector<1x16xi32> to vector<16xi32>
      %and3A_558 = arith.constant 16383 : i32
      %and3A_559 = vector.broadcast %and3A_558 : i32 to vector<16xi32>
      %and3A_560 = arith.andi %get3A_557, %and3A_559 : vector<16xi32>
      %swap3A_561 = arith.constant 0 : i32
      %swap3A_562 = arith.index_cast %swap3A_561 : i32 to index
      %swap3A_563 = arith.constant 112 : index
      %swap3A_564 = tpu.vector_load %arg7[%swap3A_562, %swap3A_563] {strides = array<i32>} : memref<4x128xi32, #tpu.memory_space<vmem>>, vector<1x16xi32>,
      %swap3A_565 = vector.shape_cast %swap3A_564 : vector<1x16xi32> to vector<16xi32>
      %swap3A_566 = vector.shape_cast %and3A_560 : vector<16xi32> to vector<1x16xi32>
      tpu.vector_store %arg7[%swap3A_562, %swap3A_563], %swap3A_566 {strides = array<i32>} : memref<4x128xi32, #tpu.memory_space<vmem>>, vector<1x16xi32>,
      %shift_right_logical3A_567 = arith.constant 14 : i32
      %shift_right_logical3A_568 = vector.broadcast %shift_right_logical3A_567 : i32 to vector<16xi32>
      %shift_right_logical3A_569 = arith.shrui %get3A_557, %shift_right_logical3A_568 : vector<16xi32>
      %swap3A_570 = arith.constant 1 : i32
      %swap3A_571 = arith.index_cast %swap3A_570 : i32 to index
      %swap3A_572 = arith.constant 112 : index
      %swap3A_573 = tpu.vector_load %arg7[%swap3A_571, %swap3A_572] {strides = array<i32>} : memref<4x128xi32, #tpu.memory_space<vmem>>, vector<1x16xi32>,
      %swap3A_574 = vector.shape_cast %swap3A_573 : vector<1x16xi32> to vector<16xi32>
      %swap3A_575 = vector.shape_cast %shift_right_logical3A_569 : vector<16xi32> to vector<1x16xi32>
      tpu.vector_store %arg7[%swap3A_571, %swap3A_572], %swap3A_575 {strides = array<i32>} : memref<4x128xi32, #tpu.memory_space<vmem>>, vector<1x16xi32>,
      %dma_start3A_576 = arith.constant 0 : i32
      %dma_start3A_577 = arith.constant 0 : i32
      %dma_start3A_578 = tpu.memref_slice %arg7[%dma_start3A_576, %dma_start3A_577] : memref<4x128xi32, #tpu.memory_space<vmem>> -> memref<1x128xi32, #tpu.memory_space<vmem>>
      %dma_start3A_579 = tpu.memref_squeeze %dma_start3A_578 : memref<1x128xi32, #tpu.memory_space<vmem>> -> memref<128xi32, #tpu.memory_space<vmem>>
      %dma_start3A_580 = arith.constant 0 : i32
      %dma_start3A_581 = arith.constant 0 : i32
      %dma_start3A_582 = tpu.memref_slice %arg2[%dma_start3A_580, %dma_start3A_581] : memref<10000x128xf32, #tpu.memory_space<hbm>> -> memref<10000x128xf32, #tpu.memory_space<hbm>>
      tpu.enqueue_indirect_dma source(%dma_start3A_582 : memref<10000x128xf32, #tpu.memory_space<hbm>>) target(%arg8 : memref<128x128xf32, #tpu.memory_space<vmem>>) offsets(%dma_start3A_579 : memref<128xi32, #tpu.memory_space<vmem>>) semaphore(%arg11 : memref<!tpu.dma_semaphore, #tpu.memory_space<semaphore_mem>>)
      %dma_wait3A_583 = arith.constant 2 : i32
      %dma_wait3A_584 = arith.constant 0 : i32
      %dma_wait3A_585 = tpu.memref_slice %arg7[%dma_wait3A_583, %dma_wait3A_584] : memref<4x128xi32, #tpu.memory_space<vmem>> -> memref<1x128xi32, #tpu.memory_space<vmem>>
      %dma_wait3A_586 = tpu.memref_squeeze %dma_wait3A_585 : memref<1x128xi32, #tpu.memory_space<vmem>> -> memref<128xi32, #tpu.memory_space<vmem>>
      %dma_wait3A_587 = arith.constant 0 : i32
      %dma_wait3A_588 = arith.constant 0 : i32
      %dma_wait3A_589 = tpu.memref_slice %arg2[%dma_wait3A_587, %dma_wait3A_588] : memref<10000x128xf32, #tpu.memory_space<hbm>> -> memref<10000x128xf32, #tpu.memory_space<hbm>>
      tpu.wait_indirect_dma semaphore(%arg12 : memref<!tpu.dma_semaphore, #tpu.memory_space<semaphore_mem>>) src(%dma_wait3A_589 : memref<10000x128xf32, #tpu.memory_space<hbm>>) dst(%arg9 : memref<128x128xf32, #tpu.memory_space<vmem>>)
      %run_scoped3A_590 = arith.constant 3 : i32
      "tpu.region"() ({
        %run_scoped3A_591 = tpu.sem_alloc : memref<!tpu.dma_semaphore, #tpu.memory_space<semaphore_mem>>
        %dma_start3A_592 = arith.constant 0 : i32
        %dma_start3A_593 = tpu.memref_slice %arg7[%run_scoped3A_590, %dma_start3A_592] : memref<4x128xi32, #tpu.memory_space<vmem>> -> memref<1x128xi32, #tpu.memory_space<vmem>>
        %dma_start3A_594 = tpu.memref_squeeze %dma_start3A_593 : memref<1x128xi32, #tpu.memory_space<vmem>> -> memref<128xi32, #tpu.memory_space<vmem>>
        %dma_start3A_595 = arith.constant 0 : i32
        %dma_start3A_596 = arith.constant 0 : i32
        %dma_start3A_597 = tpu.memref_slice %arg10[%dma_start3A_595, %dma_start3A_596] : memref<10112x128xf32, #tpu.memory_space<vmem_shared>> -> memref<10112x128xf32, #tpu.memory_space<vmem_shared>>
        tpu.enqueue_indirect_dma source(%arg9 : memref<128x128xf32, #tpu.memory_space<vmem>>) target(%dma_start3A_597 : memref<10112x128xf32, #tpu.memory_space<vmem_shared>>) offsets(%dma_start3A_594 : memref<128xi32, #tpu.memory_space<vmem>>) semaphore(%run_scoped3A_591 : memref<!tpu.dma_semaphore, #tpu.memory_space<semaphore_mem>>) {add = true}
        %dma_wait3A_598 = arith.constant 0 : i32
        %dma_wait3A_599 = tpu.memref_slice %arg7[%run_scoped3A_590, %dma_wait3A_598] : memref<4x128xi32, #tpu.memory_space<vmem>> -> memref<1x128xi32, #tpu.memory_space<vmem>>
        %dma_wait3A_600 = tpu.memref_squeeze %dma_wait3A_599 : memref<1x128xi32, #tpu.memory_space<vmem>> -> memref<128xi32, #tpu.memory_space<vmem>>
        %dma_wait3A_601 = arith.constant 0 : i32
        %dma_wait3A_602 = arith.constant 0 : i32
        %dma_wait3A_603 = tpu.memref_slice %arg10[%dma_wait3A_601, %dma_wait3A_602] : memref<10112x128xf32, #tpu.memory_space<vmem_shared>> -> memref<10112x128xf32, #tpu.memory_space<vmem_shared>>
        tpu.wait_indirect_dma semaphore(%run_scoped3A_591 : memref<!tpu.dma_semaphore, #tpu.memory_space<semaphore_mem>>) src(%arg9 : memref<128x128xf32, #tpu.memory_space<vmem>>) dst(%dma_wait3A_603 : memref<10112x128xf32, #tpu.memory_space<vmem_shared>>)
        tpu.yield
      }) : () -> ()
    }
    %scan3A_192 = arith.constant 39 : i32
    %dma_wait3A = arith.constant 0 : i32
    %dma_wait3A_193 = arith.constant 0 : i32
    %dma_wait3A_194 = tpu.memref_slice %arg7[%dma_wait3A, %dma_wait3A_193] : memref<4x128xi32, #tpu.memory_space<vmem>> -> memref<1x128xi32, #tpu.memory_space<vmem>>
    %dma_wait3A_195 = tpu.memref_squeeze %dma_wait3A_194 : memref<1x128xi32, #tpu.memory_space<vmem>> -> memref<128xi32, #tpu.memory_space<vmem>>
    %dma_wait3A_196 = arith.constant 0 : i32
    %dma_wait3A_197 = arith.constant 0 : i32
    %dma_wait3A_198 = tpu.memref_slice %arg2[%dma_wait3A_196, %dma_wait3A_197] : memref<10000x128xf32, #tpu.memory_space<hbm>> -> memref<10000x128xf32, #tpu.memory_space<hbm>>
    tpu.wait_indirect_dma semaphore(%arg11 : memref<!tpu.dma_semaphore, #tpu.memory_space<semaphore_mem>>) src(%dma_wait3A_198 : memref<10000x128xf32, #tpu.memory_space<hbm>>) dst(%arg8 : memref<128x128xf32, #tpu.memory_space<vmem>>)
    %run_scoped3A = arith.constant 1 : i32
    "tpu.region"() ({
      %run_scoped3A_200 = tpu.sem_alloc : memref<!tpu.dma_semaphore, #tpu.memory_space<semaphore_mem>>
      %dma_start3A_201 = arith.constant 0 : i32
      %dma_start3A_202 = tpu.memref_slice %arg7[%run_scoped3A, %dma_start3A_201] : memref<4x128xi32, #tpu.memory_space<vmem>> -> memref<1x128xi32, #tpu.memory_space<vmem>>
      %dma_start3A_203 = tpu.memref_squeeze %dma_start3A_202 : memref<1x128xi32, #tpu.memory_space<vmem>> -> memref<128xi32, #tpu.memory_space<vmem>>
      %dma_start3A_204 = arith.constant 0 : i32
      %dma_start3A_205 = arith.constant 0 : i32
      %dma_start3A_206 = tpu.memref_slice %arg10[%dma_start3A_204, %dma_start3A_205] : memref<10112x128xf32, #tpu.memory_space<vmem_shared>> -> memref<10112x128xf32, #tpu.memory_space<vmem_shared>>
      tpu.enqueue_indirect_dma source(%arg8 : memref<128x128xf32, #tpu.memory_space<vmem>>) target(%dma_start3A_206 : memref<10112x128xf32, #tpu.memory_space<vmem_shared>>) offsets(%dma_start3A_203 : memref<128xi32, #tpu.memory_space<vmem>>) semaphore(%run_scoped3A_200 : memref<!tpu.dma_semaphore, #tpu.memory_space<semaphore_mem>>) {add = true}
      %dma_wait3A_207 = arith.constant 0 : i32
      %dma_wait3A_208 = tpu.memref_slice %arg7[%run_scoped3A, %dma_wait3A_207] : memref<4x128xi32, #tpu.memory_space<vmem>> -> memref<1x128xi32, #tpu.memory_space<vmem>>
      %dma_wait3A_209 = tpu.memref_squeeze %dma_wait3A_208 : memref<1x128xi32, #tpu.memory_space<vmem>> -> memref<128xi32, #tpu.memory_space<vmem>>
      %dma_wait3A_210 = arith.constant 0 : i32
      %dma_wait3A_211 = arith.constant 0 : i32
      %dma_wait3A_212 = tpu.memref_slice %arg10[%dma_wait3A_210, %dma_wait3A_211] : memref<10112x128xf32, #tpu.memory_space<vmem_shared>> -> memref<10112x128xf32, #tpu.memory_space<vmem_shared>>
      tpu.wait_indirect_dma semaphore(%run_scoped3A_200 : memref<!tpu.dma_semaphore, #tpu.memory_space<semaphore_mem>>) src(%arg8 : memref<128x128xf32, #tpu.memory_space<vmem>>) dst(%dma_wait3A_212 : memref<10112x128xf32, #tpu.memory_space<vmem_shared>>)
      tpu.yield
    }) : () -> ()
    %barrier3A_199 = arith.constant 0 : index
    tpu.barrier barrier_id(%barrier3A_199)
    "tpu.region"() ({
      %run_scoped3A_200 = tpu.sem_alloc : memref<!tpu.dma_semaphore, #tpu.memory_space<semaphore_mem>>
      %dma_start3A_201 = arith.constant 0 : i32
      %dma_start3A_202 = tpu.memref_slice %arg5[%arg0, %mul3A_2, %dma_start3A_201] : memref<2x10112x128xf32, #tpu.memory_space<hbm>> -> memref<1x632x128xf32, #tpu.memory_space<hbm>>
      %dma_start3A_203 = tpu.memref_squeeze %dma_start3A_202 : memref<1x632x128xf32, #tpu.memory_space<hbm>> -> memref<632x128xf32, #tpu.memory_space<hbm>>
      %dma_start3A_204 = arith.constant 0 : i32
      %dma_start3A_205 = tpu.memref_slice %arg10[%mul3A_2, %dma_start3A_204] : memref<10112x128xf32, #tpu.memory_space<vmem_shared>> -> memref<632x128xf32, #tpu.memory_space<vmem_shared>>
      tpu.enqueue_dma source(%dma_start3A_205 : memref<632x128xf32, #tpu.memory_space<vmem_shared>>) target(%dma_start3A_203 : memref<632x128xf32, #tpu.memory_space<hbm>>) target_semaphore(%run_scoped3A_200 : memref<!tpu.dma_semaphore, #tpu.memory_space<semaphore_mem>>)
      %dma_wait3A_206 = arith.constant 0 : i32
      %dma_wait3A_207 = tpu.memref_slice %arg5[%arg0, %mul3A_2, %dma_wait3A_206] : memref<2x10112x128xf32, #tpu.memory_space<hbm>> -> memref<1x632x128xf32, #tpu.memory_space<hbm>>
      %dma_wait3A_208 = tpu.memref_squeeze %dma_wait3A_207 : memref<1x632x128xf32, #tpu.memory_space<hbm>> -> memref<632x128xf32, #tpu.memory_space<hbm>>
      %dma_wait3A_209 = arith.constant 0 : i32
      %dma_wait3A_210 = tpu.memref_slice %arg10[%mul3A_2, %dma_wait3A_209] : memref<10112x128xf32, #tpu.memory_space<vmem_shared>> -> memref<632x128xf32, #tpu.memory_space<vmem_shared>>
      tpu.wait_dma2 semaphore(%run_scoped3A_200 : memref<!tpu.dma_semaphore, #tpu.memory_space<semaphore_mem>>) src(%dma_wait3A_210 : memref<632x128xf32, #tpu.memory_space<vmem_shared>>) dst(%dma_wait3A_208 : memref<632x128xf32, #tpu.memory_space<hbm>>)
      tpu.yield
    }) : () -> ()
    return
  }
}

#map = affine_map<(d0, d1) -> (0, 0)>
#map1 = affine_map<(d0, d1) -> (0, 0, 0)>
module attributes {stable_mosaic.version = 14 : i64} {
  func.func @mp(%arg0: i32, %arg1: i32, %arg2: memref<10000x128xf32, #tpu.memory_space<hbm>>, %arg3: memref<32x79x128xi32, #tpu.memory_space<hbm>>, %arg4: memref<10112x128xf32, #tpu.memory_space<hbm>>, %arg5: memref<2x10112x128xf32, #tpu.memory_space<hbm>>, %arg6: memref<79x128xi32, #tpu.memory_space<vmem>>, %arg7: memref<4x128xi32, #tpu.memory_space<vmem>>, %arg8: memref<128x128xf32, #tpu.memory_space<vmem>>, %arg9: memref<128x128xf32, #tpu.memory_space<vmem>>, %arg10: memref<10112x128xf32, #tpu.memory_space<vmem_shared>>, %arg11: memref<!tpu.dma_semaphore, #tpu.memory_space<semaphore_mem>>, %arg12: memref<!tpu.dma_semaphore, #tpu.memory_space<semaphore_mem>>) attributes {dimension_semantics = [#tpu.dimension_semantics<core_parallel>, #tpu.dimension_semantics<subcore_parallel>], iteration_bounds = array<i64: 2, 16>, scalar_prefetch = 0 : i64, scratch_operands = 7 : i64, tpu.core_type = #tpu.core_type<sc_vector_subcore>, window_params = [{transform_indices = #map}, {transform_indices = #map1}, {transform_indices = #map}, {transform_indices = #map1}]} {
    %mul3A = arith.constant 16 : i32
    %mul3A_0 = arith.muli %arg0, %mul3A : i32
    %add3A = arith.addi %mul3A_0, %arg1 : i32
    %mul3A_1 = arith.constant 632 : i32
    %mul3A_2 = arith.muli %arg1, %mul3A_1 : i32
    "tpu.region"() ({
      %run_scoped3A_200 = tpu.sem_alloc : memref<!tpu.dma_semaphore, #tpu.memory_space<semaphore_mem>>
      %dma_start3A_201 = arith.constant 0 : i32
      %dma_start3A_202 = tpu.memref_slice %arg10[%mul3A_2, %dma_start3A_201] : memref<10112x128xf32, #tpu.memory_space<vmem_shared>> -> memref<632x128xf32, #tpu.memory_space<vmem_shared>>
      %dma_start3A_203 = arith.constant 0 : i32
      %dma_start3A_204 = tpu.memref_slice %arg4[%mul3A_2, %dma_start3A_203] : memref<10112x128xf32, #tpu.memory_space<hbm>> -> memref<632x128xf32, #tpu.memory_space<hbm>>
      tpu.enqueue_dma source(%dma_start3A_204 : memref<632x128xf32, #tpu.memory_space<hbm>>) target(%dma_start3A_202 : memref<632x128xf32, #tpu.memory_space<vmem_shared>>) target_semaphore(%run_scoped3A_200 : memref<!tpu.dma_semaphore, #tpu.memory_space<semaphore_mem>>)
      %dma_wait3A_205 = arith.constant 0 : i32
      %dma_wait3A_206 = tpu.memref_slice %arg10[%mul3A_2, %dma_wait3A_205] : memref<10112x128xf32, #tpu.memory_space<vmem_shared>> -> memref<632x128xf32, #tpu.memory_space<vmem_shared>>
      %dma_wait3A_207 = arith.constant 0 : i32
      %dma_wait3A_208 = tpu.memref_slice %arg4[%mul3A_2, %dma_wait3A_207] : memref<10112x128xf32, #tpu.memory_space<hbm>> -> memref<632x128xf32, #tpu.memory_space<hbm>>
      tpu.wait_dma2 semaphore(%run_scoped3A_200 : memref<!tpu.dma_semaphore, #tpu.memory_space<semaphore_mem>>) src(%dma_wait3A_208 : memref<632x128xf32, #tpu.memory_space<hbm>>) dst(%dma_wait3A_206 : memref<632x128xf32, #tpu.memory_space<vmem_shared>>)
      tpu.yield
    }) : () -> ()
    "tpu.region"() ({
      %run_scoped3A_200 = tpu.sem_alloc : memref<!tpu.dma_semaphore, #tpu.memory_space<semaphore_mem>>
      %dma_start3A_201 = arith.constant 0 : i32
      %dma_start3A_202 = arith.constant 0 : i32
      %dma_start3A_203 = tpu.memref_slice %arg3[%add3A, %dma_start3A_201, %dma_start3A_202] : memref<32x79x128xi32, #tpu.memory_space<hbm>> -> memref<1x79x128xi32, #tpu.memory_space<hbm>>
      %dma_start3A_204 = tpu.memref_squeeze %dma_start3A_203 : memref<1x79x128xi32, #tpu.memory_space<hbm>> -> memref<79x128xi32, #tpu.memory_space<hbm>>
      %dma_start3A_205 = arith.constant 0 : i32
      %dma_start3A_206 = arith.constant 0 : i32
      %dma_start3A_207 = tpu.memref_slice %arg3[%add3A, %dma_start3A_205, %dma_start3A_206] : memref<32x79x128xi32, #tpu.memory_space<hbm>> -> memref<1x79x128xi32, #tpu.memory_space<hbm>>
      %dma_start3A_208 = tpu.memref_squeeze %dma_start3A_207 : memref<1x79x128xi32, #tpu.memory_space<hbm>> -> memref<79x128xi32, #tpu.memory_space<hbm>>
      tpu.enqueue_dma source(%dma_start3A_208 : memref<79x128xi32, #tpu.memory_space<hbm>>) target(%arg6 : memref<79x128xi32, #tpu.memory_space<vmem>>) target_semaphore(%run_scoped3A_200 : memref<!tpu.dma_semaphore, #tpu.memory_space<semaphore_mem>>)
      %dma_wait3A_209 = arith.constant 0 : i32
      %dma_wait3A_210 = arith.constant 0 : i32
      %dma_wait3A_211 = tpu.memref_slice %arg3[%add3A, %dma_wait3A_209, %dma_wait3A_210] : memref<32x79x128xi32, #tpu.memory_space<hbm>> -> memref<1x79x128xi32, #tpu.memory_space<hbm>>
      %dma_wait3A_212 = tpu.memref_squeeze %dma_wait3A_211 : memref<1x79x128xi32, #tpu.memory_space<hbm>> -> memref<79x128xi32, #tpu.memory_space<hbm>>
      %dma_wait3A_213 = arith.constant 0 : i32
      %dma_wait3A_214 = arith.constant 0 : i32
      %dma_wait3A_215 = tpu.memref_slice %arg3[%add3A, %dma_wait3A_213, %dma_wait3A_214] : memref<32x79x128xi32, #tpu.memory_space<hbm>> -> memref<1x79x128xi32, #tpu.memory_space<hbm>>
      %dma_wait3A_216 = tpu.memref_squeeze %dma_wait3A_215 : memref<1x79x128xi32, #tpu.memory_space<hbm>> -> memref<79x128xi32, #tpu.memory_space<hbm>>
      tpu.wait_dma2 semaphore(%run_scoped3A_200 : memref<!tpu.dma_semaphore, #tpu.memory_space<semaphore_mem>>) src(%dma_wait3A_216 : memref<79x128xi32, #tpu.memory_space<hbm>>) dst(%arg6 : memref<79x128xi32, #tpu.memory_space<vmem>>)
      tpu.yield
    }) : () -> ()
    %barrier3A = arith.constant 0 : index
    tpu.barrier barrier_id(%barrier3A)
    %get3A = arith.constant 0 : i32
    %get3A_3 = arith.index_cast %get3A : i32 to index
    %get3A_4 = arith.constant 0 : index
    %get3A_5 = tpu.vector_load %arg6[%get3A_3, %get3A_4] {strides = array<i32>} : memref<79x128xi32, #tpu.memory_space<vmem>>, vector<1x16xi32>,
    %get3A_6 = vector.shape_cast %get3A_5 : vector<1x16xi32> to vector<16xi32>
    %and3A = arith.constant 16383 : i32
    %and3A_7 = vector.broadcast %and3A : i32 to vector<16xi32>
    %and3A_8 = arith.andi %get3A_6, %and3A_7 : vector<16xi32>
    %swap3A = arith.constant 0 : i32
    %swap3A_9 = arith.index_cast %swap3A : i32 to index
    %swap3A_10 = arith.constant 0 : index
    %swap3A_11 = tpu.vector_load %arg7[%swap3A_9, %swap3A_10] {strides = array<i32>} : memref<4x128xi32, #tpu.memory_space<vmem>>, vector<1x16xi32>,
    %swap3A_12 = vector.shape_cast %swap3A_11 : vector<1x16xi32> to vector<16xi32>
    %swap3A_13 = vector.shape_cast %and3A_8 : vector<16xi32> to vector<1x16xi32>
    tpu.vector_store %arg7[%swap3A_9, %swap3A_10], %swap3A_13 {strides = array<i32>} : memref<4x128xi32, #tpu.memory_space<vmem>>, vector<1x16xi32>,
    %shift_right_logical3A = arith.constant 14 : i32
    %shift_right_logical3A_14 = vector.broadcast %shift_right_logical3A : i32 to vector<16xi32>
    %shift_right_logical3A_15 = arith.shrui %get3A_6, %shift_right_logical3A_14 : vector<16xi32>
    %swap3A_16 = arith.constant 1 : i32
    %swap3A_17 = arith.index_cast %swap3A_16 : i32 to index
    %swap3A_18 = arith.constant 0 : index
    %swap3A_19 = tpu.vector_load %arg7[%swap3A_17, %swap3A_18] {strides = array<i32>} : memref<4x128xi32, #tpu.memory_space<vmem>>, vector<1x16xi32>,
    %swap3A_20 = vector.shape_cast %swap3A_19 : vector<1x16xi32> to vector<16xi32>
    %swap3A_21 = vector.shape_cast %shift_right_logical3A_15 : vector<16xi32> to vector<1x16xi32>
    tpu.vector_store %arg7[%swap3A_17, %swap3A_18], %swap3A_21 {strides = array<i32>} : memref<4x128xi32, #tpu.memory_space<vmem>>, vector<1x16xi32>,
    %get3A_22 = arith.constant 0 : i32
    %get3A_23 = arith.index_cast %get3A_22 : i32 to index
    %get3A_24 = arith.constant 16 : index
    %get3A_25 = tpu.vector_load %arg6[%get3A_23, %get3A_24] {strides = array<i32>} : memref<79x128xi32, #tpu.memory_space<vmem>>, vector<1x16xi32>,
    %get3A_26 = vector.shape_cast %get3A_25 : vector<1x16xi32> to vector<16xi32>
    %and3A_27 = arith.constant 16383 : i32
    %and3A_28 = vector.broadcast %and3A_27 : i32 to vector<16xi32>
    %and3A_29 = arith.andi %get3A_26, %and3A_28 : vector<16xi32>
    %swap3A_30 = arith.constant 0 : i32
    %swap3A_31 = arith.index_cast %swap3A_30 : i32 to index
    %swap3A_32 = arith.constant 16 : index
    %swap3A_33 = tpu.vector_load %arg7[%swap3A_31, %swap3A_32] {strides = array<i32>} : memref<4x128xi32, #tpu.memory_space<vmem>>, vector<1x16xi32>,
    %swap3A_34 = vector.shape_cast %swap3A_33 : vector<1x16xi32> to vector<16xi32>
    %swap3A_35 = vector.shape_cast %and3A_29 : vector<16xi32> to vector<1x16xi32>
    tpu.vector_store %arg7[%swap3A_31, %swap3A_32], %swap3A_35 {strides = array<i32>} : memref<4x128xi32, #tpu.memory_space<vmem>>, vector<1x16xi32>,
    %shift_right_logical3A_36 = arith.constant 14 : i32
    %shift_right_logical3A_37 = vector.broadcast %shift_right_logical3A_36 : i32 to vector<16xi32>
    %shift_right_logical3A_38 = arith.shrui %get3A_26, %shift_right_logical3A_37 : vector<16xi32>
    %swap3A_39 = arith.constant 1 : i32
    %swap3A_40 = arith.index_cast %swap3A_39 : i32 to index
    %swap3A_41 = arith.constant 16 : index
    %swap3A_42 = tpu.vector_load %arg7[%swap3A_40, %swap3A_41] {strides = array<i32>} : memref<4x128xi32, #tpu.memory_space<vmem>>, vector<1x16xi32>,
    %swap3A_43 = vector.shape_cast %swap3A_42 : vector<1x16xi32> to vector<16xi32>
    %swap3A_44 = vector.shape_cast %shift_right_logical3A_38 : vector<16xi32> to vector<1x16xi32>
    tpu.vector_store %arg7[%swap3A_40, %swap3A_41], %swap3A_44 {strides = array<i32>} : memref<4x128xi32, #tpu.memory_space<vmem>>, vector<1x16xi32>,
    %get3A_45 = arith.constant 0 : i32
    %get3A_46 = arith.index_cast %get3A_45 : i32 to index
    %get3A_47 = arith.constant 32 : index
    %get3A_48 = tpu.vector_load %arg6[%get3A_46, %get3A_47] {strides = array<i32>} : memref<79x128xi32, #tpu.memory_space<vmem>>, vector<1x16xi32>,
    %get3A_49 = vector.shape_cast %get3A_48 : vector<1x16xi32> to vector<16xi32>
    %and3A_50 = arith.constant 16383 : i32
    %and3A_51 = vector.broadcast %and3A_50 : i32 to vector<16xi32>
    %and3A_52 = arith.andi %get3A_49, %and3A_51 : vector<16xi32>
    %swap3A_53 = arith.constant 0 : i32
    %swap3A_54 = arith.index_cast %swap3A_53 : i32 to index
    %swap3A_55 = arith.constant 32 : index
    %swap3A_56 = tpu.vector_load %arg7[%swap3A_54, %swap3A_55] {strides = array<i32>} : memref<4x128xi32, #tpu.memory_space<vmem>>, vector<1x16xi32>,
    %swap3A_57 = vector.shape_cast %swap3A_56 : vector<1x16xi32> to vector<16xi32>
    %swap3A_58 = vector.shape_cast %and3A_52 : vector<16xi32> to vector<1x16xi32>
    tpu.vector_store %arg7[%swap3A_54, %swap3A_55], %swap3A_58 {strides = array<i32>} : memref<4x128xi32, #tpu.memory_space<vmem>>, vector<1x16xi32>,
    %shift_right_logical3A_59 = arith.constant 14 : i32
    %shift_right_logical3A_60 = vector.broadcast %shift_right_logical3A_59 : i32 to vector<16xi32>
    %shift_right_logical3A_61 = arith.shrui %get3A_49, %shift_right_logical3A_60 : vector<16xi32>
    %swap3A_62 = arith.constant 1 : i32
    %swap3A_63 = arith.index_cast %swap3A_62 : i32 to index
    %swap3A_64 = arith.constant 32 : index
    %swap3A_65 = tpu.vector_load %arg7[%swap3A_63, %swap3A_64] {strides = array<i32>} : memref<4x128xi32, #tpu.memory_space<vmem>>, vector<1x16xi32>,
    %swap3A_66 = vector.shape_cast %swap3A_65 : vector<1x16xi32> to vector<16xi32>
    %swap3A_67 = vector.shape_cast %shift_right_logical3A_61 : vector<16xi32> to vector<1x16xi32>
    tpu.vector_store %arg7[%swap3A_63, %swap3A_64], %swap3A_67 {strides = array<i32>} : memref<4x128xi32, #tpu.memory_space<vmem>>, vector<1x16xi32>,
    %get3A_68 = arith.constant 0 : i32
    %get3A_69 = arith.index_cast %get3A_68 : i32 to index
    %get3A_70 = arith.constant 48 : index
    %get3A_71 = tpu.vector_load %arg6[%get3A_69, %get3A_70] {strides = array<i32>} : memref<79x128xi32, #tpu.memory_space<vmem>>, vector<1x16xi32>,
    %get3A_72 = vector.shape_cast %get3A_71 : vector<1x16xi32> to vector<16xi32>
    %and3A_73 = arith.constant 16383 : i32
    %and3A_74 = vector.broadcast %and3A_73 : i32 to vector<16xi32>
    %and3A_75 = arith.andi %get3A_72, %and3A_74 : vector<16xi32>
    %swap3A_76 = arith.constant 0 : i32
    %swap3A_77 = arith.index_cast %swap3A_76 : i32 to index
    %swap3A_78 = arith.constant 48 : index
    %swap3A_79 = tpu.vector_load %arg7[%swap3A_77, %swap3A_78] {strides = array<i32>} : memref<4x128xi32, #tpu.memory_space<vmem>>, vector<1x16xi32>,
    %swap3A_80 = vector.shape_cast %swap3A_79 : vector<1x16xi32> to vector<16xi32>
    %swap3A_81 = vector.shape_cast %and3A_75 : vector<16xi32> to vector<1x16xi32>
    tpu.vector_store %arg7[%swap3A_77, %swap3A_78], %swap3A_81 {strides = array<i32>} : memref<4x128xi32, #tpu.memory_space<vmem>>, vector<1x16xi32>,
    %shift_right_logical3A_82 = arith.constant 14 : i32
    %shift_right_logical3A_83 = vector.broadcast %shift_right_logical3A_82 : i32 to vector<16xi32>
    %shift_right_logical3A_84 = arith.shrui %get3A_72, %shift_right_logical3A_83 : vector<16xi32>
    %swap3A_85 = arith.constant 1 : i32
    %swap3A_86 = arith.index_cast %swap3A_85 : i32 to index
    %swap3A_87 = arith.constant 48 : index
    %swap3A_88 = tpu.vector_load %arg7[%swap3A_86, %swap3A_87] {strides = array<i32>} : memref<4x128xi32, #tpu.memory_space<vmem>>, vector<1x16xi32>,
    %swap3A_89 = vector.shape_cast %swap3A_88 : vector<1x16xi32> to vector<16xi32>
    %swap3A_90 = vector.shape_cast %shift_right_logical3A_84 : vector<16xi32> to vector<1x16xi32>
    tpu.vector_store %arg7[%swap3A_86, %swap3A_87], %swap3A_90 {strides = array<i32>} : memref<4x128xi32, #tpu.memory_space<vmem>>, vector<1x16xi32>,
    %get3A_91 = arith.constant 0 : i32
    %get3A_92 = arith.index_cast %get3A_91 : i32 to index
    %get3A_93 = arith.constant 64 : index
    %get3A_94 = tpu.vector_load %arg6[%get3A_92, %get3A_93] {strides = array<i32>} : memref<79x128xi32, #tpu.memory_space<vmem>>, vector<1x16xi32>,
    %get3A_95 = vector.shape_cast %get3A_94 : vector<1x16xi32> to vector<16xi32>
    %and3A_96 = arith.constant 16383 : i32
    %and3A_97 = vector.broadcast %and3A_96 : i32 to vector<16xi32>
    %and3A_98 = arith.andi %get3A_95, %and3A_97 : vector<16xi32>
    %swap3A_99 = arith.constant 0 : i32
    %swap3A_100 = arith.index_cast %swap3A_99 : i32 to index
    %swap3A_101 = arith.constant 64 : index
    %swap3A_102 = tpu.vector_load %arg7[%swap3A_100, %swap3A_101] {strides = array<i32>} : memref<4x128xi32, #tpu.memory_space<vmem>>, vector<1x16xi32>,
    %swap3A_103 = vector.shape_cast %swap3A_102 : vector<1x16xi32> to vector<16xi32>
    %swap3A_104 = vector.shape_cast %and3A_98 : vector<16xi32> to vector<1x16xi32>
    tpu.vector_store %arg7[%swap3A_100, %swap3A_101], %swap3A_104 {strides = array<i32>} : memref<4x128xi32, #tpu.memory_space<vmem>>, vector<1x16xi32>,
    %shift_right_logical3A_105 = arith.constant 14 : i32
    %shift_right_logical3A_106 = vector.broadcast %shift_right_logical3A_105 : i32 to vector<16xi32>
    %shift_right_logical3A_107 = arith.shrui %get3A_95, %shift_right_logical3A_106 : vector<16xi32>
    %swap3A_108 = arith.constant 1 : i32
    %swap3A_109 = arith.index_cast %swap3A_108 : i32 to index
    %swap3A_110 = arith.constant 64 : index
    %swap3A_111 = tpu.vector_load %arg7[%swap3A_109, %swap3A_110] {strides = array<i32>} : memref<4x128xi32, #tpu.memory_space<vmem>>, vector<1x16xi32>,
    %swap3A_112 = vector.shape_cast %swap3A_111 : vector<1x16xi32> to vector<16xi32>
    %swap3A_113 = vector.shape_cast %shift_right_logical3A_107 : vector<16xi32> to vector<1x16xi32>
    tpu.vector_store %arg7[%swap3A_109, %swap3A_110], %swap3A_113 {strides = array<i32>} : memref<4x128xi32, #tpu.memory_space<vmem>>, vector<1x16xi32>,
    %get3A_114 = arith.constant 0 : i32
    %get3A_115 = arith.index_cast %get3A_114 : i32 to index
    %get3A_116 = arith.constant 80 : index
    %get3A_117 = tpu.vector_load %arg6[%get3A_115, %get3A_116] {strides = array<i32>} : memref<79x128xi32, #tpu.memory_space<vmem>>, vector<1x16xi32>,
    %get3A_118 = vector.shape_cast %get3A_117 : vector<1x16xi32> to vector<16xi32>
    %and3A_119 = arith.constant 16383 : i32
    %and3A_120 = vector.broadcast %and3A_119 : i32 to vector<16xi32>
    %and3A_121 = arith.andi %get3A_118, %and3A_120 : vector<16xi32>
    %swap3A_122 = arith.constant 0 : i32
    %swap3A_123 = arith.index_cast %swap3A_122 : i32 to index
    %swap3A_124 = arith.constant 80 : index
    %swap3A_125 = tpu.vector_load %arg7[%swap3A_123, %swap3A_124] {strides = array<i32>} : memref<4x128xi32, #tpu.memory_space<vmem>>, vector<1x16xi32>,
    %swap3A_126 = vector.shape_cast %swap3A_125 : vector<1x16xi32> to vector<16xi32>
    %swap3A_127 = vector.shape_cast %and3A_121 : vector<16xi32> to vector<1x16xi32>
    tpu.vector_store %arg7[%swap3A_123, %swap3A_124], %swap3A_127 {strides = array<i32>} : memref<4x128xi32, #tpu.memory_space<vmem>>, vector<1x16xi32>,
    %shift_right_logical3A_128 = arith.constant 14 : i32
    %shift_right_logical3A_129 = vector.broadcast %shift_right_logical3A_128 : i32 to vector<16xi32>
    %shift_right_logical3A_130 = arith.shrui %get3A_118, %shift_right_logical3A_129 : vector<16xi32>
    %swap3A_131 = arith.constant 1 : i32
    %swap3A_132 = arith.index_cast %swap3A_131 : i32 to index
    %swap3A_133 = arith.constant 80 : index
    %swap3A_134 = tpu.vector_load %arg7[%swap3A_132, %swap3A_133] {strides = array<i32>} : memref<4x128xi32, #tpu.memory_space<vmem>>, vector<1x16xi32>,
    %swap3A_135 = vector.shape_cast %swap3A_134 : vector<1x16xi32> to vector<16xi32>
    %swap3A_136 = vector.shape_cast %shift_right_logical3A_130 : vector<16xi32> to vector<1x16xi32>
    tpu.vector_store %arg7[%swap3A_132, %swap3A_133], %swap3A_136 {strides = array<i32>} : memref<4x128xi32, #tpu.memory_space<vmem>>, vector<1x16xi32>,
    %get3A_137 = arith.constant 0 : i32
    %get3A_138 = arith.index_cast %get3A_137 : i32 to index
    %get3A_139 = arith.constant 96 : index
    %get3A_140 = tpu.vector_load %arg6[%get3A_138, %get3A_139] {strides = array<i32>} : memref<79x128xi32, #tpu.memory_space<vmem>>, vector<1x16xi32>,
    %get3A_141 = vector.shape_cast %get3A_140 : vector<1x16xi32> to vector<16xi32>
    %and3A_142 = arith.constant 16383 : i32
    %and3A_143 = vector.broadcast %and3A_142 : i32 to vector<16xi32>
    %and3A_144 = arith.andi %get3A_141, %and3A_143 : vector<16xi32>
    %swap3A_145 = arith.constant 0 : i32
    %swap3A_146 = arith.index_cast %swap3A_145 : i32 to index
    %swap3A_147 = arith.constant 96 : index
    %swap3A_148 = tpu.vector_load %arg7[%swap3A_146, %swap3A_147] {strides = array<i32>} : memref<4x128xi32, #tpu.memory_space<vmem>>, vector<1x16xi32>,
    %swap3A_149 = vector.shape_cast %swap3A_148 : vector<1x16xi32> to vector<16xi32>
    %swap3A_150 = vector.shape_cast %and3A_144 : vector<16xi32> to vector<1x16xi32>
    tpu.vector_store %arg7[%swap3A_146, %swap3A_147], %swap3A_150 {strides = array<i32>} : memref<4x128xi32, #tpu.memory_space<vmem>>, vector<1x16xi32>,
    %shift_right_logical3A_151 = arith.constant 14 : i32
    %shift_right_logical3A_152 = vector.broadcast %shift_right_logical3A_151 : i32 to vector<16xi32>
    %shift_right_logical3A_153 = arith.shrui %get3A_141, %shift_right_logical3A_152 : vector<16xi32>
    %swap3A_154 = arith.constant 1 : i32
    %swap3A_155 = arith.index_cast %swap3A_154 : i32 to index
    %swap3A_156 = arith.constant 96 : index
    %swap3A_157 = tpu.vector_load %arg7[%swap3A_155, %swap3A_156] {strides = array<i32>} : memref<4x128xi32, #tpu.memory_space<vmem>>, vector<1x16xi32>,
    %swap3A_158 = vector.shape_cast %swap3A_157 : vector<1x16xi32> to vector<16xi32>
    %swap3A_159 = vector.shape_cast %shift_right_logical3A_153 : vector<16xi32> to vector<1x16xi32>
    tpu.vector_store %arg7[%swap3A_155, %swap3A_156], %swap3A_159 {strides = array<i32>} : memref<4x128xi32, #tpu.memory_space<vmem>>, vector<1x16xi32>,
    %get3A_160 = arith.constant 0 : i32
    %get3A_161 = arith.index_cast %get3A_160 : i32 to index
    %get3A_162 = arith.constant 112 : index
    %get3A_163 = tpu.vector_load %arg6[%get3A_161, %get3A_162] {strides = array<i32>} : memref<79x128xi32, #tpu.memory_space<vmem>>, vector<1x16xi32>,
    %get3A_164 = vector.shape_cast %get3A_163 : vector<1x16xi32> to vector<16xi32>
    %and3A_165 = arith.constant 16383 : i32
    %and3A_166 = vector.broadcast %and3A_165 : i32 to vector<16xi32>
    %and3A_167 = arith.andi %get3A_164, %and3A_166 : vector<16xi32>
    %swap3A_168 = arith.constant 0 : i32
    %swap3A_169 = arith.index_cast %swap3A_168 : i32 to index
    %swap3A_170 = arith.constant 112 : index
    %swap3A_171 = tpu.vector_load %arg7[%swap3A_169, %swap3A_170] {strides = array<i32>} : memref<4x128xi32, #tpu.memory_space<vmem>>, vector<1x16xi32>,
    %swap3A_172 = vector.shape_cast %swap3A_171 : vector<1x16xi32> to vector<16xi32>
    %swap3A_173 = vector.shape_cast %and3A_167 : vector<16xi32> to vector<1x16xi32>
    tpu.vector_store %arg7[%swap3A_169, %swap3A_170], %swap3A_173 {strides = array<i32>} : memref<4x128xi32, #tpu.memory_space<vmem>>, vector<1x16xi32>,
    %shift_right_logical3A_174 = arith.constant 14 : i32
    %shift_right_logical3A_175 = vector.broadcast %shift_right_logical3A_174 : i32 to vector<16xi32>
    %shift_right_logical3A_176 = arith.shrui %get3A_164, %shift_right_logical3A_175 : vector<16xi32>
    %swap3A_177 = arith.constant 1 : i32
    %swap3A_178 = arith.index_cast %swap3A_177 : i32 to index
    %swap3A_179 = arith.constant 112 : index
    %swap3A_180 = tpu.vector_load %arg7[%swap3A_178, %swap3A_179] {strides = array<i32>} : memref<4x128xi32, #tpu.memory_space<vmem>>, vector<1x16xi32>,
    %swap3A_181 = vector.shape_cast %swap3A_180 : vector<1x16xi32> to vector<16xi32>
    %swap3A_182 = vector.shape_cast %shift_right_logical3A_176 : vector<16xi32> to vector<1x16xi32>
    tpu.vector_store %arg7[%swap3A_178, %swap3A_179], %swap3A_182 {strides = array<i32>} : memref<4x128xi32, #tpu.memory_space<vmem>>, vector<1x16xi32>,
    %dma_start3A = arith.constant 0 : i32
    %dma_start3A_183 = arith.constant 0 : i32
    %dma_start3A_184 = tpu.memref_slice %arg7[%dma_start3A, %dma_start3A_183] : memref<4x128xi32, #tpu.memory_space<vmem>> -> memref<1x128xi32, #tpu.memory_space<vmem>>
    %dma_start3A_185 = tpu.memref_squeeze %dma_start3A_184 : memref<1x128xi32, #tpu.memory_space<vmem>> -> memref<128xi32, #tpu.memory_space<vmem>>
    %dma_start3A_186 = arith.constant 0 : i32
    %dma_start3A_187 = arith.constant 0 : i32
    %dma_start3A_188 = tpu.memref_slice %arg2[%dma_start3A_186, %dma_start3A_187] : memref<10000x128xf32, #tpu.memory_space<hbm>> -> memref<10000x128xf32, #tpu.memory_space<hbm>>
    tpu.enqueue_indirect_dma source(%dma_start3A_188 : memref<10000x128xf32, #tpu.memory_space<hbm>>) target(%arg8 : memref<128x128xf32, #tpu.memory_space<vmem>>) offsets(%dma_start3A_185 : memref<128xi32, #tpu.memory_space<vmem>>) semaphore(%arg11 : memref<!tpu.dma_semaphore, #tpu.memory_space<semaphore_mem>>)
    %scan3A = arith.constant 0 : i32
    %scan3A_189 = arith.constant 39 : i32
    %scan3A_190 = arith.addi %scan3A, %scan3A_189 : i32
    %scan3A_191 = arith.constant 1 : i32
    scf.for %scan3A_200 = %scan3A to %scan3A_190 step %scan3A_191  : i32 {
      %mul3A_201 = arith.constant 2 : i32
      %mul3A_202 = arith.muli %scan3A_200, %mul3A_201 : i32
      %add3A_203 = arith.constant 0 : i32
      %add3A_204 = arith.addi %add3A_203, %mul3A_202 : i32
      %add3A_205 = arith.constant 1 : i32
      %add3A_206 = arith.addi %add3A_204, %add3A_205 : i32
      %get3A_207 = arith.index_cast %add3A_206 : i32 to index
      %get3A_208 = arith.constant 0 : index
      %get3A_209 = tpu.vector_load %arg6[%get3A_207, %get3A_208] {strides = array<i32>} : memref<79x128xi32, #tpu.memory_space<vmem>>, vector<1x16xi32>,
      %get3A_210 = vector.shape_cast %get3A_209 : vector<1x16xi32> to vector<16xi32>
      %and3A_211 = arith.constant 16383 : i32
      %and3A_212 = vector.broadcast %and3A_211 : i32 to vector<16xi32>
      %and3A_213 = arith.andi %get3A_210, %and3A_212 : vector<16xi32>
      %swap3A_214 = arith.constant 2 : i32
      %swap3A_215 = arith.index_cast %swap3A_214 : i32 to index
      %swap3A_216 = arith.constant 0 : index
      %swap3A_217 = tpu.vector_load %arg7[%swap3A_215, %swap3A_216] {strides = array<i32>} : memref<4x128xi32, #tpu.memory_space<vmem>>, vector<1x16xi32>,
      %swap3A_218 = vector.shape_cast %swap3A_217 : vector<1x16xi32> to vector<16xi32>
      %swap3A_219 = vector.shape_cast %and3A_213 : vector<16xi32> to vector<1x16xi32>
      tpu.vector_store %arg7[%swap3A_215, %swap3A_216], %swap3A_219 {strides = array<i32>} : memref<4x128xi32, #tpu.memory_space<vmem>>, vector<1x16xi32>,
      %shift_right_logical3A_220 = arith.constant 14 : i32
      %shift_right_logical3A_221 = vector.broadcast %shift_right_logical3A_220 : i32 to vector<16xi32>
      %shift_right_logical3A_222 = arith.shrui %get3A_210, %shift_right_logical3A_221 : vector<16xi32>
      %swap3A_223 = arith.constant 3 : i32
      %swap3A_224 = arith.index_cast %swap3A_223 : i32 to index
      %swap3A_225 = arith.constant 0 : index
      %swap3A_226 = tpu.vector_load %arg7[%swap3A_224, %swap3A_225] {strides = array<i32>} : memref<4x128xi32, #tpu.memory_space<vmem>>, vector<1x16xi32>,
      %swap3A_227 = vector.shape_cast %swap3A_226 : vector<1x16xi32> to vector<16xi32>
      %swap3A_228 = vector.shape_cast %shift_right_logical3A_222 : vector<16xi32> to vector<1x16xi32>
      tpu.vector_store %arg7[%swap3A_224, %swap3A_225], %swap3A_228 {strides = array<i32>} : memref<4x128xi32, #tpu.memory_space<vmem>>, vector<1x16xi32>,
      %get3A_229 = arith.index_cast %add3A_206 : i32 to index
      %get3A_230 = arith.constant 16 : index
      %get3A_231 = tpu.vector_load %arg6[%get3A_229, %get3A_230] {strides = array<i32>} : memref<79x128xi32, #tpu.memory_space<vmem>>, vector<1x16xi32>,
      %get3A_232 = vector.shape_cast %get3A_231 : vector<1x16xi32> to vector<16xi32>
      %and3A_233 = arith.constant 16383 : i32
      %and3A_234 = vector.broadcast %and3A_233 : i32 to vector<16xi32>
      %and3A_235 = arith.andi %get3A_232, %and3A_234 : vector<16xi32>
      %swap3A_236 = arith.constant 2 : i32
      %swap3A_237 = arith.index_cast %swap3A_236 : i32 to index
      %swap3A_238 = arith.constant 16 : index
      %swap3A_239 = tpu.vector_load %arg7[%swap3A_237, %swap3A_238] {strides = array<i32>} : memref<4x128xi32, #tpu.memory_space<vmem>>, vector<1x16xi32>,
      %swap3A_240 = vector.shape_cast %swap3A_239 : vector<1x16xi32> to vector<16xi32>
      %swap3A_241 = vector.shape_cast %and3A_235 : vector<16xi32> to vector<1x16xi32>
      tpu.vector_store %arg7[%swap3A_237, %swap3A_238], %swap3A_241 {strides = array<i32>} : memref<4x128xi32, #tpu.memory_space<vmem>>, vector<1x16xi32>,
      %shift_right_logical3A_242 = arith.constant 14 : i32
      %shift_right_logical3A_243 = vector.broadcast %shift_right_logical3A_242 : i32 to vector<16xi32>
      %shift_right_logical3A_244 = arith.shrui %get3A_232, %shift_right_logical3A_243 : vector<16xi32>
      %swap3A_245 = arith.constant 3 : i32
      %swap3A_246 = arith.index_cast %swap3A_245 : i32 to index
      %swap3A_247 = arith.constant 16 : index
      %swap3A_248 = tpu.vector_load %arg7[%swap3A_246, %swap3A_247] {strides = array<i32>} : memref<4x128xi32, #tpu.memory_space<vmem>>, vector<1x16xi32>,
      %swap3A_249 = vector.shape_cast %swap3A_248 : vector<1x16xi32> to vector<16xi32>
      %swap3A_250 = vector.shape_cast %shift_right_logical3A_244 : vector<16xi32> to vector<1x16xi32>
      tpu.vector_store %arg7[%swap3A_246, %swap3A_247], %swap3A_250 {strides = array<i32>} : memref<4x128xi32, #tpu.memory_space<vmem>>, vector<1x16xi32>,
      %get3A_251 = arith.index_cast %add3A_206 : i32 to index
      %get3A_252 = arith.constant 32 : index
      %get3A_253 = tpu.vector_load %arg6[%get3A_251, %get3A_252] {strides = array<i32>} : memref<79x128xi32, #tpu.memory_space<vmem>>, vector<1x16xi32>,
      %get3A_254 = vector.shape_cast %get3A_253 : vector<1x16xi32> to vector<16xi32>
      %and3A_255 = arith.constant 16383 : i32
      %and3A_256 = vector.broadcast %and3A_255 : i32 to vector<16xi32>
      %and3A_257 = arith.andi %get3A_254, %and3A_256 : vector<16xi32>
      %swap3A_258 = arith.constant 2 : i32
      %swap3A_259 = arith.index_cast %swap3A_258 : i32 to index
      %swap3A_260 = arith.constant 32 : index
      %swap3A_261 = tpu.vector_load %arg7[%swap3A_259, %swap3A_260] {strides = array<i32>} : memref<4x128xi32, #tpu.memory_space<vmem>>, vector<1x16xi32>,
      %swap3A_262 = vector.shape_cast %swap3A_261 : vector<1x16xi32> to vector<16xi32>
      %swap3A_263 = vector.shape_cast %and3A_257 : vector<16xi32> to vector<1x16xi32>
      tpu.vector_store %arg7[%swap3A_259, %swap3A_260], %swap3A_263 {strides = array<i32>} : memref<4x128xi32, #tpu.memory_space<vmem>>, vector<1x16xi32>,
      %shift_right_logical3A_264 = arith.constant 14 : i32
      %shift_right_logical3A_265 = vector.broadcast %shift_right_logical3A_264 : i32 to vector<16xi32>
      %shift_right_logical3A_266 = arith.shrui %get3A_254, %shift_right_logical3A_265 : vector<16xi32>
      %swap3A_267 = arith.constant 3 : i32
      %swap3A_268 = arith.index_cast %swap3A_267 : i32 to index
      %swap3A_269 = arith.constant 32 : index
      %swap3A_270 = tpu.vector_load %arg7[%swap3A_268, %swap3A_269] {strides = array<i32>} : memref<4x128xi32, #tpu.memory_space<vmem>>, vector<1x16xi32>,
      %swap3A_271 = vector.shape_cast %swap3A_270 : vector<1x16xi32> to vector<16xi32>
      %swap3A_272 = vector.shape_cast %shift_right_logical3A_266 : vector<16xi32> to vector<1x16xi32>
      tpu.vector_store %arg7[%swap3A_268, %swap3A_269], %swap3A_272 {strides = array<i32>} : memref<4x128xi32, #tpu.memory_space<vmem>>, vector<1x16xi32>,
      %get3A_273 = arith.index_cast %add3A_206 : i32 to index
      %get3A_274 = arith.constant 48 : index
      %get3A_275 = tpu.vector_load %arg6[%get3A_273, %get3A_274] {strides = array<i32>} : memref<79x128xi32, #tpu.memory_space<vmem>>, vector<1x16xi32>,
      %get3A_276 = vector.shape_cast %get3A_275 : vector<1x16xi32> to vector<16xi32>
      %and3A_277 = arith.constant 16383 : i32
      %and3A_278 = vector.broadcast %and3A_277 : i32 to vector<16xi32>
      %and3A_279 = arith.andi %get3A_276, %and3A_278 : vector<16xi32>
      %swap3A_280 = arith.constant 2 : i32
      %swap3A_281 = arith.index_cast %swap3A_280 : i32 to index
      %swap3A_282 = arith.constant 48 : index
      %swap3A_283 = tpu.vector_load %arg7[%swap3A_281, %swap3A_282] {strides = array<i32>} : memref<4x128xi32, #tpu.memory_space<vmem>>, vector<1x16xi32>,
      %swap3A_284 = vector.shape_cast %swap3A_283 : vector<1x16xi32> to vector<16xi32>
      %swap3A_285 = vector.shape_cast %and3A_279 : vector<16xi32> to vector<1x16xi32>
      tpu.vector_store %arg7[%swap3A_281, %swap3A_282], %swap3A_285 {strides = array<i32>} : memref<4x128xi32, #tpu.memory_space<vmem>>, vector<1x16xi32>,
      %shift_right_logical3A_286 = arith.constant 14 : i32
      %shift_right_logical3A_287 = vector.broadcast %shift_right_logical3A_286 : i32 to vector<16xi32>
      %shift_right_logical3A_288 = arith.shrui %get3A_276, %shift_right_logical3A_287 : vector<16xi32>
      %swap3A_289 = arith.constant 3 : i32
      %swap3A_290 = arith.index_cast %swap3A_289 : i32 to index
      %swap3A_291 = arith.constant 48 : index
      %swap3A_292 = tpu.vector_load %arg7[%swap3A_290, %swap3A_291] {strides = array<i32>} : memref<4x128xi32, #tpu.memory_space<vmem>>, vector<1x16xi32>,
      %swap3A_293 = vector.shape_cast %swap3A_292 : vector<1x16xi32> to vector<16xi32>
      %swap3A_294 = vector.shape_cast %shift_right_logical3A_288 : vector<16xi32> to vector<1x16xi32>
      tpu.vector_store %arg7[%swap3A_290, %swap3A_291], %swap3A_294 {strides = array<i32>} : memref<4x128xi32, #tpu.memory_space<vmem>>, vector<1x16xi32>,
      %get3A_295 = arith.index_cast %add3A_206 : i32 to index
      %get3A_296 = arith.constant 64 : index
      %get3A_297 = tpu.vector_load %arg6[%get3A_295, %get3A_296] {strides = array<i32>} : memref<79x128xi32, #tpu.memory_space<vmem>>, vector<1x16xi32>,
      %get3A_298 = vector.shape_cast %get3A_297 : vector<1x16xi32> to vector<16xi32>
      %and3A_299 = arith.constant 16383 : i32
      %and3A_300 = vector.broadcast %and3A_299 : i32 to vector<16xi32>
      %and3A_301 = arith.andi %get3A_298, %and3A_300 : vector<16xi32>
      %swap3A_302 = arith.constant 2 : i32
      %swap3A_303 = arith.index_cast %swap3A_302 : i32 to index
      %swap3A_304 = arith.constant 64 : index
      %swap3A_305 = tpu.vector_load %arg7[%swap3A_303, %swap3A_304] {strides = array<i32>} : memref<4x128xi32, #tpu.memory_space<vmem>>, vector<1x16xi32>,
      %swap3A_306 = vector.shape_cast %swap3A_305 : vector<1x16xi32> to vector<16xi32>
      %swap3A_307 = vector.shape_cast %and3A_301 : vector<16xi32> to vector<1x16xi32>
      tpu.vector_store %arg7[%swap3A_303, %swap3A_304], %swap3A_307 {strides = array<i32>} : memref<4x128xi32, #tpu.memory_space<vmem>>, vector<1x16xi32>,
      %shift_right_logical3A_308 = arith.constant 14 : i32
      %shift_right_logical3A_309 = vector.broadcast %shift_right_logical3A_308 : i32 to vector<16xi32>
      %shift_right_logical3A_310 = arith.shrui %get3A_298, %shift_right_logical3A_309 : vector<16xi32>
      %swap3A_311 = arith.constant 3 : i32
      %swap3A_312 = arith.index_cast %swap3A_311 : i32 to index
      %swap3A_313 = arith.constant 64 : index
      %swap3A_314 = tpu.vector_load %arg7[%swap3A_312, %swap3A_313] {strides = array<i32>} : memref<4x128xi32, #tpu.memory_space<vmem>>, vector<1x16xi32>,
      %swap3A_315 = vector.shape_cast %swap3A_314 : vector<1x16xi32> to vector<16xi32>
      %swap3A_316 = vector.shape_cast %shift_right_logical3A_310 : vector<16xi32> to vector<1x16xi32>
      tpu.vector_store %arg7[%swap3A_312, %swap3A_313], %swap3A_316 {strides = array<i32>} : memref<4x128xi32, #tpu.memory_space<vmem>>, vector<1x16xi32>,
      %get3A_317 = arith.index_cast %add3A_206 : i32 to index
      %get3A_318 = arith.constant 80 : index
      %get3A_319 = tpu.vector_load %arg6[%get3A_317, %get3A_318] {strides = array<i32>} : memref<79x128xi32, #tpu.memory_space<vmem>>, vector<1x16xi32>,
      %get3A_320 = vector.shape_cast %get3A_319 : vector<1x16xi32> to vector<16xi32>
      %and3A_321 = arith.constant 16383 : i32
      %and3A_322 = vector.broadcast %and3A_321 : i32 to vector<16xi32>
      %and3A_323 = arith.andi %get3A_320, %and3A_322 : vector<16xi32>
      %swap3A_324 = arith.constant 2 : i32
      %swap3A_325 = arith.index_cast %swap3A_324 : i32 to index
      %swap3A_326 = arith.constant 80 : index
      %swap3A_327 = tpu.vector_load %arg7[%swap3A_325, %swap3A_326] {strides = array<i32>} : memref<4x128xi32, #tpu.memory_space<vmem>>, vector<1x16xi32>,
      %swap3A_328 = vector.shape_cast %swap3A_327 : vector<1x16xi32> to vector<16xi32>
      %swap3A_329 = vector.shape_cast %and3A_323 : vector<16xi32> to vector<1x16xi32>
      tpu.vector_store %arg7[%swap3A_325, %swap3A_326], %swap3A_329 {strides = array<i32>} : memref<4x128xi32, #tpu.memory_space<vmem>>, vector<1x16xi32>,
      %shift_right_logical3A_330 = arith.constant 14 : i32
      %shift_right_logical3A_331 = vector.broadcast %shift_right_logical3A_330 : i32 to vector<16xi32>
      %shift_right_logical3A_332 = arith.shrui %get3A_320, %shift_right_logical3A_331 : vector<16xi32>
      %swap3A_333 = arith.constant 3 : i32
      %swap3A_334 = arith.index_cast %swap3A_333 : i32 to index
      %swap3A_335 = arith.constant 80 : index
      %swap3A_336 = tpu.vector_load %arg7[%swap3A_334, %swap3A_335] {strides = array<i32>} : memref<4x128xi32, #tpu.memory_space<vmem>>, vector<1x16xi32>,
      %swap3A_337 = vector.shape_cast %swap3A_336 : vector<1x16xi32> to vector<16xi32>
      %swap3A_338 = vector.shape_cast %shift_right_logical3A_332 : vector<16xi32> to vector<1x16xi32>
      tpu.vector_store %arg7[%swap3A_334, %swap3A_335], %swap3A_338 {strides = array<i32>} : memref<4x128xi32, #tpu.memory_space<vmem>>, vector<1x16xi32>,
      %get3A_339 = arith.index_cast %add3A_206 : i32 to index
      %get3A_340 = arith.constant 96 : index
      %get3A_341 = tpu.vector_load %arg6[%get3A_339, %get3A_340] {strides = array<i32>} : memref<79x128xi32, #tpu.memory_space<vmem>>, vector<1x16xi32>,
      %get3A_342 = vector.shape_cast %get3A_341 : vector<1x16xi32> to vector<16xi32>
      %and3A_343 = arith.constant 16383 : i32
      %and3A_344 = vector.broadcast %and3A_343 : i32 to vector<16xi32>
      %and3A_345 = arith.andi %get3A_342, %and3A_344 : vector<16xi32>
      %swap3A_346 = arith.constant 2 : i32
      %swap3A_347 = arith.index_cast %swap3A_346 : i32 to index
      %swap3A_348 = arith.constant 96 : index
      %swap3A_349 = tpu.vector_load %arg7[%swap3A_347, %swap3A_348] {strides = array<i32>} : memref<4x128xi32, #tpu.memory_space<vmem>>, vector<1x16xi32>,
      %swap3A_350 = vector.shape_cast %swap3A_349 : vector<1x16xi32> to vector<16xi32>
      %swap3A_351 = vector.shape_cast %and3A_345 : vector<16xi32> to vector<1x16xi32>
      tpu.vector_store %arg7[%swap3A_347, %swap3A_348], %swap3A_351 {strides = array<i32>} : memref<4x128xi32, #tpu.memory_space<vmem>>, vector<1x16xi32>,
      %shift_right_logical3A_352 = arith.constant 14 : i32
      %shift_right_logical3A_353 = vector.broadcast %shift_right_logical3A_352 : i32 to vector<16xi32>
      %shift_right_logical3A_354 = arith.shrui %get3A_342, %shift_right_logical3A_353 : vector<16xi32>
      %swap3A_355 = arith.constant 3 : i32
      %swap3A_356 = arith.index_cast %swap3A_355 : i32 to index
      %swap3A_357 = arith.constant 96 : index
      %swap3A_358 = tpu.vector_load %arg7[%swap3A_356, %swap3A_357] {strides = array<i32>} : memref<4x128xi32, #tpu.memory_space<vmem>>, vector<1x16xi32>,
      %swap3A_359 = vector.shape_cast %swap3A_358 : vector<1x16xi32> to vector<16xi32>
      %swap3A_360 = vector.shape_cast %shift_right_logical3A_354 : vector<16xi32> to vector<1x16xi32>
      tpu.vector_store %arg7[%swap3A_356, %swap3A_357], %swap3A_360 {strides = array<i32>} : memref<4x128xi32, #tpu.memory_space<vmem>>, vector<1x16xi32>,
      %get3A_361 = arith.index_cast %add3A_206 : i32 to index
      %get3A_362 = arith.constant 112 : index
      %get3A_363 = tpu.vector_load %arg6[%get3A_361, %get3A_362] {strides = array<i32>} : memref<79x128xi32, #tpu.memory_space<vmem>>, vector<1x16xi32>,
      %get3A_364 = vector.shape_cast %get3A_363 : vector<1x16xi32> to vector<16xi32>
      %and3A_365 = arith.constant 16383 : i32
      %and3A_366 = vector.broadcast %and3A_365 : i32 to vector<16xi32>
      %and3A_367 = arith.andi %get3A_364, %and3A_366 : vector<16xi32>
      %swap3A_368 = arith.constant 2 : i32
      %swap3A_369 = arith.index_cast %swap3A_368 : i32 to index
      %swap3A_370 = arith.constant 112 : index
      %swap3A_371 = tpu.vector_load %arg7[%swap3A_369, %swap3A_370] {strides = array<i32>} : memref<4x128xi32, #tpu.memory_space<vmem>>, vector<1x16xi32>,
      %swap3A_372 = vector.shape_cast %swap3A_371 : vector<1x16xi32> to vector<16xi32>
      %swap3A_373 = vector.shape_cast %and3A_367 : vector<16xi32> to vector<1x16xi32>
      tpu.vector_store %arg7[%swap3A_369, %swap3A_370], %swap3A_373 {strides = array<i32>} : memref<4x128xi32, #tpu.memory_space<vmem>>, vector<1x16xi32>,
      %shift_right_logical3A_374 = arith.constant 14 : i32
      %shift_right_logical3A_375 = vector.broadcast %shift_right_logical3A_374 : i32 to vector<16xi32>
      %shift_right_logical3A_376 = arith.shrui %get3A_364, %shift_right_logical3A_375 : vector<16xi32>
      %swap3A_377 = arith.constant 3 : i32
      %swap3A_378 = arith.index_cast %swap3A_377 : i32 to index
      %swap3A_379 = arith.constant 112 : index
      %swap3A_380 = tpu.vector_load %arg7[%swap3A_378, %swap3A_379] {strides = array<i32>} : memref<4x128xi32, #tpu.memory_space<vmem>>, vector<1x16xi32>,
      %swap3A_381 = vector.shape_cast %swap3A_380 : vector<1x16xi32> to vector<16xi32>
      %swap3A_382 = vector.shape_cast %shift_right_logical3A_376 : vector<16xi32> to vector<1x16xi32>
      tpu.vector_store %arg7[%swap3A_378, %swap3A_379], %swap3A_382 {strides = array<i32>} : memref<4x128xi32, #tpu.memory_space<vmem>>, vector<1x16xi32>,
      %dma_start3A_383 = arith.constant 2 : i32
      %dma_start3A_384 = arith.constant 0 : i32
      %dma_start3A_385 = tpu.memref_slice %arg7[%dma_start3A_383, %dma_start3A_384] : memref<4x128xi32, #tpu.memory_space<vmem>> -> memref<1x128xi32, #tpu.memory_space<vmem>>
      %dma_start3A_386 = tpu.memref_squeeze %dma_start3A_385 : memref<1x128xi32, #tpu.memory_space<vmem>> -> memref<128xi32, #tpu.memory_space<vmem>>
      %dma_start3A_387 = arith.constant 0 : i32
      %dma_start3A_388 = arith.constant 0 : i32
      %dma_start3A_389 = tpu.memref_slice %arg2[%dma_start3A_387, %dma_start3A_388] : memref<10000x128xf32, #tpu.memory_space<hbm>> -> memref<10000x128xf32, #tpu.memory_space<hbm>>
      tpu.enqueue_indirect_dma source(%dma_start3A_389 : memref<10000x128xf32, #tpu.memory_space<hbm>>) target(%arg9 : memref<128x128xf32, #tpu.memory_space<vmem>>) offsets(%dma_start3A_386 : memref<128xi32, #tpu.memory_space<vmem>>) semaphore(%arg12 : memref<!tpu.dma_semaphore, #tpu.memory_space<semaphore_mem>>)
      %dma_wait3A_390 = arith.constant 0 : i32
      %dma_wait3A_391 = arith.constant 0 : i32
      %dma_wait3A_392 = tpu.memref_slice %arg7[%dma_wait3A_390, %dma_wait3A_391] : memref<4x128xi32, #tpu.memory_space<vmem>> -> memref<1x128xi32, #tpu.memory_space<vmem>>
      %dma_wait3A_393 = tpu.memref_squeeze %dma_wait3A_392 : memref<1x128xi32, #tpu.memory_space<vmem>> -> memref<128xi32, #tpu.memory_space<vmem>>
      %dma_wait3A_394 = arith.constant 0 : i32
      %dma_wait3A_395 = arith.constant 0 : i32
      %dma_wait3A_396 = tpu.memref_slice %arg2[%dma_wait3A_394, %dma_wait3A_395] : memref<10000x128xf32, #tpu.memory_space<hbm>> -> memref<10000x128xf32, #tpu.memory_space<hbm>>
      tpu.wait_indirect_dma semaphore(%arg11 : memref<!tpu.dma_semaphore, #tpu.memory_space<semaphore_mem>>) src(%dma_wait3A_396 : memref<10000x128xf32, #tpu.memory_space<hbm>>) dst(%arg8 : memref<128x128xf32, #tpu.memory_space<vmem>>)
      %run_scoped3A_397 = arith.constant 1 : i32
      "tpu.region"() ({
        %run_scoped3A_591 = tpu.sem_alloc : memref<!tpu.dma_semaphore, #tpu.memory_space<semaphore_mem>>
        %dma_start3A_592 = arith.constant 0 : i32
        %dma_start3A_593 = tpu.memref_slice %arg7[%run_scoped3A_397, %dma_start3A_592] : memref<4x128xi32, #tpu.memory_space<vmem>> -> memref<1x128xi32, #tpu.memory_space<vmem>>
        %dma_start3A_594 = tpu.memref_squeeze %dma_start3A_593 : memref<1x128xi32, #tpu.memory_space<vmem>> -> memref<128xi32, #tpu.memory_space<vmem>>
        %dma_start3A_595 = arith.constant 0 : i32
        %dma_start3A_596 = arith.constant 0 : i32
        %dma_start3A_597 = tpu.memref_slice %arg10[%dma_start3A_595, %dma_start3A_596] : memref<10112x128xf32, #tpu.memory_space<vmem_shared>> -> memref<10112x128xf32, #tpu.memory_space<vmem_shared>>
        tpu.enqueue_indirect_dma source(%arg8 : memref<128x128xf32, #tpu.memory_space<vmem>>) target(%dma_start3A_597 : memref<10112x128xf32, #tpu.memory_space<vmem_shared>>) offsets(%dma_start3A_594 : memref<128xi32, #tpu.memory_space<vmem>>) semaphore(%run_scoped3A_591 : memref<!tpu.dma_semaphore, #tpu.memory_space<semaphore_mem>>) {add = true}
        %dma_wait3A_598 = arith.constant 0 : i32
        %dma_wait3A_599 = tpu.memref_slice %arg7[%run_scoped3A_397, %dma_wait3A_598] : memref<4x128xi32, #tpu.memory_space<vmem>> -> memref<1x128xi32, #tpu.memory_space<vmem>>
        %dma_wait3A_600 = tpu.memref_squeeze %dma_wait3A_599 : memref<1x128xi32, #tpu.memory_space<vmem>> -> memref<128xi32, #tpu.memory_space<vmem>>
        %dma_wait3A_601 = arith.constant 0 : i32
        %dma_wait3A_602 = arith.constant 0 : i32
        %dma_wait3A_603 = tpu.memref_slice %arg10[%dma_wait3A_601, %dma_wait3A_602] : memref<10112x128xf32, #tpu.memory_space<vmem_shared>> -> memref<10112x128xf32, #tpu.memory_space<vmem_shared>>
        tpu.wait_indirect_dma semaphore(%run_scoped3A_591 : memref<!tpu.dma_semaphore, #tpu.memory_space<semaphore_mem>>) src(%arg8 : memref<128x128xf32, #tpu.memory_space<vmem>>) dst(%dma_wait3A_603 : memref<10112x128xf32, #tpu.memory_space<vmem_shared>>)
        tpu.yield
      }) : () -> ()
      %add3A_398 = arith.constant 2 : i32
      %add3A_399 = arith.addi %add3A_204, %add3A_398 : i32
      %get3A_400 = arith.index_cast %add3A_399 : i32 to index
      %get3A_401 = arith.constant 0 : index
      %get3A_402 = tpu.vector_load %arg6[%get3A_400, %get3A_401] {strides = array<i32>} : memref<79x128xi32, #tpu.memory_space<vmem>>, vector<1x16xi32>,
      %get3A_403 = vector.shape_cast %get3A_402 : vector<1x16xi32> to vector<16xi32>
      %and3A_404 = arith.constant 16383 : i32
      %and3A_405 = vector.broadcast %and3A_404 : i32 to vector<16xi32>
      %and3A_406 = arith.andi %get3A_403, %and3A_405 : vector<16xi32>
      %swap3A_407 = arith.constant 0 : i32
      %swap3A_408 = arith.index_cast %swap3A_407 : i32 to index
      %swap3A_409 = arith.constant 0 : index
      %swap3A_410 = tpu.vector_load %arg7[%swap3A_408, %swap3A_409] {strides = array<i32>} : memref<4x128xi32, #tpu.memory_space<vmem>>, vector<1x16xi32>,
      %swap3A_411 = vector.shape_cast %swap3A_410 : vector<1x16xi32> to vector<16xi32>
      %swap3A_412 = vector.shape_cast %and3A_406 : vector<16xi32> to vector<1x16xi32>
      tpu.vector_store %arg7[%swap3A_408, %swap3A_409], %swap3A_412 {strides = array<i32>} : memref<4x128xi32, #tpu.memory_space<vmem>>, vector<1x16xi32>,
      %shift_right_logical3A_413 = arith.constant 14 : i32
      %shift_right_logical3A_414 = vector.broadcast %shift_right_logical3A_413 : i32 to vector<16xi32>
      %shift_right_logical3A_415 = arith.shrui %get3A_403, %shift_right_logical3A_414 : vector<16xi32>
      %swap3A_416 = arith.constant 1 : i32
      %swap3A_417 = arith.index_cast %swap3A_416 : i32 to index
      %swap3A_418 = arith.constant 0 : index
      %swap3A_419 = tpu.vector_load %arg7[%swap3A_417, %swap3A_418] {strides = array<i32>} : memref<4x128xi32, #tpu.memory_space<vmem>>, vector<1x16xi32>,
      %swap3A_420 = vector.shape_cast %swap3A_419 : vector<1x16xi32> to vector<16xi32>
      %swap3A_421 = vector.shape_cast %shift_right_logical3A_415 : vector<16xi32> to vector<1x16xi32>
      tpu.vector_store %arg7[%swap3A_417, %swap3A_418], %swap3A_421 {strides = array<i32>} : memref<4x128xi32, #tpu.memory_space<vmem>>, vector<1x16xi32>,
      %get3A_422 = arith.index_cast %add3A_399 : i32 to index
      %get3A_423 = arith.constant 16 : index
      %get3A_424 = tpu.vector_load %arg6[%get3A_422, %get3A_423] {strides = array<i32>} : memref<79x128xi32, #tpu.memory_space<vmem>>, vector<1x16xi32>,
      %get3A_425 = vector.shape_cast %get3A_424 : vector<1x16xi32> to vector<16xi32>
      %and3A_426 = arith.constant 16383 : i32
      %and3A_427 = vector.broadcast %and3A_426 : i32 to vector<16xi32>
      %and3A_428 = arith.andi %get3A_425, %and3A_427 : vector<16xi32>
      %swap3A_429 = arith.constant 0 : i32
      %swap3A_430 = arith.index_cast %swap3A_429 : i32 to index
      %swap3A_431 = arith.constant 16 : index
      %swap3A_432 = tpu.vector_load %arg7[%swap3A_430, %swap3A_431] {strides = array<i32>} : memref<4x128xi32, #tpu.memory_space<vmem>>, vector<1x16xi32>,
      %swap3A_433 = vector.shape_cast %swap3A_432 : vector<1x16xi32> to vector<16xi32>
      %swap3A_434 = vector.shape_cast %and3A_428 : vector<16xi32> to vector<1x16xi32>
      tpu.vector_store %arg7[%swap3A_430, %swap3A_431], %swap3A_434 {strides = array<i32>} : memref<4x128xi32, #tpu.memory_space<vmem>>, vector<1x16xi32>,
      %shift_right_logical3A_435 = arith.constant 14 : i32
      %shift_right_logical3A_436 = vector.broadcast %shift_right_logical3A_435 : i32 to vector<16xi32>
      %shift_right_logical3A_437 = arith.shrui %get3A_425, %shift_right_logical3A_436 : vector<16xi32>
      %swap3A_438 = arith.constant 1 : i32
      %swap3A_439 = arith.index_cast %swap3A_438 : i32 to index
      %swap3A_440 = arith.constant 16 : index
      %swap3A_441 = tpu.vector_load %arg7[%swap3A_439, %swap3A_440] {strides = array<i32>} : memref<4x128xi32, #tpu.memory_space<vmem>>, vector<1x16xi32>,
      %swap3A_442 = vector.shape_cast %swap3A_441 : vector<1x16xi32> to vector<16xi32>
      %swap3A_443 = vector.shape_cast %shift_right_logical3A_437 : vector<16xi32> to vector<1x16xi32>
      tpu.vector_store %arg7[%swap3A_439, %swap3A_440], %swap3A_443 {strides = array<i32>} : memref<4x128xi32, #tpu.memory_space<vmem>>, vector<1x16xi32>,
      %get3A_444 = arith.index_cast %add3A_399 : i32 to index
      %get3A_445 = arith.constant 32 : index
      %get3A_446 = tpu.vector_load %arg6[%get3A_444, %get3A_445] {strides = array<i32>} : memref<79x128xi32, #tpu.memory_space<vmem>>, vector<1x16xi32>,
      %get3A_447 = vector.shape_cast %get3A_446 : vector<1x16xi32> to vector<16xi32>
      %and3A_448 = arith.constant 16383 : i32
      %and3A_449 = vector.broadcast %and3A_448 : i32 to vector<16xi32>
      %and3A_450 = arith.andi %get3A_447, %and3A_449 : vector<16xi32>
      %swap3A_451 = arith.constant 0 : i32
      %swap3A_452 = arith.index_cast %swap3A_451 : i32 to index
      %swap3A_453 = arith.constant 32 : index
      %swap3A_454 = tpu.vector_load %arg7[%swap3A_452, %swap3A_453] {strides = array<i32>} : memref<4x128xi32, #tpu.memory_space<vmem>>, vector<1x16xi32>,
      %swap3A_455 = vector.shape_cast %swap3A_454 : vector<1x16xi32> to vector<16xi32>
      %swap3A_456 = vector.shape_cast %and3A_450 : vector<16xi32> to vector<1x16xi32>
      tpu.vector_store %arg7[%swap3A_452, %swap3A_453], %swap3A_456 {strides = array<i32>} : memref<4x128xi32, #tpu.memory_space<vmem>>, vector<1x16xi32>,
      %shift_right_logical3A_457 = arith.constant 14 : i32
      %shift_right_logical3A_458 = vector.broadcast %shift_right_logical3A_457 : i32 to vector<16xi32>
      %shift_right_logical3A_459 = arith.shrui %get3A_447, %shift_right_logical3A_458 : vector<16xi32>
      %swap3A_460 = arith.constant 1 : i32
      %swap3A_461 = arith.index_cast %swap3A_460 : i32 to index
      %swap3A_462 = arith.constant 32 : index
      %swap3A_463 = tpu.vector_load %arg7[%swap3A_461, %swap3A_462] {strides = array<i32>} : memref<4x128xi32, #tpu.memory_space<vmem>>, vector<1x16xi32>,
      %swap3A_464 = vector.shape_cast %swap3A_463 : vector<1x16xi32> to vector<16xi32>
      %swap3A_465 = vector.shape_cast %shift_right_logical3A_459 : vector<16xi32> to vector<1x16xi32>
      tpu.vector_store %arg7[%swap3A_461, %swap3A_462], %swap3A_465 {strides = array<i32>} : memref<4x128xi32, #tpu.memory_space<vmem>>, vector<1x16xi32>,
      %get3A_466 = arith.index_cast %add3A_399 : i32 to index
      %get3A_467 = arith.constant 48 : index
      %get3A_468 = tpu.vector_load %arg6[%get3A_466, %get3A_467] {strides = array<i32>} : memref<79x128xi32, #tpu.memory_space<vmem>>, vector<1x16xi32>,
      %get3A_469 = vector.shape_cast %get3A_468 : vector<1x16xi32> to vector<16xi32>
      %and3A_470 = arith.constant 16383 : i32
      %and3A_471 = vector.broadcast %and3A_470 : i32 to vector<16xi32>
      %and3A_472 = arith.andi %get3A_469, %and3A_471 : vector<16xi32>
      %swap3A_473 = arith.constant 0 : i32
      %swap3A_474 = arith.index_cast %swap3A_473 : i32 to index
      %swap3A_475 = arith.constant 48 : index
      %swap3A_476 = tpu.vector_load %arg7[%swap3A_474, %swap3A_475] {strides = array<i32>} : memref<4x128xi32, #tpu.memory_space<vmem>>, vector<1x16xi32>,
      %swap3A_477 = vector.shape_cast %swap3A_476 : vector<1x16xi32> to vector<16xi32>
      %swap3A_478 = vector.shape_cast %and3A_472 : vector<16xi32> to vector<1x16xi32>
      tpu.vector_store %arg7[%swap3A_474, %swap3A_475], %swap3A_478 {strides = array<i32>} : memref<4x128xi32, #tpu.memory_space<vmem>>, vector<1x16xi32>,
      %shift_right_logical3A_479 = arith.constant 14 : i32
      %shift_right_logical3A_480 = vector.broadcast %shift_right_logical3A_479 : i32 to vector<16xi32>
      %shift_right_logical3A_481 = arith.shrui %get3A_469, %shift_right_logical3A_480 : vector<16xi32>
      %swap3A_482 = arith.constant 1 : i32
      %swap3A_483 = arith.index_cast %swap3A_482 : i32 to index
      %swap3A_484 = arith.constant 48 : index
      %swap3A_485 = tpu.vector_load %arg7[%swap3A_483, %swap3A_484] {strides = array<i32>} : memref<4x128xi32, #tpu.memory_space<vmem>>, vector<1x16xi32>,
      %swap3A_486 = vector.shape_cast %swap3A_485 : vector<1x16xi32> to vector<16xi32>
      %swap3A_487 = vector.shape_cast %shift_right_logical3A_481 : vector<16xi32> to vector<1x16xi32>
      tpu.vector_store %arg7[%swap3A_483, %swap3A_484], %swap3A_487 {strides = array<i32>} : memref<4x128xi32, #tpu.memory_space<vmem>>, vector<1x16xi32>,
      %get3A_488 = arith.index_cast %add3A_399 : i32 to index
      %get3A_489 = arith.constant 64 : index
      %get3A_490 = tpu.vector_load %arg6[%get3A_488, %get3A_489] {strides = array<i32>} : memref<79x128xi32, #tpu.memory_space<vmem>>, vector<1x16xi32>,
      %get3A_491 = vector.shape_cast %get3A_490 : vector<1x16xi32> to vector<16xi32>
      %and3A_492 = arith.constant 16383 : i32
      %and3A_493 = vector.broadcast %and3A_492 : i32 to vector<16xi32>
      %and3A_494 = arith.andi %get3A_491, %and3A_493 : vector<16xi32>
      %swap3A_495 = arith.constant 0 : i32
      %swap3A_496 = arith.index_cast %swap3A_495 : i32 to index
      %swap3A_497 = arith.constant 64 : index
      %swap3A_498 = tpu.vector_load %arg7[%swap3A_496, %swap3A_497] {strides = array<i32>} : memref<4x128xi32, #tpu.memory_space<vmem>>, vector<1x16xi32>,
      %swap3A_499 = vector.shape_cast %swap3A_498 : vector<1x16xi32> to vector<16xi32>
      %swap3A_500 = vector.shape_cast %and3A_494 : vector<16xi32> to vector<1x16xi32>
      tpu.vector_store %arg7[%swap3A_496, %swap3A_497], %swap3A_500 {strides = array<i32>} : memref<4x128xi32, #tpu.memory_space<vmem>>, vector<1x16xi32>,
      %shift_right_logical3A_501 = arith.constant 14 : i32
      %shift_right_logical3A_502 = vector.broadcast %shift_right_logical3A_501 : i32 to vector<16xi32>
      %shift_right_logical3A_503 = arith.shrui %get3A_491, %shift_right_logical3A_502 : vector<16xi32>
      %swap3A_504 = arith.constant 1 : i32
      %swap3A_505 = arith.index_cast %swap3A_504 : i32 to index
      %swap3A_506 = arith.constant 64 : index
      %swap3A_507 = tpu.vector_load %arg7[%swap3A_505, %swap3A_506] {strides = array<i32>} : memref<4x128xi32, #tpu.memory_space<vmem>>, vector<1x16xi32>,
      %swap3A_508 = vector.shape_cast %swap3A_507 : vector<1x16xi32> to vector<16xi32>
      %swap3A_509 = vector.shape_cast %shift_right_logical3A_503 : vector<16xi32> to vector<1x16xi32>
      tpu.vector_store %arg7[%swap3A_505, %swap3A_506], %swap3A_509 {strides = array<i32>} : memref<4x128xi32, #tpu.memory_space<vmem>>, vector<1x16xi32>,
      %get3A_510 = arith.index_cast %add3A_399 : i32 to index
      %get3A_511 = arith.constant 80 : index
      %get3A_512 = tpu.vector_load %arg6[%get3A_510, %get3A_511] {strides = array<i32>} : memref<79x128xi32, #tpu.memory_space<vmem>>, vector<1x16xi32>,
      %get3A_513 = vector.shape_cast %get3A_512 : vector<1x16xi32> to vector<16xi32>
      %and3A_514 = arith.constant 16383 : i32
      %and3A_515 = vector.broadcast %and3A_514 : i32 to vector<16xi32>
      %and3A_516 = arith.andi %get3A_513, %and3A_515 : vector<16xi32>
      %swap3A_517 = arith.constant 0 : i32
      %swap3A_518 = arith.index_cast %swap3A_517 : i32 to index
      %swap3A_519 = arith.constant 80 : index
      %swap3A_520 = tpu.vector_load %arg7[%swap3A_518, %swap3A_519] {strides = array<i32>} : memref<4x128xi32, #tpu.memory_space<vmem>>, vector<1x16xi32>,
      %swap3A_521 = vector.shape_cast %swap3A_520 : vector<1x16xi32> to vector<16xi32>
      %swap3A_522 = vector.shape_cast %and3A_516 : vector<16xi32> to vector<1x16xi32>
      tpu.vector_store %arg7[%swap3A_518, %swap3A_519], %swap3A_522 {strides = array<i32>} : memref<4x128xi32, #tpu.memory_space<vmem>>, vector<1x16xi32>,
      %shift_right_logical3A_523 = arith.constant 14 : i32
      %shift_right_logical3A_524 = vector.broadcast %shift_right_logical3A_523 : i32 to vector<16xi32>
      %shift_right_logical3A_525 = arith.shrui %get3A_513, %shift_right_logical3A_524 : vector<16xi32>
      %swap3A_526 = arith.constant 1 : i32
      %swap3A_527 = arith.index_cast %swap3A_526 : i32 to index
      %swap3A_528 = arith.constant 80 : index
      %swap3A_529 = tpu.vector_load %arg7[%swap3A_527, %swap3A_528] {strides = array<i32>} : memref<4x128xi32, #tpu.memory_space<vmem>>, vector<1x16xi32>,
      %swap3A_530 = vector.shape_cast %swap3A_529 : vector<1x16xi32> to vector<16xi32>
      %swap3A_531 = vector.shape_cast %shift_right_logical3A_525 : vector<16xi32> to vector<1x16xi32>
      tpu.vector_store %arg7[%swap3A_527, %swap3A_528], %swap3A_531 {strides = array<i32>} : memref<4x128xi32, #tpu.memory_space<vmem>>, vector<1x16xi32>,
      %get3A_532 = arith.index_cast %add3A_399 : i32 to index
      %get3A_533 = arith.constant 96 : index
      %get3A_534 = tpu.vector_load %arg6[%get3A_532, %get3A_533] {strides = array<i32>} : memref<79x128xi32, #tpu.memory_space<vmem>>, vector<1x16xi32>,
      %get3A_535 = vector.shape_cast %get3A_534 : vector<1x16xi32> to vector<16xi32>
      %and3A_536 = arith.constant 16383 : i32
      %and3A_537 = vector.broadcast %and3A_536 : i32 to vector<16xi32>
      %and3A_538 = arith.andi %get3A_535, %and3A_537 : vector<16xi32>
      %swap3A_539 = arith.constant 0 : i32
      %swap3A_540 = arith.index_cast %swap3A_539 : i32 to index
      %swap3A_541 = arith.constant 96 : index
      %swap3A_542 = tpu.vector_load %arg7[%swap3A_540, %swap3A_541] {strides = array<i32>} : memref<4x128xi32, #tpu.memory_space<vmem>>, vector<1x16xi32>,
      %swap3A_543 = vector.shape_cast %swap3A_542 : vector<1x16xi32> to vector<16xi32>
      %swap3A_544 = vector.shape_cast %and3A_538 : vector<16xi32> to vector<1x16xi32>
      tpu.vector_store %arg7[%swap3A_540, %swap3A_541], %swap3A_544 {strides = array<i32>} : memref<4x128xi32, #tpu.memory_space<vmem>>, vector<1x16xi32>,
      %shift_right_logical3A_545 = arith.constant 14 : i32
      %shift_right_logical3A_546 = vector.broadcast %shift_right_logical3A_545 : i32 to vector<16xi32>
      %shift_right_logical3A_547 = arith.shrui %get3A_535, %shift_right_logical3A_546 : vector<16xi32>
      %swap3A_548 = arith.constant 1 : i32
      %swap3A_549 = arith.index_cast %swap3A_548 : i32 to index
      %swap3A_550 = arith.constant 96 : index
      %swap3A_551 = tpu.vector_load %arg7[%swap3A_549, %swap3A_550] {strides = array<i32>} : memref<4x128xi32, #tpu.memory_space<vmem>>, vector<1x16xi32>,
      %swap3A_552 = vector.shape_cast %swap3A_551 : vector<1x16xi32> to vector<16xi32>
      %swap3A_553 = vector.shape_cast %shift_right_logical3A_547 : vector<16xi32> to vector<1x16xi32>
      tpu.vector_store %arg7[%swap3A_549, %swap3A_550], %swap3A_553 {strides = array<i32>} : memref<4x128xi32, #tpu.memory_space<vmem>>, vector<1x16xi32>,
      %get3A_554 = arith.index_cast %add3A_399 : i32 to index
      %get3A_555 = arith.constant 112 : index
      %get3A_556 = tpu.vector_load %arg6[%get3A_554, %get3A_555] {strides = array<i32>} : memref<79x128xi32, #tpu.memory_space<vmem>>, vector<1x16xi32>,
      %get3A_557 = vector.shape_cast %get3A_556 : vector<1x16xi32> to vector<16xi32>
      %and3A_558 = arith.constant 16383 : i32
      %and3A_559 = vector.broadcast %and3A_558 : i32 to vector<16xi32>
      %and3A_560 = arith.andi %get3A_557, %and3A_559 : vector<16xi32>
      %swap3A_561 = arith.constant 0 : i32
      %swap3A_562 = arith.index_cast %swap3A_561 : i32 to index
      %swap3A_563 = arith.constant 112 : index
      %swap3A_564 = tpu.vector_load %arg7[%swap3A_562, %swap3A_563] {strides = array<i32>} : memref<4x128xi32, #tpu.memory_space<vmem>>, vector<1x16xi32>,
      %swap3A_565 = vector.shape_cast %swap3A_564 : vector<1x16xi32> to vector<16xi32>
      %swap3A_566 = vector.shape_cast %and3A_560 : vector<16xi32> to vector<1x16xi32>
      tpu.vector_store %arg7[%swap3A_562, %swap3A_563], %swap3A_566 {strides = array<i32>} : memref<4x128xi32, #tpu.memory_space<vmem>>, vector<1x16xi32>,
      %shift_right_logical3A_567 = arith.constant 14 : i32
      %shift_right_logical3A_568 = vector.broadcast %shift_right_logical3A_567 : i32 to vector<16xi32>
      %shift_right_logical3A_569 = arith.shrui %get3A_557, %shift_right_logical3A_568 : vector<16xi32>
      %swap3A_570 = arith.constant 1 : i32
      %swap3A_571 = arith.index_cast %swap3A_570 : i32 to index
      %swap3A_572 = arith.constant 112 : index
      %swap3A_573 = tpu.vector_load %arg7[%swap3A_571, %swap3A_572] {strides = array<i32>} : memref<4x128xi32, #tpu.memory_space<vmem>>, vector<1x16xi32>,
      %swap3A_574 = vector.shape_cast %swap3A_573 : vector<1x16xi32> to vector<16xi32>
      %swap3A_575 = vector.shape_cast %shift_right_logical3A_569 : vector<16xi32> to vector<1x16xi32>
      tpu.vector_store %arg7[%swap3A_571, %swap3A_572], %swap3A_575 {strides = array<i32>} : memref<4x128xi32, #tpu.memory_space<vmem>>, vector<1x16xi32>,
      %dma_start3A_576 = arith.constant 0 : i32
      %dma_start3A_577 = arith.constant 0 : i32
      %dma_start3A_578 = tpu.memref_slice %arg7[%dma_start3A_576, %dma_start3A_577] : memref<4x128xi32, #tpu.memory_space<vmem>> -> memref<1x128xi32, #tpu.memory_space<vmem>>
      %dma_start3A_579 = tpu.memref_squeeze %dma_start3A_578 : memref<1x128xi32, #tpu.memory_space<vmem>> -> memref<128xi32, #tpu.memory_space<vmem>>
      %dma_start3A_580 = arith.constant 0 : i32
      %dma_start3A_581 = arith.constant 0 : i32
      %dma_start3A_582 = tpu.memref_slice %arg2[%dma_start3A_580, %dma_start3A_581] : memref<10000x128xf32, #tpu.memory_space<hbm>> -> memref<10000x128xf32, #tpu.memory_space<hbm>>
      tpu.enqueue_indirect_dma source(%dma_start3A_582 : memref<10000x128xf32, #tpu.memory_space<hbm>>) target(%arg8 : memref<128x128xf32, #tpu.memory_space<vmem>>) offsets(%dma_start3A_579 : memref<128xi32, #tpu.memory_space<vmem>>) semaphore(%arg11 : memref<!tpu.dma_semaphore, #tpu.memory_space<semaphore_mem>>)
      %dma_wait3A_583 = arith.constant 2 : i32
      %dma_wait3A_584 = arith.constant 0 : i32
      %dma_wait3A_585 = tpu.memref_slice %arg7[%dma_wait3A_583, %dma_wait3A_584] : memref<4x128xi32, #tpu.memory_space<vmem>> -> memref<1x128xi32, #tpu.memory_space<vmem>>
      %dma_wait3A_586 = tpu.memref_squeeze %dma_wait3A_585 : memref<1x128xi32, #tpu.memory_space<vmem>> -> memref<128xi32, #tpu.memory_space<vmem>>
      %dma_wait3A_587 = arith.constant 0 : i32
      %dma_wait3A_588 = arith.constant 0 : i32
      %dma_wait3A_589 = tpu.memref_slice %arg2[%dma_wait3A_587, %dma_wait3A_588] : memref<10000x128xf32, #tpu.memory_space<hbm>> -> memref<10000x128xf32, #tpu.memory_space<hbm>>
      tpu.wait_indirect_dma semaphore(%arg12 : memref<!tpu.dma_semaphore, #tpu.memory_space<semaphore_mem>>) src(%dma_wait3A_589 : memref<10000x128xf32, #tpu.memory_space<hbm>>) dst(%arg9 : memref<128x128xf32, #tpu.memory_space<vmem>>)
      %run_scoped3A_590 = arith.constant 3 : i32
      "tpu.region"() ({
        %run_scoped3A_591 = tpu.sem_alloc : memref<!tpu.dma_semaphore, #tpu.memory_space<semaphore_mem>>
        %dma_start3A_592 = arith.constant 0 : i32
        %dma_start3A_593 = tpu.memref_slice %arg7[%run_scoped3A_590, %dma_start3A_592] : memref<4x128xi32, #tpu.memory_space<vmem>> -> memref<1x128xi32, #tpu.memory_space<vmem>>
        %dma_start3A_594 = tpu.memref_squeeze %dma_start3A_593 : memref<1x128xi32, #tpu.memory_space<vmem>> -> memref<128xi32, #tpu.memory_space<vmem>>
        %dma_start3A_595 = arith.constant 0 : i32
        %dma_start3A_596 = arith.constant 0 : i32
        %dma_start3A_597 = tpu.memref_slice %arg10[%dma_start3A_595, %dma_start3A_596] : memref<10112x128xf32, #tpu.memory_space<vmem_shared>> -> memref<10112x128xf32, #tpu.memory_space<vmem_shared>>
        tpu.enqueue_indirect_dma source(%arg9 : memref<128x128xf32, #tpu.memory_space<vmem>>) target(%dma_start3A_597 : memref<10112x128xf32, #tpu.memory_space<vmem_shared>>) offsets(%dma_start3A_594 : memref<128xi32, #tpu.memory_space<vmem>>) semaphore(%run_scoped3A_591 : memref<!tpu.dma_semaphore, #tpu.memory_space<semaphore_mem>>) {add = true}
        %dma_wait3A_598 = arith.constant 0 : i32
        %dma_wait3A_599 = tpu.memref_slice %arg7[%run_scoped3A_590, %dma_wait3A_598] : memref<4x128xi32, #tpu.memory_space<vmem>> -> memref<1x128xi32, #tpu.memory_space<vmem>>
        %dma_wait3A_600 = tpu.memref_squeeze %dma_wait3A_599 : memref<1x128xi32, #tpu.memory_space<vmem>> -> memref<128xi32, #tpu.memory_space<vmem>>
        %dma_wait3A_601 = arith.constant 0 : i32
        %dma_wait3A_602 = arith.constant 0 : i32
        %dma_wait3A_603 = tpu.memref_slice %arg10[%dma_wait3A_601, %dma_wait3A_602] : memref<10112x128xf32, #tpu.memory_space<vmem_shared>> -> memref<10112x128xf32, #tpu.memory_space<vmem_shared>>
        tpu.wait_indirect_dma semaphore(%run_scoped3A_591 : memref<!tpu.dma_semaphore, #tpu.memory_space<semaphore_mem>>) src(%arg9 : memref<128x128xf32, #tpu.memory_space<vmem>>) dst(%dma_wait3A_603 : memref<10112x128xf32, #tpu.memory_space<vmem_shared>>)
        tpu.yield
      }) : () -> ()
    }
    %scan3A_192 = arith.constant 39 : i32
    %dma_wait3A = arith.constant 0 : i32
    %dma_wait3A_193 = arith.constant 0 : i32
    %dma_wait3A_194 = tpu.memref_slice %arg7[%dma_wait3A, %dma_wait3A_193] : memref<4x128xi32, #tpu.memory_space<vmem>> -> memref<1x128xi32, #tpu.memory_space<vmem>>
    %dma_wait3A_195 = tpu.memref_squeeze %dma_wait3A_194 : memref<1x128xi32, #tpu.memory_space<vmem>> -> memref<128xi32, #tpu.memory_space<vmem>>
    %dma_wait3A_196 = arith.constant 0 : i32
    %dma_wait3A_197 = arith.constant 0 : i32
    %dma_wait3A_198 = tpu.memref_slice %arg2[%dma_wait3A_196, %dma_wait3A_197] : memref<10000x128xf32, #tpu.memory_space<hbm>> -> memref<10000x128xf32, #tpu.memory_space<hbm>>
    tpu.wait_indirect_dma semaphore(%arg11 : memref<!tpu.dma_semaphore, #tpu.memory_space<semaphore_mem>>) src(%dma_wait3A_198 : memref<10000x128xf32, #tpu.memory_space<hbm>>) dst(%arg8 : memref<128x128xf32, #tpu.memory_space<vmem>>)
    %run_scoped3A = arith.constant 1 : i32
    "tpu.region"() ({
      %run_scoped3A_200 = tpu.sem_alloc : memref<!tpu.dma_semaphore, #tpu.memory_space<semaphore_mem>>
      %dma_start3A_201 = arith.constant 0 : i32
      %dma_start3A_202 = tpu.memref_slice %arg7[%run_scoped3A, %dma_start3A_201] : memref<4x128xi32, #tpu.memory_space<vmem>> -> memref<1x128xi32, #tpu.memory_space<vmem>>
      %dma_start3A_203 = tpu.memref_squeeze %dma_start3A_202 : memref<1x128xi32, #tpu.memory_space<vmem>> -> memref<128xi32, #tpu.memory_space<vmem>>
      %dma_start3A_204 = arith.constant 0 : i32
      %dma_start3A_205 = arith.constant 0 : i32
      %dma_start3A_206 = tpu.memref_slice %arg10[%dma_start3A_204, %dma_start3A_205] : memref<10112x128xf32, #tpu.memory_space<vmem_shared>> -> memref<10112x128xf32, #tpu.memory_space<vmem_shared>>
      tpu.enqueue_indirect_dma source(%arg8 : memref<128x128xf32, #tpu.memory_space<vmem>>) target(%dma_start3A_206 : memref<10112x128xf32, #tpu.memory_space<vmem_shared>>) offsets(%dma_start3A_203 : memref<128xi32, #tpu.memory_space<vmem>>) semaphore(%run_scoped3A_200 : memref<!tpu.dma_semaphore, #tpu.memory_space<semaphore_mem>>) {add = true}
      %dma_wait3A_207 = arith.constant 0 : i32
      %dma_wait3A_208 = tpu.memref_slice %arg7[%run_scoped3A, %dma_wait3A_207] : memref<4x128xi32, #tpu.memory_space<vmem>> -> memref<1x128xi32, #tpu.memory_space<vmem>>
      %dma_wait3A_209 = tpu.memref_squeeze %dma_wait3A_208 : memref<1x128xi32, #tpu.memory_space<vmem>> -> memref<128xi32, #tpu.memory_space<vmem>>
      %dma_wait3A_210 = arith.constant 0 : i32
      %dma_wait3A_211 = arith.constant 0 : i32
      %dma_wait3A_212 = tpu.memref_slice %arg10[%dma_wait3A_210, %dma_wait3A_211] : memref<10112x128xf32, #tpu.memory_space<vmem_shared>> -> memref<10112x128xf32, #tpu.memory_space<vmem_shared>>
      tpu.wait_indirect_dma semaphore(%run_scoped3A_200 : memref<!tpu.dma_semaphore, #tpu.memory_space<semaphore_mem>>) src(%arg8 : memref<128x128xf32, #tpu.memory_space<vmem>>) dst(%dma_wait3A_212 : memref<10112x128xf32, #tpu.memory_space<vmem_shared>>)
      tpu.yield
    }) : () -> ()
    %barrier3A_199 = arith.constant 0 : index
    tpu.barrier barrier_id(%barrier3A_199)
    "tpu.region"() ({
      %run_scoped3A_200 = tpu.sem_alloc : memref<!tpu.dma_semaphore, #tpu.memory_space<semaphore_mem>>
      %dma_start3A_201 = arith.constant 0 : i32
      %dma_start3A_202 = tpu.memref_slice %arg5[%arg0, %mul3A_2, %dma_start3A_201] : memref<2x10112x128xf32, #tpu.memory_space<hbm>> -> memref<1x632x128xf32, #tpu.memory_space<hbm>>
      %dma_start3A_203 = tpu.memref_squeeze %dma_start3A_202 : memref<1x632x128xf32, #tpu.memory_space<hbm>> -> memref<632x128xf32, #tpu.memory_space<hbm>>
      %dma_start3A_204 = arith.constant 0 : i32
      %dma_start3A_205 = tpu.memref_slice %arg10[%mul3A_2, %dma_start3A_204] : memref<10112x128xf32, #tpu.memory_space<vmem_shared>> -> memref<632x128xf32, #tpu.memory_space<vmem_shared>>
      tpu.enqueue_dma source(%dma_start3A_205 : memref<632x128xf32, #tpu.memory_space<vmem_shared>>) target(%dma_start3A_203 : memref<632x128xf32, #tpu.memory_space<hbm>>) target_semaphore(%run_scoped3A_200 : memref<!tpu.dma_semaphore, #tpu.memory_space<semaphore_mem>>)
      %dma_wait3A_206 = arith.constant 0 : i32
      %dma_wait3A_207 = tpu.memref_slice %arg5[%arg0, %mul3A_2, %dma_wait3A_206] : memref<2x10112x128xf32, #tpu.memory_space<hbm>> -> memref<1x632x128xf32, #tpu.memory_space<hbm>>
      %dma_wait3A_208 = tpu.memref_squeeze %dma_wait3A_207 : memref<1x632x128xf32, #tpu.memory_space<hbm>> -> memref<632x128xf32, #tpu.memory_space<hbm>>
      %dma_wait3A_209 = arith.constant 0 : i32
      %dma_wait3A_210 = tpu.memref_slice %arg10[%mul3A_2, %dma_wait3A_209] : memref<10112x128xf32, #tpu.memory_space<vmem_shared>> -> memref<632x128xf32, #tpu.memory_space<vmem_shared>>
      tpu.wait_dma2 semaphore(%run_scoped3A_200 : memref<!tpu.dma_semaphore, #tpu.memory_space<semaphore_mem>>) src(%dma_wait3A_210 : memref<632x128xf32, #tpu.memory_space<vmem_shared>>) dst(%dma_wait3A_208 : memref<632x128xf32, #tpu.memory_space<hbm>>)
      tpu.yield
    }) : () -> ()
    return
  }
}

module attributes {stable_mosaic.version = 14 : i64} {
  func.func @_pre0_body(%arg0: i32, %arg1: memref<1000x128xf32, #tpu.memory_space<vmem>>, %arg2: memref<2x1000x128xf32, #tpu.memory_space<vmem>>, %arg3: memref<2x128x128xf32, #tpu.memory_space<vmem>>, %arg4: memref<2x128x128xf32, #tpu.memory_space<vmem>>, %arg5: memref<2x1x128xf32, #tpu.memory_space<vmem>>, %arg6: memref<1000x1xi32, #tpu.memory_space<vmem>>, %arg7: memref<1000x128xf32, #tpu.memory_space<vmem>>, %arg8: memref<1000x128xf32, #tpu.memory_space<vmem>>, %arg9: memref<1000x128xf32, #tpu.memory_space<vmem>>) attributes {dimension_semantics = [#tpu.dimension_semantics<parallel>], iteration_bounds = array<i64: 10>, scalar_prefetch = 0 : i64, scratch_operands = 0 : i64, tpu.core_type = #tpu.core_type<tc>, window_params = [{transform_indices = @transform_0, window_bounds = array<i64: 1000, 128>}, {transform_indices = @transform_1, window_bounds = array<i64: 2, 1000, 128>}, {pipeline_mode = #tpu.pipeline_mode<synchronous>, transform_indices = @transform_2, window_bounds = array<i64: 2, 128, 128>}, {pipeline_mode = #tpu.pipeline_mode<synchronous>, transform_indices = @transform_3, window_bounds = array<i64: 2, 128, 128>}, {pipeline_mode = #tpu.pipeline_mode<synchronous>, transform_indices = @transform_4, window_bounds = array<i64: 2, 1, 128>}, {transform_indices = @transform_5, window_bounds = array<i64: 1000, 1>}, {transform_indices = @transform_6, window_bounds = array<i64: 1000, 128>}, {transform_indices = @transform_7, window_bounds = array<i64: 1000, 128>}, {transform_indices = @transform_8, window_bounds = array<i64: 1000, 128>}]} {
    %get3A = arith.constant 0 : index
    %get3A_0 = arith.constant 0 : index
    %get3A_1 = arith.constant 0 : index
    %get3A_2 = vector.load %arg2[%get3A, %get3A_0, %get3A_1] : memref<2x1000x128xf32, #tpu.memory_space<vmem>>, vector<1x1000x128xf32>
    %get3A_3 = vector.shape_cast %get3A_2 : vector<1x1000x128xf32> to vector<1000x128xf32>
    %get3A_4 = arith.constant 1 : index
    %get3A_5 = arith.constant 0 : index
    %get3A_6 = arith.constant 0 : index
    %get3A_7 = vector.load %arg2[%get3A_4, %get3A_5, %get3A_6] : memref<2x1000x128xf32, #tpu.memory_space<vmem>>, vector<1x1000x128xf32>
    %get3A_8 = vector.shape_cast %get3A_7 : vector<1x1000x128xf32> to vector<1000x128xf32>
    %add3A = arith.addf %get3A_3, %get3A_8 : vector<1000x128xf32>
    %get3A_9 = arith.constant 0 : index
    %get3A_10 = arith.constant 0 : index
    %get3A_11 = vector.load %arg1[%get3A_9, %get3A_10] : memref<1000x128xf32, #tpu.memory_space<vmem>>, vector<1000x128xf32>
    %get3A_12 = arith.constant 0 : index
    %get3A_13 = arith.constant 0 : index
    %get3A_14 = arith.constant 0 : index
    %get3A_15 = vector.load %arg3[%get3A_12, %get3A_13, %get3A_14] : memref<2x128x128xf32, #tpu.memory_space<vmem>>, vector<1x128x128xf32>
    %get3A_16 = vector.shape_cast %get3A_15 : vector<1x128x128xf32> to vector<128x128xf32>
    %dot_general3A = arith.constant dense<0.000000e+00> : vector<1000x128xf32>
    %dot_general3A_17 = tpu.matmul %get3A_11, %get3A_16, %dot_general3A {dimension_numbers = #tpu.dot_dimension_numbers<[1], [0], [0], [1], [0, 0, 1, 1], [], []>, transpose_lhs_hint = false} : vector<1000x128xf32>, vector<128x128xf32>, vector<1000x128xf32> -> vector<1000x128xf32>
    %get3A_18 = arith.constant 0 : index
    %get3A_19 = arith.constant 0 : index
    %get3A_20 = arith.constant 0 : index
    %get3A_21 = vector.load %arg4[%get3A_18, %get3A_19, %get3A_20] : memref<2x128x128xf32, #tpu.memory_space<vmem>>, vector<1x128x128xf32>
    %get3A_22 = vector.shape_cast %get3A_21 : vector<1x128x128xf32> to vector<128x128xf32>
    %dot_general3A_23 = arith.constant dense<0.000000e+00> : vector<1000x128xf32>
    %dot_general3A_24 = tpu.matmul %add3A, %get3A_22, %dot_general3A_23 {dimension_numbers = #tpu.dot_dimension_numbers<[1], [0], [0], [1], [0, 0, 1, 1], [], []>, transpose_lhs_hint = false} : vector<1000x128xf32>, vector<128x128xf32>, vector<1000x128xf32> -> vector<1000x128xf32>
    %add3A_25 = arith.addf %dot_general3A_17, %dot_general3A_24 : vector<1000x128xf32>
    %get3A_26 = arith.constant 0 : index
    %get3A_27 = arith.constant 0 : index
    %get3A_28 = arith.constant 0 : index
    %get3A_29 = vector.load %arg5[%get3A_26, %get3A_27, %get3A_28] : memref<2x1x128xf32, #tpu.memory_space<vmem>>, vector<1x1x128xf32>
    %get3A_30 = vector.shape_cast %get3A_29 : vector<1x1x128xf32> to vector<1x128xf32>
    %add3A_31 = vector.broadcast %get3A_30 : vector<1x128xf32> to vector<1000x128xf32>
    %add3A_32 = arith.addf %add3A_25, %add3A_31 : vector<1000x128xf32>
    %get3A_33 = arith.constant 0 : index
    %get3A_34 = arith.constant 0 : index
    %get3A_35 = vector.load %arg1[%get3A_33, %get3A_34] : memref<1000x128xf32, #tpu.memory_space<vmem>>, vector<1000x128xf32>
    %get3A_36 = arith.constant 1 : index
    %get3A_37 = arith.constant 0 : index
    %get3A_38 = arith.constant 0 : index
    %get3A_39 = vector.load %arg3[%get3A_36, %get3A_37, %get3A_38] : memref<2x128x128xf32, #tpu.memory_space<vmem>>, vector<1x128x128xf32>
    %get3A_40 = vector.shape_cast %get3A_39 : vector<1x128x128xf32> to vector<128x128xf32>
    %dot_general3A_41 = arith.constant dense<0.000000e+00> : vector<1000x128xf32>
    %dot_general3A_42 = tpu.matmul %get3A_35, %get3A_40, %dot_general3A_41 {dimension_numbers = #tpu.dot_dimension_numbers<[1], [0], [0], [1], [0, 0, 1, 1], [], []>, transpose_lhs_hint = false} : vector<1000x128xf32>, vector<128x128xf32>, vector<1000x128xf32> -> vector<1000x128xf32>
    %get3A_43 = arith.constant 1 : index
    %get3A_44 = arith.constant 0 : index
    %get3A_45 = arith.constant 0 : index
    %get3A_46 = vector.load %arg4[%get3A_43, %get3A_44, %get3A_45] : memref<2x128x128xf32, #tpu.memory_space<vmem>>, vector<1x128x128xf32>
    %get3A_47 = vector.shape_cast %get3A_46 : vector<1x128x128xf32> to vector<128x128xf32>
    %dot_general3A_48 = arith.constant dense<0.000000e+00> : vector<1000x128xf32>
    %dot_general3A_49 = tpu.matmul %add3A, %get3A_47, %dot_general3A_48 {dimension_numbers = #tpu.dot_dimension_numbers<[1], [0], [0], [1], [0, 0, 1, 1], [], []>, transpose_lhs_hint = false} : vector<1000x128xf32>, vector<128x128xf32>, vector<1000x128xf32> -> vector<1000x128xf32>
    %add3A_50 = arith.addf %dot_general3A_42, %dot_general3A_49 : vector<1000x128xf32>
    %get3A_51 = arith.constant 1 : index
    %get3A_52 = arith.constant 0 : index
    %get3A_53 = arith.constant 0 : index
    %get3A_54 = vector.load %arg5[%get3A_51, %get3A_52, %get3A_53] : memref<2x1x128xf32, #tpu.memory_space<vmem>>, vector<1x1x128xf32>
    %get3A_55 = vector.shape_cast %get3A_54 : vector<1x1x128xf32> to vector<1x128xf32>
    %add3A_56 = vector.broadcast %get3A_55 : vector<1x128xf32> to vector<1000x128xf32>
    %add3A_57 = arith.addf %add3A_50, %add3A_56 : vector<1000x128xf32>
    %swap3A = arith.constant 0 : index
    %swap3A_58 = arith.constant 0 : index
    %swap3A_59 = vector.load %arg7[%swap3A, %swap3A_58] : memref<1000x128xf32, #tpu.memory_space<vmem>>, vector<1000x128xf32>
    tpu.vector_store %arg7[%swap3A, %swap3A_58], %add3A_32 {strides = array<i32>} : memref<1000x128xf32, #tpu.memory_space<vmem>>, vector<1000x128xf32>,
    %swap3A_60 = arith.constant 0 : index
    %swap3A_61 = arith.constant 0 : index
    %swap3A_62 = vector.load %arg8[%swap3A_60, %swap3A_61] : memref<1000x128xf32, #tpu.memory_space<vmem>>, vector<1000x128xf32>
    tpu.vector_store %arg8[%swap3A_60, %swap3A_61], %add3A_57 {strides = array<i32>} : memref<1000x128xf32, #tpu.memory_space<vmem>>, vector<1000x128xf32>,
    %get3A_63 = arith.constant 0 : index
    %get3A_64 = arith.constant 0 : index
    %get3A_65 = vector.load %arg6[%get3A_63, %get3A_64] : memref<1000x1xi32, #tpu.memory_space<vmem>>, vector<1000x1xi32>
    %eq3A = arith.constant 0 : i32
    %eq3A_66 = vector.broadcast %eq3A : i32 to vector<1000x1xi32>
    %eq3A_67 = arith.cmpi eq, %get3A_65, %eq3A_66 : vector<1000x1xi32>
    %tanh3A = math.tanh %add3A_32 : vector<1000x128xf32>
    %tanh3A_68 = math.tanh %add3A_57 : vector<1000x128xf32>
    %broadcast_in_dim3A = vector.shape_cast %eq3A_67 : vector<1000x1xi1> to vector<1000x1xi1>
    %broadcast_in_dim3A_69 = vector.broadcast %broadcast_in_dim3A : vector<1000x1xi1> to vector<1000x128xi1>
    %select_n3A = arith.select %broadcast_in_dim3A_69, %tanh3A, %tanh3A_68 : vector<1000x128xi1>, vector<1000x128xf32>
    %swap3A_70 = arith.constant 0 : index
    %swap3A_71 = arith.constant 0 : index
    %swap3A_72 = vector.load %arg9[%swap3A_70, %swap3A_71] : memref<1000x128xf32, #tpu.memory_space<vmem>>, vector<1000x128xf32>
    tpu.vector_store %arg9[%swap3A_70, %swap3A_71], %select_n3A {strides = array<i32>} : memref<1000x128xf32, #tpu.memory_space<vmem>>, vector<1000x128xf32>,
    return
  }
  func.func @transform_0(%arg0: i32) -> (i32, i32) {
    %c0_i32 = arith.constant 0 : i32
    %c0_i32_0 = arith.constant 0 : i32
    return %arg0, %c0_i32 : i32, i32
  }
  func.func @transform_1(%arg0: i32) -> (i32, i32, i32) {
    %c0_i32 = arith.constant 0 : i32
    %c0_i32_0 = arith.constant 0 : i32
    %c0_i32_1 = arith.constant 0 : i32
    return %c0_i32, %arg0, %c0_i32_0 : i32, i32, i32
  }
  func.func @transform_2(%arg0: i32) -> (i32, i32, i32) {
    %c0_i32 = arith.constant 0 : i32
    %c0_i32_0 = arith.constant 0 : i32
    %c0_i32_1 = arith.constant 0 : i32
    %c0_i32_2 = arith.constant 0 : i32
    return %c0_i32, %c0_i32_0, %c0_i32_1 : i32, i32, i32
  }
  func.func @transform_3(%arg0: i32) -> (i32, i32, i32) {
    %c0_i32 = arith.constant 0 : i32
    %c0_i32_0 = arith.constant 0 : i32
    %c0_i32_1 = arith.constant 0 : i32
    %c0_i32_2 = arith.constant 0 : i32
    return %c0_i32, %c0_i32_0, %c0_i32_1 : i32, i32, i32
  }
  func.func @transform_4(%arg0: i32) -> (i32, i32, i32) {
    %c0_i32 = arith.constant 0 : i32
    %c0_i32_0 = arith.constant 0 : i32
    %c0_i32_1 = arith.constant 0 : i32
    %c0_i32_2 = arith.constant 0 : i32
    return %c0_i32, %c0_i32_0, %c0_i32_1 : i32, i32, i32
  }
  func.func @transform_5(%arg0: i32) -> (i32, i32) {
    %c0_i32 = arith.constant 0 : i32
    %c0_i32_0 = arith.constant 0 : i32
    return %arg0, %c0_i32 : i32, i32
  }
  func.func @transform_6(%arg0: i32) -> (i32, i32) {
    %c0_i32 = arith.constant 0 : i32
    %c0_i32_0 = arith.constant 0 : i32
    return %arg0, %c0_i32 : i32, i32
  }
  func.func @transform_7(%arg0: i32) -> (i32, i32) {
    %c0_i32 = arith.constant 0 : i32
    %c0_i32_0 = arith.constant 0 : i32
    return %arg0, %c0_i32 : i32, i32
  }
  func.func @transform_8(%arg0: i32) -> (i32, i32) {
    %c0_i32 = arith.constant 0 : i32
    %c0_i32_0 = arith.constant 0 : i32
    return %arg0, %c0_i32 : i32, i32
  }
}

module attributes {stable_mosaic.version = 14 : i64} {
  func.func @_iter_body(%arg0: i32, %arg1: memref<2x1000x128xf32, #tpu.memory_space<vmem>>, %arg2: memref<1000x128xf32, #tpu.memory_space<vmem>>, %arg3: memref<1000x128xf32, #tpu.memory_space<vmem>>, %arg4: memref<2x128x128xf32, #tpu.memory_space<vmem>>, %arg5: memref<1000x1xi32, #tpu.memory_space<vmem>>, %arg6: memref<1000x128xf32, #tpu.memory_space<vmem>>) attributes {dimension_semantics = [#tpu.dimension_semantics<parallel>], iteration_bounds = array<i64: 10>, scalar_prefetch = 0 : i64, scratch_operands = 0 : i64, tpu.core_type = #tpu.core_type<tc>, window_params = [{transform_indices = @transform_0, window_bounds = array<i64: 2, 1000, 128>}, {transform_indices = @transform_1, window_bounds = array<i64: 1000, 128>}, {transform_indices = @transform_2, window_bounds = array<i64: 1000, 128>}, {pipeline_mode = #tpu.pipeline_mode<synchronous>, transform_indices = @transform_3, window_bounds = array<i64: 2, 128, 128>}, {transform_indices = @transform_4, window_bounds = array<i64: 1000, 1>}, {transform_indices = @transform_5, window_bounds = array<i64: 1000, 128>}]} {
    %get3A = arith.constant 0 : index
    %get3A_0 = arith.constant 0 : index
    %get3A_1 = arith.constant 0 : index
    %get3A_2 = vector.load %arg1[%get3A, %get3A_0, %get3A_1] : memref<2x1000x128xf32, #tpu.memory_space<vmem>>, vector<1x1000x128xf32>
    %get3A_3 = vector.shape_cast %get3A_2 : vector<1x1000x128xf32> to vector<1000x128xf32>
    %get3A_4 = arith.constant 1 : index
    %get3A_5 = arith.constant 0 : index
    %get3A_6 = arith.constant 0 : index
    %get3A_7 = vector.load %arg1[%get3A_4, %get3A_5, %get3A_6] : memref<2x1000x128xf32, #tpu.memory_space<vmem>>, vector<1x1000x128xf32>
    %get3A_8 = vector.shape_cast %get3A_7 : vector<1x1000x128xf32> to vector<1000x128xf32>
    %add3A = arith.addf %get3A_3, %get3A_8 : vector<1000x128xf32>
    %get3A_9 = arith.constant 0 : index
    %get3A_10 = arith.constant 0 : index
    %get3A_11 = arith.constant 0 : index
    %get3A_12 = vector.load %arg4[%get3A_9, %get3A_10, %get3A_11] : memref<2x128x128xf32, #tpu.memory_space<vmem>>, vector<1x128x128xf32>
    %get3A_13 = vector.shape_cast %get3A_12 : vector<1x128x128xf32> to vector<128x128xf32>
    %dot_general3A = arith.constant dense<0.000000e+00> : vector<1000x128xf32>
    %dot_general3A_14 = tpu.matmul %add3A, %get3A_13, %dot_general3A {dimension_numbers = #tpu.dot_dimension_numbers<[1], [0], [0], [1], [0, 0, 1, 1], [], []>, transpose_lhs_hint = false} : vector<1000x128xf32>, vector<128x128xf32>, vector<1000x128xf32> -> vector<1000x128xf32>
    %get3A_15 = arith.constant 0 : index
    %get3A_16 = arith.constant 0 : index
    %get3A_17 = vector.load %arg2[%get3A_15, %get3A_16] : memref<1000x128xf32, #tpu.memory_space<vmem>>, vector<1000x128xf32>
    %add3A_18 = arith.addf %dot_general3A_14, %get3A_17 : vector<1000x128xf32>
    %tanh3A = math.tanh %add3A_18 : vector<1000x128xf32>
    %get3A_19 = arith.constant 1 : index
    %get3A_20 = arith.constant 0 : index
    %get3A_21 = arith.constant 0 : index
    %get3A_22 = vector.load %arg4[%get3A_19, %get3A_20, %get3A_21] : memref<2x128x128xf32, #tpu.memory_space<vmem>>, vector<1x128x128xf32>
    %get3A_23 = vector.shape_cast %get3A_22 : vector<1x128x128xf32> to vector<128x128xf32>
    %dot_general3A_24 = arith.constant dense<0.000000e+00> : vector<1000x128xf32>
    %dot_general3A_25 = tpu.matmul %add3A, %get3A_23, %dot_general3A_24 {dimension_numbers = #tpu.dot_dimension_numbers<[1], [0], [0], [1], [0, 0, 1, 1], [], []>, transpose_lhs_hint = false} : vector<1000x128xf32>, vector<128x128xf32>, vector<1000x128xf32> -> vector<1000x128xf32>
    %get3A_26 = arith.constant 0 : index
    %get3A_27 = arith.constant 0 : index
    %get3A_28 = vector.load %arg3[%get3A_26, %get3A_27] : memref<1000x128xf32, #tpu.memory_space<vmem>>, vector<1000x128xf32>
    %add3A_29 = arith.addf %dot_general3A_25, %get3A_28 : vector<1000x128xf32>
    %tanh3A_30 = math.tanh %add3A_29 : vector<1000x128xf32>
    %get3A_31 = arith.constant 0 : index
    %get3A_32 = arith.constant 0 : index
    %get3A_33 = vector.load %arg5[%get3A_31, %get3A_32] : memref<1000x1xi32, #tpu.memory_space<vmem>>, vector<1000x1xi32>
    %eq3A = arith.constant 0 : i32
    %eq3A_34 = vector.broadcast %eq3A : i32 to vector<1000x1xi32>
    %eq3A_35 = arith.cmpi eq, %get3A_33, %eq3A_34 : vector<1000x1xi32>
    %broadcast_in_dim3A = vector.shape_cast %eq3A_35 : vector<1000x1xi1> to vector<1000x1xi1>
    %broadcast_in_dim3A_36 = vector.broadcast %broadcast_in_dim3A : vector<1000x1xi1> to vector<1000x128xi1>
    %select_n3A = arith.select %broadcast_in_dim3A_36, %tanh3A, %tanh3A_30 : vector<1000x128xi1>, vector<1000x128xf32>
    %swap3A = arith.constant 0 : index
    %swap3A_37 = arith.constant 0 : index
    %swap3A_38 = vector.load %arg6[%swap3A, %swap3A_37] : memref<1000x128xf32, #tpu.memory_space<vmem>>, vector<1000x128xf32>
    tpu.vector_store %arg6[%swap3A, %swap3A_37], %select_n3A {strides = array<i32>} : memref<1000x128xf32, #tpu.memory_space<vmem>>, vector<1000x128xf32>,
    return
  }
  func.func @transform_0(%arg0: i32) -> (i32, i32, i32) {
    %c0_i32 = arith.constant 0 : i32
    %c0_i32_0 = arith.constant 0 : i32
    %c0_i32_1 = arith.constant 0 : i32
    return %c0_i32, %arg0, %c0_i32_0 : i32, i32, i32
  }
  func.func @transform_1(%arg0: i32) -> (i32, i32) {
    %c0_i32 = arith.constant 0 : i32
    %c0_i32_0 = arith.constant 0 : i32
    return %arg0, %c0_i32 : i32, i32
  }
  func.func @transform_2(%arg0: i32) -> (i32, i32) {
    %c0_i32 = arith.constant 0 : i32
    %c0_i32_0 = arith.constant 0 : i32
    return %arg0, %c0_i32 : i32, i32
  }
  func.func @transform_3(%arg0: i32) -> (i32, i32, i32) {
    %c0_i32 = arith.constant 0 : i32
    %c0_i32_0 = arith.constant 0 : i32
    %c0_i32_1 = arith.constant 0 : i32
    %c0_i32_2 = arith.constant 0 : i32
    return %c0_i32, %c0_i32_0, %c0_i32_1 : i32, i32, i32
  }
  func.func @transform_4(%arg0: i32) -> (i32, i32) {
    %c0_i32 = arith.constant 0 : i32
    %c0_i32_0 = arith.constant 0 : i32
    return %arg0, %c0_i32 : i32, i32
  }
  func.func @transform_5(%arg0: i32) -> (i32, i32) {
    %c0_i32 = arith.constant 0 : i32
    %c0_i32_0 = arith.constant 0 : i32
    return %arg0, %c0_i32 : i32, i32
  }
}

module attributes {stable_mosaic.version = 14 : i64} {
  func.func @_out0_body(%arg0: i32, %arg1: memref<1000x128xf32, #tpu.memory_space<vmem>>, %arg2: memref<1000x128xf32, #tpu.memory_space<vmem>>, %arg3: memref<128x16xf32, #tpu.memory_space<vmem>>, %arg4: memref<128x16xf32, #tpu.memory_space<vmem>>, %arg5: memref<1x16xf32, #tpu.memory_space<vmem>>, %arg6: memref<1000x1xi32, #tpu.memory_space<vmem>>, %arg7: memref<1000x16xf32, #tpu.memory_space<vmem>>) attributes {dimension_semantics = [#tpu.dimension_semantics<parallel>], iteration_bounds = array<i64: 10>, scalar_prefetch = 0 : i64, scratch_operands = 0 : i64, tpu.core_type = #tpu.core_type<tc>, window_params = [{transform_indices = @transform_0, window_bounds = array<i64: 1000, 128>}, {transform_indices = @transform_1, window_bounds = array<i64: 1000, 128>}, {pipeline_mode = #tpu.pipeline_mode<synchronous>, transform_indices = @transform_2, window_bounds = array<i64: 128, 16>}, {pipeline_mode = #tpu.pipeline_mode<synchronous>, transform_indices = @transform_3, window_bounds = array<i64: 128, 16>}, {pipeline_mode = #tpu.pipeline_mode<synchronous>, transform_indices = @transform_4, window_bounds = array<i64: 1, 16>}, {transform_indices = @transform_5, window_bounds = array<i64: 1000, 1>}, {transform_indices = @transform_6, window_bounds = array<i64: 1000, 16>}]} {
    %get3A = arith.constant 0 : index
    %get3A_0 = arith.constant 0 : index
    %get3A_1 = vector.load %arg1[%get3A, %get3A_0] : memref<1000x128xf32, #tpu.memory_space<vmem>>, vector<1000x128xf32>
    %get3A_2 = arith.constant 0 : index
    %get3A_3 = arith.constant 0 : index
    %get3A_4 = vector.load %arg3[%get3A_2, %get3A_3] : memref<128x16xf32, #tpu.memory_space<vmem>>, vector<128x16xf32>
    %dot_general3A = arith.constant dense<0.000000e+00> : vector<1000x16xf32>
    %dot_general3A_5 = tpu.matmul %get3A_1, %get3A_4, %dot_general3A {dimension_numbers = #tpu.dot_dimension_numbers<[1], [0], [0], [1], [0, 0, 1, 1], [], []>, transpose_lhs_hint = false} : vector<1000x128xf32>, vector<128x16xf32>, vector<1000x16xf32> -> vector<1000x16xf32>
    %get3A_6 = arith.constant 0 : index
    %get3A_7 = arith.constant 0 : index
    %get3A_8 = vector.load %arg2[%get3A_6, %get3A_7] : memref<1000x128xf32, #tpu.memory_space<vmem>>, vector<1000x128xf32>
    %get3A_9 = arith.constant 0 : index
    %get3A_10 = arith.constant 0 : index
    %get3A_11 = vector.load %arg4[%get3A_9, %get3A_10] : memref<128x16xf32, #tpu.memory_space<vmem>>, vector<128x16xf32>
    %dot_general3A_12 = arith.constant dense<0.000000e+00> : vector<1000x16xf32>
    %dot_general3A_13 = tpu.matmul %get3A_8, %get3A_11, %dot_general3A_12 {dimension_numbers = #tpu.dot_dimension_numbers<[1], [0], [0], [1], [0, 0, 1, 1], [], []>, transpose_lhs_hint = false} : vector<1000x128xf32>, vector<128x16xf32>, vector<1000x16xf32> -> vector<1000x16xf32>
    %add3A = arith.addf %dot_general3A_5, %dot_general3A_13 : vector<1000x16xf32>
    %get3A_14 = arith.constant 0 : index
    %get3A_15 = arith.constant 0 : index
    %get3A_16 = vector.load %arg5[%get3A_14, %get3A_15] : memref<1x16xf32, #tpu.memory_space<vmem>>, vector<1x16xf32>
    %add3A_17 = vector.broadcast %get3A_16 : vector<1x16xf32> to vector<1000x16xf32>
    %add3A_18 = arith.addf %add3A, %add3A_17 : vector<1000x16xf32>
    %get3A_19 = arith.constant 0 : index
    %get3A_20 = arith.constant 0 : index
    %get3A_21 = vector.load %arg6[%get3A_19, %get3A_20] : memref<1000x1xi32, #tpu.memory_space<vmem>>, vector<1000x1xi32>
    %ne3A = arith.constant 0 : i32
    %ne3A_22 = vector.broadcast %ne3A : i32 to vector<1000x1xi32>
    %ne3A_23 = arith.cmpi ne, %get3A_21, %ne3A_22 : vector<1000x1xi32>
    %jit3A = arith.constant 0.000000e+00 : f32
    %broadcast_in_dim3A = vector.shape_cast %ne3A_23 : vector<1000x1xi1> to vector<1000x1xi1>
    %broadcast_in_dim3A_24 = vector.broadcast %broadcast_in_dim3A : vector<1000x1xi1> to vector<1000x16xi1>
    %broadcast_in_dim3A_25 = vector.broadcast %jit3A : f32 to vector<1000x16xf32>
    %select_n3A = arith.select %broadcast_in_dim3A_24, %add3A_18, %broadcast_in_dim3A_25 : vector<1000x16xi1>, vector<1000x16xf32>
    %swap3A = arith.constant 0 : index
    %swap3A_26 = arith.constant 0 : index
    %swap3A_27 = vector.load %arg7[%swap3A, %swap3A_26] : memref<1000x16xf32, #tpu.memory_space<vmem>>, vector<1000x16xf32>
    tpu.vector_store %arg7[%swap3A, %swap3A_26], %select_n3A {strides = array<i32>} : memref<1000x16xf32, #tpu.memory_space<vmem>>, vector<1000x16xf32>,
    return
  }
  func.func @transform_0(%arg0: i32) -> (i32, i32) {
    %c0_i32 = arith.constant 0 : i32
    %c0_i32_0 = arith.constant 0 : i32
    return %arg0, %c0_i32 : i32, i32
  }
  func.func @transform_1(%arg0: i32) -> (i32, i32) {
    %c0_i32 = arith.constant 0 : i32
    %c0_i32_0 = arith.constant 0 : i32
    return %arg0, %c0_i32 : i32, i32
  }
  func.func @transform_2(%arg0: i32) -> (i32, i32) {
    %c0_i32 = arith.constant 0 : i32
    %c0_i32_0 = arith.constant 0 : i32
    %c0_i32_1 = arith.constant 0 : i32
    return %c0_i32, %c0_i32_0 : i32, i32
  }
  func.func @transform_3(%arg0: i32) -> (i32, i32) {
    %c0_i32 = arith.constant 0 : i32
    %c0_i32_0 = arith.constant 0 : i32
    %c0_i32_1 = arith.constant 0 : i32
    return %c0_i32, %c0_i32_0 : i32, i32
  }
  func.func @transform_4(%arg0: i32) -> (i32, i32) {
    %c0_i32 = arith.constant 0 : i32
    %c0_i32_0 = arith.constant 0 : i32
    %c0_i32_1 = arith.constant 0 : i32
    return %c0_i32, %c0_i32_0 : i32, i32
  }
  func.func @transform_5(%arg0: i32) -> (i32, i32) {
    %c0_i32 = arith.constant 0 : i32
    %c0_i32_0 = arith.constant 0 : i32
    return %arg0, %c0_i32 : i32, i32
  }
  func.func @transform_6(%arg0: i32) -> (i32, i32) {
    %c0_i32 = arith.constant 0 : i32
    %c0_i32_0 = arith.constant 0 : i32
    return %arg0, %c0_i32 : i32, i32
  }
}

module attributes {stable_mosaic.version = 14 : i64} {
  func.func @_pre1_body(%arg0: i32, %arg1: memref<1000x128xf32, #tpu.memory_space<vmem>>, %arg2: memref<1000x16xf32, #tpu.memory_space<vmem>>, %arg3: memref<1000x128xf32, #tpu.memory_space<vmem>>, %arg4: memref<2x1000x128xf32, #tpu.memory_space<vmem>>, %arg5: memref<2x128x128xf32, #tpu.memory_space<vmem>>, %arg6: memref<2x16x128xf32, #tpu.memory_space<vmem>>, %arg7: memref<2x128x128xf32, #tpu.memory_space<vmem>>, %arg8: memref<2x128x128xf32, #tpu.memory_space<vmem>>, %arg9: memref<2x1x128xf32, #tpu.memory_space<vmem>>, %arg10: memref<1000x1xi32, #tpu.memory_space<vmem>>, %arg11: memref<1000x128xf32, #tpu.memory_space<vmem>>, %arg12: memref<1000x128xf32, #tpu.memory_space<vmem>>, %arg13: memref<1000x128xf32, #tpu.memory_space<vmem>>) attributes {dimension_semantics = [#tpu.dimension_semantics<parallel>], iteration_bounds = array<i64: 10>, scalar_prefetch = 0 : i64, scratch_operands = 0 : i64, tpu.core_type = #tpu.core_type<tc>, window_params = [{transform_indices = @transform_0, window_bounds = array<i64: 1000, 128>}, {transform_indices = @transform_1, window_bounds = array<i64: 1000, 16>}, {transform_indices = @transform_2, window_bounds = array<i64: 1000, 128>}, {transform_indices = @transform_3, window_bounds = array<i64: 2, 1000, 128>}, {pipeline_mode = #tpu.pipeline_mode<synchronous>, transform_indices = @transform_4, window_bounds = array<i64: 2, 128, 128>}, {pipeline_mode = #tpu.pipeline_mode<synchronous>, transform_indices = @transform_5, window_bounds = array<i64: 2, 16, 128>}, {pipeline_mode = #tpu.pipeline_mode<synchronous>, transform_indices = @transform_6, window_bounds = array<i64: 2, 128, 128>}, {pipeline_mode = #tpu.pipeline_mode<synchronous>, transform_indices = @transform_7, window_bounds = array<i64: 2, 128, 128>}, {pipeline_mode = #tpu.pipeline_mode<synchronous>, transform_indices = @transform_8, window_bounds = array<i64: 2, 1, 128>}, {transform_indices = @transform_9, window_bounds = array<i64: 1000, 1>}, {transform_indices = @transform_10, window_bounds = array<i64: 1000, 128>}, {transform_indices = @transform_11, window_bounds = array<i64: 1000, 128>}, {transform_indices = @transform_12, window_bounds = array<i64: 1000, 128>}]} {
    %get3A = arith.constant 0 : index
    %get3A_0 = arith.constant 0 : index
    %get3A_1 = arith.constant 0 : index
    %get3A_2 = vector.load %arg4[%get3A, %get3A_0, %get3A_1] : memref<2x1000x128xf32, #tpu.memory_space<vmem>>, vector<1x1000x128xf32>
    %get3A_3 = vector.shape_cast %get3A_2 : vector<1x1000x128xf32> to vector<1000x128xf32>
    %get3A_4 = arith.constant 1 : index
    %get3A_5 = arith.constant 0 : index
    %get3A_6 = arith.constant 0 : index
    %get3A_7 = vector.load %arg4[%get3A_4, %get3A_5, %get3A_6] : memref<2x1000x128xf32, #tpu.memory_space<vmem>>, vector<1x1000x128xf32>
    %get3A_8 = vector.shape_cast %get3A_7 : vector<1x1000x128xf32> to vector<1000x128xf32>
    %add3A = arith.addf %get3A_3, %get3A_8 : vector<1000x128xf32>
    %get3A_9 = arith.constant 0 : index
    %get3A_10 = arith.constant 0 : index
    %get3A_11 = vector.load %arg1[%get3A_9, %get3A_10] : memref<1000x128xf32, #tpu.memory_space<vmem>>, vector<1000x128xf32>
    %get3A_12 = arith.constant 0 : index
    %get3A_13 = arith.constant 0 : index
    %get3A_14 = arith.constant 0 : index
    %get3A_15 = vector.load %arg5[%get3A_12, %get3A_13, %get3A_14] : memref<2x128x128xf32, #tpu.memory_space<vmem>>, vector<1x128x128xf32>
    %get3A_16 = vector.shape_cast %get3A_15 : vector<1x128x128xf32> to vector<128x128xf32>
    %dot_general3A = arith.constant dense<0.000000e+00> : vector<1000x128xf32>
    %dot_general3A_17 = tpu.matmul %get3A_11, %get3A_16, %dot_general3A {dimension_numbers = #tpu.dot_dimension_numbers<[1], [0], [0], [1], [0, 0, 1, 1], [], []>, transpose_lhs_hint = false} : vector<1000x128xf32>, vector<128x128xf32>, vector<1000x128xf32> -> vector<1000x128xf32>
    %get3A_18 = arith.constant 0 : index
    %get3A_19 = arith.constant 0 : index
    %get3A_20 = vector.load %arg2[%get3A_18, %get3A_19] : memref<1000x16xf32, #tpu.memory_space<vmem>>, vector<1000x16xf32>
    %get3A_21 = arith.constant 0 : index
    %get3A_22 = arith.constant 0 : index
    %get3A_23 = arith.constant 0 : index
    %get3A_24 = vector.load %arg6[%get3A_21, %get3A_22, %get3A_23] : memref<2x16x128xf32, #tpu.memory_space<vmem>>, vector<1x16x128xf32>
    %get3A_25 = vector.shape_cast %get3A_24 : vector<1x16x128xf32> to vector<16x128xf32>
    %dot_general3A_26 = arith.constant dense<0.000000e+00> : vector<1000x128xf32>
    %dot_general3A_27 = tpu.matmul %get3A_20, %get3A_25, %dot_general3A_26 {dimension_numbers = #tpu.dot_dimension_numbers<[1], [0], [0], [1], [0, 0, 1, 1], [], []>, transpose_lhs_hint = false} : vector<1000x16xf32>, vector<16x128xf32>, vector<1000x128xf32> -> vector<1000x128xf32>
    %add3A_28 = arith.addf %dot_general3A_17, %dot_general3A_27 : vector<1000x128xf32>
    %get3A_29 = arith.constant 0 : index
    %get3A_30 = arith.constant 0 : index
    %get3A_31 = vector.load %arg3[%get3A_29, %get3A_30] : memref<1000x128xf32, #tpu.memory_space<vmem>>, vector<1000x128xf32>
    %get3A_32 = arith.constant 0 : index
    %get3A_33 = arith.constant 0 : index
    %get3A_34 = arith.constant 0 : index
    %get3A_35 = vector.load %arg7[%get3A_32, %get3A_33, %get3A_34] : memref<2x128x128xf32, #tpu.memory_space<vmem>>, vector<1x128x128xf32>
    %get3A_36 = vector.shape_cast %get3A_35 : vector<1x128x128xf32> to vector<128x128xf32>
    %dot_general3A_37 = arith.constant dense<0.000000e+00> : vector<1000x128xf32>
    %dot_general3A_38 = tpu.matmul %get3A_31, %get3A_36, %dot_general3A_37 {dimension_numbers = #tpu.dot_dimension_numbers<[1], [0], [0], [1], [0, 0, 1, 1], [], []>, transpose_lhs_hint = false} : vector<1000x128xf32>, vector<128x128xf32>, vector<1000x128xf32> -> vector<1000x128xf32>
    %add3A_39 = arith.addf %add3A_28, %dot_general3A_38 : vector<1000x128xf32>
    %get3A_40 = arith.constant 0 : index
    %get3A_41 = arith.constant 0 : index
    %get3A_42 = arith.constant 0 : index
    %get3A_43 = vector.load %arg8[%get3A_40, %get3A_41, %get3A_42] : memref<2x128x128xf32, #tpu.memory_space<vmem>>, vector<1x128x128xf32>
    %get3A_44 = vector.shape_cast %get3A_43 : vector<1x128x128xf32> to vector<128x128xf32>
    %dot_general3A_45 = arith.constant dense<0.000000e+00> : vector<1000x128xf32>
    %dot_general3A_46 = tpu.matmul %add3A, %get3A_44, %dot_general3A_45 {dimension_numbers = #tpu.dot_dimension_numbers<[1], [0], [0], [1], [0, 0, 1, 1], [], []>, transpose_lhs_hint = false} : vector<1000x128xf32>, vector<128x128xf32>, vector<1000x128xf32> -> vector<1000x128xf32>
    %add3A_47 = arith.addf %add3A_39, %dot_general3A_46 : vector<1000x128xf32>
    %get3A_48 = arith.constant 0 : index
    %get3A_49 = arith.constant 0 : index
    %get3A_50 = arith.constant 0 : index
    %get3A_51 = vector.load %arg9[%get3A_48, %get3A_49, %get3A_50] : memref<2x1x128xf32, #tpu.memory_space<vmem>>, vector<1x1x128xf32>
    %get3A_52 = vector.shape_cast %get3A_51 : vector<1x1x128xf32> to vector<1x128xf32>
    %add3A_53 = vector.broadcast %get3A_52 : vector<1x128xf32> to vector<1000x128xf32>
    %add3A_54 = arith.addf %add3A_47, %add3A_53 : vector<1000x128xf32>
    %get3A_55 = arith.constant 0 : index
    %get3A_56 = arith.constant 0 : index
    %get3A_57 = vector.load %arg1[%get3A_55, %get3A_56] : memref<1000x128xf32, #tpu.memory_space<vmem>>, vector<1000x128xf32>
    %get3A_58 = arith.constant 1 : index
    %get3A_59 = arith.constant 0 : index
    %get3A_60 = arith.constant 0 : index
    %get3A_61 = vector.load %arg5[%get3A_58, %get3A_59, %get3A_60] : memref<2x128x128xf32, #tpu.memory_space<vmem>>, vector<1x128x128xf32>
    %get3A_62 = vector.shape_cast %get3A_61 : vector<1x128x128xf32> to vector<128x128xf32>
    %dot_general3A_63 = arith.constant dense<0.000000e+00> : vector<1000x128xf32>
    %dot_general3A_64 = tpu.matmul %get3A_57, %get3A_62, %dot_general3A_63 {dimension_numbers = #tpu.dot_dimension_numbers<[1], [0], [0], [1], [0, 0, 1, 1], [], []>, transpose_lhs_hint = false} : vector<1000x128xf32>, vector<128x128xf32>, vector<1000x128xf32> -> vector<1000x128xf32>
    %get3A_65 = arith.constant 0 : index
    %get3A_66 = arith.constant 0 : index
    %get3A_67 = vector.load %arg2[%get3A_65, %get3A_66] : memref<1000x16xf32, #tpu.memory_space<vmem>>, vector<1000x16xf32>
    %get3A_68 = arith.constant 1 : index
    %get3A_69 = arith.constant 0 : index
    %get3A_70 = arith.constant 0 : index
    %get3A_71 = vector.load %arg6[%get3A_68, %get3A_69, %get3A_70] : memref<2x16x128xf32, #tpu.memory_space<vmem>>, vector<1x16x128xf32>
    %get3A_72 = vector.shape_cast %get3A_71 : vector<1x16x128xf32> to vector<16x128xf32>
    %dot_general3A_73 = arith.constant dense<0.000000e+00> : vector<1000x128xf32>
    %dot_general3A_74 = tpu.matmul %get3A_67, %get3A_72, %dot_general3A_73 {dimension_numbers = #tpu.dot_dimension_numbers<[1], [0], [0], [1], [0, 0, 1, 1], [], []>, transpose_lhs_hint = false} : vector<1000x16xf32>, vector<16x128xf32>, vector<1000x128xf32> -> vector<1000x128xf32>
    %add3A_75 = arith.addf %dot_general3A_64, %dot_general3A_74 : vector<1000x128xf32>
    %get3A_76 = arith.constant 0 : index
    %get3A_77 = arith.constant 0 : index
    %get3A_78 = vector.load %arg3[%get3A_76, %get3A_77] : memref<1000x128xf32, #tpu.memory_space<vmem>>, vector<1000x128xf32>
    %get3A_79 = arith.constant 1 : index
    %get3A_80 = arith.constant 0 : index
    %get3A_81 = arith.constant 0 : index
    %get3A_82 = vector.load %arg7[%get3A_79, %get3A_80, %get3A_81] : memref<2x128x128xf32, #tpu.memory_space<vmem>>, vector<1x128x128xf32>
    %get3A_83 = vector.shape_cast %get3A_82 : vector<1x128x128xf32> to vector<128x128xf32>
    %dot_general3A_84 = arith.constant dense<0.000000e+00> : vector<1000x128xf32>
    %dot_general3A_85 = tpu.matmul %get3A_78, %get3A_83, %dot_general3A_84 {dimension_numbers = #tpu.dot_dimension_numbers<[1], [0], [0], [1], [0, 0, 1, 1], [], []>, transpose_lhs_hint = false} : vector<1000x128xf32>, vector<128x128xf32>, vector<1000x128xf32> -> vector<1000x128xf32>
    %add3A_86 = arith.addf %add3A_75, %dot_general3A_85 : vector<1000x128xf32>
    %get3A_87 = arith.constant 1 : index
    %get3A_88 = arith.constant 0 : index
    %get3A_89 = arith.constant 0 : index
    %get3A_90 = vector.load %arg8[%get3A_87, %get3A_88, %get3A_89] : memref<2x128x128xf32, #tpu.memory_space<vmem>>, vector<1x128x128xf32>
    %get3A_91 = vector.shape_cast %get3A_90 : vector<1x128x128xf32> to vector<128x128xf32>
    %dot_general3A_92 = arith.constant dense<0.000000e+00> : vector<1000x128xf32>
    %dot_general3A_93 = tpu.matmul %add3A, %get3A_91, %dot_general3A_92 {dimension_numbers = #tpu.dot_dimension_numbers<[1], [0], [0], [1], [0, 0, 1, 1], [], []>, transpose_lhs_hint = false} : vector<1000x128xf32>, vector<128x128xf32>, vector<1000x128xf32> -> vector<1000x128xf32>
    %add3A_94 = arith.addf %add3A_86, %dot_general3A_93 : vector<1000x128xf32>
    %get3A_95 = arith.constant 1 : index
    %get3A_96 = arith.constant 0 : index
    %get3A_97 = arith.constant 0 : index
    %get3A_98 = vector.load %arg9[%get3A_95, %get3A_96, %get3A_97] : memref<2x1x128xf32, #tpu.memory_space<vmem>>, vector<1x1x128xf32>
    %get3A_99 = vector.shape_cast %get3A_98 : vector<1x1x128xf32> to vector<1x128xf32>
    %add3A_100 = vector.broadcast %get3A_99 : vector<1x128xf32> to vector<1000x128xf32>
    %add3A_101 = arith.addf %add3A_94, %add3A_100 : vector<1000x128xf32>
    %swap3A = arith.constant 0 : index
    %swap3A_102 = arith.constant 0 : index
    %swap3A_103 = vector.load %arg11[%swap3A, %swap3A_102] : memref<1000x128xf32, #tpu.memory_space<vmem>>, vector<1000x128xf32>
    tpu.vector_store %arg11[%swap3A, %swap3A_102], %add3A_54 {strides = array<i32>} : memref<1000x128xf32, #tpu.memory_space<vmem>>, vector<1000x128xf32>,
    %swap3A_104 = arith.constant 0 : index
    %swap3A_105 = arith.constant 0 : index
    %swap3A_106 = vector.load %arg12[%swap3A_104, %swap3A_105] : memref<1000x128xf32, #tpu.memory_space<vmem>>, vector<1000x128xf32>
    tpu.vector_store %arg12[%swap3A_104, %swap3A_105], %add3A_101 {strides = array<i32>} : memref<1000x128xf32, #tpu.memory_space<vmem>>, vector<1000x128xf32>,
    %get3A_107 = arith.constant 0 : index
    %get3A_108 = arith.constant 0 : index
    %get3A_109 = vector.load %arg10[%get3A_107, %get3A_108] : memref<1000x1xi32, #tpu.memory_space<vmem>>, vector<1000x1xi32>
    %eq3A = arith.constant 0 : i32
    %eq3A_110 = vector.broadcast %eq3A : i32 to vector<1000x1xi32>
    %eq3A_111 = arith.cmpi eq, %get3A_109, %eq3A_110 : vector<1000x1xi32>
    %tanh3A = math.tanh %add3A_54 : vector<1000x128xf32>
    %tanh3A_112 = math.tanh %add3A_101 : vector<1000x128xf32>
    %broadcast_in_dim3A = vector.shape_cast %eq3A_111 : vector<1000x1xi1> to vector<1000x1xi1>
    %broadcast_in_dim3A_113 = vector.broadcast %broadcast_in_dim3A : vector<1000x1xi1> to vector<1000x128xi1>
    %select_n3A = arith.select %broadcast_in_dim3A_113, %tanh3A, %tanh3A_112 : vector<1000x128xi1>, vector<1000x128xf32>
    %swap3A_114 = arith.constant 0 : index
    %swap3A_115 = arith.constant 0 : index
    %swap3A_116 = vector.load %arg13[%swap3A_114, %swap3A_115] : memref<1000x128xf32, #tpu.memory_space<vmem>>, vector<1000x128xf32>
    tpu.vector_store %arg13[%swap3A_114, %swap3A_115], %select_n3A {strides = array<i32>} : memref<1000x128xf32, #tpu.memory_space<vmem>>, vector<1000x128xf32>,
    return
  }
  func.func @transform_0(%arg0: i32) -> (i32, i32) {
    %c0_i32 = arith.constant 0 : i32
    %c0_i32_0 = arith.constant 0 : i32
    return %arg0, %c0_i32 : i32, i32
  }
  func.func @transform_1(%arg0: i32) -> (i32, i32) {
    %c0_i32 = arith.constant 0 : i32
    %c0_i32_0 = arith.constant 0 : i32
    return %arg0, %c0_i32 : i32, i32
  }
  func.func @transform_2(%arg0: i32) -> (i32, i32) {
    %c0_i32 = arith.constant 0 : i32
    %c0_i32_0 = arith.constant 0 : i32
    return %arg0, %c0_i32 : i32, i32
  }
  func.func @transform_3(%arg0: i32) -> (i32, i32, i32) {
    %c0_i32 = arith.constant 0 : i32
    %c0_i32_0 = arith.constant 0 : i32
    %c0_i32_1 = arith.constant 0 : i32
    return %c0_i32, %arg0, %c0_i32_0 : i32, i32, i32
  }
  func.func @transform_4(%arg0: i32) -> (i32, i32, i32) {
    %c0_i32 = arith.constant 0 : i32
    %c0_i32_0 = arith.constant 0 : i32
    %c0_i32_1 = arith.constant 0 : i32
    %c0_i32_2 = arith.constant 0 : i32
    return %c0_i32, %c0_i32_0, %c0_i32_1 : i32, i32, i32
  }
  func.func @transform_5(%arg0: i32) -> (i32, i32, i32) {
    %c0_i32 = arith.constant 0 : i32
    %c0_i32_0 = arith.constant 0 : i32
    %c0_i32_1 = arith.constant 0 : i32
    %c0_i32_2 = arith.constant 0 : i32
    return %c0_i32, %c0_i32_0, %c0_i32_1 : i32, i32, i32
  }
  func.func @transform_6(%arg0: i32) -> (i32, i32, i32) {
    %c0_i32 = arith.constant 0 : i32
    %c0_i32_0 = arith.constant 0 : i32
    %c0_i32_1 = arith.constant 0 : i32
    %c0_i32_2 = arith.constant 0 : i32
    return %c0_i32, %c0_i32_0, %c0_i32_1 : i32, i32, i32
  }
  func.func @transform_7(%arg0: i32) -> (i32, i32, i32) {
    %c0_i32 = arith.constant 0 : i32
    %c0_i32_0 = arith.constant 0 : i32
    %c0_i32_1 = arith.constant 0 : i32
    %c0_i32_2 = arith.constant 0 : i32
    return %c0_i32, %c0_i32_0, %c0_i32_1 : i32, i32, i32
  }
  func.func @transform_8(%arg0: i32) -> (i32, i32, i32) {
    %c0_i32 = arith.constant 0 : i32
    %c0_i32_0 = arith.constant 0 : i32
    %c0_i32_1 = arith.constant 0 : i32
    %c0_i32_2 = arith.constant 0 : i32
    return %c0_i32, %c0_i32_0, %c0_i32_1 : i32, i32, i32
  }
  func.func @transform_9(%arg0: i32) -> (i32, i32) {
    %c0_i32 = arith.constant 0 : i32
    %c0_i32_0 = arith.constant 0 : i32
    return %arg0, %c0_i32 : i32, i32
  }
  func.func @transform_10(%arg0: i32) -> (i32, i32) {
    %c0_i32 = arith.constant 0 : i32
    %c0_i32_0 = arith.constant 0 : i32
    return %arg0, %c0_i32 : i32, i32
  }
  func.func @transform_11(%arg0: i32) -> (i32, i32) {
    %c0_i32 = arith.constant 0 : i32
    %c0_i32_0 = arith.constant 0 : i32
    return %arg0, %c0_i32 : i32, i32
  }
  func.func @transform_12(%arg0: i32) -> (i32, i32) {
    %c0_i32 = arith.constant 0 : i32
    %c0_i32_0 = arith.constant 0 : i32
    return %arg0, %c0_i32 : i32, i32
  }
}

module attributes {stable_mosaic.version = 14 : i64} {
  func.func @_out1_body(%arg0: i32, %arg1: memref<1000x128xf32, #tpu.memory_space<vmem>>, %arg2: memref<1000x16xf32, #tpu.memory_space<vmem>>, %arg3: memref<1000x128xf32, #tpu.memory_space<vmem>>, %arg4: memref<1000x128xf32, #tpu.memory_space<vmem>>, %arg5: memref<128x16xf32, #tpu.memory_space<vmem>>, %arg6: memref<16x16xf32, #tpu.memory_space<vmem>>, %arg7: memref<128x16xf32, #tpu.memory_space<vmem>>, %arg8: memref<128x16xf32, #tpu.memory_space<vmem>>, %arg9: memref<1x16xf32, #tpu.memory_space<vmem>>, %arg10: memref<1000x16xf32, #tpu.memory_space<vmem>>) attributes {dimension_semantics = [#tpu.dimension_semantics<parallel>], iteration_bounds = array<i64: 10>, scalar_prefetch = 0 : i64, scratch_operands = 0 : i64, tpu.core_type = #tpu.core_type<tc>, window_params = [{transform_indices = @transform_0, window_bounds = array<i64: 1000, 128>}, {transform_indices = @transform_1, window_bounds = array<i64: 1000, 16>}, {transform_indices = @transform_2, window_bounds = array<i64: 1000, 128>}, {transform_indices = @transform_3, window_bounds = array<i64: 1000, 128>}, {pipeline_mode = #tpu.pipeline_mode<synchronous>, transform_indices = @transform_4, window_bounds = array<i64: 128, 16>}, {pipeline_mode = #tpu.pipeline_mode<synchronous>, transform_indices = @transform_5, window_bounds = array<i64: 16, 16>}, {pipeline_mode = #tpu.pipeline_mode<synchronous>, transform_indices = @transform_6, window_bounds = array<i64: 128, 16>}, {pipeline_mode = #tpu.pipeline_mode<synchronous>, transform_indices = @transform_7, window_bounds = array<i64: 128, 16>}, {pipeline_mode = #tpu.pipeline_mode<synchronous>, transform_indices = @transform_8, window_bounds = array<i64: 1, 16>}, {transform_indices = @transform_9, window_bounds = array<i64: 1000, 16>}]} {
    %get3A = arith.constant 0 : index
    %get3A_0 = arith.constant 0 : index
    %get3A_1 = vector.load %arg1[%get3A, %get3A_0] : memref<1000x128xf32, #tpu.memory_space<vmem>>, vector<1000x128xf32>
    %get3A_2 = arith.constant 0 : index
    %get3A_3 = arith.constant 0 : index
    %get3A_4 = vector.load %arg5[%get3A_2, %get3A_3] : memref<128x16xf32, #tpu.memory_space<vmem>>, vector<128x16xf32>
    %dot_general3A = arith.constant dense<0.000000e+00> : vector<1000x16xf32>
    %dot_general3A_5 = tpu.matmul %get3A_1, %get3A_4, %dot_general3A {dimension_numbers = #tpu.dot_dimension_numbers<[1], [0], [0], [1], [0, 0, 1, 1], [], []>, transpose_lhs_hint = false} : vector<1000x128xf32>, vector<128x16xf32>, vector<1000x16xf32> -> vector<1000x16xf32>
    %get3A_6 = arith.constant 0 : index
    %get3A_7 = arith.constant 0 : index
    %get3A_8 = vector.load %arg2[%get3A_6, %get3A_7] : memref<1000x16xf32, #tpu.memory_space<vmem>>, vector<1000x16xf32>
    %get3A_9 = arith.constant 0 : index
    %get3A_10 = arith.constant 0 : index
    %get3A_11 = vector.load %arg6[%get3A_9, %get3A_10] : memref<16x16xf32, #tpu.memory_space<vmem>>, vector<16x16xf32>
    %dot_general3A_12 = arith.constant dense<0.000000e+00> : vector<1000x16xf32>
    %dot_general3A_13 = tpu.matmul %get3A_8, %get3A_11, %dot_general3A_12 {dimension_numbers = #tpu.dot_dimension_numbers<[1], [0], [0], [1], [0, 0, 1, 1], [], []>, transpose_lhs_hint = false} : vector<1000x16xf32>, vector<16x16xf32>, vector<1000x16xf32> -> vector<1000x16xf32>
    %add3A = arith.addf %dot_general3A_5, %dot_general3A_13 : vector<1000x16xf32>
    %get3A_14 = arith.constant 0 : index
    %get3A_15 = arith.constant 0 : index
    %get3A_16 = vector.load %arg3[%get3A_14, %get3A_15] : memref<1000x128xf32, #tpu.memory_space<vmem>>, vector<1000x128xf32>
    %get3A_17 = arith.constant 0 : index
    %get3A_18 = arith.constant 0 : index
    %get3A_19 = vector.load %arg7[%get3A_17, %get3A_18] : memref<128x16xf32, #tpu.memory_space<vmem>>, vector<128x16xf32>
    %dot_general3A_20 = arith.constant dense<0.000000e+00> : vector<1000x16xf32>
    %dot_general3A_21 = tpu.matmul %get3A_16, %get3A_19, %dot_general3A_20 {dimension_numbers = #tpu.dot_dimension_numbers<[1], [0], [0], [1], [0, 0, 1, 1], [], []>, transpose_lhs_hint = false} : vector<1000x128xf32>, vector<128x16xf32>, vector<1000x16xf32> -> vector<1000x16xf32>
    %add3A_22 = arith.addf %add3A, %dot_general3A_21 : vector<1000x16xf32>
    %get3A_23 = arith.constant 0 : index
    %get3A_24 = arith.constant 0 : index
    %get3A_25 = vector.load %arg4[%get3A_23, %get3A_24] : memref<1000x128xf32, #tpu.memory_space<vmem>>, vector<1000x128xf32>
    %get3A_26 = arith.constant 0 : index
    %get3A_27 = arith.constant 0 : index
    %get3A_28 = vector.load %arg8[%get3A_26, %get3A_27] : memref<128x16xf32, #tpu.memory_space<vmem>>, vector<128x16xf32>
    %dot_general3A_29 = arith.constant dense<0.000000e+00> : vector<1000x16xf32>
    %dot_general3A_30 = tpu.matmul %get3A_25, %get3A_28, %dot_general3A_29 {dimension_numbers = #tpu.dot_dimension_numbers<[1], [0], [0], [1], [0, 0, 1, 1], [], []>, transpose_lhs_hint = false} : vector<1000x128xf32>, vector<128x16xf32>, vector<1000x16xf32> -> vector<1000x16xf32>
    %add3A_31 = arith.addf %add3A_22, %dot_general3A_30 : vector<1000x16xf32>
    %get3A_32 = arith.constant 0 : index
    %get3A_33 = arith.constant 0 : index
    %get3A_34 = vector.load %arg9[%get3A_32, %get3A_33] : memref<1x16xf32, #tpu.memory_space<vmem>>, vector<1x16xf32>
    %add3A_35 = vector.broadcast %get3A_34 : vector<1x16xf32> to vector<1000x16xf32>
    %add3A_36 = arith.addf %add3A_31, %add3A_35 : vector<1000x16xf32>
    %swap3A = arith.constant 0 : index
    %swap3A_37 = arith.constant 0 : index
    %swap3A_38 = vector.load %arg10[%swap3A, %swap3A_37] : memref<1000x16xf32, #tpu.memory_space<vmem>>, vector<1000x16xf32>
    tpu.vector_store %arg10[%swap3A, %swap3A_37], %add3A_36 {strides = array<i32>} : memref<1000x16xf32, #tpu.memory_space<vmem>>, vector<1000x16xf32>,
    return
  }
  func.func @transform_0(%arg0: i32) -> (i32, i32) {
    %c0_i32 = arith.constant 0 : i32
    %c0_i32_0 = arith.constant 0 : i32
    return %arg0, %c0_i32 : i32, i32
  }
  func.func @transform_1(%arg0: i32) -> (i32, i32) {
    %c0_i32 = arith.constant 0 : i32
    %c0_i32_0 = arith.constant 0 : i32
    return %arg0, %c0_i32 : i32, i32
  }
  func.func @transform_2(%arg0: i32) -> (i32, i32) {
    %c0_i32 = arith.constant 0 : i32
    %c0_i32_0 = arith.constant 0 : i32
    return %arg0, %c0_i32 : i32, i32
  }
  func.func @transform_3(%arg0: i32) -> (i32, i32) {
    %c0_i32 = arith.constant 0 : i32
    %c0_i32_0 = arith.constant 0 : i32
    return %arg0, %c0_i32 : i32, i32
  }
  func.func @transform_4(%arg0: i32) -> (i32, i32) {
    %c0_i32 = arith.constant 0 : i32
    %c0_i32_0 = arith.constant 0 : i32
    %c0_i32_1 = arith.constant 0 : i32
    return %c0_i32, %c0_i32_0 : i32, i32
  }
  func.func @transform_5(%arg0: i32) -> (i32, i32) {
    %c0_i32 = arith.constant 0 : i32
    %c0_i32_0 = arith.constant 0 : i32
    %c0_i32_1 = arith.constant 0 : i32
    return %c0_i32, %c0_i32_0 : i32, i32
  }
  func.func @transform_6(%arg0: i32) -> (i32, i32) {
    %c0_i32 = arith.constant 0 : i32
    %c0_i32_0 = arith.constant 0 : i32
    %c0_i32_1 = arith.constant 0 : i32
    return %c0_i32, %c0_i32_0 : i32, i32
  }
  func.func @transform_7(%arg0: i32) -> (i32, i32) {
    %c0_i32 = arith.constant 0 : i32
    %c0_i32_0 = arith.constant 0 : i32
    %c0_i32_1 = arith.constant 0 : i32
    return %c0_i32, %c0_i32_0 : i32, i32
  }
  func.func @transform_8(%arg0: i32) -> (i32, i32) {
    %c0_i32 = arith.constant 0 : i32
    %c0_i32_0 = arith.constant 0 : i32
    %c0_i32_1 = arith.constant 0 : i32
    return %c0_i32, %c0_i32_0 : i32, i32
  }
  func.func @transform_9(%arg0: i32) -> (i32, i32) {
    %c0_i32 = arith.constant 0 : i32
    %c0_i32_0 = arith.constant 0 : i32
    return %arg0, %c0_i32 : i32, i32
  }
}

</mosaic_0001>

<sc_bundles>
// kernel: kernel.15.cloned.1.call-start
scs
__scs_entry_jumppad:
0x0: {  	(pc) =	sbr.rel $0x88, $3  }
0x1: {  	(tag) =	ssettag $0x0;
	lr =	simm.s32 $0x1  }
0x2: {  	[smem:$0x3F93] =	sst lr;
	_ =	strace $0xD0000000  }
0x3: {  	_ = 	snop  }
0x4: {  	_ = 	snop  }
0x5: {  	_ = 	snop  }
0x6: {  	_ = 	snop  }
0x7: {  	_ = 	snop  }
__scs_overlays_trampoline_lowered:
0x8: {  	[smem:$0x3FA2] =	sst s0  }
0x9: {  	[smem:$0x3FA3] =	sst s1  }
0xa: {  	[smem:$0x3FA4] =	sst s2  }
0xb: {  	[smem:$0x3FA5] =	sst s3  }
0xc: {  	[smem:$0x3FA6] =	sst s4  }
0xd: {  	[smem:$0x3FA7] =	sst s5  }
0xe: {  	[smem:$0x3FA8] =	sst s6  }
0xf: {  	[smem:$0x3FA9] =	sst s7  }
0x10: {  	[smem:$0x3FAA] =	sst s8  }
0x11: {  	[smem:$0x3FAB] =	sst s9;
	s0 =	simm.s32 @!p0 $0x0  }
0x12: {  	s1 =	sld [smem:$0x3F91];
	s0 =	simm.s32 @p0 $0x1  }
0x13: {  	[smem:$0x3FAC] =	sst s0;
	s0 =	simm.s32 @!p1 $0x0  }
0x14: {  	s2 =	sld [smem:$0x3F90];
	s0 =	simm.s32 @p1 $0x1  }
0x15: {  	[smem:$0x3FAD] =	sst s0;
	s0 =	simm.s32 @!p2 $0x0  }
0x16: {  	s3 =	sld [smem:$0x3FDB];
	s0 =	simm.s32 @p2 $0x1  }
0x17: {  	s4 =	simm.s32 $0x1BF5;
	[smem:$0x3FAF] =	sst s0  }
0x18: {  	s0 =	sld [smem:$0x3F92];
	_ =	swait.ge [sflag:s4], $0x0  }
0x19: {  	s7 =	sld [smem:$0x3F93]  }
0x1a: {  	s8 =	sadd.s32 $0xFFFFE003, lr  }
0x1b: {  	s9 =	sadd.s32 $0xFFFFFEF7, lr;
	s5 =	simm.s32 $0xFFFFFFFF;
	p2 =	slt.u32 s8, $0xFFFFF086  }
0x1c: {  	p1 =	slt.u32 s9, $0xF7A;
	s5 =	simm.s32 @!p2 $0x0  }
0x1d: {  	s5 =	simm.s32 @p1 $0x1;
	p0 =	seq.s32 s7, s2  }
0x1e: {  	s7 =	smul.u32 @!p0 $0xF7A, s2;
	p2 =	seq.s32 @!p0 s5, $0x0  }
0x1f: {  	s9 =	smul.u32 $0xF7A, s1;
	s8 =	simm.s32 @!p0 $0x1BF5;
	p2 =	por !p2, p0  }
0x20: {  	[sflag:s8] =	ssyncset.s32 @!p0 $0xFFFFF086;
	s6 =	sadd.s32 @!p0 s3, s7;
	s7 =	simm.s32 @!p0 $0x108  }
0x21: {  	s3 =	sadd.s32 s3, s9;
	s6 =	sadd.s32 @!p0 $0x88, s6;
	s7 =	simm.s32 @p2 $0x1082  }
0x22: {  	[simem:s7], [sflag:s8] =	dma.local @!p0 [hbm:s6], $0xF7A  }
0x23: {  	s9 =	sor.u32 $0xD0000000, s2;
	s6 =	simm.s32 $0x108;
	_ =	swait.ge @!p0 [sflag:s8], $0x0  }
0x24: {  	s3 =	sadd.s32 $0x88, s3;
	s6 =	simm.s32 @!p1 $0x1082;
	[sflag:s4] =	ssyncset.s32 $0xFFFFF086  }
0x25: {  	[simem:s6], [sflag:s4] =	dma.local [hbm:s3], $0xF7A  }
0x26: {  	[smem:$0x3F93] =	sst s1;
	(tag) =	ssettag s2;
	_ =	strace s9  }
0x27: {  	s1 =	sld [smem:$0x3FA3]  }
0x28: {  	s2 =	sld [smem:$0x3FA4]  }
0x29: {  	s4 =	sld [smem:$0x3FA6]  }
0x2a: {  	p0 =	seq.s32 s5, $0x0;
	s5 =	sld [smem:$0x3FA7]  }
0x2b: {  	s6 =	sld [smem:$0x3FA8]  }
0x2c: {  	s7 =	sld [smem:$0x3FA9]  }
0x2d: {  	s3 =	simm.s32 $0x108;
	s8 =	sld [smem:$0x3FAA]  }
0x2e: {  	s3 =	simm.s32 @!p0 $0x1082;
	s9 =	sld [smem:$0x3FAB]  }
0x2f: {  	lr =	sadd.s32 s0, s3;
	s0 =	sld [smem:$0x3FA2]  }
0x30: {  	s3 =	sld [smem:$0x3FA5]  }
0x31: {  	[smem:$0x3FAE] =	sst s10  }
0x32: {  	s10 =	sld [smem:$0x3FAC];
	_ =	sdelay $0x3  }
0x33: {  	p0 =	seq.s32 s10, $0x1;
	s10 =	sld [smem:$0x3FAE];
	_ =	sdelay $0x3  }
0x34: {  	[smem:$0x3FAE] =	sst s10  }
0x35: {  	s10 =	sld [smem:$0x3FAD];
	_ =	sdelay $0x3  }
0x36: {  	p1 =	seq.s32 s10, $0x1;
	s10 =	sld [smem:$0x3FAE];
	_ =	sdelay $0x3  }
0x37: {  	[smem:$0x3FAE] =	sst s10  }
0x38: {  	s10 =	sld [smem:$0x3FAF]  }
0x39: {  	_ = 	snop;
	(pc) =	sbr.ind lr, $3  }
0x3a: {  	_ = 	snop  }
0x3b: {  	_ = 	snop  }
0x3c: {  	p2 =	seq.s32 s10, $0x1;
	s10 =	sld [smem:$0x3FAE]  }
0x3d: {  	_ =	shalt  }
0x3e: {  	_ =	shalt  }
0x3f: {  	_ =	shalt  }
0x40: {  	_ =	shalt  }
0x41: {  	_ =	shalt  }
0x42: {  	_ =	shalt  }
0x43: {  	_ =	shalt  }
0x44: {  	_ =	shalt  }
0x45: {  	_ =	shalt  }
0x46: {  	_ =	shalt  }
0x47: {  	_ =	shalt  }
0x48: {  	_ =	shalt  }
0x49: {  	_ =	shalt  }
0x4a: {  	_ =	shalt  }
0x4b: {  	_ =	shalt  }
0x4c: {  	_ =	shalt  }
0x4d: {  	_ =	shalt  }
0x4e: {  	_ =	shalt  }
0x4f: {  	_ =	shalt  }
0x50: {  	_ =	shalt  }
0x51: {  	_ =	shalt  }
0x52: {  	_ =	shalt  }
0x53: {  	_ =	shalt  }
0x54: {  	_ =	shalt  }
0x55: {  	_ =	shalt  }
0x56: {  	_ =	shalt  }
0x57: {  	_ =	shalt  }
0x58: {  	_ =	shalt  }
0x59: {  	_ =	shalt  }
0x5a: {  	_ =	shalt  }
0x5b: {  	_ =	shalt  }
0x5c: {  	_ =	shalt  }
0x5d: {  	_ =	shalt  }
0x5e: {  	_ =	shalt  }
0x5f: {  	_ =	shalt  }
0x60: {  	_ =	shalt  }
0x61: {  	_ =	shalt  }
0x62: {  	_ =	shalt  }
0x63: {  	_ =	shalt  }
0x64: {  	_ =	shalt  }
0x65: {  	_ =	shalt  }
0x66: {  	_ =	shalt  }
0x67: {  	_ =	shalt  }
0x68: {  	_ =	shalt  }
0x69: {  	_ =	shalt  }
0x6a: {  	_ =	shalt  }
0x6b: {  	_ =	shalt  }
0x6c: {  	_ =	shalt  }
0x6d: {  	_ =	shalt  }
0x6e: {  	_ =	shalt  }
0x6f: {  	_ =	shalt  }
0x70: {  	_ =	shalt  }
0x71: {  	_ =	shalt  }
0x72: {  	_ =	shalt  }
0x73: {  	_ =	shalt  }
0x74: {  	_ =	shalt  }
0x75: {  	_ =	shalt  }
0x76: {  	_ =	shalt  }
0x77: {  	_ =	shalt  }
0x78: {  	_ =	shalt  }
0x79: {  	_ =	shalt  }
0x7a: {  	_ =	shalt  }
0x7b: {  	_ =	shalt  }
0x7c: {  	_ =	shalt  }
0x7d: {  	_ =	shalt  }
0x7e: {  	_ =	shalt  }
0x7f: {  	_ =	shalt  }
0x80: {  	_ =	shalt  }
0x81: {  	_ =	shalt  }
0x82: {  	_ =	shalt  }
0x83: {  	_ =	shalt  }
0x84: {  	_ =	shalt  }
0x85: {  	_ =	shalt  }
0x86: {  	_ =	shalt  }
0x87: {  	_ =	shalt  }
.Lfunc_end0:
.L_simem_size_0:
called_computation_lowered:
.L_overlay_start_0:
0x88: {  	s2 =	sld [smem:$0x3FD9]  }
0x89: {  	s3 =	sld [smem:$0x3FFE];
	_ =	sdelay $0x1  }
0x8a: {  	s1 =	srdreg.scid  }
0x8b: {  	s0 =	sand.u32 $0x1, s1  }
0x8c: {  	s16 =	sshll.u32 s0, $0xA;
	s2 =	sadd.s32 s3, s2  }
0x8d: {  	s2 =	sadd.s32 s2, s16  }
0x8e: {  	[smem:$0x3FBA] =	sst s2  }
0x8f: {  	_ = 	snop  }
0x90: {  	(tm) =	ssettm $0x1  }
0x91: {  	s17 =	sld [smem:$0x3FFB];
	_ =	sdelay $0x3  }
0x92: {  	_ =	strace s17  }
0x93: {  	s2 =	sld [smem:$0x3FFC];
	_ =	sdelay $0x3  }
0x94: {  	_ =	strace s2  }
0x95: {  	s2 =	sld [smem:$0x3FFD];
	_ =	sdelay $0x3  }
0x96: {  	_ =	strace s2  }
0x97: {  	_ =	strace $0x8FFFFFFF  }
0x98: {  	s18 =	sld [smem:$0x3FDB];
	_ =	sdelay $0x1  }
0x99: {  	s19 =	simm.s32 $_scs_section_size  }
0x9a: {  	s4 =	simm.s32 $_size__tile_overlayer_lowered;
	s5 =	simm.s32 $_tile_overlayer_lowered  }
0x9b: {  	s22 =	simm.s32 $0x1BFF;
	s21 =	sshll.u32 s5, $0x1;
	s2 =	sadd.s32 s19, s18  }
0x9c: {  	s6 =	simm.s32 $0x0;
	s20 =	sshll.u32 s4, $0x1;
	s4 =	sadd.s32 s21, s2  }
0x9d: {  	[timem:s6], [sflag:s22] =	dma.local [hbm:s4], s20  }
0x9e: {  	_ =	swait.ge [sflag:s22], s20  }
0x9f: {  	s3 =	ssub.s32 $0x0, s20;
	[sflag:s22] =	ssyncset.done $0x0  }
0xa0: {  	[sflag:s22] =	ssyncadd.s32 s3;
	_ =	sdelay $0x1  }
0xa1: {  	s23 =	simm.s32 $0x1B8B  }
0xa2: {  	_ =	swait.ge [sflag:s23], $0x1  }
0xa3: {  	[sflag:s23] =	ssyncset.done $0x0  }
0xa4: {  	s25 =	simm.s32 $0x1B8E;
	s24 =	sld [smem:$0x3FFE];
	[sflag:s23] =	ssyncadd.s32 $0xFFFFFFFF  }
0xa5: {  	s26 =	simm.s32 $execute0_lowered;
	[smem:$0x3FD2] =	sst s25  }
0xa6: {  	s4 =	sshll.u32 s26, $0x1;
	_ =	strace $0x80000046;
	[dreg:$0x1] =	wrdreg $0xFFFFFFFF  }
0xa7: {  	s28 =	simm.s32 $_size_execute0_lowered;
	s2 =	sadd.s32 s2, s4;
	[dreg:$0x0] =	wrdreg $0x0  }
0xa8: {  	s4 =	sshll.u32 s28, $0x1;
	[dreg:$0x2] =	wrdreg s2  }
0xa9: {  	[dreg:$0x3] =	wrdreg s4  }
0xaa: {  	[dreg:$0x4] =	wrdreg $0xC0  }
0xab: {  	_ =	task [dreg:s6], $0x5FFFF  }
0xac: {  	[dreg:$0x1] =	wrdreg $0xFFFFFFFF  }
0xad: {  	[dreg:$0x0] =	wrdreg $0x60  }
0xae: {  	[dreg:$0x2] =	wrdreg s24  }
0xaf: {  	[dreg:$0x3] =	wrdreg $0xA8000  }
0xb0: {  	[dreg:$0x4] =	wrdreg $0x9  }
0xb1: {  	_ =	task.clear_ibuf [dreg:s6], $0x5FFFF;
	_ =	strace $0x90000046  }
0xb2: {  	s29 =	simm.s32 $0x9;
	_ =	strace $0x80000048  }
0xb3: {  	_ =	swait.ge [sflag:s29], $0x1  }
0xb4: {  	[sflag:s29] =	ssyncadd.s32 $0xFFFFFFFF  }
0xb5: {  	_ =	strace $0x90000048  }
0xb6: {  	_ =	sfence  }
0xb7: {  	s30 =	sld [smem:$0x0];
	_ =	sdelay $0x2  }
0xb8: {  	s31 =	sshll.u32 s1, $0xD;
	s1 =	sshrl.u32 s1, $0x2  }
0xb9: {  	s3 =	sand.u32 $0x4000, s31;
	s1 =	sadd.s32 s1, s30  }
0xba: {  	s0 =	sor.u32 s3, s0;
	s1 =	sshll.u32 s1, $0x11  }
0xbb: {  	s0 =	sor.u32 s1, s0  }
0xbc: {  	s0 =	sadd.s32 $0x8F2B, s0  }
0xbd: {  	[sflag:s0] =	ssyncadd.remote.s32 $0x1  }
0xbe: {  	_ =	sfence.sel $0xFFFF  }
0xbf: {  	[dreg:$0x0] =	wrdreg $0xFFFFFFFF;
	(pc) =	sbr.abs _section_cstart, $3  }
0xc0: {  	[dreg:$0x1] =	wrdreg $0xFFFFFFFF  }
0xc1: {  	_ =	task.clear_ibuf [dreg:s6], $0x2FFFF;
	_ =	strace $0x9FFFFFFF  }
0xc2: {  	(tm) =	ssettm $0x7FFFFFFF  }
0xc3: {  	_ =	shalt  }
tec
execute0_lowered:
.L_overlay_start_1:
0x0: {  	(tag) =	ssettag $0x1  }
0x1: {  	s6 =	rddreg [dreg:$0x0]  }
0x2: {  	s0 =	srdreg.scid;
	s2 =	rddreg [dreg:$0x1];
	s3 =	simm.s32 $0x0  }
0x3: {  	s15 =	simm.s32 $0x2800;
	s5 =	sand.u32 $0x1, s0;
	s0 =	stileid.u32  }
0x4: {  	s16 =	simm.s32 $0x80;
	s17 =	simm.s32 $0x0;
	s8 =	smul.u32 $0x13C00, s0  }
0x5: {  	[smem:$0x7FF] =	sst s3;
	s4 =	sadd.s32 $0x4FF000, s6;
	s10 =	smul.u32 $0x13C000, s5  }
0x6: {  	s1 =	sshll.u32 s5, $0x4;
	s28 =	ssub.s32 $0x2, s5;
	s12 =	smul.u32 $0x4F000, s0  }
0x7: {  	s5 =	sadd.s32 $0x9200, s6;
	s31 =	sshll.u32 s0, $0x6;
	s9 =	sor.u32 s0, s1  }
0x8: {  	s1 =	rddreg [dreg:$0x2];
	_ =	strace $0x80000047;
	s13 =	sshrl.u32 s28, $0x1  }
0x9: {  	s7 =	smul.u32 $0x500, s9;
	s26 =	sadd.s32 s8, s10;
	s13 =	ssub.s32 s28, s13  }
0xa: {  	s29 =	sshrl.u32 s12, $0x2;
	s30 =	sshrl.u32 s8, $0x3;
	s9 =	smul.u32 $0x13C000, s9  }
0xb: {  	s12 =	sadd.s32 s29, s2;
	s11 =	sadd.s32 s7, s6;
	s7 =	sshrl.u32 s26, $0x3  }
0xc: {  	s12 =	sshrl.u32 s12, $0x3;
	s14 =	sadd.s32 s7, s6;
	s6 =	sadd.s32 s5, s30  }
0xd: {  	s7 =	sor.u32 $0x1C01, s31;
	s8 =	sadd.s32 $0x4F5000, s11;
	s11 =	smax.u32 s13, $0x1  }
0xe: {  	s13 =	simm.s32 $0x1;
	s10 =	sadd.s32 $0x30A00, s14;
	s14 =	simm.s32 $0x6800  }
.LBB2_1:
0xf: {  	[spmem:s12], [sflag:s7] =	dma.local [hbm:s6], $0x2780  }
0x10: {  	_ =	swait.ge [sflag:s13], $0x2780  }
0x11: {  	[sflag:s13] =	ssyncset.done $0x0  }
0x12: {  	[sflag:s13] =	ssyncadd.s32 $0xFFFFD880  }
0x13: {  	[tilespmem:s3], [sflag:$0x1] =	stream.linear.gather [hbm4b:s8+s3], $0x2780, $0x38;
	[tilespmem:$0x1E400] =	vst v63  }
0x14: {  	_ =	swait.ge [sflag:s13], $0x2780  }
0x15: {  	[sflag:s13] =	ssyncset.done $0x0  }
0x16: {  	[sflag:s13] =	ssyncadd.s32 $0xFFFFD880  }
0x17: {  	[tilespmem:s14], [sflag:$0x1] =	stream.linear.gather [hbm4b:s5+s3], $0x4000, $0x38;
	[tilespmem:$0x1E400] =	vst v63  }
0x18: {  	_ =	swait.ge [sflag:s13], $0x4000  }
0x19: {  	[sflag:s13] =	ssyncset.done $0x0  }
0x1a: {  	[sflag:s13] =	ssyncadd.s32 $0xFFFFC000  }
0x1b: {  	s18 =	simm.s32 $0x0;
	[bflag:$0x0] =	sbarrier.arrive $0xFFFF  }
.LBB2_2:
0x1c: {  	s19 =	sshll.u32 s18, $0xE  }
0x1d: {  	s19 =	sadd.s32 s9, s19  }
0x1e: {  	s19 =	sshrl.u32 s19, $0x3  }
0x1f: {  	s19 =	sadd.s32 s4, s19  }
0x20: {  	[tilespmem:s15], [sflag:$0x1] =	stream.linear.gather [hbm4b:s19+s3], $0x4000, $0x38;
	[tilespmem:$0x1E400] =	vst v63  }
0x21: {  	_ =	swait.ge [sflag:s13], $0x4000  }
0x22: {  	[sflag:s13] =	ssyncset.done $0x0  }
0x23: {  	s20 =	simm.s32 $0x2A00;
	[sflag:s13] =	ssyncadd.s32 $0xFFFFC000  }
0x24: {  	v0 =	vld [tilespmem:s20+$0xFFFFFE00];
	_ =	sdelay $0x3  }
0x25: {  	s19 =	simm.s32 $0x6A00  }
0x26: {  	[tilespmem:s19+$0xFFFFFE00] =	vst v0  }
0x27: {  	v0 =	vld [tilespmem:s20+$0xFFFFFE80];
	_ =	sdelay $0x4  }
0x28: {  	[tilespmem:s19+$0xFFFFFE80] =	vst v0  }
0x29: {  	v0 =	vld [tilespmem:s20+$0xFFFFFF00];
	_ =	sdelay $0x4  }
0x2a: {  	[tilespmem:s19+$0xFFFFFF00] =	vst v0  }
0x2b: {  	v0 =	vld [tilespmem:s20+$0xFFFFFF80];
	_ =	sdelay $0x4  }
0x2c: {  	[tilespmem:s19+$0xFFFFFF80] =	vst v0  }
0x2d: {  	v0 =	vld [tilespmem:s20+$0x0];
	_ =	sdelay $0x4  }
0x2e: {  	[tilespmem:s19+$0x0] =	vst v0  }
0x2f: {  	v0 =	vld [tilespmem:s20+$0x80];
	_ =	sdelay $0x4  }
0x30: {  	[tilespmem:s19+$0x80] =	vst v0  }
0x31: {  	v0 =	vld [tilespmem:s20+$0x100];
	_ =	sdelay $0x4  }
0x32: {  	[tilespmem:s19+$0x100] =	vst v0  }
0x33: {  	v0 =	vld [tilespmem:s20+$0x180];
	_ =	sdelay $0x4  }
0x34: {  	s21 =	simm.s32 $0x2E00;
	s20 =	simm.s32 $0x0;
	[tilespmem:s19+$0x180] =	vst v0  }
.LBB2_3:
0x35: {  	v0 =	vld [tilespmem:s21+$0xFFFFFE00];
	s20 =	sadd.s32 $0x8, s20  }
0x36: {  	p0 =	slt.u32 s20, $0x78;
	_ =	sdelay $0x2  }
0x37: {  	s19 =	sadd.s32 $0x400, s19  }
0x38: {  	[tilespmem:s19+$0xFFFFFE00] =	vst v0  }
0x39: {  	v0 =	vld [tilespmem:s21+$0xFFFFFE80];
	_ =	sdelay $0x4  }
0x3a: {  	[tilespmem:s19+$0xFFFFFE80] =	vst v0  }
0x3b: {  	v0 =	vld [tilespmem:s21+$0xFFFFFF00];
	_ =	sdelay $0x4  }
0x3c: {  	[tilespmem:s19+$0xFFFFFF00] =	vst v0  }
0x3d: {  	v0 =	vld [tilespmem:s21+$0xFFFFFF80];
	_ =	sdelay $0x4  }
0x3e: {  	[tilespmem:s19+$0xFFFFFF80] =	vst v0  }
0x3f: {  	v0 =	vld [tilespmem:s21+$0x0];
	_ =	sdelay $0x4  }
0x40: {  	[tilespmem:s19+$0x0] =	vst v0  }
0x41: {  	v0 =	vld [tilespmem:s21+$0x80];
	_ =	sdelay $0x4  }
0x42: {  	[tilespmem:s19+$0x80] =	vst v0  }
0x43: {  	v0 =	vld [tilespmem:s21+$0x100];
	_ =	sdelay $0x4  }
0x44: {  	[tilespmem:s19+$0x100] =	vst v0  }
0x45: {  	v0 =	vld [tilespmem:s21+$0x180]  }
.Ltmp0:
0x46: {  	(pc) =	sbr.rel @p0 .LBB2_3-.Ltmp0, $2  }
0x47: {  	_ =	sdelay $0x2  }
0x48: {  	s21 =	sadd.s32 $0x400, s21;
	[tilespmem:s19+$0x180] =	vst v0  }
0x49: {  	s19 =	sshll.u32 s18, $0x7;
	s18 =	sadd.s32 $0x1, s18  }
0x4a: {  	p0 =	sne.s32 s18, $0x4F  }
.Ltmp1:
0x4b: {  	s19 =	sand.u32 $0x3FFFFF80, s19;
	(pc) =	sbr.rel @p0 .LBB2_2-.Ltmp1, $4  }
0x4c: {  	[spmem:s2] =	stream.indirect.scatter.add.f32 [tilespmem:s14], [sflag:$0x1], $0x80, s19, s16, $0xb8;
	[tilespmem:$0x1E400] =	vst v63  }
0x4d: {  	_ =	swait.ge [sflag:s13], $0x4000  }
0x4e: {  	[sflag:s13] =	ssyncset.done $0x0  }
0x4f: {  	[sflag:s13] =	ssyncadd.s32 $0xFFFFC000  }
0x50: {  	s17 =	sadd.s32 $0x1, s17  }
0x51: {  	p0 =	sne.s32 s17, s11  }
.Ltmp2:
0x52: {  	[bflag:$0x0] =	sbarrier.arrive $0xFFFF;
	(pc) =	sbr.rel @p0 .LBB2_1-.Ltmp2, $4  }
0x53: {  	[hbm:s10], [sflag:s7] =	dma.local [spmem:s12], $0x2780  }
0x54: {  	_ =	swait.ge [sflag:s13], $0x2780  }
0x55: {  	[sflag:s13] =	ssyncset.done $0x0  }
0x56: {  	[sflag:s13] =	ssyncadd.s32 $0xFFFFD880  }
0x57: {  	_ =	sfence.sel $0x180000  }
0x58: {  	[bflag:$0x0] =	sbarrier.arrive $0xFFFF  }
0x59: {  	p0 =	sne.s32 s0, $0x0;
	_ =	strace $0x90000047  }
0x5a: {  	s0 =	sadd.s32 @!p0 $0x100000, s1;
	[bflag:$0x2] =	sbarrier.arrive $0xFFFF  }
0x5b: {  	[sflag:s0] =	ssyncadd.tile.s32 @!p0 $0x1;
	_ =	shalt  }
.Lfunc_end2:
_tile_overlayer_lowered:
.L_overlay_start_2:
0x5c: {  	(tag) =	ssettag $0x2  }
0x5d: {  	s0 =	rddreg [dreg:$0x0];
	s2 =	stileid.u32  }
0x5e: {  	s1 =	rddreg [dreg:$0x1];
	p0 =	sne.s32 s2, $0x0  }
0x5f: {  	s3 =	rddreg [dreg:$0x2];
	[bflag:$0x3] =	sbarrier.arrive $0xFFFF;
	s2 =	simm.s32 @!p0 $0x1C01  }
0x60: {  	[timem:s3], [sflag:s2] =	dma.local @!p0 [hbm:s0], s1  }
0x61: {  	s0 =	simm.s32 @!p0 $0x1  }
0x62: {  	_ =	swait.ge @!p0 [sflag:s0], s1  }
0x63: {  	s1 =	ssub.s32 @!p0 $0x0, s1;
	[sflag:s0] =	ssyncset.done @!p0 $0x0  }
0x64: {  	[sflag:s0] =	ssyncadd.s32 @!p0 s1  }
0x65: {  	[bflag:$0x3] =	sbarrier.arrive $0xFFFF  }
0x66: {  	_ =	shalt  }

// kernel: kernel.18.cloned.1.call-start
scs
__scs_entry_jumppad:
0x0: {  	(pc) =	sbr.rel $0x88, $3  }
0x1: {  	(tag) =	ssettag $0x0;
	lr =	simm.s32 $0x1  }
0x2: {  	[smem:$0x3F93] =	sst lr;
	_ =	strace $0xD0000000  }
0x3: {  	_ = 	snop  }
0x4: {  	_ = 	snop  }
0x5: {  	_ = 	snop  }
0x6: {  	_ = 	snop  }
0x7: {  	_ = 	snop  }
__scs_overlays_trampoline_lowered:
0x8: {  	[smem:$0x3FA2] =	sst s0  }
0x9: {  	[smem:$0x3FA3] =	sst s1  }
0xa: {  	[smem:$0x3FA4] =	sst s2  }
0xb: {  	[smem:$0x3FA5] =	sst s3  }
0xc: {  	[smem:$0x3FA6] =	sst s4  }
0xd: {  	[smem:$0x3FA7] =	sst s5  }
0xe: {  	[smem:$0x3FA8] =	sst s6  }
0xf: {  	[smem:$0x3FA9] =	sst s7  }
0x10: {  	[smem:$0x3FAA] =	sst s8  }
0x11: {  	[smem:$0x3FAB] =	sst s9;
	s0 =	simm.s32 @!p0 $0x0  }
0x12: {  	s1 =	sld [smem:$0x3F91];
	s0 =	simm.s32 @p0 $0x1  }
0x13: {  	[smem:$0x3FAC] =	sst s0;
	s0 =	simm.s32 @!p1 $0x0  }
0x14: {  	s2 =	sld [smem:$0x3F90];
	s0 =	simm.s32 @p1 $0x1  }
0x15: {  	[smem:$0x3FAD] =	sst s0;
	s0 =	simm.s32 @!p2 $0x0  }
0x16: {  	s3 =	sld [smem:$0x3FDB];
	s0 =	simm.s32 @p2 $0x1  }
0x17: {  	s4 =	simm.s32 $0x1BF5;
	[smem:$0x3FAF] =	sst s0  }
0x18: {  	s0 =	sld [smem:$0x3F92];
	_ =	swait.ge [sflag:s4], $0x0  }
0x19: {  	s7 =	sld [smem:$0x3F93]  }
0x1a: {  	s8 =	sadd.s32 $0xFFFFE003, lr  }
0x1b: {  	s9 =	sadd.s32 $0xFFFFFEF7, lr;
	s5 =	simm.s32 $0xFFFFFFFF;
	p2 =	slt.u32 s8, $0xFFFFF086  }
0x1c: {  	p1 =	slt.u32 s9, $0xF7A;
	s5 =	simm.s32 @!p2 $0x0  }
0x1d: {  	s5 =	simm.s32 @p1 $0x1;
	p0 =	seq.s32 s7, s2  }
0x1e: {  	s7 =	smul.u32 @!p0 $0xF7A, s2;
	p2 =	seq.s32 @!p0 s5, $0x0  }
0x1f: {  	s9 =	smul.u32 $0xF7A, s1;
	s8 =	simm.s32 @!p0 $0x1BF5;
	p2 =	por !p2, p0  }
0x20: {  	[sflag:s8] =	ssyncset.s32 @!p0 $0xFFFFF086;
	s6 =	sadd.s32 @!p0 s3, s7;
	s7 =	simm.s32 @!p0 $0x108  }
0x21: {  	s3 =	sadd.s32 s3, s9;
	s6 =	sadd.s32 @!p0 $0x88, s6;
	s7 =	simm.s32 @p2 $0x1082  }
0x22: {  	[simem:s7], [sflag:s8] =	dma.local @!p0 [hbm:s6], $0xF7A  }
0x23: {  	s9 =	sor.u32 $0xD0000000, s2;
	s6 =	simm.s32 $0x108;
	_ =	swait.ge @!p0 [sflag:s8], $0x0  }
0x24: {  	s3 =	sadd.s32 $0x88, s3;
	s6 =	simm.s32 @!p1 $0x1082;
	[sflag:s4] =	ssyncset.s32 $0xFFFFF086  }
0x25: {  	[simem:s6], [sflag:s4] =	dma.local [hbm:s3], $0xF7A  }
0x26: {  	[smem:$0x3F93] =	sst s1;
	(tag) =	ssettag s2;
	_ =	strace s9  }
0x27: {  	s1 =	sld [smem:$0x3FA3]  }
0x28: {  	s2 =	sld [smem:$0x3FA4]  }
0x29: {  	s4 =	sld [smem:$0x3FA6]  }
0x2a: {  	p0 =	seq.s32 s5, $0x0;
	s5 =	sld [smem:$0x3FA7]  }
0x2b: {  	s6 =	sld [smem:$0x3FA8]  }
0x2c: {  	s7 =	sld [smem:$0x3FA9]  }
0x2d: {  	s3 =	simm.s32 $0x108;
	s8 =	sld [smem:$0x3FAA]  }
0x2e: {  	s3 =	simm.s32 @!p0 $0x1082;
	s9 =	sld [smem:$0x3FAB]  }
0x2f: {  	lr =	sadd.s32 s0, s3;
	s0 =	sld [smem:$0x3FA2]  }
0x30: {  	s3 =	sld [smem:$0x3FA5]  }
0x31: {  	[smem:$0x3FAE] =	sst s10  }
0x32: {  	s10 =	sld [smem:$0x3FAC];
	_ =	sdelay $0x3  }
0x33: {  	p0 =	seq.s32 s10, $0x1;
	s10 =	sld [smem:$0x3FAE];
	_ =	sdelay $0x3  }
0x34: {  	[smem:$0x3FAE] =	sst s10  }
0x35: {  	s10 =	sld [smem:$0x3FAD];
	_ =	sdelay $0x3  }
0x36: {  	p1 =	seq.s32 s10, $0x1;
	s10 =	sld [smem:$0x3FAE];
	_ =	sdelay $0x3  }
0x37: {  	[smem:$0x3FAE] =	sst s10  }
0x38: {  	s10 =	sld [smem:$0x3FAF]  }
0x39: {  	_ = 	snop;
	(pc) =	sbr.ind lr, $3  }
0x3a: {  	_ = 	snop  }
0x3b: {  	_ = 	snop  }
0x3c: {  	p2 =	seq.s32 s10, $0x1;
	s10 =	sld [smem:$0x3FAE]  }
0x3d: {  	_ =	shalt  }
0x3e: {  	_ =	shalt  }
0x3f: {  	_ =	shalt  }
0x40: {  	_ =	shalt  }
0x41: {  	_ =	shalt  }
0x42: {  	_ =	shalt  }
0x43: {  	_ =	shalt  }
0x44: {  	_ =	shalt  }
0x45: {  	_ =	shalt  }
0x46: {  	_ =	shalt  }
0x47: {  	_ =	shalt  }
0x48: {  	_ =	shalt  }
0x49: {  	_ =	shalt  }
0x4a: {  	_ =	shalt  }
0x4b: {  	_ =	shalt  }
0x4c: {  	_ =	shalt  }
0x4d: {  	_ =	shalt  }
0x4e: {  	_ =	shalt  }
0x4f: {  	_ =	shalt  }
0x50: {  	_ =	shalt  }
0x51: {  	_ =	shalt  }
0x52: {  	_ =	shalt  }
0x53: {  	_ =	shalt  }
0x54: {  	_ =	shalt  }
0x55: {  	_ =	shalt  }
0x56: {  	_ =	shalt  }
0x57: {  	_ =	shalt  }
0x58: {  	_ =	shalt  }
0x59: {  	_ =	shalt  }
0x5a: {  	_ =	shalt  }
0x5b: {  	_ =	shalt  }
0x5c: {  	_ =	shalt  }
0x5d: {  	_ =	shalt  }
0x5e: {  	_ =	shalt  }
0x5f: {  	_ =	shalt  }
0x60: {  	_ =	shalt  }
0x61: {  	_ =	shalt  }
0x62: {  	_ =	shalt  }
0x63: {  	_ =	shalt  }
0x64: {  	_ =	shalt  }
0x65: {  	_ =	shalt  }
0x66: {  	_ =	shalt  }
0x67: {  	_ =	shalt  }
0x68: {  	_ =	shalt  }
0x69: {  	_ =	shalt  }
0x6a: {  	_ =	shalt  }
0x6b: {  	_ =	shalt  }
0x6c: {  	_ =	shalt  }
0x6d: {  	_ =	shalt  }
0x6e: {  	_ =	shalt  }
0x6f: {  	_ =	shalt  }
0x70: {  	_ =	shalt  }
0x71: {  	_ =	shalt  }
0x72: {  	_ =	shalt  }
0x73: {  	_ =	shalt  }
0x74: {  	_ =	shalt  }
0x75: {  	_ =	shalt  }
0x76: {  	_ =	shalt  }
0x77: {  	_ =	shalt  }
0x78: {  	_ =	shalt  }
0x79: {  	_ =	shalt  }
0x7a: {  	_ =	shalt  }
0x7b: {  	_ =	shalt  }
0x7c: {  	_ =	shalt  }
0x7d: {  	_ =	shalt  }
0x7e: {  	_ =	shalt  }
0x7f: {  	_ =	shalt  }
0x80: {  	_ =	shalt  }
0x81: {  	_ =	shalt  }
0x82: {  	_ =	shalt  }
0x83: {  	_ =	shalt  }
0x84: {  	_ =	shalt  }
0x85: {  	_ =	shalt  }
0x86: {  	_ =	shalt  }
0x87: {  	_ =	shalt  }
.Lfunc_end0:
.L_simem_size_0:
called_computation.1_lowered:
.L_overlay_start_0:
0x88: {  	s2 =	sld [smem:$0x3FD9]  }
0x89: {  	s3 =	sld [smem:$0x3FFE];
	_ =	sdelay $0x1  }
0x8a: {  	s1 =	srdreg.scid  }
0x8b: {  	s0 =	sand.u32 $0x1, s1  }
0x8c: {  	s16 =	sshll.u32 s0, $0xA;
	s2 =	sadd.s32 s3, s2  }
0x8d: {  	s2 =	sadd.s32 s2, s16  }
0x8e: {  	[smem:$0x3FBA] =	sst s2  }
0x8f: {  	_ = 	snop  }
0x90: {  	(tm) =	ssettm $0x1  }
0x91: {  	s17 =	sld [smem:$0x3FFB];
	_ =	sdelay $0x3  }
0x92: {  	_ =	strace s17  }
0x93: {  	s2 =	sld [smem:$0x3FFC];
	_ =	sdelay $0x3  }
0x94: {  	_ =	strace s2  }
0x95: {  	s2 =	sld [smem:$0x3FFD];
	_ =	sdelay $0x3  }
0x96: {  	_ =	strace s2  }
0x97: {  	_ =	strace $0x8FFFFFFF  }
0x98: {  	s18 =	sld [smem:$0x3FDB];
	_ =	sdelay $0x1  }
0x99: {  	s19 =	simm.s32 $_scs_section_size  }
0x9a: {  	s4 =	simm.s32 $_size__tile_overlayer_lowered;
	s5 =	simm.s32 $_tile_overlayer_lowered  }
0x9b: {  	s22 =	simm.s32 $0x1BFF;
	s21 =	sshll.u32 s5, $0x1;
	s2 =	sadd.s32 s19, s18  }
0x9c: {  	s6 =	simm.s32 $0x0;
	s20 =	sshll.u32 s4, $0x1;
	s4 =	sadd.s32 s21, s2  }
0x9d: {  	[timem:s6], [sflag:s22] =	dma.local [hbm:s4], s20  }
0x9e: {  	_ =	swait.ge [sflag:s22], s20  }
0x9f: {  	s3 =	ssub.s32 $0x0, s20;
	[sflag:s22] =	ssyncset.done $0x0  }
0xa0: {  	[sflag:s22] =	ssyncadd.s32 s3;
	_ =	sdelay $0x1  }
0xa1: {  	s23 =	simm.s32 $0x1B8B  }
0xa2: {  	_ =	swait.ge [sflag:s23], $0x1  }
0xa3: {  	[sflag:s23] =	ssyncset.done $0x0  }
0xa4: {  	s25 =	simm.s32 $0x1B8E;
	s24 =	sld [smem:$0x3FFE];
	[sflag:s23] =	ssyncadd.s32 $0xFFFFFFFF  }
0xa5: {  	s26 =	simm.s32 $execute0_lowered;
	[smem:$0x3FD2] =	sst s25  }
0xa6: {  	s4 =	sshll.u32 s26, $0x1;
	_ =	strace $0x80000049;
	[dreg:$0x1] =	wrdreg $0xFFFFFFFF  }
0xa7: {  	s28 =	simm.s32 $_size_execute0_lowered;
	s2 =	sadd.s32 s2, s4;
	[dreg:$0x0] =	wrdreg $0x0  }
0xa8: {  	s4 =	sshll.u32 s28, $0x1;
	[dreg:$0x2] =	wrdreg s2  }
0xa9: {  	[dreg:$0x3] =	wrdreg s4  }
0xaa: {  	[dreg:$0x4] =	wrdreg $0xC0  }
0xab: {  	_ =	task [dreg:s6], $0x5FFFF  }
0xac: {  	[dreg:$0x1] =	wrdreg $0xFFFFFFFF  }
0xad: {  	[dreg:$0x0] =	wrdreg $0x60  }
0xae: {  	[dreg:$0x2] =	wrdreg s24  }
0xaf: {  	[dreg:$0x3] =	wrdreg $0xAA000  }
0xb0: {  	[dreg:$0x4] =	wrdreg $0x9  }
0xb1: {  	_ =	task.clear_ibuf [dreg:s6], $0x5FFFF;
	_ =	strace $0x90000049  }
0xb2: {  	s29 =	simm.s32 $0x9;
	_ =	strace $0x8000004B  }
0xb3: {  	_ =	swait.ge [sflag:s29], $0x1  }
0xb4: {  	[sflag:s29] =	ssyncadd.s32 $0xFFFFFFFF  }
0xb5: {  	_ =	strace $0x9000004B  }
0xb6: {  	_ =	sfence  }
0xb7: {  	s30 =	sld [smem:$0x0];
	_ =	sdelay $0x2  }
0xb8: {  	s31 =	sshll.u32 s1, $0xD;
	s1 =	sshrl.u32 s1, $0x2  }
0xb9: {  	s3 =	sand.u32 $0x4000, s31;
	s1 =	sadd.s32 s1, s30  }
0xba: {  	s0 =	sor.u32 s3, s0;
	s1 =	sshll.u32 s1, $0x11  }
0xbb: {  	s0 =	sor.u32 s1, s0  }
0xbc: {  	s0 =	sadd.s32 $0x8F2B, s0  }
0xbd: {  	[sflag:s0] =	ssyncadd.remote.s32 $0x1  }
0xbe: {  	_ =	sfence.sel $0xFFFF  }
0xbf: {  	[dreg:$0x0] =	wrdreg $0xFFFFFFFF;
	(pc) =	sbr.abs _section_cstart, $3  }
0xc0: {  	[dreg:$0x1] =	wrdreg $0xFFFFFFFF  }
0xc1: {  	_ =	task.clear_ibuf [dreg:s6], $0x2FFFF;
	_ =	strace $0x9FFFFFFF  }
0xc2: {  	(tm) =	ssettm $0x7FFFFFFF  }
0xc3: {  	_ =	shalt  }
tec
execute0_lowered:
.L_overlay_start_1:
0x0: {  	(tag) =	ssettag $0x1  }
0x1: {  	s6 =	rddreg [dreg:$0x0]  }
0x2: {  	s0 =	srdreg.scid;
	s2 =	rddreg [dreg:$0x1]  }
0x3: {  	s3 =	simm.s32 $0x0;
	s13 =	simm.s32 $0x2800;
	s14 =	simm.s32 $0x2A00  }
0x4: {  	s15 =	simm.s32 $0x2900;
	s16 =	simm.s32 $0x6A00;
	s17 =	simm.s32 $0x1  }
0x5: {  	s18 =	simm.s32 $0x2880;
	s19 =	simm.s32 $0x2;
	s20 =	simm.s32 $0x2980  }
0x6: {  	s21 =	simm.s32 $0x0;
	s5 =	sand.u32 $0x1, s0;
	s0 =	stileid.u32  }
0x7: {  	[smem:$0x7FF] =	sst s3;
	s4 =	sadd.s32 $0xB0C00, s6;
	s8 =	smul.u32 $0x13C00, s0  }
0x8: {  	s1 =	sshll.u32 s5, $0x4;
	s9 =	smul.u32 $0x13C000, s5;
	s5 =	ssub.s32 $0x2, s5  }
0x9: {  	s28 =	smul.u32 $0x4F000, s0;
	s31 =	sshll.u32 s0, $0x6;
	s1 =	sor.u32 s0, s1  }
0xa: {  	s29 =	sshrl.u32 s5, $0x1;
	s7 =	smul.u32 $0x500, s1;
	s1 =	rddreg [dreg:$0x2]  }
0xb: {  	_ =	strace $0x8000004A;
	s10 =	sshrl.u32 s8, $0x3;
	s8 =	sadd.s32 s8, s9  }
0xc: {  	s11 =	ssub.s32 s5, s29;
	s30 =	sshrl.u32 s28, $0x2;
	s8 =	sshrl.u32 s8, $0x3  }
0xd: {  	s10 =	sadd.s32 s10, s6;
	s12 =	sadd.s32 s30, s2;
	s9 =	smax.u32 s11, $0x1  }
0xe: {  	s11 =	simm.s32 $0x3;
	s7 =	sadd.s32 s7, s6;
	s8 =	sadd.s32 s8, s6  }
0xf: {  	s5 =	sadd.s32 $0x9200, s10;
	s6 =	sor.u32 $0x1C03, s31;
	s10 =	sshrl.u32 s12, $0x3  }
0x10: {  	s12 =	simm.s32 $0x80;
	s7 =	sadd.s32 $0xA6C00, s7;
	s8 =	sadd.s32 $0x126200, s8  }
.LBB2_1:
0x11: {  	[spmem:s10], [sflag:s6] =	dma.local [hbm:s5], $0x2780  }
0x12: {  	_ =	swait.ge [sflag:s11], $0x2780  }
0x13: {  	[sflag:s11] =	ssyncset.done $0x0  }
0x14: {  	[sflag:s11] =	ssyncadd.s32 $0xFFFFD880  }
0x15: {  	[tilespmem:s3], [sflag:$0x3] =	stream.linear.gather [hbm4b:s7+s3], $0x2780, $0x38;
	[tilespmem:$0x1E600] =	vst v63  }
0x16: {  	_ =	swait.ge [sflag:s11], $0x2780  }
0x17: {  	[sflag:s11] =	ssyncset.done $0x0  }
0x18: {  	[sflag:s11] =	ssyncadd.s32 $0xFFFFD880  }
0x19: {  	[bflag:$0x0] =	sbarrier.arrive $0xFFFF  }
0x1a: {  	v0 =	vld [tilespmem:$0x0];
	_ =	sdelay $0x1  }
0x1b: {  	v1 =	vld [tilespmem:$0x10];
	_ =	sdelay $0x1  }
0x1c: {  	v2 =	vld [tilespmem:$0x20]  }
0x1d: {  	v3 =	vand.u32 $0x3FFF, v0  }
0x1e: {  	v0 =	vshrl.u32 v0, $0xE;
	[tilespmem:$0x2800] =	vst v3;
	v3 =	vld [tilespmem:$0x30]  }
0x1f: {  	[tilespmem:$0x2880] =	vst v0;
	v0 =	vand.u32 $0x3FFF, v1  }
0x20: {  	[tilespmem:$0x2810] =	vst v0;
	v0 =	vshrl.u32 v1, $0xE;
	v1 =	vld [tilespmem:$0x40]  }
0x21: {  	[tilespmem:$0x2890] =	vst v0;
	v0 =	vand.u32 $0x3FFF, v2  }
0x22: {  	[tilespmem:$0x2820] =	vst v0;
	v0 =	vshrl.u32 v2, $0xE;
	v2 =	vld [tilespmem:$0x50]  }
0x23: {  	[tilespmem:$0x28A0] =	vst v0;
	v0 =	vand.u32 $0x3FFF, v3  }
0x24: {  	[tilespmem:$0x2830] =	vst v0;
	v0 =	vshrl.u32 v3, $0xE;
	v3 =	vld [tilespmem:$0x60]  }
0x25: {  	[tilespmem:$0x28B0] =	vst v0;
	v0 =	vand.u32 $0x3FFF, v1  }
0x26: {  	[tilespmem:$0x2840] =	vst v0;
	v0 =	vshrl.u32 v1, $0xE;
	v1 =	vld [tilespmem:$0x70]  }
0x27: {  	[tilespmem:$0x28C0] =	vst v0;
	v0 =	vand.u32 $0x3FFF, v2  }
0x28: {  	[tilespmem:$0x2850] =	vst v0;
	v0 =	vshrl.u32 v2, $0xE  }
0x29: {  	[tilespmem:$0x28D0] =	vst v0;
	v0 =	vand.u32 $0x3FFF, v3  }
0x2a: {  	[tilespmem:$0x2860] =	vst v0;
	v0 =	vshrl.u32 v3, $0xE  }
0x2b: {  	[tilespmem:$0x28E0] =	vst v0;
	v0 =	vand.u32 $0x3FFF, v1  }
0x2c: {  	[tilespmem:$0x2870] =	vst v0;
	v0 =	vshrl.u32 v1, $0xE  }
0x2d: {  	s22 =	simm.s32 $0x0;
	[tilespmem:$0x28F0] =	vst v0  }
0x2e: {  	[tilespmem:s14], [sflag:$0x1] =	stream.indirect.gather [hbm4b:s4+s12], $0x80, s13, s12, $0xb8;
	[tilespmem:$0x1E600] =	vst v63  }
0x2f: {  	v0 =	vld [tilespmem:s22+$0x80];
	_ =	sdelay $0x4  }
0x30: {  	v1 =	vand.u32 $0x3FFF, v0  }
0x31: {  	v0 =	vshrl.u32 v0, $0xE;
	[tilespmem:$0x2900] =	vst v1  }
0x32: {  	[tilespmem:$0x2980] =	vst v0  }
0x33: {  	v0 =	vld [tilespmem:s22+$0x90];
	_ =	sdelay $0x4  }
0x34: {  	v1 =	vand.u32 $0x3FFF, v0  }
0x35: {  	v0 =	vshrl.u32 v0, $0xE;
	[tilespmem:$0x2910] =	vst v1  }
0x36: {  	[tilespmem:$0x2990] =	vst v0  }
0x37: {  	v0 =	vld [tilespmem:s22+$0xA0];
	_ =	sdelay $0x4  }
0x38: {  	v1 =	vand.u32 $0x3FFF, v0  }
0x39: {  	v0 =	vshrl.u32 v0, $0xE;
	[tilespmem:$0x2920] =	vst v1  }
0x3a: {  	[tilespmem:$0x29A0] =	vst v0  }
0x3b: {  	v0 =	vld [tilespmem:s22+$0xB0];
	_ =	sdelay $0x4  }
0x3c: {  	v1 =	vand.u32 $0x3FFF, v0  }
0x3d: {  	v0 =	vshrl.u32 v0, $0xE;
	[tilespmem:$0x2930] =	vst v1  }
0x3e: {  	[tilespmem:$0x29B0] =	vst v0  }
0x3f: {  	v0 =	vld [tilespmem:s22+$0xC0];
	_ =	sdelay $0x4  }
0x40: {  	v1 =	vand.u32 $0x3FFF, v0  }
0x41: {  	v0 =	vshrl.u32 v0, $0xE;
	[tilespmem:$0x2940] =	vst v1  }
0x42: {  	[tilespmem:$0x29C0] =	vst v0  }
0x43: {  	v0 =	vld [tilespmem:s22+$0xD0];
	_ =	sdelay $0x4  }
0x44: {  	v1 =	vand.u32 $0x3FFF, v0  }
0x45: {  	v0 =	vshrl.u32 v0, $0xE;
	[tilespmem:$0x2950] =	vst v1  }
0x46: {  	[tilespmem:$0x29D0] =	vst v0  }
0x47: {  	v0 =	vld [tilespmem:s22+$0xE0];
	_ =	sdelay $0x4  }
0x48: {  	v1 =	vand.u32 $0x3FFF, v0  }
0x49: {  	v0 =	vshrl.u32 v0, $0xE;
	[tilespmem:$0x2960] =	vst v1  }
0x4a: {  	[tilespmem:$0x29E0] =	vst v0  }
0x4b: {  	v0 =	vld [tilespmem:s22+$0xF0];
	_ =	sdelay $0x4  }
0x4c: {  	v1 =	vand.u32 $0x3FFF, v0  }
0x4d: {  	v0 =	vshrl.u32 v0, $0xE;
	[tilespmem:$0x2970] =	vst v1  }
0x4e: {  	[tilespmem:$0x29F0] =	vst v0  }
0x4f: {  	[tilespmem:s16], [sflag:$0x2] =	stream.indirect.gather [hbm4b:s4+s12], $0x80, s15, s12, $0xb8;
	[tilespmem:$0x1E600] =	vst v63  }
0x50: {  	_ =	swait.ge [sflag:s17], $0x4000  }
0x51: {  	[sflag:s17] =	ssyncset.done $0x0  }
0x52: {  	[sflag:s17] =	ssyncadd.s32 $0xFFFFC000  }
0x53: {  	[spmem:s2] =	stream.indirect.scatter.add.f32 [tilespmem:s14], [sflag:$0x3], $0x80, s18, s12, $0xb8;
	[tilespmem:$0x1E600] =	vst v63  }
0x54: {  	_ =	swait.ge [sflag:s11], $0x4000  }
0x55: {  	[sflag:s11] =	ssyncset.done $0x0  }
0x56: {  	[sflag:s11] =	ssyncadd.s32 $0xFFFFC000  }
0x57: {  	v0 =	vld [tilespmem:s22+$0x100];
	_ =	sdelay $0x4  }
0x58: {  	v1 =	vand.u32 $0x3FFF, v0  }
0x59: {  	v0 =	vshrl.u32 v0, $0xE;
	[tilespmem:$0x2800] =	vst v1  }
0x5a: {  	[tilespmem:$0x2880] =	vst v0  }
0x5b: {  	v0 =	vld [tilespmem:s22+$0x110];
	_ =	sdelay $0x4  }
0x5c: {  	v1 =	vand.u32 $0x3FFF, v0  }
0x5d: {  	v0 =	vshrl.u32 v0, $0xE;
	[tilespmem:$0x2810] =	vst v1  }
0x5e: {  	[tilespmem:$0x2890] =	vst v0  }
0x5f: {  	v0 =	vld [tilespmem:s22+$0x120];
	_ =	sdelay $0x4  }
0x60: {  	v1 =	vand.u32 $0x3FFF, v0  }
0x61: {  	v0 =	vshrl.u32 v0, $0xE;
	[tilespmem:$0x2820] =	vst v1  }
0x62: {  	[tilespmem:$0x28A0] =	vst v0  }
0x63: {  	v0 =	vld [tilespmem:s22+$0x130];
	_ =	sdelay $0x4  }
0x64: {  	v1 =	vand.u32 $0x3FFF, v0  }
0x65: {  	v0 =	vshrl.u32 v0, $0xE;
	[tilespmem:$0x2830] =	vst v1  }
0x66: {  	[tilespmem:$0x28B0] =	vst v0  }
0x67: {  	v0 =	vld [tilespmem:s22+$0x140];
	_ =	sdelay $0x4  }
0x68: {  	v1 =	vand.u32 $0x3FFF, v0  }
0x69: {  	v0 =	vshrl.u32 v0, $0xE;
	[tilespmem:$0x2840] =	vst v1  }
0x6a: {  	[tilespmem:$0x28C0] =	vst v0  }
0x6b: {  	v0 =	vld [tilespmem:s22+$0x150];
	_ =	sdelay $0x4  }
0x6c: {  	v1 =	vand.u32 $0x3FFF, v0  }
0x6d: {  	v0 =	vshrl.u32 v0, $0xE;
	[tilespmem:$0x2850] =	vst v1  }
0x6e: {  	[tilespmem:$0x28D0] =	vst v0  }
0x6f: {  	v0 =	vld [tilespmem:s22+$0x160];
	_ =	sdelay $0x4  }
0x70: {  	v1 =	vand.u32 $0x3FFF, v0  }
0x71: {  	s23 =	simm.s32 $0x400;
	v0 =	vshrl.u32 v0, $0xE;
	[tilespmem:$0x2860] =	vst v1  }
.LBB2_2:
0x72: {  	p0 =	sne.s32 s23, $0x9800;
	[tilespmem:$0x28E0] =	vst v0;
	s24 =	smov.u32 s23;
	s23 =	sadd.s32 $0x400, s23  }
0x73: {  	v0 =	vld [tilespmem:s22+$0x170];
	_ =	sdelay $0x4  }
0x74: {  	v1 =	vand.u32 $0x3FFF, v0;
	v0 =	vshrl.u32 v0, $0xE  }
0x75: {  	[tilespmem:$0x2870] =	vst v1  }
0x76: {  	[tilespmem:$0x28F0] =	vst v0  }
0x77: {  	[tilespmem:s14], [sflag:$0x1] =	stream.indirect.gather [hbm4b:s4+s12], $0x80, s13, s12, $0xb8;
	[tilespmem:$0x1E600] =	vst v63  }
0x78: {  	_ =	swait.ge [sflag:s19], $0x4000  }
0x79: {  	[sflag:s19] =	ssyncset.done $0x0  }
0x7a: {  	[sflag:s19] =	ssyncadd.s32 $0xFFFFC000  }
0x7b: {  	[spmem:s2] =	stream.indirect.scatter.add.f32 [tilespmem:s16], [sflag:$0x3], $0x80, s20, s12, $0xb8;
	[tilespmem:$0x1E600] =	vst v63  }
0x7c: {  	_ =	swait.ge [sflag:s11], $0x4000  }
0x7d: {  	[sflag:s11] =	ssyncset.done $0x0  }
0x7e: {  	s22 =	sshra.s32 s24, $0x2;
	[sflag:s11] =	ssyncadd.s32 $0xFFFFC000  }
0x7f: {  	v0 =	vld [tilespmem:s22+$0x80];
	_ =	sdelay $0x4  }
0x80: {  	v1 =	vand.u32 $0x3FFF, v0;
	v0 =	vshrl.u32 v0, $0xE  }
0x81: {  	[tilespmem:$0x2900] =	vst v1  }
0x82: {  	[tilespmem:$0x2980] =	vst v0  }
0x83: {  	v0 =	vld [tilespmem:s22+$0x90];
	_ =	sdelay $0x4  }
0x84: {  	v1 =	vand.u32 $0x3FFF, v0;
	v0 =	vshrl.u32 v0, $0xE  }
0x85: {  	[tilespmem:$0x2910] =	vst v1  }
0x86: {  	[tilespmem:$0x2990] =	vst v0  }
0x87: {  	v0 =	vld [tilespmem:s22+$0xA0];
	_ =	sdelay $0x4  }
0x88: {  	v1 =	vand.u32 $0x3FFF, v0;
	v0 =	vshrl.u32 v0, $0xE  }
0x89: {  	[tilespmem:$0x2920] =	vst v1  }
0x8a: {  	[tilespmem:$0x29A0] =	vst v0  }
0x8b: {  	v0 =	vld [tilespmem:s22+$0xB0];
	_ =	sdelay $0x4  }
0x8c: {  	v1 =	vand.u32 $0x3FFF, v0;
	v0 =	vshrl.u32 v0, $0xE  }
0x8d: {  	[tilespmem:$0x2930] =	vst v1  }
0x8e: {  	[tilespmem:$0x29B0] =	vst v0  }
0x8f: {  	v0 =	vld [tilespmem:s22+$0xC0];
	_ =	sdelay $0x4  }
0x90: {  	v1 =	vand.u32 $0x3FFF, v0;
	v0 =	vshrl.u32 v0, $0xE  }
0x91: {  	[tilespmem:$0x2940] =	vst v1  }
0x92: {  	[tilespmem:$0x29C0] =	vst v0  }
0x93: {  	v0 =	vld [tilespmem:s22+$0xD0];
	_ =	sdelay $0x4  }
0x94: {  	v1 =	vand.u32 $0x3FFF, v0;
	v0 =	vshrl.u32 v0, $0xE  }
0x95: {  	[tilespmem:$0x2950] =	vst v1  }
0x96: {  	[tilespmem:$0x29D0] =	vst v0  }
0x97: {  	v0 =	vld [tilespmem:s22+$0xE0];
	_ =	sdelay $0x4  }
0x98: {  	v1 =	vand.u32 $0x3FFF, v0;
	v0 =	vshrl.u32 v0, $0xE  }
0x99: {  	[tilespmem:$0x2960] =	vst v1  }
0x9a: {  	[tilespmem:$0x29E0] =	vst v0  }
0x9b: {  	v0 =	vld [tilespmem:s22+$0xF0];
	_ =	sdelay $0x4  }
0x9c: {  	v1 =	vand.u32 $0x3FFF, v0;
	v0 =	vshrl.u32 v0, $0xE  }
0x9d: {  	[tilespmem:$0x2970] =	vst v1  }
0x9e: {  	[tilespmem:$0x29F0] =	vst v0  }
0x9f: {  	[tilespmem:s16], [sflag:$0x2] =	stream.indirect.gather [hbm4b:s4+s12], $0x80, s15, s12, $0xb8;
	[tilespmem:$0x1E600] =	vst v63  }
0xa0: {  	_ =	swait.ge [sflag:s17], $0x4000  }
0xa1: {  	[sflag:s17] =	ssyncset.done $0x0  }
0xa2: {  	[sflag:s17] =	ssyncadd.s32 $0xFFFFC000  }
0xa3: {  	[spmem:s2] =	stream.indirect.scatter.add.f32 [tilespmem:s14], [sflag:$0x3], $0x80, s18, s12, $0xb8;
	[tilespmem:$0x1E600] =	vst v63  }
0xa4: {  	_ =	swait.ge [sflag:s11], $0x4000  }
0xa5: {  	[sflag:s11] =	ssyncset.done $0x0  }
0xa6: {  	[sflag:s11] =	ssyncadd.s32 $0xFFFFC000  }
0xa7: {  	v0 =	vld [tilespmem:s22+$0x100];
	_ =	sdelay $0x4  }
0xa8: {  	v1 =	vand.u32 $0x3FFF, v0;
	v0 =	vshrl.u32 v0, $0xE  }
0xa9: {  	[tilespmem:$0x2800] =	vst v1  }
0xaa: {  	[tilespmem:$0x2880] =	vst v0  }
0xab: {  	v0 =	vld [tilespmem:s22+$0x110];
	_ =	sdelay $0x4  }
0xac: {  	v1 =	vand.u32 $0x3FFF, v0;
	v0 =	vshrl.u32 v0, $0xE  }
0xad: {  	[tilespmem:$0x2810] =	vst v1  }
0xae: {  	[tilespmem:$0x2890] =	vst v0  }
0xaf: {  	v0 =	vld [tilespmem:s22+$0x120];
	_ =	sdelay $0x4  }
0xb0: {  	v1 =	vand.u32 $0x3FFF, v0;
	v0 =	vshrl.u32 v0, $0xE  }
0xb1: {  	[tilespmem:$0x2820] =	vst v1  }
0xb2: {  	[tilespmem:$0x28A0] =	vst v0  }
0xb3: {  	v0 =	vld [tilespmem:s22+$0x130];
	_ =	sdelay $0x4  }
0xb4: {  	v1 =	vand.u32 $0x3FFF, v0;
	v0 =	vshrl.u32 v0, $0xE  }
0xb5: {  	[tilespmem:$0x2830] =	vst v1  }
0xb6: {  	[tilespmem:$0x28B0] =	vst v0  }
0xb7: {  	v0 =	vld [tilespmem:s22+$0x140];
	_ =	sdelay $0x4  }
0xb8: {  	v1 =	vand.u32 $0x3FFF, v0;
	v0 =	vshrl.u32 v0, $0xE  }
0xb9: {  	[tilespmem:$0x2840] =	vst v1  }
0xba: {  	[tilespmem:$0x28C0] =	vst v0  }
0xbb: {  	v0 =	vld [tilespmem:s22+$0x150];
	_ =	sdelay $0x4  }
0xbc: {  	v1 =	vand.u32 $0x3FFF, v0;
	v0 =	vshrl.u32 v0, $0xE  }
0xbd: {  	[tilespmem:$0x2850] =	vst v1  }
0xbe: {  	[tilespmem:$0x28D0] =	vst v0  }
0xbf: {  	v0 =	vld [tilespmem:s22+$0x160];
	_ =	sdelay $0x1  }
.Ltmp0:
0xc0: {  	(pc) =	sbr.rel @p0 .LBB2_2-.Ltmp0, $3  }
0xc1: {  	_ =	sdelay $0x1  }
0xc2: {  	v1 =	vand.u32 $0x3FFF, v0;
	v0 =	vshrl.u32 v0, $0xE  }
0xc3: {  	[tilespmem:$0x2860] =	vst v1  }
0xc4: {  	[tilespmem:$0x28E0] =	vst v0  }
0xc5: {  	v0 =	vld [tilespmem:s22+$0x170];
	_ =	sdelay $0x4  }
0xc6: {  	v1 =	vand.u32 $0x3FFF, v0  }
0xc7: {  	v0 =	vshrl.u32 v0, $0xE;
	[tilespmem:$0x2870] =	vst v1  }
0xc8: {  	[tilespmem:$0x28F0] =	vst v0  }
0xc9: {  	[tilespmem:s14], [sflag:$0x1] =	stream.indirect.gather [hbm4b:s4+s12], $0x80, s13, s12, $0xb8;
	[tilespmem:$0x1E600] =	vst v63  }
0xca: {  	_ =	swait.ge [sflag:s19], $0x4000  }
0xcb: {  	[sflag:s19] =	ssyncset.done $0x0  }
0xcc: {  	[sflag:s19] =	ssyncadd.s32 $0xFFFFC000  }
0xcd: {  	[spmem:s2] =	stream.indirect.scatter.add.f32 [tilespmem:s16], [sflag:$0x3], $0x80, s20, s12, $0xb8;
	[tilespmem:$0x1E600] =	vst v63  }
0xce: {  	_ =	swait.ge [sflag:s11], $0x4000  }
0xcf: {  	[sflag:s11] =	ssyncset.done $0x0  }
0xd0: {  	[sflag:s11] =	ssyncadd.s32 $0xFFFFC000  }
0xd1: {  	_ =	swait.ge [sflag:s17], $0x4000  }
0xd2: {  	[sflag:s17] =	ssyncset.done $0x0  }
0xd3: {  	[sflag:s17] =	ssyncadd.s32 $0xFFFFC000  }
0xd4: {  	[spmem:s2] =	stream.indirect.scatter.add.f32 [tilespmem:s14], [sflag:$0x3], $0x80, s18, s12, $0xb8;
	[tilespmem:$0x1E600] =	vst v63  }
0xd5: {  	_ =	swait.ge [sflag:s11], $0x4000  }
0xd6: {  	s21 =	sadd.s32 $0x1, s21;
	[sflag:s11] =	ssyncset.done $0x0  }
0xd7: {  	p0 =	sne.s32 s21, s9;
	[sflag:s11] =	ssyncadd.s32 $0xFFFFC000  }
.Ltmp1:
0xd8: {  	[bflag:$0x0] =	sbarrier.arrive $0xFFFF;
	(pc) =	sbr.rel @p0 .LBB2_1-.Ltmp1, $4  }
0xd9: {  	[hbm:s8], [sflag:s6] =	dma.local [spmem:s10], $0x2780  }
0xda: {  	_ =	swait.ge [sflag:s11], $0x2780  }
0xdb: {  	[sflag:s11] =	ssyncset.done $0x0  }
0xdc: {  	[sflag:s11] =	ssyncadd.s32 $0xFFFFD880  }
0xdd: {  	_ =	sfence.sel $0x180000  }
0xde: {  	[bflag:$0x0] =	sbarrier.arrive $0xFFFF  }
0xdf: {  	p0 =	sne.s32 s0, $0x0;
	_ =	strace $0x9000004A  }
0xe0: {  	s0 =	sadd.s32 @!p0 $0x100000, s1;
	[bflag:$0x2] =	sbarrier.arrive $0xFFFF  }
0xe1: {  	[sflag:s0] =	ssyncadd.tile.s32 @!p0 $0x1;
	_ =	shalt  }
.Lfunc_end2:
_tile_overlayer_lowered:
.L_overlay_start_2:
0xe2: {  	(tag) =	ssettag $0x2  }
0xe3: {  	s0 =	rddreg [dreg:$0x0];
	s2 =	stileid.u32  }
0xe4: {  	s1 =	rddreg [dreg:$0x1];
	p0 =	sne.s32 s2, $0x0  }
0xe5: {  	s3 =	rddreg [dreg:$0x2];
	[bflag:$0x3] =	sbarrier.arrive $0xFFFF;
	s2 =	simm.s32 @!p0 $0x1C03  }
0xe6: {  	[timem:s3], [sflag:s2] =	dma.local @!p0 [hbm:s0], s1  }
0xe7: {  	s0 =	simm.s32 @!p0 $0x3  }
0xe8: {  	_ =	swait.ge @!p0 [sflag:s0], s1  }
0xe9: {  	s1 =	ssub.s32 @!p0 $0x0, s1;
	[sflag:s0] =	ssyncset.done @!p0 $0x0  }
0xea: {  	[sflag:s0] =	ssyncadd.s32 @!p0 s1  }
0xeb: {  	[bflag:$0x3] =	sbarrier.arrive $0xFFFF  }
0xec: {  	_ =	shalt  }

// kernel: kernel.21.cloned.1.call-start
scs
__scs_entry_jumppad:
0x0: {  	(pc) =	sbr.rel $0x88, $3  }
0x1: {  	(tag) =	ssettag $0x0;
	lr =	simm.s32 $0x1  }
0x2: {  	[smem:$0x3F93] =	sst lr;
	_ =	strace $0xD0000000  }
0x3: {  	_ = 	snop  }
0x4: {  	_ = 	snop  }
0x5: {  	_ = 	snop  }
0x6: {  	_ = 	snop  }
0x7: {  	_ = 	snop  }
__scs_overlays_trampoline_lowered:
0x8: {  	[smem:$0x3FA2] =	sst s0  }
0x9: {  	[smem:$0x3FA3] =	sst s1  }
0xa: {  	[smem:$0x3FA4] =	sst s2  }
0xb: {  	[smem:$0x3FA5] =	sst s3  }
0xc: {  	[smem:$0x3FA6] =	sst s4  }
0xd: {  	[smem:$0x3FA7] =	sst s5  }
0xe: {  	[smem:$0x3FA8] =	sst s6  }
0xf: {  	[smem:$0x3FA9] =	sst s7  }
0x10: {  	[smem:$0x3FAA] =	sst s8  }
0x11: {  	[smem:$0x3FAB] =	sst s9;
	s0 =	simm.s32 @!p0 $0x0  }
0x12: {  	s1 =	sld [smem:$0x3F91];
	s0 =	simm.s32 @p0 $0x1  }
0x13: {  	[smem:$0x3FAC] =	sst s0;
	s0 =	simm.s32 @!p1 $0x0  }
0x14: {  	s2 =	sld [smem:$0x3F90];
	s0 =	simm.s32 @p1 $0x1  }
0x15: {  	[smem:$0x3FAD] =	sst s0;
	s0 =	simm.s32 @!p2 $0x0  }
0x16: {  	s3 =	sld [smem:$0x3FDB];
	s0 =	simm.s32 @p2 $0x1  }
0x17: {  	s4 =	simm.s32 $0x1BF5;
	[smem:$0x3FAF] =	sst s0  }
0x18: {  	s0 =	sld [smem:$0x3F92];
	_ =	swait.ge [sflag:s4], $0x0  }
0x19: {  	s7 =	sld [smem:$0x3F93]  }
0x1a: {  	s8 =	sadd.s32 $0xFFFFE003, lr  }
0x1b: {  	s9 =	sadd.s32 $0xFFFFFEF7, lr;
	s5 =	simm.s32 $0xFFFFFFFF;
	p2 =	slt.u32 s8, $0xFFFFF086  }
0x1c: {  	p1 =	slt.u32 s9, $0xF7A;
	s5 =	simm.s32 @!p2 $0x0  }
0x1d: {  	s5 =	simm.s32 @p1 $0x1;
	p0 =	seq.s32 s7, s2  }
0x1e: {  	s7 =	smul.u32 @!p0 $0xF7A, s2;
	p2 =	seq.s32 @!p0 s5, $0x0  }
0x1f: {  	s9 =	smul.u32 $0xF7A, s1;
	s8 =	simm.s32 @!p0 $0x1BF5;
	p2 =	por !p2, p0  }
0x20: {  	[sflag:s8] =	ssyncset.s32 @!p0 $0xFFFFF086;
	s6 =	sadd.s32 @!p0 s3, s7;
	s7 =	simm.s32 @!p0 $0x108  }
0x21: {  	s3 =	sadd.s32 s3, s9;
	s6 =	sadd.s32 @!p0 $0x88, s6;
	s7 =	simm.s32 @p2 $0x1082  }
0x22: {  	[simem:s7], [sflag:s8] =	dma.local @!p0 [hbm:s6], $0xF7A  }
0x23: {  	s9 =	sor.u32 $0xD0000000, s2;
	s6 =	simm.s32 $0x108;
	_ =	swait.ge @!p0 [sflag:s8], $0x0  }
0x24: {  	s3 =	sadd.s32 $0x88, s3;
	s6 =	simm.s32 @!p1 $0x1082;
	[sflag:s4] =	ssyncset.s32 $0xFFFFF086  }
0x25: {  	[simem:s6], [sflag:s4] =	dma.local [hbm:s3], $0xF7A  }
0x26: {  	[smem:$0x3F93] =	sst s1;
	(tag) =	ssettag s2;
	_ =	strace s9  }
0x27: {  	s1 =	sld [smem:$0x3FA3]  }
0x28: {  	s2 =	sld [smem:$0x3FA4]  }
0x29: {  	s4 =	sld [smem:$0x3FA6]  }
0x2a: {  	p0 =	seq.s32 s5, $0x0;
	s5 =	sld [smem:$0x3FA7]  }
0x2b: {  	s6 =	sld [smem:$0x3FA8]  }
0x2c: {  	s7 =	sld [smem:$0x3FA9]  }
0x2d: {  	s3 =	simm.s32 $0x108;
	s8 =	sld [smem:$0x3FAA]  }
0x2e: {  	s3 =	simm.s32 @!p0 $0x1082;
	s9 =	sld [smem:$0x3FAB]  }
0x2f: {  	lr =	sadd.s32 s0, s3;
	s0 =	sld [smem:$0x3FA2]  }
0x30: {  	s3 =	sld [smem:$0x3FA5]  }
0x31: {  	[smem:$0x3FAE] =	sst s10  }
0x32: {  	s10 =	sld [smem:$0x3FAC];
	_ =	sdelay $0x3  }
0x33: {  	p0 =	seq.s32 s10, $0x1;
	s10 =	sld [smem:$0x3FAE];
	_ =	sdelay $0x3  }
0x34: {  	[smem:$0x3FAE] =	sst s10  }
0x35: {  	s10 =	sld [smem:$0x3FAD];
	_ =	sdelay $0x3  }
0x36: {  	p1 =	seq.s32 s10, $0x1;
	s10 =	sld [smem:$0x3FAE];
	_ =	sdelay $0x3  }
0x37: {  	[smem:$0x3FAE] =	sst s10  }
0x38: {  	s10 =	sld [smem:$0x3FAF]  }
0x39: {  	_ = 	snop;
	(pc) =	sbr.ind lr, $3  }
0x3a: {  	_ = 	snop  }
0x3b: {  	_ = 	snop  }
0x3c: {  	p2 =	seq.s32 s10, $0x1;
	s10 =	sld [smem:$0x3FAE]  }
0x3d: {  	_ =	shalt  }
0x3e: {  	_ =	shalt  }
0x3f: {  	_ =	shalt  }
0x40: {  	_ =	shalt  }
0x41: {  	_ =	shalt  }
0x42: {  	_ =	shalt  }
0x43: {  	_ =	shalt  }
0x44: {  	_ =	shalt  }
0x45: {  	_ =	shalt  }
0x46: {  	_ =	shalt  }
0x47: {  	_ =	shalt  }
0x48: {  	_ =	shalt  }
0x49: {  	_ =	shalt  }
0x4a: {  	_ =	shalt  }
0x4b: {  	_ =	shalt  }
0x4c: {  	_ =	shalt  }
0x4d: {  	_ =	shalt  }
0x4e: {  	_ =	shalt  }
0x4f: {  	_ =	shalt  }
0x50: {  	_ =	shalt  }
0x51: {  	_ =	shalt  }
0x52: {  	_ =	shalt  }
0x53: {  	_ =	shalt  }
0x54: {  	_ =	shalt  }
0x55: {  	_ =	shalt  }
0x56: {  	_ =	shalt  }
0x57: {  	_ =	shalt  }
0x58: {  	_ =	shalt  }
0x59: {  	_ =	shalt  }
0x5a: {  	_ =	shalt  }
0x5b: {  	_ =	shalt  }
0x5c: {  	_ =	shalt  }
0x5d: {  	_ =	shalt  }
0x5e: {  	_ =	shalt  }
0x5f: {  	_ =	shalt  }
0x60: {  	_ =	shalt  }
0x61: {  	_ =	shalt  }
0x62: {  	_ =	shalt  }
0x63: {  	_ =	shalt  }
0x64: {  	_ =	shalt  }
0x65: {  	_ =	shalt  }
0x66: {  	_ =	shalt  }
0x67: {  	_ =	shalt  }
0x68: {  	_ =	shalt  }
0x69: {  	_ =	shalt  }
0x6a: {  	_ =	shalt  }
0x6b: {  	_ =	shalt  }
0x6c: {  	_ =	shalt  }
0x6d: {  	_ =	shalt  }
0x6e: {  	_ =	shalt  }
0x6f: {  	_ =	shalt  }
0x70: {  	_ =	shalt  }
0x71: {  	_ =	shalt  }
0x72: {  	_ =	shalt  }
0x73: {  	_ =	shalt  }
0x74: {  	_ =	shalt  }
0x75: {  	_ =	shalt  }
0x76: {  	_ =	shalt  }
0x77: {  	_ =	shalt  }
0x78: {  	_ =	shalt  }
0x79: {  	_ =	shalt  }
0x7a: {  	_ =	shalt  }
0x7b: {  	_ =	shalt  }
0x7c: {  	_ =	shalt  }
0x7d: {  	_ =	shalt  }
0x7e: {  	_ =	shalt  }
0x7f: {  	_ =	shalt  }
0x80: {  	_ =	shalt  }
0x81: {  	_ =	shalt  }
0x82: {  	_ =	shalt  }
0x83: {  	_ =	shalt  }
0x84: {  	_ =	shalt  }
0x85: {  	_ =	shalt  }
0x86: {  	_ =	shalt  }
0x87: {  	_ =	shalt  }
.Lfunc_end0:
.L_simem_size_0:
called_computation.2_lowered:
.L_overlay_start_0:
0x88: {  	s2 =	sld [smem:$0x3FD9]  }
0x89: {  	s3 =	sld [smem:$0x3FFE];
	_ =	sdelay $0x1  }
0x8a: {  	s1 =	srdreg.scid  }
0x8b: {  	s0 =	sand.u32 $0x1, s1  }
0x8c: {  	s16 =	sshll.u32 s0, $0xA;
	s2 =	sadd.s32 s3, s2  }
0x8d: {  	s2 =	sadd.s32 s2, s16  }
0x8e: {  	[smem:$0x3FBA] =	sst s2  }
0x8f: {  	_ = 	snop  }
0x90: {  	(tm) =	ssettm $0x1  }
0x91: {  	s17 =	sld [smem:$0x3FFB];
	_ =	sdelay $0x3  }
0x92: {  	_ =	strace s17  }
0x93: {  	s2 =	sld [smem:$0x3FFC];
	_ =	sdelay $0x3  }
0x94: {  	_ =	strace s2  }
0x95: {  	s2 =	sld [smem:$0x3FFD];
	_ =	sdelay $0x3  }
0x96: {  	_ =	strace s2  }
0x97: {  	_ =	strace $0x8FFFFFFF  }
0x98: {  	s18 =	sld [smem:$0x3FDB];
	_ =	sdelay $0x1  }
0x99: {  	s19 =	simm.s32 $_scs_section_size  }
0x9a: {  	s4 =	simm.s32 $_size__tile_overlayer_lowered;
	s5 =	simm.s32 $_tile_overlayer_lowered  }
0x9b: {  	s22 =	simm.s32 $0x1BFF;
	s21 =	sshll.u32 s5, $0x1;
	s2 =	sadd.s32 s19, s18  }
0x9c: {  	s6 =	simm.s32 $0x0;
	s20 =	sshll.u32 s4, $0x1;
	s4 =	sadd.s32 s21, s2  }
0x9d: {  	[timem:s6], [sflag:s22] =	dma.local [hbm:s4], s20  }
0x9e: {  	_ =	swait.ge [sflag:s22], s20  }
0x9f: {  	s3 =	ssub.s32 $0x0, s20;
	[sflag:s22] =	ssyncset.done $0x0  }
0xa0: {  	[sflag:s22] =	ssyncadd.s32 s3;
	_ =	sdelay $0x1  }
0xa1: {  	s23 =	simm.s32 $0x1B8B  }
0xa2: {  	_ =	swait.ge [sflag:s23], $0x1  }
0xa3: {  	[sflag:s23] =	ssyncset.done $0x0  }
0xa4: {  	s25 =	simm.s32 $0x1B8E;
	s24 =	sld [smem:$0x3FFE];
	[sflag:s23] =	ssyncadd.s32 $0xFFFFFFFF  }
0xa5: {  	s26 =	simm.s32 $execute0_lowered;
	[smem:$0x3FD2] =	sst s25  }
0xa6: {  	s4 =	sshll.u32 s26, $0x1;
	_ =	strace $0x8000004C;
	[dreg:$0x1] =	wrdreg $0xFFFFFFFF  }
0xa7: {  	s28 =	simm.s32 $_size_execute0_lowered;
	s2 =	sadd.s32 s2, s4;
	[dreg:$0x0] =	wrdreg $0x0  }
0xa8: {  	s4 =	sshll.u32 s28, $0x1;
	[dreg:$0x2] =	wrdreg s2  }
0xa9: {  	[dreg:$0x3] =	wrdreg s4  }
0xaa: {  	[dreg:$0x4] =	wrdreg $0xC0  }
0xab: {  	_ =	task [dreg:s6], $0x5FFFF  }
0xac: {  	[dreg:$0x1] =	wrdreg $0xFFFFFFFF  }
0xad: {  	[dreg:$0x0] =	wrdreg $0x60  }
0xae: {  	[dreg:$0x2] =	wrdreg s24  }
0xaf: {  	[dreg:$0x3] =	wrdreg $0xAA000  }
0xb0: {  	[dreg:$0x4] =	wrdreg $0x9  }
0xb1: {  	_ =	task.clear_ibuf [dreg:s6], $0x5FFFF;
	_ =	strace $0x9000004C  }
0xb2: {  	s29 =	simm.s32 $0x9;
	_ =	strace $0x8000004E  }
0xb3: {  	_ =	swait.ge [sflag:s29], $0x1  }
0xb4: {  	[sflag:s29] =	ssyncadd.s32 $0xFFFFFFFF  }
0xb5: {  	_ =	strace $0x9000004E  }
0xb6: {  	_ =	sfence  }
0xb7: {  	s30 =	sld [smem:$0x0];
	_ =	sdelay $0x2  }
0xb8: {  	s31 =	sshll.u32 s1, $0xD;
	s1 =	sshrl.u32 s1, $0x2  }
0xb9: {  	s3 =	sand.u32 $0x4000, s31;
	s1 =	sadd.s32 s1, s30  }
0xba: {  	s0 =	sor.u32 s3, s0;
	s1 =	sshll.u32 s1, $0x11  }
0xbb: {  	s0 =	sor.u32 s1, s0  }
0xbc: {  	s0 =	sadd.s32 $0x8F2B, s0  }
0xbd: {  	[sflag:s0] =	ssyncadd.remote.s32 $0x1  }
0xbe: {  	_ =	sfence.sel $0xFFFF  }
0xbf: {  	[dreg:$0x0] =	wrdreg $0xFFFFFFFF;
	(pc) =	sbr.abs _section_cstart, $3  }
0xc0: {  	[dreg:$0x1] =	wrdreg $0xFFFFFFFF  }
0xc1: {  	_ =	task.clear_ibuf [dreg:s6], $0x2FFFF;
	_ =	strace $0x9FFFFFFF  }
0xc2: {  	(tm) =	ssettm $0x7FFFFFFF  }
0xc3: {  	_ =	shalt  }
tec
execute0_lowered:
.L_overlay_start_1:
0x0: {  	(tag) =	ssettag $0x1  }
0x1: {  	s6 =	rddreg [dreg:$0x0]  }
0x2: {  	s0 =	srdreg.scid;
	s2 =	rddreg [dreg:$0x1]  }
0x3: {  	s3 =	simm.s32 $0x0;
	s13 =	simm.s32 $0x2800;
	s14 =	simm.s32 $0x2A00  }
0x4: {  	s15 =	simm.s32 $0x2900;
	s16 =	simm.s32 $0x6A00;
	s17 =	simm.s32 $0x1  }
0x5: {  	s18 =	simm.s32 $0x2880;
	s19 =	simm.s32 $0x2;
	s20 =	simm.s32 $0x2980  }
0x6: {  	s21 =	simm.s32 $0x0;
	s5 =	sand.u32 $0x1, s0;
	s0 =	stileid.u32  }
0x7: {  	[smem:$0x7FF] =	sst s3;
	s4 =	sadd.s32 $0xB0C00, s6;
	s8 =	smul.u32 $0x13C00, s0  }
0x8: {  	s1 =	sshll.u32 s5, $0x4;
	s9 =	smul.u32 $0x13C000, s5;
	s5 =	ssub.s32 $0x2, s5  }
0x9: {  	s28 =	smul.u32 $0x4F000, s0;
	s31 =	sshll.u32 s0, $0x6;
	s1 =	sor.u32 s0, s1  }
0xa: {  	s29 =	sshrl.u32 s5, $0x1;
	s7 =	smul.u32 $0x500, s1;
	s1 =	rddreg [dreg:$0x2]  }
0xb: {  	_ =	strace $0x8000004D;
	s10 =	sshrl.u32 s8, $0x3;
	s8 =	sadd.s32 s8, s9  }
0xc: {  	s11 =	ssub.s32 s5, s29;
	s30 =	sshrl.u32 s28, $0x2;
	s8 =	sshrl.u32 s8, $0x3  }
0xd: {  	s10 =	sadd.s32 s10, s6;
	s12 =	sadd.s32 s30, s2;
	s9 =	smax.u32 s11, $0x1  }
0xe: {  	s11 =	simm.s32 $0x3;
	s7 =	sadd.s32 s7, s6;
	s8 =	sadd.s32 s8, s6  }
0xf: {  	s5 =	sadd.s32 $0x9200, s10;
	s6 =	sor.u32 $0x1C03, s31;
	s10 =	sshrl.u32 s12, $0x3  }
0x10: {  	s12 =	simm.s32 $0x80;
	s7 =	sadd.s32 $0xA6C00, s7;
	s8 =	sadd.s32 $0x126200, s8  }
.LBB2_1:
0x11: {  	[spmem:s10], [sflag:s6] =	dma.local [hbm:s5], $0x2780  }
0x12: {  	_ =	swait.ge [sflag:s11], $0x2780  }
0x13: {  	[sflag:s11] =	ssyncset.done $0x0  }
0x14: {  	[sflag:s11] =	ssyncadd.s32 $0xFFFFD880  }
0x15: {  	[tilespmem:s3], [sflag:$0x3] =	stream.linear.gather [hbm4b:s7+s3], $0x2780, $0x38;
	[tilespmem:$0x1E600] =	vst v63  }
0x16: {  	_ =	swait.ge [sflag:s11], $0x2780  }
0x17: {  	[sflag:s11] =	ssyncset.done $0x0  }
0x18: {  	[sflag:s11] =	ssyncadd.s32 $0xFFFFD880  }
0x19: {  	[bflag:$0x0] =	sbarrier.arrive $0xFFFF  }
0x1a: {  	v0 =	vld [tilespmem:$0x0];
	_ =	sdelay $0x1  }
0x1b: {  	v1 =	vld [tilespmem:$0x10];
	_ =	sdelay $0x1  }
0x1c: {  	v2 =	vld [tilespmem:$0x20]  }
0x1d: {  	v3 =	vand.u32 $0x3FFF, v0  }
0x1e: {  	v0 =	vshrl.u32 v0, $0xE;
	[tilespmem:$0x2800] =	vst v3;
	v3 =	vld [tilespmem:$0x30]  }
0x1f: {  	[tilespmem:$0x2880] =	vst v0;
	v0 =	vand.u32 $0x3FFF, v1  }
0x20: {  	[tilespmem:$0x2810] =	vst v0;
	v0 =	vshrl.u32 v1, $0xE;
	v1 =	vld [tilespmem:$0x40]  }
0x21: {  	[tilespmem:$0x2890] =	vst v0;
	v0 =	vand.u32 $0x3FFF, v2  }
0x22: {  	[tilespmem:$0x2820] =	vst v0;
	v0 =	vshrl.u32 v2, $0xE;
	v2 =	vld [tilespmem:$0x50]  }
0x23: {  	[tilespmem:$0x28A0] =	vst v0;
	v0 =	vand.u32 $0x3FFF, v3  }
0x24: {  	[tilespmem:$0x2830] =	vst v0;
	v0 =	vshrl.u32 v3, $0xE;
	v3 =	vld [tilespmem:$0x60]  }
0x25: {  	[tilespmem:$0x28B0] =	vst v0;
	v0 =	vand.u32 $0x3FFF, v1  }
0x26: {  	[tilespmem:$0x2840] =	vst v0;
	v0 =	vshrl.u32 v1, $0xE;
	v1 =	vld [tilespmem:$0x70]  }
0x27: {  	[tilespmem:$0x28C0] =	vst v0;
	v0 =	vand.u32 $0x3FFF, v2  }
0x28: {  	[tilespmem:$0x2850] =	vst v0;
	v0 =	vshrl.u32 v2, $0xE  }
0x29: {  	[tilespmem:$0x28D0] =	vst v0;
	v0 =	vand.u32 $0x3FFF, v3  }
0x2a: {  	[tilespmem:$0x2860] =	vst v0;
	v0 =	vshrl.u32 v3, $0xE  }
0x2b: {  	[tilespmem:$0x28E0] =	vst v0;
	v0 =	vand.u32 $0x3FFF, v1  }
0x2c: {  	[tilespmem:$0x2870] =	vst v0;
	v0 =	vshrl.u32 v1, $0xE  }
0x2d: {  	s22 =	simm.s32 $0x0;
	[tilespmem:$0x28F0] =	vst v0  }
0x2e: {  	[tilespmem:s14], [sflag:$0x1] =	stream.indirect.gather [hbm4b:s4+s12], $0x80, s13, s12, $0xb8;
	[tilespmem:$0x1E600] =	vst v63  }
0x2f: {  	v0 =	vld [tilespmem:s22+$0x80];
	_ =	sdelay $0x4  }
0x30: {  	v1 =	vand.u32 $0x3FFF, v0  }
0x31: {  	v0 =	vshrl.u32 v0, $0xE;
	[tilespmem:$0x2900] =	vst v1  }
0x32: {  	[tilespmem:$0x2980] =	vst v0  }
0x33: {  	v0 =	vld [tilespmem:s22+$0x90];
	_ =	sdelay $0x4  }
0x34: {  	v1 =	vand.u32 $0x3FFF, v0  }
0x35: {  	v0 =	vshrl.u32 v0, $0xE;
	[tilespmem:$0x2910] =	vst v1  }
0x36: {  	[tilespmem:$0x2990] =	vst v0  }
0x37: {  	v0 =	vld [tilespmem:s22+$0xA0];
	_ =	sdelay $0x4  }
0x38: {  	v1 =	vand.u32 $0x3FFF, v0  }
0x39: {  	v0 =	vshrl.u32 v0, $0xE;
	[tilespmem:$0x2920] =	vst v1  }
0x3a: {  	[tilespmem:$0x29A0] =	vst v0  }
0x3b: {  	v0 =	vld [tilespmem:s22+$0xB0];
	_ =	sdelay $0x4  }
0x3c: {  	v1 =	vand.u32 $0x3FFF, v0  }
0x3d: {  	v0 =	vshrl.u32 v0, $0xE;
	[tilespmem:$0x2930] =	vst v1  }
0x3e: {  	[tilespmem:$0x29B0] =	vst v0  }
0x3f: {  	v0 =	vld [tilespmem:s22+$0xC0];
	_ =	sdelay $0x4  }
0x40: {  	v1 =	vand.u32 $0x3FFF, v0  }
0x41: {  	v0 =	vshrl.u32 v0, $0xE;
	[tilespmem:$0x2940] =	vst v1  }
0x42: {  	[tilespmem:$0x29C0] =	vst v0  }
0x43: {  	v0 =	vld [tilespmem:s22+$0xD0];
	_ =	sdelay $0x4  }
0x44: {  	v1 =	vand.u32 $0x3FFF, v0  }
0x45: {  	v0 =	vshrl.u32 v0, $0xE;
	[tilespmem:$0x2950] =	vst v1  }
0x46: {  	[tilespmem:$0x29D0] =	vst v0  }
0x47: {  	v0 =	vld [tilespmem:s22+$0xE0];
	_ =	sdelay $0x4  }
0x48: {  	v1 =	vand.u32 $0x3FFF, v0  }
0x49: {  	v0 =	vshrl.u32 v0, $0xE;
	[tilespmem:$0x2960] =	vst v1  }
0x4a: {  	[tilespmem:$0x29E0] =	vst v0  }
0x4b: {  	v0 =	vld [tilespmem:s22+$0xF0];
	_ =	sdelay $0x4  }
0x4c: {  	v1 =	vand.u32 $0x3FFF, v0  }
0x4d: {  	v0 =	vshrl.u32 v0, $0xE;
	[tilespmem:$0x2970] =	vst v1  }
0x4e: {  	[tilespmem:$0x29F0] =	vst v0  }
0x4f: {  	[tilespmem:s16], [sflag:$0x2] =	stream.indirect.gather [hbm4b:s4+s12], $0x80, s15, s12, $0xb8;
	[tilespmem:$0x1E600] =	vst v63  }
0x50: {  	_ =	swait.ge [sflag:s17], $0x4000  }
0x51: {  	[sflag:s17] =	ssyncset.done $0x0  }
0x52: {  	[sflag:s17] =	ssyncadd.s32 $0xFFFFC000  }
0x53: {  	[spmem:s2] =	stream.indirect.scatter.add.f32 [tilespmem:s14], [sflag:$0x3], $0x80, s18, s12, $0xb8;
	[tilespmem:$0x1E600] =	vst v63  }
0x54: {  	_ =	swait.ge [sflag:s11], $0x4000  }
0x55: {  	[sflag:s11] =	ssyncset.done $0x0  }
0x56: {  	[sflag:s11] =	ssyncadd.s32 $0xFFFFC000  }
0x57: {  	v0 =	vld [tilespmem:s22+$0x100];
	_ =	sdelay $0x4  }
0x58: {  	v1 =	vand.u32 $0x3FFF, v0  }
0x59: {  	v0 =	vshrl.u32 v0, $0xE;
	[tilespmem:$0x2800] =	vst v1  }
0x5a: {  	[tilespmem:$0x2880] =	vst v0  }
0x5b: {  	v0 =	vld [tilespmem:s22+$0x110];
	_ =	sdelay $0x4  }
0x5c: {  	v1 =	vand.u32 $0x3FFF, v0  }
0x5d: {  	v0 =	vshrl.u32 v0, $0xE;
	[tilespmem:$0x2810] =	vst v1  }
0x5e: {  	[tilespmem:$0x2890] =	vst v0  }
0x5f: {  	v0 =	vld [tilespmem:s22+$0x120];
	_ =	sdelay $0x4  }
0x60: {  	v1 =	vand.u32 $0x3FFF, v0  }
0x61: {  	v0 =	vshrl.u32 v0, $0xE;
	[tilespmem:$0x2820] =	vst v1  }
0x62: {  	[tilespmem:$0x28A0] =	vst v0  }
0x63: {  	v0 =	vld [tilespmem:s22+$0x130];
	_ =	sdelay $0x4  }
0x64: {  	v1 =	vand.u32 $0x3FFF, v0  }
0x65: {  	v0 =	vshrl.u32 v0, $0xE;
	[tilespmem:$0x2830] =	vst v1  }
0x66: {  	[tilespmem:$0x28B0] =	vst v0  }
0x67: {  	v0 =	vld [tilespmem:s22+$0x140];
	_ =	sdelay $0x4  }
0x68: {  	v1 =	vand.u32 $0x3FFF, v0  }
0x69: {  	v0 =	vshrl.u32 v0, $0xE;
	[tilespmem:$0x2840] =	vst v1  }
0x6a: {  	[tilespmem:$0x28C0] =	vst v0  }
0x6b: {  	v0 =	vld [tilespmem:s22+$0x150];
	_ =	sdelay $0x4  }
0x6c: {  	v1 =	vand.u32 $0x3FFF, v0  }
0x6d: {  	v0 =	vshrl.u32 v0, $0xE;
	[tilespmem:$0x2850] =	vst v1  }
0x6e: {  	[tilespmem:$0x28D0] =	vst v0  }
0x6f: {  	v0 =	vld [tilespmem:s22+$0x160];
	_ =	sdelay $0x4  }
0x70: {  	v1 =	vand.u32 $0x3FFF, v0  }
0x71: {  	s23 =	simm.s32 $0x400;
	v0 =	vshrl.u32 v0, $0xE;
	[tilespmem:$0x2860] =	vst v1  }
.LBB2_2:
0x72: {  	p0 =	sne.s32 s23, $0x9800;
	[tilespmem:$0x28E0] =	vst v0;
	s24 =	smov.u32 s23;
	s23 =	sadd.s32 $0x400, s23  }
0x73: {  	v0 =	vld [tilespmem:s22+$0x170];
	_ =	sdelay $0x4  }
0x74: {  	v1 =	vand.u32 $0x3FFF, v0;
	v0 =	vshrl.u32 v0, $0xE  }
0x75: {  	[tilespmem:$0x2870] =	vst v1  }
0x76: {  	[tilespmem:$0x28F0] =	vst v0  }
0x77: {  	[tilespmem:s14], [sflag:$0x1] =	stream.indirect.gather [hbm4b:s4+s12], $0x80, s13, s12, $0xb8;
	[tilespmem:$0x1E600] =	vst v63  }
0x78: {  	_ =	swait.ge [sflag:s19], $0x4000  }
0x79: {  	[sflag:s19] =	ssyncset.done $0x0  }
0x7a: {  	[sflag:s19] =	ssyncadd.s32 $0xFFFFC000  }
0x7b: {  	[spmem:s2] =	stream.indirect.scatter.add.f32 [tilespmem:s16], [sflag:$0x3], $0x80, s20, s12, $0xb8;
	[tilespmem:$0x1E600] =	vst v63  }
0x7c: {  	_ =	swait.ge [sflag:s11], $0x4000  }
0x7d: {  	[sflag:s11] =	ssyncset.done $0x0  }
0x7e: {  	s22 =	sshra.s32 s24, $0x2;
	[sflag:s11] =	ssyncadd.s32 $0xFFFFC000  }
0x7f: {  	v0 =	vld [tilespmem:s22+$0x80];
	_ =	sdelay $0x4  }
0x80: {  	v1 =	vand.u32 $0x3FFF, v0;
	v0 =	vshrl.u32 v0, $0xE  }
0x81: {  	[tilespmem:$0x2900] =	vst v1  }
0x82: {  	[tilespmem:$0x2980] =	vst v0  }
0x83: {  	v0 =	vld [tilespmem:s22+$0x90];
	_ =	sdelay $0x4  }
0x84: {  	v1 =	vand.u32 $0x3FFF, v0;
	v0 =	vshrl.u32 v0, $0xE  }
0x85: {  	[tilespmem:$0x2910] =	vst v1  }
0x86: {  	[tilespmem:$0x2990] =	vst v0  }
0x87: {  	v0 =	vld [tilespmem:s22+$0xA0];
	_ =	sdelay $0x4  }
0x88: {  	v1 =	vand.u32 $0x3FFF, v0;
	v0 =	vshrl.u32 v0, $0xE  }
0x89: {  	[tilespmem:$0x2920] =	vst v1  }
0x8a: {  	[tilespmem:$0x29A0] =	vst v0  }
0x8b: {  	v0 =	vld [tilespmem:s22+$0xB0];
	_ =	sdelay $0x4  }
0x8c: {  	v1 =	vand.u32 $0x3FFF, v0;
	v0 =	vshrl.u32 v0, $0xE  }
0x8d: {  	[tilespmem:$0x2930] =	vst v1  }
0x8e: {  	[tilespmem:$0x29B0] =	vst v0  }
0x8f: {  	v0 =	vld [tilespmem:s22+$0xC0];
	_ =	sdelay $0x4  }
0x90: {  	v1 =	vand.u32 $0x3FFF, v0;
	v0 =	vshrl.u32 v0, $0xE  }
0x91: {  	[tilespmem:$0x2940] =	vst v1  }
0x92: {  	[tilespmem:$0x29C0] =	vst v0  }
0x93: {  	v0 =	vld [tilespmem:s22+$0xD0];
	_ =	sdelay $0x4  }
0x94: {  	v1 =	vand.u32 $0x3FFF, v0;
	v0 =	vshrl.u32 v0, $0xE  }
0x95: {  	[tilespmem:$0x2950] =	vst v1  }
0x96: {  	[tilespmem:$0x29D0] =	vst v0  }
0x97: {  	v0 =	vld [tilespmem:s22+$0xE0];
	_ =	sdelay $0x4  }
0x98: {  	v1 =	vand.u32 $0x3FFF, v0;
	v0 =	vshrl.u32 v0, $0xE  }
0x99: {  	[tilespmem:$0x2960] =	vst v1  }
0x9a: {  	[tilespmem:$0x29E0] =	vst v0  }
0x9b: {  	v0 =	vld [tilespmem:s22+$0xF0];
	_ =	sdelay $0x4  }
0x9c: {  	v1 =	vand.u32 $0x3FFF, v0;
	v0 =	vshrl.u32 v0, $0xE  }
0x9d: {  	[tilespmem:$0x2970] =	vst v1  }
0x9e: {  	[tilespmem:$0x29F0] =	vst v0  }
0x9f: {  	[tilespmem:s16], [sflag:$0x2] =	stream.indirect.gather [hbm4b:s4+s12], $0x80, s15, s12, $0xb8;
	[tilespmem:$0x1E600] =	vst v63  }
0xa0: {  	_ =	swait.ge [sflag:s17], $0x4000  }
0xa1: {  	[sflag:s17] =	ssyncset.done $0x0  }
0xa2: {  	[sflag:s17] =	ssyncadd.s32 $0xFFFFC000  }
0xa3: {  	[spmem:s2] =	stream.indirect.scatter.add.f32 [tilespmem:s14], [sflag:$0x3], $0x80, s18, s12, $0xb8;
	[tilespmem:$0x1E600] =	vst v63  }
0xa4: {  	_ =	swait.ge [sflag:s11], $0x4000  }
0xa5: {  	[sflag:s11] =	ssyncset.done $0x0  }
0xa6: {  	[sflag:s11] =	ssyncadd.s32 $0xFFFFC000  }
0xa7: {  	v0 =	vld [tilespmem:s22+$0x100];
	_ =	sdelay $0x4  }
0xa8: {  	v1 =	vand.u32 $0x3FFF, v0;
	v0 =	vshrl.u32 v0, $0xE  }
0xa9: {  	[tilespmem:$0x2800] =	vst v1  }
0xaa: {  	[tilespmem:$0x2880] =	vst v0  }
0xab: {  	v0 =	vld [tilespmem:s22+$0x110];
	_ =	sdelay $0x4  }
0xac: {  	v1 =	vand.u32 $0x3FFF, v0;
	v0 =	vshrl.u32 v0, $0xE  }
0xad: {  	[tilespmem:$0x2810] =	vst v1  }
0xae: {  	[tilespmem:$0x2890] =	vst v0  }
0xaf: {  	v0 =	vld [tilespmem:s22+$0x120];
	_ =	sdelay $0x4  }
0xb0: {  	v1 =	vand.u32 $0x3FFF, v0;
	v0 =	vshrl.u32 v0, $0xE  }
0xb1: {  	[tilespmem:$0x2820] =	vst v1  }
0xb2: {  	[tilespmem:$0x28A0] =	vst v0  }
0xb3: {  	v0 =	vld [tilespmem:s22+$0x130];
	_ =	sdelay $0x4  }
0xb4: {  	v1 =	vand.u32 $0x3FFF, v0;
	v0 =	vshrl.u32 v0, $0xE  }
0xb5: {  	[tilespmem:$0x2830] =	vst v1  }
0xb6: {  	[tilespmem:$0x28B0] =	vst v0  }
0xb7: {  	v0 =	vld [tilespmem:s22+$0x140];
	_ =	sdelay $0x4  }
0xb8: {  	v1 =	vand.u32 $0x3FFF, v0;
	v0 =	vshrl.u32 v0, $0xE  }
0xb9: {  	[tilespmem:$0x2840] =	vst v1  }
0xba: {  	[tilespmem:$0x28C0] =	vst v0  }
0xbb: {  	v0 =	vld [tilespmem:s22+$0x150];
	_ =	sdelay $0x4  }
0xbc: {  	v1 =	vand.u32 $0x3FFF, v0;
	v0 =	vshrl.u32 v0, $0xE  }
0xbd: {  	[tilespmem:$0x2850] =	vst v1  }
0xbe: {  	[tilespmem:$0x28D0] =	vst v0  }
0xbf: {  	v0 =	vld [tilespmem:s22+$0x160];
	_ =	sdelay $0x1  }
.Ltmp0:
0xc0: {  	(pc) =	sbr.rel @p0 .LBB2_2-.Ltmp0, $3  }
0xc1: {  	_ =	sdelay $0x1  }
0xc2: {  	v1 =	vand.u32 $0x3FFF, v0;
	v0 =	vshrl.u32 v0, $0xE  }
0xc3: {  	[tilespmem:$0x2860] =	vst v1  }
0xc4: {  	[tilespmem:$0x28E0] =	vst v0  }
0xc5: {  	v0 =	vld [tilespmem:s22+$0x170];
	_ =	sdelay $0x4  }
0xc6: {  	v1 =	vand.u32 $0x3FFF, v0  }
0xc7: {  	v0 =	vshrl.u32 v0, $0xE;
	[tilespmem:$0x2870] =	vst v1  }
0xc8: {  	[tilespmem:$0x28F0] =	vst v0  }
0xc9: {  	[tilespmem:s14], [sflag:$0x1] =	stream.indirect.gather [hbm4b:s4+s12], $0x80, s13, s12, $0xb8;
	[tilespmem:$0x1E600] =	vst v63  }
0xca: {  	_ =	swait.ge [sflag:s19], $0x4000  }
0xcb: {  	[sflag:s19] =	ssyncset.done $0x0  }
0xcc: {  	[sflag:s19] =	ssyncadd.s32 $0xFFFFC000  }
0xcd: {  	[spmem:s2] =	stream.indirect.scatter.add.f32 [tilespmem:s16], [sflag:$0x3], $0x80, s20, s12, $0xb8;
	[tilespmem:$0x1E600] =	vst v63  }
0xce: {  	_ =	swait.ge [sflag:s11], $0x4000  }
0xcf: {  	[sflag:s11] =	ssyncset.done $0x0  }
0xd0: {  	[sflag:s11] =	ssyncadd.s32 $0xFFFFC000  }
0xd1: {  	_ =	swait.ge [sflag:s17], $0x4000  }
0xd2: {  	[sflag:s17] =	ssyncset.done $0x0  }
0xd3: {  	[sflag:s17] =	ssyncadd.s32 $0xFFFFC000  }
0xd4: {  	[spmem:s2] =	stream.indirect.scatter.add.f32 [tilespmem:s14], [sflag:$0x3], $0x80, s18, s12, $0xb8;
	[tilespmem:$0x1E600] =	vst v63  }
0xd5: {  	_ =	swait.ge [sflag:s11], $0x4000  }
0xd6: {  	s21 =	sadd.s32 $0x1, s21;
	[sflag:s11] =	ssyncset.done $0x0  }
0xd7: {  	p0 =	sne.s32 s21, s9;
	[sflag:s11] =	ssyncadd.s32 $0xFFFFC000  }
.Ltmp1:
0xd8: {  	[bflag:$0x0] =	sbarrier.arrive $0xFFFF;
	(pc) =	sbr.rel @p0 .LBB2_1-.Ltmp1, $4  }
0xd9: {  	[hbm:s8], [sflag:s6] =	dma.local [spmem:s10], $0x2780  }
0xda: {  	_ =	swait.ge [sflag:s11], $0x2780  }
0xdb: {  	[sflag:s11] =	ssyncset.done $0x0  }
0xdc: {  	[sflag:s11] =	ssyncadd.s32 $0xFFFFD880  }
0xdd: {  	_ =	sfence.sel $0x180000  }
0xde: {  	[bflag:$0x0] =	sbarrier.arrive $0xFFFF  }
0xdf: {  	p0 =	sne.s32 s0, $0x0;
	_ =	strace $0x9000004D  }
0xe0: {  	s0 =	sadd.s32 @!p0 $0x100000, s1;
	[bflag:$0x2] =	sbarrier.arrive $0xFFFF  }
0xe1: {  	[sflag:s0] =	ssyncadd.tile.s32 @!p0 $0x1;
	_ =	shalt  }
.Lfunc_end2:
_tile_overlayer_lowered:
.L_overlay_start_2:
0xe2: {  	(tag) =	ssettag $0x2  }
0xe3: {  	s0 =	rddreg [dreg:$0x0];
	s2 =	stileid.u32  }
0xe4: {  	s1 =	rddreg [dreg:$0x1];
	p0 =	sne.s32 s2, $0x0  }
0xe5: {  	s3 =	rddreg [dreg:$0x2];
	[bflag:$0x3] =	sbarrier.arrive $0xFFFF;
	s2 =	simm.s32 @!p0 $0x1C03  }
0xe6: {  	[timem:s3], [sflag:s2] =	dma.local @!p0 [hbm:s0], s1  }
0xe7: {  	s0 =	simm.s32 @!p0 $0x3  }
0xe8: {  	_ =	swait.ge @!p0 [sflag:s0], s1  }
0xe9: {  	s1 =	ssub.s32 @!p0 $0x0, s1;
	[sflag:s0] =	ssyncset.done @!p0 $0x0  }
0xea: {  	[sflag:s0] =	ssyncadd.s32 @!p0 s1  }
0xeb: {  	[bflag:$0x3] =	sbarrier.arrive $0xFFFF  }
0xec: {  	_ =	shalt  }

// kernel: kernel.24.cloned.1.call-start
scs
__scs_entry_jumppad:
0x0: {  	(pc) =	sbr.rel $0x88, $3  }
0x1: {  	(tag) =	ssettag $0x0;
	lr =	simm.s32 $0x1  }
0x2: {  	[smem:$0x3F93] =	sst lr;
	_ =	strace $0xD0000000  }
0x3: {  	_ = 	snop  }
0x4: {  	_ = 	snop  }
0x5: {  	_ = 	snop  }
0x6: {  	_ = 	snop  }
0x7: {  	_ = 	snop  }
__scs_overlays_trampoline_lowered:
0x8: {  	[smem:$0x3FA2] =	sst s0  }
0x9: {  	[smem:$0x3FA3] =	sst s1  }
0xa: {  	[smem:$0x3FA4] =	sst s2  }
0xb: {  	[smem:$0x3FA5] =	sst s3  }
0xc: {  	[smem:$0x3FA6] =	sst s4  }
0xd: {  	[smem:$0x3FA7] =	sst s5  }
0xe: {  	[smem:$0x3FA8] =	sst s6  }
0xf: {  	[smem:$0x3FA9] =	sst s7  }
0x10: {  	[smem:$0x3FAA] =	sst s8  }
0x11: {  	[smem:$0x3FAB] =	sst s9;
	s0 =	simm.s32 @!p0 $0x0  }
0x12: {  	s1 =	sld [smem:$0x3F91];
	s0 =	simm.s32 @p0 $0x1  }
0x13: {  	[smem:$0x3FAC] =	sst s0;
	s0 =	simm.s32 @!p1 $0x0  }
0x14: {  	s2 =	sld [smem:$0x3F90];
	s0 =	simm.s32 @p1 $0x1  }
0x15: {  	[smem:$0x3FAD] =	sst s0;
	s0 =	simm.s32 @!p2 $0x0  }
0x16: {  	s3 =	sld [smem:$0x3FDB];
	s0 =	simm.s32 @p2 $0x1  }
0x17: {  	s4 =	simm.s32 $0x1BF5;
	[smem:$0x3FAF] =	sst s0  }
0x18: {  	s0 =	sld [smem:$0x3F92];
	_ =	swait.ge [sflag:s4], $0x0  }
0x19: {  	s7 =	sld [smem:$0x3F93]  }
0x1a: {  	s8 =	sadd.s32 $0xFFFFE003, lr  }
0x1b: {  	s9 =	sadd.s32 $0xFFFFFEF7, lr;
	s5 =	simm.s32 $0xFFFFFFFF;
	p2 =	slt.u32 s8, $0xFFFFF086  }
0x1c: {  	p1 =	slt.u32 s9, $0xF7A;
	s5 =	simm.s32 @!p2 $0x0  }
0x1d: {  	s5 =	simm.s32 @p1 $0x1;
	p0 =	seq.s32 s7, s2  }
0x1e: {  	s7 =	smul.u32 @!p0 $0xF7A, s2;
	p2 =	seq.s32 @!p0 s5, $0x0  }
0x1f: {  	s9 =	smul.u32 $0xF7A, s1;
	s8 =	simm.s32 @!p0 $0x1BF5;
	p2 =	por !p2, p0  }
0x20: {  	[sflag:s8] =	ssyncset.s32 @!p0 $0xFFFFF086;
	s6 =	sadd.s32 @!p0 s3, s7;
	s7 =	simm.s32 @!p0 $0x108  }
0x21: {  	s3 =	sadd.s32 s3, s9;
	s6 =	sadd.s32 @!p0 $0x88, s6;
	s7 =	simm.s32 @p2 $0x1082  }
0x22: {  	[simem:s7], [sflag:s8] =	dma.local @!p0 [hbm:s6], $0xF7A  }
0x23: {  	s9 =	sor.u32 $0xD0000000, s2;
	s6 =	simm.s32 $0x108;
	_ =	swait.ge @!p0 [sflag:s8], $0x0  }
0x24: {  	s3 =	sadd.s32 $0x88, s3;
	s6 =	simm.s32 @!p1 $0x1082;
	[sflag:s4] =	ssyncset.s32 $0xFFFFF086  }
0x25: {  	[simem:s6], [sflag:s4] =	dma.local [hbm:s3], $0xF7A  }
0x26: {  	[smem:$0x3F93] =	sst s1;
	(tag) =	ssettag s2;
	_ =	strace s9  }
0x27: {  	s1 =	sld [smem:$0x3FA3]  }
0x28: {  	s2 =	sld [smem:$0x3FA4]  }
0x29: {  	s4 =	sld [smem:$0x3FA6]  }
0x2a: {  	p0 =	seq.s32 s5, $0x0;
	s5 =	sld [smem:$0x3FA7]  }
0x2b: {  	s6 =	sld [smem:$0x3FA8]  }
0x2c: {  	s7 =	sld [smem:$0x3FA9]  }
0x2d: {  	s3 =	simm.s32 $0x108;
	s8 =	sld [smem:$0x3FAA]  }
0x2e: {  	s3 =	simm.s32 @!p0 $0x1082;
	s9 =	sld [smem:$0x3FAB]  }
0x2f: {  	lr =	sadd.s32 s0, s3;
	s0 =	sld [smem:$0x3FA2]  }
0x30: {  	s3 =	sld [smem:$0x3FA5]  }
0x31: {  	[smem:$0x3FAE] =	sst s10  }
0x32: {  	s10 =	sld [smem:$0x3FAC];
	_ =	sdelay $0x3  }
0x33: {  	p0 =	seq.s32 s10, $0x1;
	s10 =	sld [smem:$0x3FAE];
	_ =	sdelay $0x3  }
0x34: {  	[smem:$0x3FAE] =	sst s10  }
0x35: {  	s10 =	sld [smem:$0x3FAD];
	_ =	sdelay $0x3  }
0x36: {  	p1 =	seq.s32 s10, $0x1;
	s10 =	sld [smem:$0x3FAE];
	_ =	sdelay $0x3  }
0x37: {  	[smem:$0x3FAE] =	sst s10  }
0x38: {  	s10 =	sld [smem:$0x3FAF]  }
0x39: {  	_ = 	snop;
	(pc) =	sbr.ind lr, $3  }
0x3a: {  	_ = 	snop  }
0x3b: {  	_ = 	snop  }
0x3c: {  	p2 =	seq.s32 s10, $0x1;
	s10 =	sld [smem:$0x3FAE]  }
0x3d: {  	_ =	shalt  }
0x3e: {  	_ =	shalt  }
0x3f: {  	_ =	shalt  }
0x40: {  	_ =	shalt  }
0x41: {  	_ =	shalt  }
0x42: {  	_ =	shalt  }
0x43: {  	_ =	shalt  }
0x44: {  	_ =	shalt  }
0x45: {  	_ =	shalt  }
0x46: {  	_ =	shalt  }
0x47: {  	_ =	shalt  }
0x48: {  	_ =	shalt  }
0x49: {  	_ =	shalt  }
0x4a: {  	_ =	shalt  }
0x4b: {  	_ =	shalt  }
0x4c: {  	_ =	shalt  }
0x4d: {  	_ =	shalt  }
0x4e: {  	_ =	shalt  }
0x4f: {  	_ =	shalt  }
0x50: {  	_ =	shalt  }
0x51: {  	_ =	shalt  }
0x52: {  	_ =	shalt  }
0x53: {  	_ =	shalt  }
0x54: {  	_ =	shalt  }
0x55: {  	_ =	shalt  }
0x56: {  	_ =	shalt  }
0x57: {  	_ =	shalt  }
0x58: {  	_ =	shalt  }
0x59: {  	_ =	shalt  }
0x5a: {  	_ =	shalt  }
0x5b: {  	_ =	shalt  }
0x5c: {  	_ =	shalt  }
0x5d: {  	_ =	shalt  }
0x5e: {  	_ =	shalt  }
0x5f: {  	_ =	shalt  }
0x60: {  	_ =	shalt  }
0x61: {  	_ =	shalt  }
0x62: {  	_ =	shalt  }
0x63: {  	_ =	shalt  }
0x64: {  	_ =	shalt  }
0x65: {  	_ =	shalt  }
0x66: {  	_ =	shalt  }
0x67: {  	_ =	shalt  }
0x68: {  	_ =	shalt  }
0x69: {  	_ =	shalt  }
0x6a: {  	_ =	shalt  }
0x6b: {  	_ =	shalt  }
0x6c: {  	_ =	shalt  }
0x6d: {  	_ =	shalt  }
0x6e: {  	_ =	shalt  }
0x6f: {  	_ =	shalt  }
0x70: {  	_ =	shalt  }
0x71: {  	_ =	shalt  }
0x72: {  	_ =	shalt  }
0x73: {  	_ =	shalt  }
0x74: {  	_ =	shalt  }
0x75: {  	_ =	shalt  }
0x76: {  	_ =	shalt  }
0x77: {  	_ =	shalt  }
0x78: {  	_ =	shalt  }
0x79: {  	_ =	shalt  }
0x7a: {  	_ =	shalt  }
0x7b: {  	_ =	shalt  }
0x7c: {  	_ =	shalt  }
0x7d: {  	_ =	shalt  }
0x7e: {  	_ =	shalt  }
0x7f: {  	_ =	shalt  }
0x80: {  	_ =	shalt  }
0x81: {  	_ =	shalt  }
0x82: {  	_ =	shalt  }
0x83: {  	_ =	shalt  }
0x84: {  	_ =	shalt  }
0x85: {  	_ =	shalt  }
0x86: {  	_ =	shalt  }
0x87: {  	_ =	shalt  }
.Lfunc_end0:
.L_simem_size_0:
called_computation.3_lowered:
.L_overlay_start_0:
0x88: {  	s2 =	sld [smem:$0x3FD9]  }
0x89: {  	s3 =	sld [smem:$0x3FFE];
	_ =	sdelay $0x1  }
0x8a: {  	s1 =	srdreg.scid  }
0x8b: {  	s0 =	sand.u32 $0x1, s1  }
0x8c: {  	s16 =	sshll.u32 s0, $0xA;
	s2 =	sadd.s32 s3, s2  }
0x8d: {  	s2 =	sadd.s32 s2, s16  }
0x8e: {  	[smem:$0x3FBA] =	sst s2  }
0x8f: {  	_ = 	snop  }
0x90: {  	(tm) =	ssettm $0x1  }
0x91: {  	s17 =	sld [smem:$0x3FFB];
	_ =	sdelay $0x3  }
0x92: {  	_ =	strace s17  }
0x93: {  	s2 =	sld [smem:$0x3FFC];
	_ =	sdelay $0x3  }
0x94: {  	_ =	strace s2  }
0x95: {  	s2 =	sld [smem:$0x3FFD];
	_ =	sdelay $0x3  }
0x96: {  	_ =	strace s2  }
0x97: {  	_ =	strace $0x8FFFFFFF  }
0x98: {  	s18 =	sld [smem:$0x3FDB];
	_ =	sdelay $0x1  }
0x99: {  	s19 =	simm.s32 $_scs_section_size  }
0x9a: {  	s4 =	simm.s32 $_size__tile_overlayer_lowered;
	s5 =	simm.s32 $_tile_overlayer_lowered  }
0x9b: {  	s22 =	simm.s32 $0x1BFF;
	s21 =	sshll.u32 s5, $0x1;
	s2 =	sadd.s32 s19, s18  }
0x9c: {  	s6 =	simm.s32 $0x0;
	s20 =	sshll.u32 s4, $0x1;
	s4 =	sadd.s32 s21, s2  }
0x9d: {  	[timem:s6], [sflag:s22] =	dma.local [hbm:s4], s20  }
0x9e: {  	_ =	swait.ge [sflag:s22], s20  }
0x9f: {  	s3 =	ssub.s32 $0x0, s20;
	[sflag:s22] =	ssyncset.done $0x0  }
0xa0: {  	[sflag:s22] =	ssyncadd.s32 s3;
	_ =	sdelay $0x1  }
0xa1: {  	s23 =	simm.s32 $0x1B8B  }
0xa2: {  	_ =	swait.ge [sflag:s23], $0x1  }
0xa3: {  	[sflag:s23] =	ssyncset.done $0x0  }
0xa4: {  	s25 =	simm.s32 $0x1B8E;
	s24 =	sld [smem:$0x3FFE];
	[sflag:s23] =	ssyncadd.s32 $0xFFFFFFFF  }
0xa5: {  	s26 =	simm.s32 $execute0_lowered;
	[smem:$0x3FD2] =	sst s25  }
0xa6: {  	s4 =	sshll.u32 s26, $0x1;
	_ =	strace $0x8000004F;
	[dreg:$0x1] =	wrdreg $0xFFFFFFFF  }
0xa7: {  	s28 =	simm.s32 $_size_execute0_lowered;
	s2 =	sadd.s32 s2, s4;
	[dreg:$0x0] =	wrdreg $0x0  }
0xa8: {  	s4 =	sshll.u32 s28, $0x1;
	[dreg:$0x2] =	wrdreg s2  }
0xa9: {  	[dreg:$0x3] =	wrdreg s4  }
0xaa: {  	[dreg:$0x4] =	wrdreg $0xC0  }
0xab: {  	_ =	task [dreg:s6], $0x5FFFF  }
0xac: {  	[dreg:$0x1] =	wrdreg $0xFFFFFFFF  }
0xad: {  	[dreg:$0x0] =	wrdreg $0x60  }
0xae: {  	[dreg:$0x2] =	wrdreg s24  }
0xaf: {  	[dreg:$0x3] =	wrdreg $0xAA000  }
0xb0: {  	[dreg:$0x4] =	wrdreg $0x9  }
0xb1: {  	_ =	task.clear_ibuf [dreg:s6], $0x5FFFF;
	_ =	strace $0x9000004F  }
0xb2: {  	s29 =	simm.s32 $0x9;
	_ =	strace $0x80000051  }
0xb3: {  	_ =	swait.ge [sflag:s29], $0x1  }
0xb4: {  	[sflag:s29] =	ssyncadd.s32 $0xFFFFFFFF  }
0xb5: {  	_ =	strace $0x90000051  }
0xb6: {  	_ =	sfence  }
0xb7: {  	s30 =	sld [smem:$0x0];
	_ =	sdelay $0x2  }
0xb8: {  	s31 =	sshll.u32 s1, $0xD;
	s1 =	sshrl.u32 s1, $0x2  }
0xb9: {  	s3 =	sand.u32 $0x4000, s31;
	s1 =	sadd.s32 s1, s30  }
0xba: {  	s0 =	sor.u32 s3, s0;
	s1 =	sshll.u32 s1, $0x11  }
0xbb: {  	s0 =	sor.u32 s1, s0  }
0xbc: {  	s0 =	sadd.s32 $0x8F2B, s0  }
0xbd: {  	[sflag:s0] =	ssyncadd.remote.s32 $0x1  }
0xbe: {  	_ =	sfence.sel $0xFFFF  }
0xbf: {  	[dreg:$0x0] =	wrdreg $0xFFFFFFFF;
	(pc) =	sbr.abs _section_cstart, $3  }
0xc0: {  	[dreg:$0x1] =	wrdreg $0xFFFFFFFF  }
0xc1: {  	_ =	task.clear_ibuf [dreg:s6], $0x2FFFF;
	_ =	strace $0x9FFFFFFF  }
0xc2: {  	(tm) =	ssettm $0x7FFFFFFF  }
0xc3: {  	_ =	shalt  }
tec
execute0_lowered:
.L_overlay_start_1:
0x0: {  	(tag) =	ssettag $0x1  }
0x1: {  	s6 =	rddreg [dreg:$0x0]  }
0x2: {  	s0 =	srdreg.scid;
	s2 =	rddreg [dreg:$0x1]  }
0x3: {  	s3 =	simm.s32 $0x0;
	s13 =	simm.s32 $0x2800;
	s14 =	simm.s32 $0x2A00  }
0x4: {  	s15 =	simm.s32 $0x2900;
	s16 =	simm.s32 $0x6A00;
	s17 =	simm.s32 $0x1  }
0x5: {  	s18 =	simm.s32 $0x2880;
	s19 =	simm.s32 $0x2;
	s20 =	simm.s32 $0x2980  }
0x6: {  	s21 =	simm.s32 $0x0;
	s5 =	sand.u32 $0x1, s0;
	s0 =	stileid.u32  }
0x7: {  	[smem:$0x7FF] =	sst s3;
	s4 =	sadd.s32 $0x30A00, s6;
	s8 =	smul.u32 $0x13C00, s0  }
0x8: {  	s1 =	sshll.u32 s5, $0x4;
	s9 =	smul.u32 $0x13C000, s5;
	s5 =	ssub.s32 $0x2, s5  }
0x9: {  	s28 =	smul.u32 $0x4F000, s0;
	s31 =	sshll.u32 s0, $0x6;
	s1 =	sor.u32 s0, s1  }
0xa: {  	s29 =	sshrl.u32 s5, $0x1;
	s7 =	smul.u32 $0x500, s1;
	s1 =	rddreg [dreg:$0x2]  }
0xb: {  	_ =	strace $0x80000050;
	s10 =	sshrl.u32 s8, $0x3;
	s8 =	sadd.s32 s8, s9  }
0xc: {  	s11 =	ssub.s32 s5, s29;
	s30 =	sshrl.u32 s28, $0x2;
	s8 =	sshrl.u32 s8, $0x3  }
0xd: {  	s10 =	sadd.s32 s10, s6;
	s12 =	sadd.s32 s30, s2;
	s9 =	smax.u32 s11, $0x1  }
0xe: {  	s11 =	simm.s32 $0x3;
	s7 =	sadd.s32 s7, s6;
	s8 =	sadd.s32 s8, s6  }
0xf: {  	s5 =	sadd.s32 $0x9200, s10;
	s6 =	sor.u32 $0x1C03, s31;
	s10 =	sshrl.u32 s12, $0x3  }
0x10: {  	s12 =	simm.s32 $0x80;
	s7 =	sadd.s32 $0xA6C00, s7;
	s8 =	sadd.s32 $0xD7E00, s8  }
.LBB2_1:
0x11: {  	[spmem:s10], [sflag:s6] =	dma.local [hbm:s5], $0x2780  }
0x12: {  	_ =	swait.ge [sflag:s11], $0x2780  }
0x13: {  	[sflag:s11] =	ssyncset.done $0x0  }
0x14: {  	[sflag:s11] =	ssyncadd.s32 $0xFFFFD880  }
0x15: {  	[tilespmem:s3], [sflag:$0x3] =	stream.linear.gather [hbm4b:s7+s3], $0x2780, $0x38;
	[tilespmem:$0x1E600] =	vst v63  }
0x16: {  	_ =	swait.ge [sflag:s11], $0x2780  }
0x17: {  	[sflag:s11] =	ssyncset.done $0x0  }
0x18: {  	[sflag:s11] =	ssyncadd.s32 $0xFFFFD880  }
0x19: {  	[bflag:$0x0] =	sbarrier.arrive $0xFFFF  }
0x1a: {  	v0 =	vld [tilespmem:$0x0];
	_ =	sdelay $0x1  }
0x1b: {  	v1 =	vld [tilespmem:$0x10];
	_ =	sdelay $0x1  }
0x1c: {  	v2 =	vld [tilespmem:$0x20]  }
0x1d: {  	v3 =	vand.u32 $0x3FFF, v0  }
0x1e: {  	v0 =	vshrl.u32 v0, $0xE;
	[tilespmem:$0x2800] =	vst v3;
	v3 =	vld [tilespmem:$0x30]  }
0x1f: {  	[tilespmem:$0x2880] =	vst v0;
	v0 =	vand.u32 $0x3FFF, v1  }
0x20: {  	[tilespmem:$0x2810] =	vst v0;
	v0 =	vshrl.u32 v1, $0xE;
	v1 =	vld [tilespmem:$0x40]  }
0x21: {  	[tilespmem:$0x2890] =	vst v0;
	v0 =	vand.u32 $0x3FFF, v2  }
0x22: {  	[tilespmem:$0x2820] =	vst v0;
	v0 =	vshrl.u32 v2, $0xE;
	v2 =	vld [tilespmem:$0x50]  }
0x23: {  	[tilespmem:$0x28A0] =	vst v0;
	v0 =	vand.u32 $0x3FFF, v3  }
0x24: {  	[tilespmem:$0x2830] =	vst v0;
	v0 =	vshrl.u32 v3, $0xE;
	v3 =	vld [tilespmem:$0x60]  }
0x25: {  	[tilespmem:$0x28B0] =	vst v0;
	v0 =	vand.u32 $0x3FFF, v1  }
0x26: {  	[tilespmem:$0x2840] =	vst v0;
	v0 =	vshrl.u32 v1, $0xE;
	v1 =	vld [tilespmem:$0x70]  }
0x27: {  	[tilespmem:$0x28C0] =	vst v0;
	v0 =	vand.u32 $0x3FFF, v2  }
0x28: {  	[tilespmem:$0x2850] =	vst v0;
	v0 =	vshrl.u32 v2, $0xE  }
0x29: {  	[tilespmem:$0x28D0] =	vst v0;
	v0 =	vand.u32 $0x3FFF, v3  }
0x2a: {  	[tilespmem:$0x2860] =	vst v0;
	v0 =	vshrl.u32 v3, $0xE  }
0x2b: {  	[tilespmem:$0x28E0] =	vst v0;
	v0 =	vand.u32 $0x3FFF, v1  }
0x2c: {  	[tilespmem:$0x2870] =	vst v0;
	v0 =	vshrl.u32 v1, $0xE  }
0x2d: {  	s22 =	simm.s32 $0x0;
	[tilespmem:$0x28F0] =	vst v0  }
0x2e: {  	[tilespmem:s14], [sflag:$0x1] =	stream.indirect.gather [hbm4b:s4+s12], $0x80, s13, s12, $0xb8;
	[tilespmem:$0x1E600] =	vst v63  }
0x2f: {  	v0 =	vld [tilespmem:s22+$0x80];
	_ =	sdelay $0x4  }
0x30: {  	v1 =	vand.u32 $0x3FFF, v0  }
0x31: {  	v0 =	vshrl.u32 v0, $0xE;
	[tilespmem:$0x2900] =	vst v1  }
0x32: {  	[tilespmem:$0x2980] =	vst v0  }
0x33: {  	v0 =	vld [tilespmem:s22+$0x90];
	_ =	sdelay $0x4  }
0x34: {  	v1 =	vand.u32 $0x3FFF, v0  }
0x35: {  	v0 =	vshrl.u32 v0, $0xE;
	[tilespmem:$0x2910] =	vst v1  }
0x36: {  	[tilespmem:$0x2990] =	vst v0  }
0x37: {  	v0 =	vld [tilespmem:s22+$0xA0];
	_ =	sdelay $0x4  }
0x38: {  	v1 =	vand.u32 $0x3FFF, v0  }
0x39: {  	v0 =	vshrl.u32 v0, $0xE;
	[tilespmem:$0x2920] =	vst v1  }
0x3a: {  	[tilespmem:$0x29A0] =	vst v0  }
0x3b: {  	v0 =	vld [tilespmem:s22+$0xB0];
	_ =	sdelay $0x4  }
0x3c: {  	v1 =	vand.u32 $0x3FFF, v0  }
0x3d: {  	v0 =	vshrl.u32 v0, $0xE;
	[tilespmem:$0x2930] =	vst v1  }
0x3e: {  	[tilespmem:$0x29B0] =	vst v0  }
0x3f: {  	v0 =	vld [tilespmem:s22+$0xC0];
	_ =	sdelay $0x4  }
0x40: {  	v1 =	vand.u32 $0x3FFF, v0  }
0x41: {  	v0 =	vshrl.u32 v0, $0xE;
	[tilespmem:$0x2940] =	vst v1  }
0x42: {  	[tilespmem:$0x29C0] =	vst v0  }
0x43: {  	v0 =	vld [tilespmem:s22+$0xD0];
	_ =	sdelay $0x4  }
0x44: {  	v1 =	vand.u32 $0x3FFF, v0  }
0x45: {  	v0 =	vshrl.u32 v0, $0xE;
	[tilespmem:$0x2950] =	vst v1  }
0x46: {  	[tilespmem:$0x29D0] =	vst v0  }
0x47: {  	v0 =	vld [tilespmem:s22+$0xE0];
	_ =	sdelay $0x4  }
0x48: {  	v1 =	vand.u32 $0x3FFF, v0  }
0x49: {  	v0 =	vshrl.u32 v0, $0xE;
	[tilespmem:$0x2960] =	vst v1  }
0x4a: {  	[tilespmem:$0x29E0] =	vst v0  }
0x4b: {  	v0 =	vld [tilespmem:s22+$0xF0];
	_ =	sdelay $0x4  }
0x4c: {  	v1 =	vand.u32 $0x3FFF, v0  }
0x4d: {  	v0 =	vshrl.u32 v0, $0xE;
	[tilespmem:$0x2970] =	vst v1  }
0x4e: {  	[tilespmem:$0x29F0] =	vst v0  }
0x4f: {  	[tilespmem:s16], [sflag:$0x2] =	stream.indirect.gather [hbm4b:s4+s12], $0x80, s15, s12, $0xb8;
	[tilespmem:$0x1E600] =	vst v63  }
0x50: {  	_ =	swait.ge [sflag:s17], $0x4000  }
0x51: {  	[sflag:s17] =	ssyncset.done $0x0  }
0x52: {  	[sflag:s17] =	ssyncadd.s32 $0xFFFFC000  }
0x53: {  	[spmem:s2] =	stream.indirect.scatter.add.f32 [tilespmem:s14], [sflag:$0x3], $0x80, s18, s12, $0xb8;
	[tilespmem:$0x1E600] =	vst v63  }
0x54: {  	_ =	swait.ge [sflag:s11], $0x4000  }
0x55: {  	[sflag:s11] =	ssyncset.done $0x0  }
0x56: {  	[sflag:s11] =	ssyncadd.s32 $0xFFFFC000  }
0x57: {  	v0 =	vld [tilespmem:s22+$0x100];
	_ =	sdelay $0x4  }
0x58: {  	v1 =	vand.u32 $0x3FFF, v0  }
0x59: {  	v0 =	vshrl.u32 v0, $0xE;
	[tilespmem:$0x2800] =	vst v1  }
0x5a: {  	[tilespmem:$0x2880] =	vst v0  }
0x5b: {  	v0 =	vld [tilespmem:s22+$0x110];
	_ =	sdelay $0x4  }
0x5c: {  	v1 =	vand.u32 $0x3FFF, v0  }
0x5d: {  	v0 =	vshrl.u32 v0, $0xE;
	[tilespmem:$0x2810] =	vst v1  }
0x5e: {  	[tilespmem:$0x2890] =	vst v0  }
0x5f: {  	v0 =	vld [tilespmem:s22+$0x120];
	_ =	sdelay $0x4  }
0x60: {  	v1 =	vand.u32 $0x3FFF, v0  }
0x61: {  	v0 =	vshrl.u32 v0, $0xE;
	[tilespmem:$0x2820] =	vst v1  }
0x62: {  	[tilespmem:$0x28A0] =	vst v0  }
0x63: {  	v0 =	vld [tilespmem:s22+$0x130];
	_ =	sdelay $0x4  }
0x64: {  	v1 =	vand.u32 $0x3FFF, v0  }
0x65: {  	v0 =	vshrl.u32 v0, $0xE;
	[tilespmem:$0x2830] =	vst v1  }
0x66: {  	[tilespmem:$0x28B0] =	vst v0  }
0x67: {  	v0 =	vld [tilespmem:s22+$0x140];
	_ =	sdelay $0x4  }
0x68: {  	v1 =	vand.u32 $0x3FFF, v0  }
0x69: {  	v0 =	vshrl.u32 v0, $0xE;
	[tilespmem:$0x2840] =	vst v1  }
0x6a: {  	[tilespmem:$0x28C0] =	vst v0  }
0x6b: {  	v0 =	vld [tilespmem:s22+$0x150];
	_ =	sdelay $0x4  }
0x6c: {  	v1 =	vand.u32 $0x3FFF, v0  }
0x6d: {  	v0 =	vshrl.u32 v0, $0xE;
	[tilespmem:$0x2850] =	vst v1  }
0x6e: {  	[tilespmem:$0x28D0] =	vst v0  }
0x6f: {  	v0 =	vld [tilespmem:s22+$0x160];
	_ =	sdelay $0x4  }
0x70: {  	v1 =	vand.u32 $0x3FFF, v0  }
0x71: {  	s23 =	simm.s32 $0x400;
	v0 =	vshrl.u32 v0, $0xE;
	[tilespmem:$0x2860] =	vst v1  }
.LBB2_2:
0x72: {  	p0 =	sne.s32 s23, $0x9800;
	[tilespmem:$0x28E0] =	vst v0;
	s24 =	smov.u32 s23;
	s23 =	sadd.s32 $0x400, s23  }
0x73: {  	v0 =	vld [tilespmem:s22+$0x170];
	_ =	sdelay $0x4  }
0x74: {  	v1 =	vand.u32 $0x3FFF, v0;
	v0 =	vshrl.u32 v0, $0xE  }
0x75: {  	[tilespmem:$0x2870] =	vst v1  }
0x76: {  	[tilespmem:$0x28F0] =	vst v0  }
0x77: {  	[tilespmem:s14], [sflag:$0x1] =	stream.indirect.gather [hbm4b:s4+s12], $0x80, s13, s12, $0xb8;
	[tilespmem:$0x1E600] =	vst v63  }
0x78: {  	_ =	swait.ge [sflag:s19], $0x4000  }
0x79: {  	[sflag:s19] =	ssyncset.done $0x0  }
0x7a: {  	[sflag:s19] =	ssyncadd.s32 $0xFFFFC000  }
0x7b: {  	[spmem:s2] =	stream.indirect.scatter.add.f32 [tilespmem:s16], [sflag:$0x3], $0x80, s20, s12, $0xb8;
	[tilespmem:$0x1E600] =	vst v63  }
0x7c: {  	_ =	swait.ge [sflag:s11], $0x4000  }
0x7d: {  	[sflag:s11] =	ssyncset.done $0x0  }
0x7e: {  	s22 =	sshra.s32 s24, $0x2;
	[sflag:s11] =	ssyncadd.s32 $0xFFFFC000  }
0x7f: {  	v0 =	vld [tilespmem:s22+$0x80];
	_ =	sdelay $0x4  }
0x80: {  	v1 =	vand.u32 $0x3FFF, v0;
	v0 =	vshrl.u32 v0, $0xE  }
0x81: {  	[tilespmem:$0x2900] =	vst v1  }
0x82: {  	[tilespmem:$0x2980] =	vst v0  }
0x83: {  	v0 =	vld [tilespmem:s22+$0x90];
	_ =	sdelay $0x4  }
0x84: {  	v1 =	vand.u32 $0x3FFF, v0;
	v0 =	vshrl.u32 v0, $0xE  }
0x85: {  	[tilespmem:$0x2910] =	vst v1  }
0x86: {  	[tilespmem:$0x2990] =	vst v0  }
0x87: {  	v0 =	vld [tilespmem:s22+$0xA0];
	_ =	sdelay $0x4  }
0x88: {  	v1 =	vand.u32 $0x3FFF, v0;
	v0 =	vshrl.u32 v0, $0xE  }
0x89: {  	[tilespmem:$0x2920] =	vst v1  }
0x8a: {  	[tilespmem:$0x29A0] =	vst v0  }
0x8b: {  	v0 =	vld [tilespmem:s22+$0xB0];
	_ =	sdelay $0x4  }
0x8c: {  	v1 =	vand.u32 $0x3FFF, v0;
	v0 =	vshrl.u32 v0, $0xE  }
0x8d: {  	[tilespmem:$0x2930] =	vst v1  }
0x8e: {  	[tilespmem:$0x29B0] =	vst v0  }
0x8f: {  	v0 =	vld [tilespmem:s22+$0xC0];
	_ =	sdelay $0x4  }
0x90: {  	v1 =	vand.u32 $0x3FFF, v0;
	v0 =	vshrl.u32 v0, $0xE  }
0x91: {  	[tilespmem:$0x2940] =	vst v1  }
0x92: {  	[tilespmem:$0x29C0] =	vst v0  }
0x93: {  	v0 =	vld [tilespmem:s22+$0xD0];
	_ =	sdelay $0x4  }
0x94: {  	v1 =	vand.u32 $0x3FFF, v0;
	v0 =	vshrl.u32 v0, $0xE  }
0x95: {  	[tilespmem:$0x2950] =	vst v1  }
0x96: {  	[tilespmem:$0x29D0] =	vst v0  }
0x97: {  	v0 =	vld [tilespmem:s22+$0xE0];
	_ =	sdelay $0x4  }
0x98: {  	v1 =	vand.u32 $0x3FFF, v0;
	v0 =	vshrl.u32 v0, $0xE  }
0x99: {  	[tilespmem:$0x2960] =	vst v1  }
0x9a: {  	[tilespmem:$0x29E0] =	vst v0  }
0x9b: {  	v0 =	vld [tilespmem:s22+$0xF0];
	_ =	sdelay $0x4  }
0x9c: {  	v1 =	vand.u32 $0x3FFF, v0;
	v0 =	vshrl.u32 v0, $0xE  }
0x9d: {  	[tilespmem:$0x2970] =	vst v1  }
0x9e: {  	[tilespmem:$0x29F0] =	vst v0  }
0x9f: {  	[tilespmem:s16], [sflag:$0x2] =	stream.indirect.gather [hbm4b:s4+s12], $0x80, s15, s12, $0xb8;
	[tilespmem:$0x1E600] =	vst v63  }
0xa0: {  	_ =	swait.ge [sflag:s17], $0x4000  }
0xa1: {  	[sflag:s17] =	ssyncset.done $0x0  }
0xa2: {  	[sflag:s17] =	ssyncadd.s32 $0xFFFFC000  }
0xa3: {  	[spmem:s2] =	stream.indirect.scatter.add.f32 [tilespmem:s14], [sflag:$0x3], $0x80, s18, s12, $0xb8;
	[tilespmem:$0x1E600] =	vst v63  }
0xa4: {  	_ =	swait.ge [sflag:s11], $0x4000  }
0xa5: {  	[sflag:s11] =	ssyncset.done $0x0  }
0xa6: {  	[sflag:s11] =	ssyncadd.s32 $0xFFFFC000  }
0xa7: {  	v0 =	vld [tilespmem:s22+$0x100];
	_ =	sdelay $0x4  }
0xa8: {  	v1 =	vand.u32 $0x3FFF, v0;
	v0 =	vshrl.u32 v0, $0xE  }
0xa9: {  	[tilespmem:$0x2800] =	vst v1  }
0xaa: {  	[tilespmem:$0x2880] =	vst v0  }
0xab: {  	v0 =	vld [tilespmem:s22+$0x110];
	_ =	sdelay $0x4  }
0xac: {  	v1 =	vand.u32 $0x3FFF, v0;
	v0 =	vshrl.u32 v0, $0xE  }
0xad: {  	[tilespmem:$0x2810] =	vst v1  }
0xae: {  	[tilespmem:$0x2890] =	vst v0  }
0xaf: {  	v0 =	vld [tilespmem:s22+$0x120];
	_ =	sdelay $0x4  }
0xb0: {  	v1 =	vand.u32 $0x3FFF, v0;
	v0 =	vshrl.u32 v0, $0xE  }
0xb1: {  	[tilespmem:$0x2820] =	vst v1  }
0xb2: {  	[tilespmem:$0x28A0] =	vst v0  }
0xb3: {  	v0 =	vld [tilespmem:s22+$0x130];
	_ =	sdelay $0x4  }
0xb4: {  	v1 =	vand.u32 $0x3FFF, v0;
	v0 =	vshrl.u32 v0, $0xE  }
0xb5: {  	[tilespmem:$0x2830] =	vst v1  }
0xb6: {  	[tilespmem:$0x28B0] =	vst v0  }
0xb7: {  	v0 =	vld [tilespmem:s22+$0x140];
	_ =	sdelay $0x4  }
0xb8: {  	v1 =	vand.u32 $0x3FFF, v0;
	v0 =	vshrl.u32 v0, $0xE  }
0xb9: {  	[tilespmem:$0x2840] =	vst v1  }
0xba: {  	[tilespmem:$0x28C0] =	vst v0  }
0xbb: {  	v0 =	vld [tilespmem:s22+$0x150];
	_ =	sdelay $0x4  }
0xbc: {  	v1 =	vand.u32 $0x3FFF, v0;
	v0 =	vshrl.u32 v0, $0xE  }
0xbd: {  	[tilespmem:$0x2850] =	vst v1  }
0xbe: {  	[tilespmem:$0x28D0] =	vst v0  }
0xbf: {  	v0 =	vld [tilespmem:s22+$0x160];
	_ =	sdelay $0x1  }
.Ltmp0:
0xc0: {  	(pc) =	sbr.rel @p0 .LBB2_2-.Ltmp0, $3  }
0xc1: {  	_ =	sdelay $0x1  }
0xc2: {  	v1 =	vand.u32 $0x3FFF, v0;
	v0 =	vshrl.u32 v0, $0xE  }
0xc3: {  	[tilespmem:$0x2860] =	vst v1  }
0xc4: {  	[tilespmem:$0x28E0] =	vst v0  }
0xc5: {  	v0 =	vld [tilespmem:s22+$0x170];
	_ =	sdelay $0x4  }
0xc6: {  	v1 =	vand.u32 $0x3FFF, v0  }
0xc7: {  	v0 =	vshrl.u32 v0, $0xE;
	[tilespmem:$0x2870] =	vst v1  }
0xc8: {  	[tilespmem:$0x28F0] =	vst v0  }
0xc9: {  	[tilespmem:s14], [sflag:$0x1] =	stream.indirect.gather [hbm4b:s4+s12], $0x80, s13, s12, $0xb8;
	[tilespmem:$0x1E600] =	vst v63  }
0xca: {  	_ =	swait.ge [sflag:s19], $0x4000  }
0xcb: {  	[sflag:s19] =	ssyncset.done $0x0  }
0xcc: {  	[sflag:s19] =	ssyncadd.s32 $0xFFFFC000  }
0xcd: {  	[spmem:s2] =	stream.indirect.scatter.add.f32 [tilespmem:s16], [sflag:$0x3], $0x80, s20, s12, $0xb8;
	[tilespmem:$0x1E600] =	vst v63  }
0xce: {  	_ =	swait.ge [sflag:s11], $0x4000  }
0xcf: {  	[sflag:s11] =	ssyncset.done $0x0  }
0xd0: {  	[sflag:s11] =	ssyncadd.s32 $0xFFFFC000  }
0xd1: {  	_ =	swait.ge [sflag:s17], $0x4000  }
0xd2: {  	[sflag:s17] =	ssyncset.done $0x0  }
0xd3: {  	[sflag:s17] =	ssyncadd.s32 $0xFFFFC000  }
0xd4: {  	[spmem:s2] =	stream.indirect.scatter.add.f32 [tilespmem:s14], [sflag:$0x3], $0x80, s18, s12, $0xb8;
	[tilespmem:$0x1E600] =	vst v63  }
0xd5: {  	_ =	swait.ge [sflag:s11], $0x4000  }
0xd6: {  	s21 =	sadd.s32 $0x1, s21;
	[sflag:s11] =	ssyncset.done $0x0  }
0xd7: {  	p0 =	sne.s32 s21, s9;
	[sflag:s11] =	ssyncadd.s32 $0xFFFFC000  }
.Ltmp1:
0xd8: {  	[bflag:$0x0] =	sbarrier.arrive $0xFFFF;
	(pc) =	sbr.rel @p0 .LBB2_1-.Ltmp1, $4  }
0xd9: {  	[hbm:s8], [sflag:s6] =	dma.local [spmem:s10], $0x2780  }
0xda: {  	_ =	swait.ge [sflag:s11], $0x2780  }
0xdb: {  	[sflag:s11] =	ssyncset.done $0x0  }
0xdc: {  	[sflag:s11] =	ssyncadd.s32 $0xFFFFD880  }
0xdd: {  	_ =	sfence.sel $0x180000  }
0xde: {  	[bflag:$0x0] =	sbarrier.arrive $0xFFFF  }
0xdf: {  	p0 =	sne.s32 s0, $0x0;
	_ =	strace $0x90000050  }
0xe0: {  	s0 =	sadd.s32 @!p0 $0x100000, s1;
	[bflag:$0x2] =	sbarrier.arrive $0xFFFF  }
0xe1: {  	[sflag:s0] =	ssyncadd.tile.s32 @!p0 $0x1;
	_ =	shalt  }
.Lfunc_end2:
_tile_overlayer_lowered:
.L_overlay_start_2:
0xe2: {  	(tag) =	ssettag $0x2  }
0xe3: {  	s0 =	rddreg [dreg:$0x0];
	s2 =	stileid.u32  }
0xe4: {  	s1 =	rddreg [dreg:$0x1];
	p0 =	sne.s32 s2, $0x0  }
0xe5: {  	s3 =	rddreg [dreg:$0x2];
	[bflag:$0x3] =	sbarrier.arrive $0xFFFF;
	s2 =	simm.s32 @!p0 $0x1C03  }
0xe6: {  	[timem:s3], [sflag:s2] =	dma.local @!p0 [hbm:s0], s1  }
0xe7: {  	s0 =	simm.s32 @!p0 $0x3  }
0xe8: {  	_ =	swait.ge @!p0 [sflag:s0], s1  }
0xe9: {  	s1 =	ssub.s32 @!p0 $0x0, s1;
	[sflag:s0] =	ssyncset.done @!p0 $0x0  }
0xea: {  	[sflag:s0] =	ssyncadd.s32 @!p0 s1  }
0xeb: {  	[bflag:$0x3] =	sbarrier.arrive $0xFFFF  }
0xec: {  	_ =	shalt  }

// kernel: kernel.27.cloned.1.call-start
scs
__scs_entry_jumppad:
0x0: {  	(pc) =	sbr.rel $0x88, $3  }
0x1: {  	(tag) =	ssettag $0x0;
	lr =	simm.s32 $0x1  }
0x2: {  	[smem:$0x3F93] =	sst lr;
	_ =	strace $0xD0000000  }
0x3: {  	_ = 	snop  }
0x4: {  	_ = 	snop  }
0x5: {  	_ = 	snop  }
0x6: {  	_ = 	snop  }
0x7: {  	_ = 	snop  }
__scs_overlays_trampoline_lowered:
0x8: {  	[smem:$0x3FA2] =	sst s0  }
0x9: {  	[smem:$0x3FA3] =	sst s1  }
0xa: {  	[smem:$0x3FA4] =	sst s2  }
0xb: {  	[smem:$0x3FA5] =	sst s3  }
0xc: {  	[smem:$0x3FA6] =	sst s4  }
0xd: {  	[smem:$0x3FA7] =	sst s5  }
0xe: {  	[smem:$0x3FA8] =	sst s6  }
0xf: {  	[smem:$0x3FA9] =	sst s7  }
0x10: {  	[smem:$0x3FAA] =	sst s8  }
0x11: {  	[smem:$0x3FAB] =	sst s9;
	s0 =	simm.s32 @!p0 $0x0  }
0x12: {  	s1 =	sld [smem:$0x3F91];
	s0 =	simm.s32 @p0 $0x1  }
0x13: {  	[smem:$0x3FAC] =	sst s0;
	s0 =	simm.s32 @!p1 $0x0  }
0x14: {  	s2 =	sld [smem:$0x3F90];
	s0 =	simm.s32 @p1 $0x1  }
0x15: {  	[smem:$0x3FAD] =	sst s0;
	s0 =	simm.s32 @!p2 $0x0  }
0x16: {  	s3 =	sld [smem:$0x3FDB];
	s0 =	simm.s32 @p2 $0x1  }
0x17: {  	s4 =	simm.s32 $0x1BF5;
	[smem:$0x3FAF] =	sst s0  }
0x18: {  	s0 =	sld [smem:$0x3F92];
	_ =	swait.ge [sflag:s4], $0x0  }
0x19: {  	s7 =	sld [smem:$0x3F93]  }
0x1a: {  	s8 =	sadd.s32 $0xFFFFE003, lr  }
0x1b: {  	s9 =	sadd.s32 $0xFFFFFEF7, lr;
	s5 =	simm.s32 $0xFFFFFFFF;
	p2 =	slt.u32 s8, $0xFFFFF086  }
0x1c: {  	p1 =	slt.u32 s9, $0xF7A;
	s5 =	simm.s32 @!p2 $0x0  }
0x1d: {  	s5 =	simm.s32 @p1 $0x1;
	p0 =	seq.s32 s7, s2  }
0x1e: {  	s7 =	smul.u32 @!p0 $0xF7A, s2;
	p2 =	seq.s32 @!p0 s5, $0x0  }
0x1f: {  	s9 =	smul.u32 $0xF7A, s1;
	s8 =	simm.s32 @!p0 $0x1BF5;
	p2 =	por !p2, p0  }
0x20: {  	[sflag:s8] =	ssyncset.s32 @!p0 $0xFFFFF086;
	s6 =	sadd.s32 @!p0 s3, s7;
	s7 =	simm.s32 @!p0 $0x108  }
0x21: {  	s3 =	sadd.s32 s3, s9;
	s6 =	sadd.s32 @!p0 $0x88, s6;
	s7 =	simm.s32 @p2 $0x1082  }
0x22: {  	[simem:s7], [sflag:s8] =	dma.local @!p0 [hbm:s6], $0xF7A  }
0x23: {  	s9 =	sor.u32 $0xD0000000, s2;
	s6 =	simm.s32 $0x108;
	_ =	swait.ge @!p0 [sflag:s8], $0x0  }
0x24: {  	s3 =	sadd.s32 $0x88, s3;
	s6 =	simm.s32 @!p1 $0x1082;
	[sflag:s4] =	ssyncset.s32 $0xFFFFF086  }
0x25: {  	[simem:s6], [sflag:s4] =	dma.local [hbm:s3], $0xF7A  }
0x26: {  	[smem:$0x3F93] =	sst s1;
	(tag) =	ssettag s2;
	_ =	strace s9  }
0x27: {  	s1 =	sld [smem:$0x3FA3]  }
0x28: {  	s2 =	sld [smem:$0x3FA4]  }
0x29: {  	s4 =	sld [smem:$0x3FA6]  }
0x2a: {  	p0 =	seq.s32 s5, $0x0;
	s5 =	sld [smem:$0x3FA7]  }
0x2b: {  	s6 =	sld [smem:$0x3FA8]  }
0x2c: {  	s7 =	sld [smem:$0x3FA9]  }
0x2d: {  	s3 =	simm.s32 $0x108;
	s8 =	sld [smem:$0x3FAA]  }
0x2e: {  	s3 =	simm.s32 @!p0 $0x1082;
	s9 =	sld [smem:$0x3FAB]  }
0x2f: {  	lr =	sadd.s32 s0, s3;
	s0 =	sld [smem:$0x3FA2]  }
0x30: {  	s3 =	sld [smem:$0x3FA5]  }
0x31: {  	[smem:$0x3FAE] =	sst s10  }
0x32: {  	s10 =	sld [smem:$0x3FAC];
	_ =	sdelay $0x3  }
0x33: {  	p0 =	seq.s32 s10, $0x1;
	s10 =	sld [smem:$0x3FAE];
	_ =	sdelay $0x3  }
0x34: {  	[smem:$0x3FAE] =	sst s10  }
0x35: {  	s10 =	sld [smem:$0x3FAD];
	_ =	sdelay $0x3  }
0x36: {  	p1 =	seq.s32 s10, $0x1;
	s10 =	sld [smem:$0x3FAE];
	_ =	sdelay $0x3  }
0x37: {  	[smem:$0x3FAE] =	sst s10  }
0x38: {  	s10 =	sld [smem:$0x3FAF]  }
0x39: {  	_ = 	snop;
	(pc) =	sbr.ind lr, $3  }
0x3a: {  	_ = 	snop  }
0x3b: {  	_ = 	snop  }
0x3c: {  	p2 =	seq.s32 s10, $0x1;
	s10 =	sld [smem:$0x3FAE]  }
0x3d: {  	_ =	shalt  }
0x3e: {  	_ =	shalt  }
0x3f: {  	_ =	shalt  }
0x40: {  	_ =	shalt  }
0x41: {  	_ =	shalt  }
0x42: {  	_ =	shalt  }
0x43: {  	_ =	shalt  }
0x44: {  	_ =	shalt  }
0x45: {  	_ =	shalt  }
0x46: {  	_ =	shalt  }
0x47: {  	_ =	shalt  }
0x48: {  	_ =	shalt  }
0x49: {  	_ =	shalt  }
0x4a: {  	_ =	shalt  }
0x4b: {  	_ =	shalt  }
0x4c: {  	_ =	shalt  }
0x4d: {  	_ =	shalt  }
0x4e: {  	_ =	shalt  }
0x4f: {  	_ =	shalt  }
0x50: {  	_ =	shalt  }
0x51: {  	_ =	shalt  }
0x52: {  	_ =	shalt  }
0x53: {  	_ =	shalt  }
0x54: {  	_ =	shalt  }
0x55: {  	_ =	shalt  }
0x56: {  	_ =	shalt  }
0x57: {  	_ =	shalt  }
0x58: {  	_ =	shalt  }
0x59: {  	_ =	shalt  }
0x5a: {  	_ =	shalt  }
0x5b: {  	_ =	shalt  }
0x5c: {  	_ =	shalt  }
0x5d: {  	_ =	shalt  }
0x5e: {  	_ =	shalt  }
0x5f: {  	_ =	shalt  }
0x60: {  	_ =	shalt  }
0x61: {  	_ =	shalt  }
0x62: {  	_ =	shalt  }
0x63: {  	_ =	shalt  }
0x64: {  	_ =	shalt  }
0x65: {  	_ =	shalt  }
0x66: {  	_ =	shalt  }
0x67: {  	_ =	shalt  }
0x68: {  	_ =	shalt  }
0x69: {  	_ =	shalt  }
0x6a: {  	_ =	shalt  }
0x6b: {  	_ =	shalt  }
0x6c: {  	_ =	shalt  }
0x6d: {  	_ =	shalt  }
0x6e: {  	_ =	shalt  }
0x6f: {  	_ =	shalt  }
0x70: {  	_ =	shalt  }
0x71: {  	_ =	shalt  }
0x72: {  	_ =	shalt  }
0x73: {  	_ =	shalt  }
0x74: {  	_ =	shalt  }
0x75: {  	_ =	shalt  }
0x76: {  	_ =	shalt  }
0x77: {  	_ =	shalt  }
0x78: {  	_ =	shalt  }
0x79: {  	_ =	shalt  }
0x7a: {  	_ =	shalt  }
0x7b: {  	_ =	shalt  }
0x7c: {  	_ =	shalt  }
0x7d: {  	_ =	shalt  }
0x7e: {  	_ =	shalt  }
0x7f: {  	_ =	shalt  }
0x80: {  	_ =	shalt  }
0x81: {  	_ =	shalt  }
0x82: {  	_ =	shalt  }
0x83: {  	_ =	shalt  }
0x84: {  	_ =	shalt  }
0x85: {  	_ =	shalt  }
0x86: {  	_ =	shalt  }
0x87: {  	_ =	shalt  }
.Lfunc_end0:
.L_simem_size_0:
called_computation.4_lowered:
.L_overlay_start_0:
0x88: {  	s2 =	sld [smem:$0x3FD9]  }
0x89: {  	s3 =	sld [smem:$0x3FFE];
	_ =	sdelay $0x1  }
0x8a: {  	s1 =	srdreg.scid  }
0x8b: {  	s0 =	sand.u32 $0x1, s1  }
0x8c: {  	s16 =	sshll.u32 s0, $0xA;
	s2 =	sadd.s32 s3, s2  }
0x8d: {  	s2 =	sadd.s32 s2, s16  }
0x8e: {  	[smem:$0x3FBA] =	sst s2  }
0x8f: {  	_ = 	snop  }
0x90: {  	(tm) =	ssettm $0x1  }
0x91: {  	s17 =	sld [smem:$0x3FFB];
	_ =	sdelay $0x3  }
0x92: {  	_ =	strace s17  }
0x93: {  	s2 =	sld [smem:$0x3FFC];
	_ =	sdelay $0x3  }
0x94: {  	_ =	strace s2  }
0x95: {  	s2 =	sld [smem:$0x3FFD];
	_ =	sdelay $0x3  }
0x96: {  	_ =	strace s2  }
0x97: {  	_ =	strace $0x8FFFFFFF  }
0x98: {  	s18 =	sld [smem:$0x3FDB];
	_ =	sdelay $0x1  }
0x99: {  	s19 =	simm.s32 $_scs_section_size  }
0x9a: {  	s4 =	simm.s32 $_size__tile_overlayer_lowered;
	s5 =	simm.s32 $_tile_overlayer_lowered  }
0x9b: {  	s22 =	simm.s32 $0x1BFF;
	s21 =	sshll.u32 s5, $0x1;
	s2 =	sadd.s32 s19, s18  }
0x9c: {  	s6 =	simm.s32 $0x0;
	s20 =	sshll.u32 s4, $0x1;
	s4 =	sadd.s32 s21, s2  }
0x9d: {  	[timem:s6], [sflag:s22] =	dma.local [hbm:s4], s20  }
0x9e: {  	_ =	swait.ge [sflag:s22], s20  }
0x9f: {  	s3 =	ssub.s32 $0x0, s20;
	[sflag:s22] =	ssyncset.done $0x0  }
0xa0: {  	[sflag:s22] =	ssyncadd.s32 s3;
	_ =	sdelay $0x1  }
0xa1: {  	s23 =	simm.s32 $0x1B8B  }
0xa2: {  	_ =	swait.ge [sflag:s23], $0x1  }
0xa3: {  	[sflag:s23] =	ssyncset.done $0x0  }
0xa4: {  	s25 =	simm.s32 $0x1B8E;
	s24 =	sld [smem:$0x3FFE];
	[sflag:s23] =	ssyncadd.s32 $0xFFFFFFFF  }
0xa5: {  	s26 =	simm.s32 $execute0_lowered;
	[smem:$0x3FD2] =	sst s25  }
0xa6: {  	s4 =	sshll.u32 s26, $0x1;
	_ =	strace $0x80000052;
	[dreg:$0x1] =	wrdreg $0xFFFFFFFF  }
0xa7: {  	s28 =	simm.s32 $_size_execute0_lowered;
	s2 =	sadd.s32 s2, s4;
	[dreg:$0x0] =	wrdreg $0x0  }
0xa8: {  	s4 =	sshll.u32 s28, $0x1;
	[dreg:$0x2] =	wrdreg s2  }
0xa9: {  	[dreg:$0x3] =	wrdreg s4  }
0xaa: {  	[dreg:$0x4] =	wrdreg $0xC0  }
0xab: {  	_ =	task [dreg:s6], $0x5FFFF  }
0xac: {  	[dreg:$0x1] =	wrdreg $0xFFFFFFFF  }
0xad: {  	[dreg:$0x0] =	wrdreg $0x60  }
0xae: {  	[dreg:$0x2] =	wrdreg s24  }
0xaf: {  	[dreg:$0x3] =	wrdreg $0xAA000  }
0xb0: {  	[dreg:$0x4] =	wrdreg $0x9  }
0xb1: {  	_ =	task.clear_ibuf [dreg:s6], $0x5FFFF;
	_ =	strace $0x90000052  }
0xb2: {  	s29 =	simm.s32 $0x9;
	_ =	strace $0x80000054  }
0xb3: {  	_ =	swait.ge [sflag:s29], $0x1  }
0xb4: {  	[sflag:s29] =	ssyncadd.s32 $0xFFFFFFFF  }
0xb5: {  	_ =	strace $0x90000054  }
0xb6: {  	_ =	sfence  }
0xb7: {  	s30 =	sld [smem:$0x0];
	_ =	sdelay $0x2  }
0xb8: {  	s31 =	sshll.u32 s1, $0xD;
	s1 =	sshrl.u32 s1, $0x2  }
0xb9: {  	s3 =	sand.u32 $0x4000, s31;
	s1 =	sadd.s32 s1, s30  }
0xba: {  	s0 =	sor.u32 s3, s0;
	s1 =	sshll.u32 s1, $0x11  }
0xbb: {  	s0 =	sor.u32 s1, s0  }
0xbc: {  	s0 =	sadd.s32 $0x8F2B, s0  }
0xbd: {  	[sflag:s0] =	ssyncadd.remote.s32 $0x1  }
0xbe: {  	_ =	sfence.sel $0xFFFF  }
0xbf: {  	[dreg:$0x0] =	wrdreg $0xFFFFFFFF;
	(pc) =	sbr.abs _section_cstart, $3  }
0xc0: {  	[dreg:$0x1] =	wrdreg $0xFFFFFFFF  }
0xc1: {  	_ =	task.clear_ibuf [dreg:s6], $0x2FFFF;
	_ =	strace $0x9FFFFFFF  }
0xc2: {  	(tm) =	ssettm $0x7FFFFFFF  }
0xc3: {  	_ =	shalt  }
tec
execute0_lowered:
.L_overlay_start_1:
0x0: {  	(tag) =	ssettag $0x1  }
0x1: {  	s6 =	rddreg [dreg:$0x0]  }
0x2: {  	s0 =	srdreg.scid;
	s2 =	rddreg [dreg:$0x1]  }
0x3: {  	s3 =	simm.s32 $0x0;
	s13 =	simm.s32 $0x2800;
	s14 =	simm.s32 $0x2A00  }
0x4: {  	s15 =	simm.s32 $0x2900;
	s16 =	simm.s32 $0x6A00;
	s17 =	simm.s32 $0x1  }
0x5: {  	s18 =	simm.s32 $0x2880;
	s19 =	simm.s32 $0x2;
	s20 =	simm.s32 $0x2980  }
0x6: {  	s21 =	simm.s32 $0x0;
	s5 =	sand.u32 $0x1, s0;
	s0 =	stileid.u32  }
0x7: {  	[smem:$0x7FF] =	sst s3;
	s4 =	sadd.s32 $0x30A00, s6;
	s8 =	smul.u32 $0x13C00, s0  }
0x8: {  	s1 =	sshll.u32 s5, $0x4;
	s9 =	smul.u32 $0x13C000, s5;
	s5 =	ssub.s32 $0x2, s5  }
0x9: {  	s28 =	smul.u32 $0x4F000, s0;
	s31 =	sshll.u32 s0, $0x6;
	s1 =	sor.u32 s0, s1  }
0xa: {  	s29 =	sshrl.u32 s5, $0x1;
	s7 =	smul.u32 $0x500, s1;
	s1 =	rddreg [dreg:$0x2]  }
0xb: {  	_ =	strace $0x80000053;
	s10 =	sshrl.u32 s8, $0x3;
	s8 =	sadd.s32 s8, s9  }
0xc: {  	s11 =	ssub.s32 s5, s29;
	s30 =	sshrl.u32 s28, $0x2;
	s8 =	sshrl.u32 s8, $0x3  }
0xd: {  	s10 =	sadd.s32 s10, s6;
	s12 =	sadd.s32 s30, s2;
	s9 =	smax.u32 s11, $0x1  }
0xe: {  	s11 =	simm.s32 $0x3;
	s7 =	sadd.s32 s7, s6;
	s8 =	sadd.s32 s8, s6  }
0xf: {  	s5 =	sadd.s32 $0x9200, s10;
	s6 =	sor.u32 $0x1C03, s31;
	s10 =	sshrl.u32 s12, $0x3  }
0x10: {  	s12 =	simm.s32 $0x80;
	s7 =	sadd.s32 $0xA6C00, s7;
	s8 =	sadd.s32 $0xD7E00, s8  }
.LBB2_1:
0x11: {  	[spmem:s10], [sflag:s6] =	dma.local [hbm:s5], $0x2780  }
0x12: {  	_ =	swait.ge [sflag:s11], $0x2780  }
0x13: {  	[sflag:s11] =	ssyncset.done $0x0  }
0x14: {  	[sflag:s11] =	ssyncadd.s32 $0xFFFFD880  }
0x15: {  	[tilespmem:s3], [sflag:$0x3] =	stream.linear.gather [hbm4b:s7+s3], $0x2780, $0x38;
	[tilespmem:$0x1E600] =	vst v63  }
0x16: {  	_ =	swait.ge [sflag:s11], $0x2780  }
0x17: {  	[sflag:s11] =	ssyncset.done $0x0  }
0x18: {  	[sflag:s11] =	ssyncadd.s32 $0xFFFFD880  }
0x19: {  	[bflag:$0x0] =	sbarrier.arrive $0xFFFF  }
0x1a: {  	v0 =	vld [tilespmem:$0x0];
	_ =	sdelay $0x1  }
0x1b: {  	v1 =	vld [tilespmem:$0x10];
	_ =	sdelay $0x1  }
0x1c: {  	v2 =	vld [tilespmem:$0x20]  }
0x1d: {  	v3 =	vand.u32 $0x3FFF, v0  }
0x1e: {  	v0 =	vshrl.u32 v0, $0xE;
	[tilespmem:$0x2800] =	vst v3;
	v3 =	vld [tilespmem:$0x30]  }
0x1f: {  	[tilespmem:$0x2880] =	vst v0;
	v0 =	vand.u32 $0x3FFF, v1  }
0x20: {  	[tilespmem:$0x2810] =	vst v0;
	v0 =	vshrl.u32 v1, $0xE;
	v1 =	vld [tilespmem:$0x40]  }
0x21: {  	[tilespmem:$0x2890] =	vst v0;
	v0 =	vand.u32 $0x3FFF, v2  }
0x22: {  	[tilespmem:$0x2820] =	vst v0;
	v0 =	vshrl.u32 v2, $0xE;
	v2 =	vld [tilespmem:$0x50]  }
0x23: {  	[tilespmem:$0x28A0] =	vst v0;
	v0 =	vand.u32 $0x3FFF, v3  }
0x24: {  	[tilespmem:$0x2830] =	vst v0;
	v0 =	vshrl.u32 v3, $0xE;
	v3 =	vld [tilespmem:$0x60]  }
0x25: {  	[tilespmem:$0x28B0] =	vst v0;
	v0 =	vand.u32 $0x3FFF, v1  }
0x26: {  	[tilespmem:$0x2840] =	vst v0;
	v0 =	vshrl.u32 v1, $0xE;
	v1 =	vld [tilespmem:$0x70]  }
0x27: {  	[tilespmem:$0x28C0] =	vst v0;
	v0 =	vand.u32 $0x3FFF, v2  }
0x28: {  	[tilespmem:$0x2850] =	vst v0;
	v0 =	vshrl.u32 v2, $0xE  }
0x29: {  	[tilespmem:$0x28D0] =	vst v0;
	v0 =	vand.u32 $0x3FFF, v3  }
0x2a: {  	[tilespmem:$0x2860] =	vst v0;
	v0 =	vshrl.u32 v3, $0xE  }
0x2b: {  	[tilespmem:$0x28E0] =	vst v0;
	v0 =	vand.u32 $0x3FFF, v1  }
0x2c: {  	[tilespmem:$0x2870] =	vst v0;
	v0 =	vshrl.u32 v1, $0xE  }
0x2d: {  	s22 =	simm.s32 $0x0;
	[tilespmem:$0x28F0] =	vst v0  }
0x2e: {  	[tilespmem:s14], [sflag:$0x1] =	stream.indirect.gather [hbm4b:s4+s12], $0x80, s13, s12, $0xb8;
	[tilespmem:$0x1E600] =	vst v63  }
0x2f: {  	v0 =	vld [tilespmem:s22+$0x80];
	_ =	sdelay $0x4  }
0x30: {  	v1 =	vand.u32 $0x3FFF, v0  }
0x31: {  	v0 =	vshrl.u32 v0, $0xE;
	[tilespmem:$0x2900] =	vst v1  }
0x32: {  	[tilespmem:$0x2980] =	vst v0  }
0x33: {  	v0 =	vld [tilespmem:s22+$0x90];
	_ =	sdelay $0x4  }
0x34: {  	v1 =	vand.u32 $0x3FFF, v0  }
0x35: {  	v0 =	vshrl.u32 v0, $0xE;
	[tilespmem:$0x2910] =	vst v1  }
0x36: {  	[tilespmem:$0x2990] =	vst v0  }
0x37: {  	v0 =	vld [tilespmem:s22+$0xA0];
	_ =	sdelay $0x4  }
0x38: {  	v1 =	vand.u32 $0x3FFF, v0  }
0x39: {  	v0 =	vshrl.u32 v0, $0xE;
	[tilespmem:$0x2920] =	vst v1  }
0x3a: {  	[tilespmem:$0x29A0] =	vst v0  }
0x3b: {  	v0 =	vld [tilespmem:s22+$0xB0];
	_ =	sdelay $0x4  }
0x3c: {  	v1 =	vand.u32 $0x3FFF, v0  }
0x3d: {  	v0 =	vshrl.u32 v0, $0xE;
	[tilespmem:$0x2930] =	vst v1  }
0x3e: {  	[tilespmem:$0x29B0] =	vst v0  }
0x3f: {  	v0 =	vld [tilespmem:s22+$0xC0];
	_ =	sdelay $0x4  }
0x40: {  	v1 =	vand.u32 $0x3FFF, v0  }
0x41: {  	v0 =	vshrl.u32 v0, $0xE;
	[tilespmem:$0x2940] =	vst v1  }
0x42: {  	[tilespmem:$0x29C0] =	vst v0  }
0x43: {  	v0 =	vld [tilespmem:s22+$0xD0];
	_ =	sdelay $0x4  }
0x44: {  	v1 =	vand.u32 $0x3FFF, v0  }
0x45: {  	v0 =	vshrl.u32 v0, $0xE;
	[tilespmem:$0x2950] =	vst v1  }
0x46: {  	[tilespmem:$0x29D0] =	vst v0  }
0x47: {  	v0 =	vld [tilespmem:s22+$0xE0];
	_ =	sdelay $0x4  }
0x48: {  	v1 =	vand.u32 $0x3FFF, v0  }
0x49: {  	v0 =	vshrl.u32 v0, $0xE;
	[tilespmem:$0x2960] =	vst v1  }
0x4a: {  	[tilespmem:$0x29E0] =	vst v0  }
0x4b: {  	v0 =	vld [tilespmem:s22+$0xF0];
	_ =	sdelay $0x4  }
0x4c: {  	v1 =	vand.u32 $0x3FFF, v0  }
0x4d: {  	v0 =	vshrl.u32 v0, $0xE;
	[tilespmem:$0x2970] =	vst v1  }
0x4e: {  	[tilespmem:$0x29F0] =	vst v0  }
0x4f: {  	[tilespmem:s16], [sflag:$0x2] =	stream.indirect.gather [hbm4b:s4+s12], $0x80, s15, s12, $0xb8;
	[tilespmem:$0x1E600] =	vst v63  }
0x50: {  	_ =	swait.ge [sflag:s17], $0x4000  }
0x51: {  	[sflag:s17] =	ssyncset.done $0x0  }
0x52: {  	[sflag:s17] =	ssyncadd.s32 $0xFFFFC000  }
0x53: {  	[spmem:s2] =	stream.indirect.scatter.add.f32 [tilespmem:s14], [sflag:$0x3], $0x80, s18, s12, $0xb8;
	[tilespmem:$0x1E600] =	vst v63  }
0x54: {  	_ =	swait.ge [sflag:s11], $0x4000  }
0x55: {  	[sflag:s11] =	ssyncset.done $0x0  }
0x56: {  	[sflag:s11] =	ssyncadd.s32 $0xFFFFC000  }
0x57: {  	v0 =	vld [tilespmem:s22+$0x100];
	_ =	sdelay $0x4  }
0x58: {  	v1 =	vand.u32 $0x3FFF, v0  }
0x59: {  	v0 =	vshrl.u32 v0, $0xE;
	[tilespmem:$0x2800] =	vst v1  }
0x5a: {  	[tilespmem:$0x2880] =	vst v0  }
0x5b: {  	v0 =	vld [tilespmem:s22+$0x110];
	_ =	sdelay $0x4  }
0x5c: {  	v1 =	vand.u32 $0x3FFF, v0  }
0x5d: {  	v0 =	vshrl.u32 v0, $0xE;
	[tilespmem:$0x2810] =	vst v1  }
0x5e: {  	[tilespmem:$0x2890] =	vst v0  }
0x5f: {  	v0 =	vld [tilespmem:s22+$0x120];
	_ =	sdelay $0x4  }
0x60: {  	v1 =	vand.u32 $0x3FFF, v0  }
0x61: {  	v0 =	vshrl.u32 v0, $0xE;
	[tilespmem:$0x2820] =	vst v1  }
0x62: {  	[tilespmem:$0x28A0] =	vst v0  }
0x63: {  	v0 =	vld [tilespmem:s22+$0x130];
	_ =	sdelay $0x4  }
0x64: {  	v1 =	vand.u32 $0x3FFF, v0  }
0x65: {  	v0 =	vshrl.u32 v0, $0xE;
	[tilespmem:$0x2830] =	vst v1  }
0x66: {  	[tilespmem:$0x28B0] =	vst v0  }
0x67: {  	v0 =	vld [tilespmem:s22+$0x140];
	_ =	sdelay $0x4  }
0x68: {  	v1 =	vand.u32 $0x3FFF, v0  }
0x69: {  	v0 =	vshrl.u32 v0, $0xE;
	[tilespmem:$0x2840] =	vst v1  }
0x6a: {  	[tilespmem:$0x28C0] =	vst v0  }
0x6b: {  	v0 =	vld [tilespmem:s22+$0x150];
	_ =	sdelay $0x4  }
0x6c: {  	v1 =	vand.u32 $0x3FFF, v0  }
0x6d: {  	v0 =	vshrl.u32 v0, $0xE;
	[tilespmem:$0x2850] =	vst v1  }
0x6e: {  	[tilespmem:$0x28D0] =	vst v0  }
0x6f: {  	v0 =	vld [tilespmem:s22+$0x160];
	_ =	sdelay $0x4  }
0x70: {  	v1 =	vand.u32 $0x3FFF, v0  }
0x71: {  	s23 =	simm.s32 $0x400;
	v0 =	vshrl.u32 v0, $0xE;
	[tilespmem:$0x2860] =	vst v1  }
.LBB2_2:
0x72: {  	p0 =	sne.s32 s23, $0x9800;
	[tilespmem:$0x28E0] =	vst v0;
	s24 =	smov.u32 s23;
	s23 =	sadd.s32 $0x400, s23  }
0x73: {  	v0 =	vld [tilespmem:s22+$0x170];
	_ =	sdelay $0x4  }
0x74: {  	v1 =	vand.u32 $0x3FFF, v0;
	v0 =	vshrl.u32 v0, $0xE  }
0x75: {  	[tilespmem:$0x2870] =	vst v1  }
0x76: {  	[tilespmem:$0x28F0] =	vst v0  }
0x77: {  	[tilespmem:s14], [sflag:$0x1] =	stream.indirect.gather [hbm4b:s4+s12], $0x80, s13, s12, $0xb8;
	[tilespmem:$0x1E600] =	vst v63  }
0x78: {  	_ =	swait.ge [sflag:s19], $0x4000  }
0x79: {  	[sflag:s19] =	ssyncset.done $0x0  }
0x7a: {  	[sflag:s19] =	ssyncadd.s32 $0xFFFFC000  }
0x7b: {  	[spmem:s2] =	stream.indirect.scatter.add.f32 [tilespmem:s16], [sflag:$0x3], $0x80, s20, s12, $0xb8;
	[tilespmem:$0x1E600] =	vst v63  }
0x7c: {  	_ =	swait.ge [sflag:s11], $0x4000  }
0x7d: {  	[sflag:s11] =	ssyncset.done $0x0  }
0x7e: {  	s22 =	sshra.s32 s24, $0x2;
	[sflag:s11] =	ssyncadd.s32 $0xFFFFC000  }
0x7f: {  	v0 =	vld [tilespmem:s22+$0x80];
	_ =	sdelay $0x4  }
0x80: {  	v1 =	vand.u32 $0x3FFF, v0;
	v0 =	vshrl.u32 v0, $0xE  }
0x81: {  	[tilespmem:$0x2900] =	vst v1  }
0x82: {  	[tilespmem:$0x2980] =	vst v0  }
0x83: {  	v0 =	vld [tilespmem:s22+$0x90];
	_ =	sdelay $0x4  }
0x84: {  	v1 =	vand.u32 $0x3FFF, v0;
	v0 =	vshrl.u32 v0, $0xE  }
0x85: {  	[tilespmem:$0x2910] =	vst v1  }
0x86: {  	[tilespmem:$0x2990] =	vst v0  }
0x87: {  	v0 =	vld [tilespmem:s22+$0xA0];
	_ =	sdelay $0x4  }
0x88: {  	v1 =	vand.u32 $0x3FFF, v0;
	v0 =	vshrl.u32 v0, $0xE  }
0x89: {  	[tilespmem:$0x2920] =	vst v1  }
0x8a: {  	[tilespmem:$0x29A0] =	vst v0  }
0x8b: {  	v0 =	vld [tilespmem:s22+$0xB0];
	_ =	sdelay $0x4  }
0x8c: {  	v1 =	vand.u32 $0x3FFF, v0;
	v0 =	vshrl.u32 v0, $0xE  }
0x8d: {  	[tilespmem:$0x2930] =	vst v1  }
0x8e: {  	[tilespmem:$0x29B0] =	vst v0  }
0x8f: {  	v0 =	vld [tilespmem:s22+$0xC0];
	_ =	sdelay $0x4  }
0x90: {  	v1 =	vand.u32 $0x3FFF, v0;
	v0 =	vshrl.u32 v0, $0xE  }
0x91: {  	[tilespmem:$0x2940] =	vst v1  }
0x92: {  	[tilespmem:$0x29C0] =	vst v0  }
0x93: {  	v0 =	vld [tilespmem:s22+$0xD0];
	_ =	sdelay $0x4  }
0x94: {  	v1 =	vand.u32 $0x3FFF, v0;
	v0 =	vshrl.u32 v0, $0xE  }
0x95: {  	[tilespmem:$0x2950] =	vst v1  }
0x96: {  	[tilespmem:$0x29D0] =	vst v0  }
0x97: {  	v0 =	vld [tilespmem:s22+$0xE0];
	_ =	sdelay $0x4  }
0x98: {  	v1 =	vand.u32 $0x3FFF, v0;
	v0 =	vshrl.u32 v0, $0xE  }
0x99: {  	[tilespmem:$0x2960] =	vst v1  }
0x9a: {  	[tilespmem:$0x29E0] =	vst v0  }
0x9b: {  	v0 =	vld [tilespmem:s22+$0xF0];
	_ =	sdelay $0x4  }
0x9c: {  	v1 =	vand.u32 $0x3FFF, v0;
	v0 =	vshrl.u32 v0, $0xE  }
0x9d: {  	[tilespmem:$0x2970] =	vst v1  }
0x9e: {  	[tilespmem:$0x29F0] =	vst v0  }
0x9f: {  	[tilespmem:s16], [sflag:$0x2] =	stream.indirect.gather [hbm4b:s4+s12], $0x80, s15, s12, $0xb8;
	[tilespmem:$0x1E600] =	vst v63  }
0xa0: {  	_ =	swait.ge [sflag:s17], $0x4000  }
0xa1: {  	[sflag:s17] =	ssyncset.done $0x0  }
0xa2: {  	[sflag:s17] =	ssyncadd.s32 $0xFFFFC000  }
0xa3: {  	[spmem:s2] =	stream.indirect.scatter.add.f32 [tilespmem:s14], [sflag:$0x3], $0x80, s18, s12, $0xb8;
	[tilespmem:$0x1E600] =	vst v63  }
0xa4: {  	_ =	swait.ge [sflag:s11], $0x4000  }
0xa5: {  	[sflag:s11] =	ssyncset.done $0x0  }
0xa6: {  	[sflag:s11] =	ssyncadd.s32 $0xFFFFC000  }
0xa7: {  	v0 =	vld [tilespmem:s22+$0x100];
	_ =	sdelay $0x4  }
0xa8: {  	v1 =	vand.u32 $0x3FFF, v0;
	v0 =	vshrl.u32 v0, $0xE  }
0xa9: {  	[tilespmem:$0x2800] =	vst v1  }
0xaa: {  	[tilespmem:$0x2880] =	vst v0  }
0xab: {  	v0 =	vld [tilespmem:s22+$0x110];
	_ =	sdelay $0x4  }
0xac: {  	v1 =	vand.u32 $0x3FFF, v0;
	v0 =	vshrl.u32 v0, $0xE  }
0xad: {  	[tilespmem:$0x2810] =	vst v1  }
0xae: {  	[tilespmem:$0x2890] =	vst v0  }
0xaf: {  	v0 =	vld [tilespmem:s22+$0x120];
	_ =	sdelay $0x4  }
0xb0: {  	v1 =	vand.u32 $0x3FFF, v0;
	v0 =	vshrl.u32 v0, $0xE  }
0xb1: {  	[tilespmem:$0x2820] =	vst v1  }
0xb2: {  	[tilespmem:$0x28A0] =	vst v0  }
0xb3: {  	v0 =	vld [tilespmem:s22+$0x130];
	_ =	sdelay $0x4  }
0xb4: {  	v1 =	vand.u32 $0x3FFF, v0;
	v0 =	vshrl.u32 v0, $0xE  }
0xb5: {  	[tilespmem:$0x2830] =	vst v1  }
0xb6: {  	[tilespmem:$0x28B0] =	vst v0  }
0xb7: {  	v0 =	vld [tilespmem:s22+$0x140];
	_ =	sdelay $0x4  }
0xb8: {  	v1 =	vand.u32 $0x3FFF, v0;
	v0 =	vshrl.u32 v0, $0xE  }
0xb9: {  	[tilespmem:$0x2840] =	vst v1  }
0xba: {  	[tilespmem:$0x28C0] =	vst v0  }
0xbb: {  	v0 =	vld [tilespmem:s22+$0x150];
	_ =	sdelay $0x4  }
0xbc: {  	v1 =	vand.u32 $0x3FFF, v0;
	v0 =	vshrl.u32 v0, $0xE  }
0xbd: {  	[tilespmem:$0x2850] =	vst v1  }
0xbe: {  	[tilespmem:$0x28D0] =	vst v0  }
0xbf: {  	v0 =	vld [tilespmem:s22+$0x160];
	_ =	sdelay $0x1  }
.Ltmp0:
0xc0: {  	(pc) =	sbr.rel @p0 .LBB2_2-.Ltmp0, $3  }
0xc1: {  	_ =	sdelay $0x1  }
0xc2: {  	v1 =	vand.u32 $0x3FFF, v0;
	v0 =	vshrl.u32 v0, $0xE  }
0xc3: {  	[tilespmem:$0x2860] =	vst v1  }
0xc4: {  	[tilespmem:$0x28E0] =	vst v0  }
0xc5: {  	v0 =	vld [tilespmem:s22+$0x170];
	_ =	sdelay $0x4  }
0xc6: {  	v1 =	vand.u32 $0x3FFF, v0  }
0xc7: {  	v0 =	vshrl.u32 v0, $0xE;
	[tilespmem:$0x2870] =	vst v1  }
0xc8: {  	[tilespmem:$0x28F0] =	vst v0  }
0xc9: {  	[tilespmem:s14], [sflag:$0x1] =	stream.indirect.gather [hbm4b:s4+s12], $0x80, s13, s12, $0xb8;
	[tilespmem:$0x1E600] =	vst v63  }
0xca: {  	_ =	swait.ge [sflag:s19], $0x4000  }
0xcb: {  	[sflag:s19] =	ssyncset.done $0x0  }
0xcc: {  	[sflag:s19] =	ssyncadd.s32 $0xFFFFC000  }
0xcd: {  	[spmem:s2] =	stream.indirect.scatter.add.f32 [tilespmem:s16], [sflag:$0x3], $0x80, s20, s12, $0xb8;
	[tilespmem:$0x1E600] =	vst v63  }
0xce: {  	_ =	swait.ge [sflag:s11], $0x4000  }
0xcf: {  	[sflag:s11] =	ssyncset.done $0x0  }
0xd0: {  	[sflag:s11] =	ssyncadd.s32 $0xFFFFC000  }
0xd1: {  	_ =	swait.ge [sflag:s17], $0x4000  }
0xd2: {  	[sflag:s17] =	ssyncset.done $0x0  }
0xd3: {  	[sflag:s17] =	ssyncadd.s32 $0xFFFFC000  }
0xd4: {  	[spmem:s2] =	stream.indirect.scatter.add.f32 [tilespmem:s14], [sflag:$0x3], $0x80, s18, s12, $0xb8;
	[tilespmem:$0x1E600] =	vst v63  }
0xd5: {  	_ =	swait.ge [sflag:s11], $0x4000  }
0xd6: {  	s21 =	sadd.s32 $0x1, s21;
	[sflag:s11] =	ssyncset.done $0x0  }
0xd7: {  	p0 =	sne.s32 s21, s9;
	[sflag:s11] =	ssyncadd.s32 $0xFFFFC000  }
.Ltmp1:
0xd8: {  	[bflag:$0x0] =	sbarrier.arrive $0xFFFF;
	(pc) =	sbr.rel @p0 .LBB2_1-.Ltmp1, $4  }
0xd9: {  	[hbm:s8], [sflag:s6] =	dma.local [spmem:s10], $0x2780  }
0xda: {  	_ =	swait.ge [sflag:s11], $0x2780  }
0xdb: {  	[sflag:s11] =	ssyncset.done $0x0  }
0xdc: {  	[sflag:s11] =	ssyncadd.s32 $0xFFFFD880  }
0xdd: {  	_ =	sfence.sel $0x180000  }
0xde: {  	[bflag:$0x0] =	sbarrier.arrive $0xFFFF  }
0xdf: {  	p0 =	sne.s32 s0, $0x0;
	_ =	strace $0x90000053  }
0xe0: {  	s0 =	sadd.s32 @!p0 $0x100000, s1;
	[bflag:$0x2] =	sbarrier.arrive $0xFFFF  }
0xe1: {  	[sflag:s0] =	ssyncadd.tile.s32 @!p0 $0x1;
	_ =	shalt  }
.Lfunc_end2:
_tile_overlayer_lowered:
.L_overlay_start_2:
0xe2: {  	(tag) =	ssettag $0x2  }
0xe3: {  	s0 =	rddreg [dreg:$0x0];
	s2 =	stileid.u32  }
0xe4: {  	s1 =	rddreg [dreg:$0x1];
	p0 =	sne.s32 s2, $0x0  }
0xe5: {  	s3 =	rddreg [dreg:$0x2];
	[bflag:$0x3] =	sbarrier.arrive $0xFFFF;
	s2 =	simm.s32 @!p0 $0x1C03  }
0xe6: {  	[timem:s3], [sflag:s2] =	dma.local @!p0 [hbm:s0], s1  }
0xe7: {  	s0 =	simm.s32 @!p0 $0x3  }
0xe8: {  	_ =	swait.ge @!p0 [sflag:s0], s1  }
0xe9: {  	s1 =	ssub.s32 @!p0 $0x0, s1;
	[sflag:s0] =	ssyncset.done @!p0 $0x0  }
0xea: {  	[sflag:s0] =	ssyncadd.s32 @!p0 s1  }
0xeb: {  	[bflag:$0x3] =	sbarrier.arrive $0xFFFF  }
0xec: {  	_ =	shalt  }

</sc_bundles>
